<compile_context>
chip_gen: v7x
topology: tpu7x:2x2x1
jax: 0.10.2.dev20260603
libtpu: 0.0.44.dev20260713+nightly
codegen_flags: <defaults>
</compile_context>

<pallas_src>
import functools

import jax
import jax.numpy as jnp
from jax import lax
from jax.experimental import pallas as pl
from jax.experimental.pallas import tpu as pltpu
from jax.experimental.pallas import tpu_sc as plsc

NC = 2
NS = 16
NW = NC * NS
L = 16
CP = 32
CHUNK = 128


def _rsqrt_newton(d):
    yi = jnp.int32(0x5F3759DF) - (lax.bitcast_convert_type(d, jnp.int32) >> 1)
    y = lax.bitcast_convert_type(yi, jnp.float32)
    for _ in range(3):
        y = y * (1.5 - 0.5 * d * y * y)
    return y


def _make_sc_scatter(n_pad, e_pad, n_ch):
    rows_total = e_pad // CHUNK
    rows_deg = rows_total // NS
    rows_z = rows_total // NW
    nslice = n_pad // NS
    zrows = 64

    mesh = plsc.VectorSubcoreMesh(
        core_axis_name="c", subcore_axis_name="s",
        num_cores=NC, num_subcores=NS)

    def body(src2_h, dst2_h, ew2_h, xpad_h,
             zp_h, dinv_h,
             Zs, dS, Xs,
             dinv_l, dstd, ewd, srcb, dstb, ewb,
             xbufA, xbufB, valbufA, valbufB, ztile, zbuf1,
             semA, semB, semS):
        c = lax.axis_index("c")
        s = lax.axis_index("s")
        wid = s * NC + c
        zero16 = jnp.zeros((L,), jnp.float32)
        base = s * nslice

        with jax.named_scope("phA_zero"):
            @plsc.parallel_loop(0, zrows)
            def _(r):
                ztile[r, pl.ds(0, L)] = zero16
                ztile[r, pl.ds(L, L)] = zero16

            @plsc.parallel_loop(0, nslice // L)
            def _(i):
                zbuf1[pl.ds(i * L, L)] = zero16

            @plsc.parallel_loop(0, CHUNK)
            def _(r):
                valbufA[r, pl.ds(L, L)] = zero16
                valbufB[r, pl.ds(L, L)] = zero16

            for t in range(nslice // zrows):
                pltpu.sync_copy(ztile, Zs.at[pl.ds(base + t * zrows, zrows)])
            pltpu.sync_copy(zbuf1, dS.at[pl.ds(base, nslice)])

        with jax.named_scope("phX_stage"):
            pltpu.sync_copy(xpad_h.at[pl.ds(base, nslice)],
                            Xs.at[pl.ds(base, nslice)])
        plsc.subcore_barrier()

        with jax.named_scope("phB_deg"):
            pltpu.sync_copy(dst2_h.at[pl.ds(s * rows_deg, rows_deg)], dstd)
            pltpu.sync_copy(ew2_h.at[pl.ds(s * rows_deg, rows_deg)], ewd)

            DEG_W = 8

            def degstep(j, _):
                pltpu.async_copy(ewd.at[j], dS.at[dstd.at[j]], semS,
                                 add=True)

                @pl.when(j >= DEG_W)
                def _():
                    pltpu.make_async_copy(ewd.at[0], dS.at[dstd.at[0]],
                                          semS).wait()
                return 0
            lax.fori_loop(0, rows_deg, degstep, 0)

            def degdrain(j, _):
                pltpu.make_async_copy(ewd.at[0], dS.at[dstd.at[0]],
                                      semS).wait()
                return 0
            lax.fori_loop(0, DEG_W, degdrain, 0)
        plsc.subcore_barrier()

        with jax.named_scope("phC_dinv"):
            pltpu.sync_copy(dS.at[pl.ds(base, nslice)], zbuf1)

            @plsc.parallel_loop(0, nslice // L)
            def _(i):
                d = zbuf1[pl.ds(i * L, L)] + 1.0
                dinv_l[pl.ds(base + i * L, L)] = _rsqrt_newton(d)

            pltpu.sync_copy(dinv_l.at[pl.ds(base, nslice)],
                            dS.at[pl.ds(base, nslice)])

            @pl.when(c == 0)
            def _():
                pltpu.sync_copy(dinv_l.at[pl.ds(base, nslice)],
                                dinv_h.at[pl.ds(base, nslice)])
            plsc.subcore_barrier()
            pltpu.sync_copy(dS, dinv_l)

        ebase = wid * rows_z
        with jax.named_scope("phD_edges_load"):
            pltpu.sync_copy(src2_h.at[pl.ds(ebase, rows_z)], srcb)
            pltpu.sync_copy(dst2_h.at[pl.ds(ebase, rows_z)], dstb)
            pltpu.sync_copy(ew2_h.at[pl.ds(ebase, rows_z)], ewb)

        def compute_val(j, xb, vb):
            @plsc.parallel_loop(0, CHUNK // L, unroll=2)
            def _(k):
                idx16 = srcb[j, pl.ds(k * L, L)]
                s16 = ewb[j, pl.ds(k * L, L)] * plsc.load_gather(dinv_l, [idx16])
                for e16 in range(L):
                    sv = s16[e16]
                    r = k * L + e16
                    vb[r, pl.ds(0, L)] = xb[r, pl.ds(0, L)] * sv
                    vb[r, pl.ds(8, L)] = xb[r, pl.ds(8, L)] * sv

        npairs = rows_z // 2
        scope_d = jax.named_scope("phD_scatter")
        scope_d.__enter__()
        pltpu.async_copy(Xs.at[srcb.at[0]], xbufA, semA)

        def pair(p, _):
            j0 = 2 * p
            j1 = j0 + 1
            pltpu.async_copy(Xs.at[srcb.at[j1]], xbufB, semB)
            pltpu.make_async_copy(Xs.at[srcb.at[j0]], xbufA, semA).wait()

            @pl.when(p > 0)
            def _():
                pltpu.make_async_copy(valbufA, Zs.at[dstb.at[0]], semS).wait()
            compute_val(j0, xbufA, valbufA)
            pltpu.async_copy(valbufA, Zs.at[dstb.at[j0]], semS, add=True)

            @pl.when(p < npairs - 1)
            def _():
                pltpu.async_copy(Xs.at[srcb.at[j0 + 2]], xbufA, semA)
            pltpu.make_async_copy(Xs.at[srcb.at[j1]], xbufB, semB).wait()

            @pl.when(p > 0)
            def _():
                pltpu.make_async_copy(valbufB, Zs.at[dstb.at[0]], semS).wait()
            compute_val(j1, xbufB, valbufB)
            pltpu.async_copy(valbufB, Zs.at[dstb.at[j1]], semS, add=True)
            return 0
        lax.fori_loop(0, npairs, pair, 0)
        pltpu.make_async_copy(valbufA, Zs.at[dstb.at[0]], semS).wait()
        pltpu.make_async_copy(valbufB, Zs.at[dstb.at[0]], semS).wait()
        scope_d.__exit__(None, None, None)
        plsc.subcore_barrier()

        with jax.named_scope("phE_out"):
            @pl.when(c == 0)
            def _():
                def echunk(t, _):
                    rb = base + t * CHUNK
                    pltpu.sync_copy(Zs.at[pl.ds(rb, CHUNK)], valbufA)
                    pltpu.sync_copy(Xs.at[pl.ds(rb, CHUNK)], xbufA)

                    @plsc.parallel_loop(0, CHUNK // L, unroll=2)
                    def _(k):
                        dv16 = dinv_l[pl.ds(rb + k * L, L)]
                        for e16 in range(L):
                            sv = dv16[e16]
                            r = k * L + e16
                            a0 = valbufA[r, pl.ds(0, L)]
                            a1 = valbufA[r, pl.ds(8, L)]
                            valbufA[r, pl.ds(0, L)] = (
                                a0 + xbufA[r, pl.ds(0, L)] * sv)
                            valbufA[r, pl.ds(8, L)] = (
                                a1 + xbufA[r, pl.ds(8, L)] * sv)
                    pltpu.sync_copy(valbufA, zp_h.at[c, pl.ds(rb, CHUNK)])
                    return 0
                lax.fori_loop(0, nslice // CHUNK, echunk, 0)

            @pl.when(c == 1)
            def _():
                pltpu.sync_copy(Zs.at[pl.ds(base, nslice)],
                                zp_h.at[c, pl.ds(base, nslice)])

    return pl.kernel(
        body,
        out_type=[
            jax.ShapeDtypeStruct((NC, n_pad, CP), jnp.float32),
            jax.ShapeDtypeStruct((n_pad,), jnp.float32),
        ],
        mesh=mesh,
        compiler_params=pltpu.CompilerParams(
            needs_layout_passes=False, use_tc_tiling_on_sc=False),
        scratch_types=[
            pltpu.VMEM_SHARED((n_pad, CP), jnp.float32),
            pltpu.VMEM_SHARED((n_pad,), jnp.float32),
            pltpu.VMEM_SHARED((n_pad, 24), jnp.float32),
            pltpu.VMEM((n_pad,), jnp.float32),
            pltpu.VMEM((rows_deg, CHUNK), jnp.int32),
            pltpu.VMEM((rows_deg, CHUNK), jnp.float32),
            pltpu.VMEM((rows_z, CHUNK), jnp.int32),
            pltpu.VMEM((rows_z, CHUNK), jnp.int32),
            pltpu.VMEM((rows_z, CHUNK), jnp.float32),
            pltpu.VMEM((CHUNK, 24), jnp.float32),
            pltpu.VMEM((CHUNK, 24), jnp.float32),
            pltpu.VMEM((CHUNK, CP), jnp.float32),
            pltpu.VMEM((CHUNK, CP), jnp.float32),
            pltpu.VMEM((64, CP), jnp.float32),
            pltpu.VMEM((n_pad // NS,), jnp.float32),
            pltpu.SemaphoreType.DMA,
            pltpu.SemaphoreType.DMA,
            pltpu.SemaphoreType.DMA,
        ],
        name="gcn_edge_scatter_sc",
    )


def _tc_body(zp, dvr, wb1, wb2, cbr, vcr, br, out):
    zsum = zp[0] + zp[1]
    y1 = zsum.astype(jnp.bfloat16)
    y2 = (zsum - y1.astype(jnp.float32)).astype(jnp.bfloat16)
    dn = (((1,), (1,)), ((), ()))
    m1 = (lax.dot_general(wb1[:, :], y1, dn,
                          preferred_element_type=jnp.float32)
          + lax.dot_general(wb1[:, :], y2, dn,
                            preferred_element_type=jnp.float32)
          + lax.dot_general(wb2[:, :], y1, dn,
                            preferred_element_type=jnp.float32))
    a = dvr[:, :] * m1
    r = jnp.maximum(a + cbr[:, :], 0.0) * vcr[:, :]
    h = wb1.shape[0] // 2
    out[0, :, :] = jnp.sum(r[0:h], axis=0, keepdims=True) + br[0, 0]
    out[1, :, :] = jnp.sum(r[h:], axis=0, keepdims=True) + br[0, 0]


def kernel(x_seq, edge_index, edge_weight, W_gcn, b_gcn, W_conv, b_conv,
           W_ro, b_ro):
    B, T, n = x_seq.shape
    TH = W_conv.shape[0]
    C = B * T
    e = edge_index.shape[1]

    n_pad = ((n + NS * L * L - 1) // (NS * L * L)) * (NS * L * L)
    e_pad = ((e + NW * CHUNK - 1) // (NW * CHUNK)) * (NW * CHUNK)

    xpad = jnp.pad(x_seq.reshape(C, n).T, ((0, n_pad - n), (0, 0)))
    src2 = jnp.pad(edge_index[0], (0, e_pad - e)).reshape(-1, CHUNK)
    dst2 = jnp.pad(edge_index[1], (0, e_pad - e)).reshape(-1, CHUNK)
    ew2 = jnp.pad(edge_weight, (0, e_pad - e)).reshape(-1, CHUNK)

    wk = jnp.einsum("ogk,g->ok", W_conv, W_gcn[0])
    bg = jnp.einsum("ogk,g->ok", W_conv, b_gcn)
    tt = jnp.arange(T)[None, :]
    cb = (b_conv[:, None] + bg[:, 1:2] + bg[:, 0:1] * (tt >= 1)
          + bg[:, 2:3] * (tt <= T - 2))
    b_grid = jnp.arange(B)[:, None, None, None]
    t_grid = jnp.arange(T)[None, None, :, None]
    c_grid = jnp.arange(CP)[None, None, None, :]
    wfull = jnp.zeros((B, TH, T, CP), jnp.float32)
    for k in range(3):
        tm = t_grid + (k - 1)
        mask = (tm >= 0) & (tm < T) & (c_grid == b_grid * T + tm)
        wfull = wfull + jnp.where(mask, wk[:, k][None, :, None, None], 0.0)
    w_all = wfull.reshape(B * TH * T, CP)
    cb2 = jnp.concatenate([cb.reshape(-1), cb.reshape(-1)])[:, None]
    vcol = jnp.broadcast_to(W_ro[:, 0:1] / T, (TH, T)).reshape(-1)
    vcol2 = jnp.concatenate([vcol, vcol])[:, None]
    br = b_ro.reshape(1, 1)
    wb1 = w_all.astype(jnp.bfloat16)
    wb2 = (w_all - wb1.astype(jnp.float32)).astype(jnp.bfloat16)

    zp, dinv = _make_sc_scatter(n_pad, e_pad, C)(src2, dst2, ew2, xpad)

    NB = 2048
    grid = n_pad // NB
    out_full = pl.pallas_call(
        _tc_body,
        grid=(grid,),
        in_specs=[
            pl.BlockSpec((NC, NB, CP), lambda i: (0, i, 0)),
            pl.BlockSpec((1, NB), lambda i: (0, i)),
            pl.BlockSpec((B * TH * T, CP), lambda i: (0, 0)),
            pl.BlockSpec((B * TH * T, CP), lambda i: (0, 0)),
            pl.BlockSpec((B * TH * T, 1), lambda i: (0, 0)),
            pl.BlockSpec((B * TH * T, 1), lambda i: (0, 0)),
            pl.BlockSpec((1, 1), lambda i: (0, 0)),
        ],
        out_specs=pl.BlockSpec((B, 1, NB), lambda i: (0, 0, i)),
        out_shape=jax.ShapeDtypeStruct((B, 1, n_pad), jnp.float32),
        name="temporal_conv_readout_tc",
    )(zp, dinv.reshape(1, n_pad), wb1, wb2, cb2, vcol2, br)

    return out_full[:, :, :n]

# --- scband reference (transcript-rebuilt; emitter-appended) ---
"""Pipeline reference for scband-stmodel-43035572306761 (READ-ONLY COPY).

The authoritative reference and input builder live on the scoring server;
editing this copy changes nothing except your own understanding.
"""

import jax, jax.numpy as jnp
import numpy as np

N = 10000
E = 160000
B = 2
T = 12
GH = 32
TH = 32
OUT_LEN = 1


def setup_inputs(seed: int = 0):
    key = jax.random.key(seed)
    k = jax.random.split(key, 8)
    x_seq = jax.random.normal(k[0], (B, T, N), dtype=jnp.float32)
    edge_index = jax.random.randint(k[1], (2, E), 0, N, dtype=jnp.int32)
    edge_weight = jax.random.uniform(k[2], (E,), dtype=jnp.float32)
    W_gcn = jax.random.normal(k[3], (1, GH), dtype=jnp.float32)
    b_gcn = jnp.zeros((GH,), dtype=jnp.float32)
    W_conv = jax.random.normal(k[4], (TH, GH, 3), dtype=jnp.float32) * (1.0 / np.sqrt(GH * 3.0))
    b_conv = jnp.zeros((TH,), dtype=jnp.float32)
    W_ro = jax.random.normal(k[5], (TH, OUT_LEN), dtype=jnp.float32) * (1.0 / np.sqrt(float(TH)))
    b_ro = jnp.zeros((OUT_LEN,), dtype=jnp.float32)
    return {"x_seq": x_seq, "edge_index": edge_index, "edge_weight": edge_weight,
            "W_gcn": W_gcn, "b_gcn": b_gcn, "W_conv": W_conv, "b_conv": b_conv,
            "W_ro": W_ro, "b_ro": b_ro}


def _gcn_norm(edge_index, edge_weight):
    # GCNConv default: add self loops (weight 1), symmetric normalization
    src = edge_index[0]
    dst = edge_index[1]
    loop = jnp.arange(N, dtype=src.dtype)
    src = jnp.concatenate([src, loop])
    dst = jnp.concatenate([dst, loop])
    ew = jnp.concatenate([edge_weight, jnp.ones((N,), dtype=edge_weight.dtype)])
    deg = jnp.zeros((N,), dtype=ew.dtype).at[dst].add(ew)
    dinv = jnp.where(deg > 0, jax.lax.rsqrt(jnp.maximum(deg, 1e-12)), 0.0)
    norm = dinv[src] * ew * dinv[dst]
    return src, dst, norm


def reference(x_seq, edge_index, edge_weight, W_gcn, b_gcn, W_conv, b_conv, W_ro, b_ro):
    src, dst, norm = _gcn_norm(edge_index, edge_weight)

    def gcn_one(xb):
        # xb: [N, 1] -> GCNConv(1 -> GH)
        h = xb @ W_gcn
        out = jnp.zeros((N, GH), dtype=h.dtype).at[dst].add(h[src] * norm[:, None])
        return out + b_gcn

    # torch loops over t then b and stacks -> equivalent to mapping over flattened (b, t)
    xf = x_seq.reshape(B * T, N, 1)
    x_time = jax.lax.map(gcn_one, xf).reshape(B, T, N, GH)
    # permute(0, 2, 3, 1) -> [B, N, GH, T]; view -> [B*N, GH, T]
    bNT = jnp.transpose(x_time, (0, 2, 3, 1)).reshape(B * N, GH, T)
    temp = jax.lax.conv_general_dilated(bNT, W_conv, (1,), ((1, 1),),
                                        dimension_numbers=("NCH", "OIH", "NCH"))
    temp = temp + b_conv[None, :, None]
    temp = jax.nn.relu(temp)
    pooled = temp.mean(axis=-1)
    out = pooled @ W_ro + b_ro
    out = jnp.transpose(out.reshape(B, N, OUT_LEN), (0, 2, 1))
    return out

if __name__ == "__main__":
    import jax
    _d = setup_inputs()
    print(jax.jit(kernel)(*tuple(_d.values())))

</pallas_src>

<mosaic_0001>
#map = affine_map<(d0, d1) -> (0, 0)>
#map1 = affine_map<(d0, d1) -> (0, 0, 0)>
#map2 = affine_map<(d0, d1) -> (0)>
module attributes {stable_mosaic.version = 14 : i64} {
  func.func @gcn_edge_scatter_sc(%arg0: i32, %arg1: i32, %arg2: memref<1280x128xi32, #tpu.memory_space<hbm>>, %arg3: memref<1280x128xi32, #tpu.memory_space<hbm>>, %arg4: memref<1280x128xf32, #tpu.memory_space<hbm>>, %arg5: memref<12288x24xf32, #tpu.memory_space<hbm>>, %arg6: memref<2x12288x32xf32, #tpu.memory_space<hbm>>, %arg7: memref<12288xf32, #tpu.memory_space<hbm>>, %arg8: memref<12288x32xf32, #tpu.memory_space<vmem_shared>>, %arg9: memref<12288xf32, #tpu.memory_space<vmem_shared>>, %arg10: memref<12288x24xf32, #tpu.memory_space<vmem_shared>>, %arg11: memref<12288xf32, #tpu.memory_space<vmem>>, %arg12: memref<80x128xi32, #tpu.memory_space<vmem>>, %arg13: memref<80x128xf32, #tpu.memory_space<vmem>>, %arg14: memref<40x128xi32, #tpu.memory_space<vmem>>, %arg15: memref<40x128xi32, #tpu.memory_space<vmem>>, %arg16: memref<40x128xf32, #tpu.memory_space<vmem>>, %arg17: memref<128x24xf32, #tpu.memory_space<vmem>>, %arg18: memref<128x24xf32, #tpu.memory_space<vmem>>, %arg19: memref<128x32xf32, #tpu.memory_space<vmem>>, %arg20: memref<128x32xf32, #tpu.memory_space<vmem>>, %arg21: memref<64x32xf32, #tpu.memory_space<vmem>>, %arg22: memref<768xf32, #tpu.memory_space<vmem>>, %arg23: memref<!tpu.dma_semaphore, #tpu.memory_space<semaphore_mem>>, %arg24: memref<!tpu.dma_semaphore, #tpu.memory_space<semaphore_mem>>, %arg25: memref<!tpu.dma_semaphore, #tpu.memory_space<semaphore_mem>>) attributes {dimension_semantics = [#tpu.dimension_semantics<core_parallel>, #tpu.dimension_semantics<subcore_parallel>], iteration_bounds = array<i64: 2, 16>, scalar_prefetch = 0 : i64, scratch_operands = 18 : i64, tpu.core_type = #tpu.core_type<sc_vector_subcore>, window_params = [{transform_indices = #map}, {transform_indices = #map}, {transform_indices = #map}, {transform_indices = #map}, {transform_indices = #map1}, {transform_indices = #map2}]} {
    %mul3A = arith.constant 2 : i32
    %mul3A_0 = arith.muli %arg1, %mul3A : i32
    %add3A = arith.addi %mul3A_0, %arg0 : i32
    %broadcast_in_dim3A = arith.constant 0.000000e+00 : f32
    %broadcast_in_dim3A_1 = vector.broadcast %broadcast_in_dim3A : f32 to vector<16xf32>
    %mul3A_2 = arith.constant 768 : i32
    %mul3A_3 = arith.muli %arg1, %mul3A_2 : i32
    %parallel_loop3A = arith.constant 0 : i32
    %parallel_loop3A_4 = arith.constant 64 : i32
    %parallel_loop3A_5 = arith.constant 1 : i32
    "tpu.trace_start"() <{level = 10 : i32, message = "phA_zero"}> : () -> ()
    scf.for %parallel_loop3A_99 = %parallel_loop3A to %parallel_loop3A_4 step %parallel_loop3A_5  : i32 {
      %parallel_loop3A_100 = arith.index_cast %parallel_loop3A_99 : i32 to index
      %parallel_loop3A_101 = arith.constant 0 : index
      %parallel_loop3A_102 = tpu.vector_load %arg21[%parallel_loop3A_100, %parallel_loop3A_101] {strides = array<i32>} : memref<64x32xf32, #tpu.memory_space<vmem>>, vector<16xf32>,
      tpu.vector_store %arg21[%parallel_loop3A_100, %parallel_loop3A_101], %broadcast_in_dim3A_1 {strides = array<i32>} : memref<64x32xf32, #tpu.memory_space<vmem>>, vector<16xf32>,
      %parallel_loop3A_103 = arith.index_cast %parallel_loop3A_99 : i32 to index
      %parallel_loop3A_104 = arith.constant 16 : index
      %parallel_loop3A_105 = tpu.vector_load %arg21[%parallel_loop3A_103, %parallel_loop3A_104] {strides = array<i32>} : memref<64x32xf32, #tpu.memory_space<vmem>>, vector<16xf32>,
      tpu.vector_store %arg21[%parallel_loop3A_103, %parallel_loop3A_104], %broadcast_in_dim3A_1 {strides = array<i32>} : memref<64x32xf32, #tpu.memory_space<vmem>>, vector<16xf32>,
    } {sc.loop_unroll_factor = 1 : i64, sc.parallel_access}
    %parallel_loop3A_6 = arith.constant 0 : i32
    %parallel_loop3A_7 = arith.constant 48 : i32
    %parallel_loop3A_8 = arith.constant 1 : i32
    scf.for %parallel_loop3A_99 = %parallel_loop3A_6 to %parallel_loop3A_7 step %parallel_loop3A_8  : i32 {
      %parallel_loop3A_100 = arith.constant 16 : i32
      %parallel_loop3A_101 = arith.muli %parallel_loop3A_99, %parallel_loop3A_100 : i32
      %parallel_loop3A_102 = arith.index_cast %parallel_loop3A_101 : i32 to index
      %parallel_loop3A_103 = tpu.vector_load %arg22[%parallel_loop3A_102] {strides = array<i32>} : memref<768xf32, #tpu.memory_space<vmem>>, vector<16xf32>,
      tpu.vector_store %arg22[%parallel_loop3A_102], %broadcast_in_dim3A_1 {strides = array<i32>} : memref<768xf32, #tpu.memory_space<vmem>>, vector<16xf32>,
    } {sc.loop_unroll_factor = 1 : i64, sc.parallel_access}
    %parallel_loop3A_9 = arith.constant 0 : i32
    %parallel_loop3A_10 = arith.constant 128 : i32
    %parallel_loop3A_11 = arith.constant 1 : i32
    scf.for %parallel_loop3A_99 = %parallel_loop3A_9 to %parallel_loop3A_10 step %parallel_loop3A_11  : i32 {
      %parallel_loop3A_100 = arith.index_cast %parallel_loop3A_99 : i32 to index
      %parallel_loop3A_101 = arith.constant 16 : index
      %parallel_loop3A_102 = tpu.vector_load %arg19[%parallel_loop3A_100, %parallel_loop3A_101] {strides = array<i32>} : memref<128x32xf32, #tpu.memory_space<vmem>>, vector<16xf32>,
      tpu.vector_store %arg19[%parallel_loop3A_100, %parallel_loop3A_101], %broadcast_in_dim3A_1 {strides = array<i32>} : memref<128x32xf32, #tpu.memory_space<vmem>>, vector<16xf32>,
      %parallel_loop3A_103 = arith.index_cast %parallel_loop3A_99 : i32 to index
      %parallel_loop3A_104 = arith.constant 16 : index
      %parallel_loop3A_105 = tpu.vector_load %arg20[%parallel_loop3A_103, %parallel_loop3A_104] {strides = array<i32>} : memref<128x32xf32, #tpu.memory_space<vmem>>, vector<16xf32>,
      tpu.vector_store %arg20[%parallel_loop3A_103, %parallel_loop3A_104], %broadcast_in_dim3A_1 {strides = array<i32>} : memref<128x32xf32, #tpu.memory_space<vmem>>, vector<16xf32>,
    } {sc.loop_unroll_factor = 1 : i64, sc.parallel_access}
    %add3A_12 = arith.constant 0 : i32
    %add3A_13 = arith.addi %mul3A_3, %add3A_12 : i32
    "tpu.region"() ({
      %run_scoped3A = tpu.sem_alloc : memref<!tpu.dma_semaphore, #tpu.memory_space<semaphore_mem>>
      %dma_start3A_99 = arith.constant 0 : i32
      %dma_start3A_100 = tpu.memref_slice %arg8[%add3A_13, %dma_start3A_99] : memref<12288x32xf32, #tpu.memory_space<vmem_shared>> -> memref<64x32xf32, #tpu.memory_space<vmem_shared>>
      %dma_start3A_101 = arith.constant 0 : i32
      %dma_start3A_102 = tpu.memref_slice %arg8[%add3A_13, %dma_start3A_101] : memref<12288x32xf32, #tpu.memory_space<vmem_shared>> -> memref<64x32xf32, #tpu.memory_space<vmem_shared>>
      tpu.enqueue_dma source(%arg21 : memref<64x32xf32, #tpu.memory_space<vmem>>) target(%dma_start3A_102 : memref<64x32xf32, #tpu.memory_space<vmem_shared>>) target_semaphore(%run_scoped3A : memref<!tpu.dma_semaphore, #tpu.memory_space<semaphore_mem>>)
      %dma_wait3A_103 = arith.constant 0 : i32
      %dma_wait3A_104 = tpu.memref_slice %arg8[%add3A_13, %dma_wait3A_103] : memref<12288x32xf32, #tpu.memory_space<vmem_shared>> -> memref<64x32xf32, #tpu.memory_space<vmem_shared>>
      %dma_wait3A_105 = arith.constant 0 : i32
      %dma_wait3A_106 = tpu.memref_slice %arg8[%add3A_13, %dma_wait3A_105] : memref<12288x32xf32, #tpu.memory_space<vmem_shared>> -> memref<64x32xf32, #tpu.memory_space<vmem_shared>>
      tpu.wait_dma2 semaphore(%run_scoped3A : memref<!tpu.dma_semaphore, #tpu.memory_space<semaphore_mem>>) src(%arg21 : memref<64x32xf32, #tpu.memory_space<vmem>>) dst(%dma_wait3A_106 : memref<64x32xf32, #tpu.memory_space<vmem_shared>>)
      tpu.yield
    }) : () -> ()
    %add3A_14 = arith.constant 64 : i32
    %add3A_15 = arith.addi %mul3A_3, %add3A_14 : i32
    "tpu.region"() ({
      %run_scoped3A = tpu.sem_alloc : memref<!tpu.dma_semaphore, #tpu.memory_space<semaphore_mem>>
      %dma_start3A_99 = arith.constant 0 : i32
      %dma_start3A_100 = tpu.memref_slice %arg8[%add3A_15, %dma_start3A_99] : memref<12288x32xf32, #tpu.memory_space<vmem_shared>> -> memref<64x32xf32, #tpu.memory_space<vmem_shared>>
      %dma_start3A_101 = arith.constant 0 : i32
      %dma_start3A_102 = tpu.memref_slice %arg8[%add3A_15, %dma_start3A_101] : memref<12288x32xf32, #tpu.memory_space<vmem_shared>> -> memref<64x32xf32, #tpu.memory_space<vmem_shared>>
      tpu.enqueue_dma source(%arg21 : memref<64x32xf32, #tpu.memory_space<vmem>>) target(%dma_start3A_102 : memref<64x32xf32, #tpu.memory_space<vmem_shared>>) target_semaphore(%run_scoped3A : memref<!tpu.dma_semaphore, #tpu.memory_space<semaphore_mem>>)
      %dma_wait3A_103 = arith.constant 0 : i32
      %dma_wait3A_104 = tpu.memref_slice %arg8[%add3A_15, %dma_wait3A_103] : memref<12288x32xf32, #tpu.memory_space<vmem_shared>> -> memref<64x32xf32, #tpu.memory_space<vmem_shared>>
      %dma_wait3A_105 = arith.constant 0 : i32
      %dma_wait3A_106 = tpu.memref_slice %arg8[%add3A_15, %dma_wait3A_105] : memref<12288x32xf32, #tpu.memory_space<vmem_shared>> -> memref<64x32xf32, #tpu.memory_space<vmem_shared>>
      tpu.wait_dma2 semaphore(%run_scoped3A : memref<!tpu.dma_semaphore, #tpu.memory_space<semaphore_mem>>) src(%arg21 : memref<64x32xf32, #tpu.memory_space<vmem>>) dst(%dma_wait3A_106 : memref<64x32xf32, #tpu.memory_space<vmem_shared>>)
      tpu.yield
    }) : () -> ()
    %add3A_16 = arith.constant 128 : i32
    %add3A_17 = arith.addi %mul3A_3, %add3A_16 : i32
    "tpu.region"() ({
      %run_scoped3A = tpu.sem_alloc : memref<!tpu.dma_semaphore, #tpu.memory_space<semaphore_mem>>
      %dma_start3A_99 = arith.constant 0 : i32
      %dma_start3A_100 = tpu.memref_slice %arg8[%add3A_17, %dma_start3A_99] : memref<12288x32xf32, #tpu.memory_space<vmem_shared>> -> memref<64x32xf32, #tpu.memory_space<vmem_shared>>
      %dma_start3A_101 = arith.constant 0 : i32
      %dma_start3A_102 = tpu.memref_slice %arg8[%add3A_17, %dma_start3A_101] : memref<12288x32xf32, #tpu.memory_space<vmem_shared>> -> memref<64x32xf32, #tpu.memory_space<vmem_shared>>
      tpu.enqueue_dma source(%arg21 : memref<64x32xf32, #tpu.memory_space<vmem>>) target(%dma_start3A_102 : memref<64x32xf32, #tpu.memory_space<vmem_shared>>) target_semaphore(%run_scoped3A : memref<!tpu.dma_semaphore, #tpu.memory_space<semaphore_mem>>)
      %dma_wait3A_103 = arith.constant 0 : i32
      %dma_wait3A_104 = tpu.memref_slice %arg8[%add3A_17, %dma_wait3A_103] : memref<12288x32xf32, #tpu.memory_space<vmem_shared>> -> memref<64x32xf32, #tpu.memory_space<vmem_shared>>
      %dma_wait3A_105 = arith.constant 0 : i32
      %dma_wait3A_106 = tpu.memref_slice %arg8[%add3A_17, %dma_wait3A_105] : memref<12288x32xf32, #tpu.memory_space<vmem_shared>> -> memref<64x32xf32, #tpu.memory_space<vmem_shared>>
      tpu.wait_dma2 semaphore(%run_scoped3A : memref<!tpu.dma_semaphore, #tpu.memory_space<semaphore_mem>>) src(%arg21 : memref<64x32xf32, #tpu.memory_space<vmem>>) dst(%dma_wait3A_106 : memref<64x32xf32, #tpu.memory_space<vmem_shared>>)
      tpu.yield
    }) : () -> ()
    %add3A_18 = arith.constant 192 : i32
    %add3A_19 = arith.addi %mul3A_3, %add3A_18 : i32
    "tpu.region"() ({
      %run_scoped3A = tpu.sem_alloc : memref<!tpu.dma_semaphore, #tpu.memory_space<semaphore_mem>>
      %dma_start3A_99 = arith.constant 0 : i32
      %dma_start3A_100 = tpu.memref_slice %arg8[%add3A_19, %dma_start3A_99] : memref<12288x32xf32, #tpu.memory_space<vmem_shared>> -> memref<64x32xf32, #tpu.memory_space<vmem_shared>>
      %dma_start3A_101 = arith.constant 0 : i32
      %dma_start3A_102 = tpu.memref_slice %arg8[%add3A_19, %dma_start3A_101] : memref<12288x32xf32, #tpu.memory_space<vmem_shared>> -> memref<64x32xf32, #tpu.memory_space<vmem_shared>>
      tpu.enqueue_dma source(%arg21 : memref<64x32xf32, #tpu.memory_space<vmem>>) target(%dma_start3A_102 : memref<64x32xf32, #tpu.memory_space<vmem_shared>>) target_semaphore(%run_scoped3A : memref<!tpu.dma_semaphore, #tpu.memory_space<semaphore_mem>>)
      %dma_wait3A_103 = arith.constant 0 : i32
      %dma_wait3A_104 = tpu.memref_slice %arg8[%add3A_19, %dma_wait3A_103] : memref<12288x32xf32, #tpu.memory_space<vmem_shared>> -> memref<64x32xf32, #tpu.memory_space<vmem_shared>>
      %dma_wait3A_105 = arith.constant 0 : i32
      %dma_wait3A_106 = tpu.memref_slice %arg8[%add3A_19, %dma_wait3A_105] : memref<12288x32xf32, #tpu.memory_space<vmem_shared>> -> memref<64x32xf32, #tpu.memory_space<vmem_shared>>
      tpu.wait_dma2 semaphore(%run_scoped3A : memref<!tpu.dma_semaphore, #tpu.memory_space<semaphore_mem>>) src(%arg21 : memref<64x32xf32, #tpu.memory_space<vmem>>) dst(%dma_wait3A_106 : memref<64x32xf32, #tpu.memory_space<vmem_shared>>)
      tpu.yield
    }) : () -> ()
    %add3A_20 = arith.constant 256 : i32
    %add3A_21 = arith.addi %mul3A_3, %add3A_20 : i32
    "tpu.region"() ({
      %run_scoped3A = tpu.sem_alloc : memref<!tpu.dma_semaphore, #tpu.memory_space<semaphore_mem>>
      %dma_start3A_99 = arith.constant 0 : i32
      %dma_start3A_100 = tpu.memref_slice %arg8[%add3A_21, %dma_start3A_99] : memref<12288x32xf32, #tpu.memory_space<vmem_shared>> -> memref<64x32xf32, #tpu.memory_space<vmem_shared>>
      %dma_start3A_101 = arith.constant 0 : i32
      %dma_start3A_102 = tpu.memref_slice %arg8[%add3A_21, %dma_start3A_101] : memref<12288x32xf32, #tpu.memory_space<vmem_shared>> -> memref<64x32xf32, #tpu.memory_space<vmem_shared>>
      tpu.enqueue_dma source(%arg21 : memref<64x32xf32, #tpu.memory_space<vmem>>) target(%dma_start3A_102 : memref<64x32xf32, #tpu.memory_space<vmem_shared>>) target_semaphore(%run_scoped3A : memref<!tpu.dma_semaphore, #tpu.memory_space<semaphore_mem>>)
      %dma_wait3A_103 = arith.constant 0 : i32
      %dma_wait3A_104 = tpu.memref_slice %arg8[%add3A_21, %dma_wait3A_103] : memref<12288x32xf32, #tpu.memory_space<vmem_shared>> -> memref<64x32xf32, #tpu.memory_space<vmem_shared>>
      %dma_wait3A_105 = arith.constant 0 : i32
      %dma_wait3A_106 = tpu.memref_slice %arg8[%add3A_21, %dma_wait3A_105] : memref<12288x32xf32, #tpu.memory_space<vmem_shared>> -> memref<64x32xf32, #tpu.memory_space<vmem_shared>>
      tpu.wait_dma2 semaphore(%run_scoped3A : memref<!tpu.dma_semaphore, #tpu.memory_space<semaphore_mem>>) src(%arg21 : memref<64x32xf32, #tpu.memory_space<vmem>>) dst(%dma_wait3A_106 : memref<64x32xf32, #tpu.memory_space<vmem_shared>>)
      tpu.yield
    }) : () -> ()
    %add3A_22 = arith.constant 320 : i32
    %add3A_23 = arith.addi %mul3A_3, %add3A_22 : i32
    "tpu.region"() ({
      %run_scoped3A = tpu.sem_alloc : memref<!tpu.dma_semaphore, #tpu.memory_space<semaphore_mem>>
      %dma_start3A_99 = arith.constant 0 : i32
      %dma_start3A_100 = tpu.memref_slice %arg8[%add3A_23, %dma_start3A_99] : memref<12288x32xf32, #tpu.memory_space<vmem_shared>> -> memref<64x32xf32, #tpu.memory_space<vmem_shared>>
      %dma_start3A_101 = arith.constant 0 : i32
      %dma_start3A_102 = tpu.memref_slice %arg8[%add3A_23, %dma_start3A_101] : memref<12288x32xf32, #tpu.memory_space<vmem_shared>> -> memref<64x32xf32, #tpu.memory_space<vmem_shared>>
      tpu.enqueue_dma source(%arg21 : memref<64x32xf32, #tpu.memory_space<vmem>>) target(%dma_start3A_102 : memref<64x32xf32, #tpu.memory_space<vmem_shared>>) target_semaphore(%run_scoped3A : memref<!tpu.dma_semaphore, #tpu.memory_space<semaphore_mem>>)
      %dma_wait3A_103 = arith.constant 0 : i32
      %dma_wait3A_104 = tpu.memref_slice %arg8[%add3A_23, %dma_wait3A_103] : memref<12288x32xf32, #tpu.memory_space<vmem_shared>> -> memref<64x32xf32, #tpu.memory_space<vmem_shared>>
      %dma_wait3A_105 = arith.constant 0 : i32
      %dma_wait3A_106 = tpu.memref_slice %arg8[%add3A_23, %dma_wait3A_105] : memref<12288x32xf32, #tpu.memory_space<vmem_shared>> -> memref<64x32xf32, #tpu.memory_space<vmem_shared>>
      tpu.wait_dma2 semaphore(%run_scoped3A : memref<!tpu.dma_semaphore, #tpu.memory_space<semaphore_mem>>) src(%arg21 : memref<64x32xf32, #tpu.memory_space<vmem>>) dst(%dma_wait3A_106 : memref<64x32xf32, #tpu.memory_space<vmem_shared>>)
      tpu.yield
    }) : () -> ()
    %add3A_24 = arith.constant 384 : i32
    %add3A_25 = arith.addi %mul3A_3, %add3A_24 : i32
    "tpu.region"() ({
      %run_scoped3A = tpu.sem_alloc : memref<!tpu.dma_semaphore, #tpu.memory_space<semaphore_mem>>
      %dma_start3A_99 = arith.constant 0 : i32
      %dma_start3A_100 = tpu.memref_slice %arg8[%add3A_25, %dma_start3A_99] : memref<12288x32xf32, #tpu.memory_space<vmem_shared>> -> memref<64x32xf32, #tpu.memory_space<vmem_shared>>
      %dma_start3A_101 = arith.constant 0 : i32
      %dma_start3A_102 = tpu.memref_slice %arg8[%add3A_25, %dma_start3A_101] : memref<12288x32xf32, #tpu.memory_space<vmem_shared>> -> memref<64x32xf32, #tpu.memory_space<vmem_shared>>
      tpu.enqueue_dma source(%arg21 : memref<64x32xf32, #tpu.memory_space<vmem>>) target(%dma_start3A_102 : memref<64x32xf32, #tpu.memory_space<vmem_shared>>) target_semaphore(%run_scoped3A : memref<!tpu.dma_semaphore, #tpu.memory_space<semaphore_mem>>)
      %dma_wait3A_103 = arith.constant 0 : i32
      %dma_wait3A_104 = tpu.memref_slice %arg8[%add3A_25, %dma_wait3A_103] : memref<12288x32xf32, #tpu.memory_space<vmem_shared>> -> memref<64x32xf32, #tpu.memory_space<vmem_shared>>
      %dma_wait3A_105 = arith.constant 0 : i32
      %dma_wait3A_106 = tpu.memref_slice %arg8[%add3A_25, %dma_wait3A_105] : memref<12288x32xf32, #tpu.memory_space<vmem_shared>> -> memref<64x32xf32, #tpu.memory_space<vmem_shared>>
      tpu.wait_dma2 semaphore(%run_scoped3A : memref<!tpu.dma_semaphore, #tpu.memory_space<semaphore_mem>>) src(%arg21 : memref<64x32xf32, #tpu.memory_space<vmem>>) dst(%dma_wait3A_106 : memref<64x32xf32, #tpu.memory_space<vmem_shared>>)
      tpu.yield
    }) : () -> ()
    %add3A_26 = arith.constant 448 : i32
    %add3A_27 = arith.addi %mul3A_3, %add3A_26 : i32
    "tpu.region"() ({
      %run_scoped3A = tpu.sem_alloc : memref<!tpu.dma_semaphore, #tpu.memory_space<semaphore_mem>>
      %dma_start3A_99 = arith.constant 0 : i32
      %dma_start3A_100 = tpu.memref_slice %arg8[%add3A_27, %dma_start3A_99] : memref<12288x32xf32, #tpu.memory_space<vmem_shared>> -> memref<64x32xf32, #tpu.memory_space<vmem_shared>>
      %dma_start3A_101 = arith.constant 0 : i32
      %dma_start3A_102 = tpu.memref_slice %arg8[%add3A_27, %dma_start3A_101] : memref<12288x32xf32, #tpu.memory_space<vmem_shared>> -> memref<64x32xf32, #tpu.memory_space<vmem_shared>>
      tpu.enqueue_dma source(%arg21 : memref<64x32xf32, #tpu.memory_space<vmem>>) target(%dma_start3A_102 : memref<64x32xf32, #tpu.memory_space<vmem_shared>>) target_semaphore(%run_scoped3A : memref<!tpu.dma_semaphore, #tpu.memory_space<semaphore_mem>>)
      %dma_wait3A_103 = arith.constant 0 : i32
      %dma_wait3A_104 = tpu.memref_slice %arg8[%add3A_27, %dma_wait3A_103] : memref<12288x32xf32, #tpu.memory_space<vmem_shared>> -> memref<64x32xf32, #tpu.memory_space<vmem_shared>>
      %dma_wait3A_105 = arith.constant 0 : i32
      %dma_wait3A_106 = tpu.memref_slice %arg8[%add3A_27, %dma_wait3A_105] : memref<12288x32xf32, #tpu.memory_space<vmem_shared>> -> memref<64x32xf32, #tpu.memory_space<vmem_shared>>
      tpu.wait_dma2 semaphore(%run_scoped3A : memref<!tpu.dma_semaphore, #tpu.memory_space<semaphore_mem>>) src(%arg21 : memref<64x32xf32, #tpu.memory_space<vmem>>) dst(%dma_wait3A_106 : memref<64x32xf32, #tpu.memory_space<vmem_shared>>)
      tpu.yield
    }) : () -> ()
    %add3A_28 = arith.constant 512 : i32
    %add3A_29 = arith.addi %mul3A_3, %add3A_28 : i32
    "tpu.region"() ({
      %run_scoped3A = tpu.sem_alloc : memref<!tpu.dma_semaphore, #tpu.memory_space<semaphore_mem>>
      %dma_start3A_99 = arith.constant 0 : i32
      %dma_start3A_100 = tpu.memref_slice %arg8[%add3A_29, %dma_start3A_99] : memref<12288x32xf32, #tpu.memory_space<vmem_shared>> -> memref<64x32xf32, #tpu.memory_space<vmem_shared>>
      %dma_start3A_101 = arith.constant 0 : i32
      %dma_start3A_102 = tpu.memref_slice %arg8[%add3A_29, %dma_start3A_101] : memref<12288x32xf32, #tpu.memory_space<vmem_shared>> -> memref<64x32xf32, #tpu.memory_space<vmem_shared>>
      tpu.enqueue_dma source(%arg21 : memref<64x32xf32, #tpu.memory_space<vmem>>) target(%dma_start3A_102 : memref<64x32xf32, #tpu.memory_space<vmem_shared>>) target_semaphore(%run_scoped3A : memref<!tpu.dma_semaphore, #tpu.memory_space<semaphore_mem>>)
      %dma_wait3A_103 = arith.constant 0 : i32
      %dma_wait3A_104 = tpu.memref_slice %arg8[%add3A_29, %dma_wait3A_103] : memref<12288x32xf32, #tpu.memory_space<vmem_shared>> -> memref<64x32xf32, #tpu.memory_space<vmem_shared>>
      %dma_wait3A_105 = arith.constant 0 : i32
      %dma_wait3A_106 = tpu.memref_slice %arg8[%add3A_29, %dma_wait3A_105] : memref<12288x32xf32, #tpu.memory_space<vmem_shared>> -> memref<64x32xf32, #tpu.memory_space<vmem_shared>>
      tpu.wait_dma2 semaphore(%run_scoped3A : memref<!tpu.dma_semaphore, #tpu.memory_space<semaphore_mem>>) src(%arg21 : memref<64x32xf32, #tpu.memory_space<vmem>>) dst(%dma_wait3A_106 : memref<64x32xf32, #tpu.memory_space<vmem_shared>>)
      tpu.yield
    }) : () -> ()
    %add3A_30 = arith.constant 576 : i32
    %add3A_31 = arith.addi %mul3A_3, %add3A_30 : i32
    "tpu.region"() ({
      %run_scoped3A = tpu.sem_alloc : memref<!tpu.dma_semaphore, #tpu.memory_space<semaphore_mem>>
      %dma_start3A_99 = arith.constant 0 : i32
      %dma_start3A_100 = tpu.memref_slice %arg8[%add3A_31, %dma_start3A_99] : memref<12288x32xf32, #tpu.memory_space<vmem_shared>> -> memref<64x32xf32, #tpu.memory_space<vmem_shared>>
      %dma_start3A_101 = arith.constant 0 : i32
      %dma_start3A_102 = tpu.memref_slice %arg8[%add3A_31, %dma_start3A_101] : memref<12288x32xf32, #tpu.memory_space<vmem_shared>> -> memref<64x32xf32, #tpu.memory_space<vmem_shared>>
      tpu.enqueue_dma source(%arg21 : memref<64x32xf32, #tpu.memory_space<vmem>>) target(%dma_start3A_102 : memref<64x32xf32, #tpu.memory_space<vmem_shared>>) target_semaphore(%run_scoped3A : memref<!tpu.dma_semaphore, #tpu.memory_space<semaphore_mem>>)
      %dma_wait3A_103 = arith.constant 0 : i32
      %dma_wait3A_104 = tpu.memref_slice %arg8[%add3A_31, %dma_wait3A_103] : memref<12288x32xf32, #tpu.memory_space<vmem_shared>> -> memref<64x32xf32, #tpu.memory_space<vmem_shared>>
      %dma_wait3A_105 = arith.constant 0 : i32
      %dma_wait3A_106 = tpu.memref_slice %arg8[%add3A_31, %dma_wait3A_105] : memref<12288x32xf32, #tpu.memory_space<vmem_shared>> -> memref<64x32xf32, #tpu.memory_space<vmem_shared>>
      tpu.wait_dma2 semaphore(%run_scoped3A : memref<!tpu.dma_semaphore, #tpu.memory_space<semaphore_mem>>) src(%arg21 : memref<64x32xf32, #tpu.memory_space<vmem>>) dst(%dma_wait3A_106 : memref<64x32xf32, #tpu.memory_space<vmem_shared>>)
      tpu.yield
    }) : () -> ()
    %add3A_32 = arith.constant 640 : i32
    %add3A_33 = arith.addi %mul3A_3, %add3A_32 : i32
    "tpu.region"() ({
      %run_scoped3A = tpu.sem_alloc : memref<!tpu.dma_semaphore, #tpu.memory_space<semaphore_mem>>
      %dma_start3A_99 = arith.constant 0 : i32
      %dma_start3A_100 = tpu.memref_slice %arg8[%add3A_33, %dma_start3A_99] : memref<12288x32xf32, #tpu.memory_space<vmem_shared>> -> memref<64x32xf32, #tpu.memory_space<vmem_shared>>
      %dma_start3A_101 = arith.constant 0 : i32
      %dma_start3A_102 = tpu.memref_slice %arg8[%add3A_33, %dma_start3A_101] : memref<12288x32xf32, #tpu.memory_space<vmem_shared>> -> memref<64x32xf32, #tpu.memory_space<vmem_shared>>
      tpu.enqueue_dma source(%arg21 : memref<64x32xf32, #tpu.memory_space<vmem>>) target(%dma_start3A_102 : memref<64x32xf32, #tpu.memory_space<vmem_shared>>) target_semaphore(%run_scoped3A : memref<!tpu.dma_semaphore, #tpu.memory_space<semaphore_mem>>)
      %dma_wait3A_103 = arith.constant 0 : i32
      %dma_wait3A_104 = tpu.memref_slice %arg8[%add3A_33, %dma_wait3A_103] : memref<12288x32xf32, #tpu.memory_space<vmem_shared>> -> memref<64x32xf32, #tpu.memory_space<vmem_shared>>
      %dma_wait3A_105 = arith.constant 0 : i32
      %dma_wait3A_106 = tpu.memref_slice %arg8[%add3A_33, %dma_wait3A_105] : memref<12288x32xf32, #tpu.memory_space<vmem_shared>> -> memref<64x32xf32, #tpu.memory_space<vmem_shared>>
      tpu.wait_dma2 semaphore(%run_scoped3A : memref<!tpu.dma_semaphore, #tpu.memory_space<semaphore_mem>>) src(%arg21 : memref<64x32xf32, #tpu.memory_space<vmem>>) dst(%dma_wait3A_106 : memref<64x32xf32, #tpu.memory_space<vmem_shared>>)
      tpu.yield
    }) : () -> ()
    %add3A_34 = arith.constant 704 : i32
    %add3A_35 = arith.addi %mul3A_3, %add3A_34 : i32
    "tpu.region"() ({
      %run_scoped3A = tpu.sem_alloc : memref<!tpu.dma_semaphore, #tpu.memory_space<semaphore_mem>>
      %dma_start3A_99 = arith.constant 0 : i32
      %dma_start3A_100 = tpu.memref_slice %arg8[%add3A_35, %dma_start3A_99] : memref<12288x32xf32, #tpu.memory_space<vmem_shared>> -> memref<64x32xf32, #tpu.memory_space<vmem_shared>>
      %dma_start3A_101 = arith.constant 0 : i32
      %dma_start3A_102 = tpu.memref_slice %arg8[%add3A_35, %dma_start3A_101] : memref<12288x32xf32, #tpu.memory_space<vmem_shared>> -> memref<64x32xf32, #tpu.memory_space<vmem_shared>>
      tpu.enqueue_dma source(%arg21 : memref<64x32xf32, #tpu.memory_space<vmem>>) target(%dma_start3A_102 : memref<64x32xf32, #tpu.memory_space<vmem_shared>>) target_semaphore(%run_scoped3A : memref<!tpu.dma_semaphore, #tpu.memory_space<semaphore_mem>>)
      %dma_wait3A_103 = arith.constant 0 : i32
      %dma_wait3A_104 = tpu.memref_slice %arg8[%add3A_35, %dma_wait3A_103] : memref<12288x32xf32, #tpu.memory_space<vmem_shared>> -> memref<64x32xf32, #tpu.memory_space<vmem_shared>>
      %dma_wait3A_105 = arith.constant 0 : i32
      %dma_wait3A_106 = tpu.memref_slice %arg8[%add3A_35, %dma_wait3A_105] : memref<12288x32xf32, #tpu.memory_space<vmem_shared>> -> memref<64x32xf32, #tpu.memory_space<vmem_shared>>
      tpu.wait_dma2 semaphore(%run_scoped3A : memref<!tpu.dma_semaphore, #tpu.memory_space<semaphore_mem>>) src(%arg21 : memref<64x32xf32, #tpu.memory_space<vmem>>) dst(%dma_wait3A_106 : memref<64x32xf32, #tpu.memory_space<vmem_shared>>)
      tpu.yield
    }) : () -> ()
    "tpu.region"() ({
      %run_scoped3A = tpu.sem_alloc : memref<!tpu.dma_semaphore, #tpu.memory_space<semaphore_mem>>
      %dma_start3A_99 = tpu.memref_slice %arg9[%mul3A_3] : memref<12288xf32, #tpu.memory_space<vmem_shared>> -> memref<768xf32, #tpu.memory_space<vmem_shared>>
      %dma_start3A_100 = tpu.memref_slice %arg9[%mul3A_3] : memref<12288xf32, #tpu.memory_space<vmem_shared>> -> memref<768xf32, #tpu.memory_space<vmem_shared>>
      tpu.enqueue_dma source(%arg22 : memref<768xf32, #tpu.memory_space<vmem>>) target(%dma_start3A_100 : memref<768xf32, #tpu.memory_space<vmem_shared>>) target_semaphore(%run_scoped3A : memref<!tpu.dma_semaphore, #tpu.memory_space<semaphore_mem>>)
      %dma_wait3A_101 = tpu.memref_slice %arg9[%mul3A_3] : memref<12288xf32, #tpu.memory_space<vmem_shared>> -> memref<768xf32, #tpu.memory_space<vmem_shared>>
      %dma_wait3A_102 = tpu.memref_slice %arg9[%mul3A_3] : memref<12288xf32, #tpu.memory_space<vmem_shared>> -> memref<768xf32, #tpu.memory_space<vmem_shared>>
      tpu.wait_dma2 semaphore(%run_scoped3A : memref<!tpu.dma_semaphore, #tpu.memory_space<semaphore_mem>>) src(%arg22 : memref<768xf32, #tpu.memory_space<vmem>>) dst(%dma_wait3A_102 : memref<768xf32, #tpu.memory_space<vmem_shared>>)
      tpu.yield
    }) : () -> ()
    "tpu.trace_stop"() : () -> ()
    "tpu.trace_start"() <{level = 10 : i32, message = "phX_stage"}> : () -> ()
    "tpu.region"() ({
      %run_scoped3A = tpu.sem_alloc : memref<!tpu.dma_semaphore, #tpu.memory_space<semaphore_mem>>
      %dma_start3A_99 = arith.constant 0 : i32
      %dma_start3A_100 = tpu.memref_slice %arg10[%mul3A_3, %dma_start3A_99] : memref<12288x24xf32, #tpu.memory_space<vmem_shared>> -> memref<768x24xf32, #tpu.memory_space<vmem_shared>>
      %dma_start3A_101 = arith.constant 0 : i32
      %dma_start3A_102 = tpu.memref_slice %arg5[%mul3A_3, %dma_start3A_101] : memref<12288x24xf32, #tpu.memory_space<hbm>> -> memref<768x24xf32, #tpu.memory_space<hbm>>
      tpu.enqueue_dma source(%dma_start3A_102 : memref<768x24xf32, #tpu.memory_space<hbm>>) target(%dma_start3A_100 : memref<768x24xf32, #tpu.memory_space<vmem_shared>>) target_semaphore(%run_scoped3A : memref<!tpu.dma_semaphore, #tpu.memory_space<semaphore_mem>>)
      %dma_wait3A_103 = arith.constant 0 : i32
      %dma_wait3A_104 = tpu.memref_slice %arg10[%mul3A_3, %dma_wait3A_103] : memref<12288x24xf32, #tpu.memory_space<vmem_shared>> -> memref<768x24xf32, #tpu.memory_space<vmem_shared>>
      %dma_wait3A_105 = arith.constant 0 : i32
      %dma_wait3A_106 = tpu.memref_slice %arg5[%mul3A_3, %dma_wait3A_105] : memref<12288x24xf32, #tpu.memory_space<hbm>> -> memref<768x24xf32, #tpu.memory_space<hbm>>
      tpu.wait_dma2 semaphore(%run_scoped3A : memref<!tpu.dma_semaphore, #tpu.memory_space<semaphore_mem>>) src(%dma_wait3A_106 : memref<768x24xf32, #tpu.memory_space<hbm>>) dst(%dma_wait3A_104 : memref<768x24xf32, #tpu.memory_space<vmem_shared>>)
      tpu.yield
    }) : () -> ()
    "tpu.trace_stop"() : () -> ()
    %barrier3A = arith.constant 0 : index
    tpu.barrier barrier_id(%barrier3A)
    "tpu.trace_start"() <{level = 10 : i32, message = "phB_deg"}> : () -> ()
    %mul3A_36 = arith.constant 80 : i32
    %mul3A_37 = arith.muli %arg1, %mul3A_36 : i32
    "tpu.region"() ({
      %run_scoped3A = tpu.sem_alloc : memref<!tpu.dma_semaphore, #tpu.memory_space<semaphore_mem>>
      %dma_start3A_99 = arith.constant 0 : i32
      %dma_start3A_100 = tpu.memref_slice %arg3[%mul3A_37, %dma_start3A_99] : memref<1280x128xi32, #tpu.memory_space<hbm>> -> memref<80x128xi32, #tpu.memory_space<hbm>>
      %dma_start3A_101 = arith.constant 0 : i32
      %dma_start3A_102 = tpu.memref_slice %arg3[%mul3A_37, %dma_start3A_101] : memref<1280x128xi32, #tpu.memory_space<hbm>> -> memref<80x128xi32, #tpu.memory_space<hbm>>
      tpu.enqueue_dma source(%dma_start3A_102 : memref<80x128xi32, #tpu.memory_space<hbm>>) target(%arg12 : memref<80x128xi32, #tpu.memory_space<vmem>>) target_semaphore(%run_scoped3A : memref<!tpu.dma_semaphore, #tpu.memory_space<semaphore_mem>>)
      %dma_wait3A_103 = arith.constant 0 : i32
      %dma_wait3A_104 = tpu.memref_slice %arg3[%mul3A_37, %dma_wait3A_103] : memref<1280x128xi32, #tpu.memory_space<hbm>> -> memref<80x128xi32, #tpu.memory_space<hbm>>
      %dma_wait3A_105 = arith.constant 0 : i32
      %dma_wait3A_106 = tpu.memref_slice %arg3[%mul3A_37, %dma_wait3A_105] : memref<1280x128xi32, #tpu.memory_space<hbm>> -> memref<80x128xi32, #tpu.memory_space<hbm>>
      tpu.wait_dma2 semaphore(%run_scoped3A : memref<!tpu.dma_semaphore, #tpu.memory_space<semaphore_mem>>) src(%dma_wait3A_106 : memref<80x128xi32, #tpu.memory_space<hbm>>) dst(%arg12 : memref<80x128xi32, #tpu.memory_space<vmem>>)
      tpu.yield
    }) : () -> ()
    %mul3A_38 = arith.constant 80 : i32
    %mul3A_39 = arith.muli %arg1, %mul3A_38 : i32
    "tpu.region"() ({
      %run_scoped3A = tpu.sem_alloc : memref<!tpu.dma_semaphore, #tpu.memory_space<semaphore_mem>>
      %dma_start3A_99 = arith.constant 0 : i32
      %dma_start3A_100 = tpu.memref_slice %arg4[%mul3A_39, %dma_start3A_99] : memref<1280x128xf32, #tpu.memory_space<hbm>> -> memref<80x128xf32, #tpu.memory_space<hbm>>
      %dma_start3A_101 = arith.constant 0 : i32
      %dma_start3A_102 = tpu.memref_slice %arg4[%mul3A_39, %dma_start3A_101] : memref<1280x128xf32, #tpu.memory_space<hbm>> -> memref<80x128xf32, #tpu.memory_space<hbm>>
      tpu.enqueue_dma source(%dma_start3A_102 : memref<80x128xf32, #tpu.memory_space<hbm>>) target(%arg13 : memref<80x128xf32, #tpu.memory_space<vmem>>) target_semaphore(%run_scoped3A : memref<!tpu.dma_semaphore, #tpu.memory_space<semaphore_mem>>)
      %dma_wait3A_103 = arith.constant 0 : i32
      %dma_wait3A_104 = tpu.memref_slice %arg4[%mul3A_39, %dma_wait3A_103] : memref<1280x128xf32, #tpu.memory_space<hbm>> -> memref<80x128xf32, #tpu.memory_space<hbm>>
      %dma_wait3A_105 = arith.constant 0 : i32
      %dma_wait3A_106 = tpu.memref_slice %arg4[%mul3A_39, %dma_wait3A_105] : memref<1280x128xf32, #tpu.memory_space<hbm>> -> memref<80x128xf32, #tpu.memory_space<hbm>>
      tpu.wait_dma2 semaphore(%run_scoped3A : memref<!tpu.dma_semaphore, #tpu.memory_space<semaphore_mem>>) src(%dma_wait3A_106 : memref<80x128xf32, #tpu.memory_space<hbm>>) dst(%arg13 : memref<80x128xf32, #tpu.memory_space<vmem>>)
      tpu.yield
    }) : () -> ()
    %scan3A = arith.constant 0 : i32
    %scan3A_40 = arith.constant 0 : i32
    %scan3A_41 = arith.constant 80 : i32
    %scan3A_42 = arith.addi %scan3A_40, %scan3A_41 : i32
    %scan3A_43 = arith.constant 1 : i32
    %scan3A_44 = scf.for %scan3A_99 = %scan3A_40 to %scan3A_42 step %scan3A_43 iter_args(%scan3A_100 = %scan3A) -> (i32)  : i32 {
      %dma_start3A_101 = arith.constant 0 : i32
      %dma_start3A_102 = tpu.memref_slice %arg13[%scan3A_99, %dma_start3A_101] : memref<80x128xf32, #tpu.memory_space<vmem>> -> memref<1x128xf32, #tpu.memory_space<vmem>>
      %dma_start3A_103 = tpu.memref_squeeze %dma_start3A_102 : memref<1x128xf32, #tpu.memory_space<vmem>> -> memref<128xf32, #tpu.memory_space<vmem>>
      %dma_start3A_104 = arith.constant 0 : i32
      %dma_start3A_105 = tpu.memref_slice %arg12[%scan3A_99, %dma_start3A_104] : memref<80x128xi32, #tpu.memory_space<vmem>> -> memref<1x128xi32, #tpu.memory_space<vmem>>
      %dma_start3A_106 = tpu.memref_squeeze %dma_start3A_105 : memref<1x128xi32, #tpu.memory_space<vmem>> -> memref<128xi32, #tpu.memory_space<vmem>>
      %dma_start3A_107 = arith.constant 0 : i32
      %dma_start3A_108 = tpu.memref_slice %arg9[%dma_start3A_107] : memref<12288xf32, #tpu.memory_space<vmem_shared>> -> memref<12288xf32, #tpu.memory_space<vmem_shared>>
      tpu.enqueue_indirect_dma source(%dma_start3A_103 : memref<128xf32, #tpu.memory_space<vmem>>) target(%dma_start3A_108 : memref<12288xf32, #tpu.memory_space<vmem_shared>>) offsets(%dma_start3A_106 : memref<128xi32, #tpu.memory_space<vmem>>) semaphore(%arg25 : memref<!tpu.dma_semaphore, #tpu.memory_space<semaphore_mem>>) {add = true}
      %ge3A = arith.constant 8 : i32
      %ge3A_109 = arith.cmpi sge, %scan3A_99, %ge3A : i32
      %convert_element_type3A_110 = arith.extui %ge3A_109 : i1 to i32
      %cond3A_111 = arith.constant 0 : i32
      %cond3A_112 = arith.cmpi ne, %convert_element_type3A_110, %cond3A_111 : i32
      scf.if %cond3A_112 {
        %dma_wait3A_114 = arith.constant 0 : i32
        %dma_wait3A_115 = arith.constant 0 : i32
        %dma_wait3A_116 = arith.constant 0 : i32
        %dma_wait3A_117 = tpu.memref_slice %arg13[%dma_wait3A_114, %dma_wait3A_116] : memref<80x128xf32, #tpu.memory_space<vmem>> -> memref<1x128xf32, #tpu.memory_space<vmem>>
        %dma_wait3A_118 = tpu.memref_squeeze %dma_wait3A_117 : memref<1x128xf32, #tpu.memory_space<vmem>> -> memref<128xf32, #tpu.memory_space<vmem>>
        %dma_wait3A_119 = arith.constant 0 : i32
        %dma_wait3A_120 = tpu.memref_slice %arg12[%dma_wait3A_115, %dma_wait3A_119] : memref<80x128xi32, #tpu.memory_space<vmem>> -> memref<1x128xi32, #tpu.memory_space<vmem>>
        %dma_wait3A_121 = tpu.memref_squeeze %dma_wait3A_120 : memref<1x128xi32, #tpu.memory_space<vmem>> -> memref<128xi32, #tpu.memory_space<vmem>>
        %dma_wait3A_122 = arith.constant 0 : i32
        %dma_wait3A_123 = tpu.memref_slice %arg9[%dma_wait3A_122] : memref<12288xf32, #tpu.memory_space<vmem_shared>> -> memref<12288xf32, #tpu.memory_space<vmem_shared>>
        tpu.wait_indirect_dma semaphore(%arg25 : memref<!tpu.dma_semaphore, #tpu.memory_space<semaphore_mem>>) src(%dma_wait3A_118 : memref<128xf32, #tpu.memory_space<vmem>>) dst(%dma_wait3A_123 : memref<12288xf32, #tpu.memory_space<vmem_shared>>)
      } else {
      }
      %scan3A_113 = arith.constant 0 : i32
      scf.yield %scan3A_113 : i32
    }
    %scan3A_45 = arith.constant 80 : i32
    %scan3A_46 = arith.constant 0 : i32
    %scan3A_47 = arith.constant 0 : i32
    %scan3A_48 = arith.constant 8 : i32
    %scan3A_49 = arith.addi %scan3A_47, %scan3A_48 : i32
    %scan3A_50 = arith.constant 1 : i32
    %scan3A_51 = scf.for %scan3A_99 = %scan3A_47 to %scan3A_49 step %scan3A_50 iter_args(%scan3A_100 = %scan3A_46) -> (i32)  : i32 {
      %dma_wait3A_101 = arith.constant 0 : i32
      %dma_wait3A_102 = arith.constant 0 : i32
      %dma_wait3A_103 = arith.constant 0 : i32
      %dma_wait3A_104 = tpu.memref_slice %arg13[%dma_wait3A_101, %dma_wait3A_103] : memref<80x128xf32, #tpu.memory_space<vmem>> -> memref<1x128xf32, #tpu.memory_space<vmem>>
      %dma_wait3A_105 = tpu.memref_squeeze %dma_wait3A_104 : memref<1x128xf32, #tpu.memory_space<vmem>> -> memref<128xf32, #tpu.memory_space<vmem>>
      %dma_wait3A_106 = arith.constant 0 : i32
      %dma_wait3A_107 = tpu.memref_slice %arg12[%dma_wait3A_102, %dma_wait3A_106] : memref<80x128xi32, #tpu.memory_space<vmem>> -> memref<1x128xi32, #tpu.memory_space<vmem>>
      %dma_wait3A_108 = tpu.memref_squeeze %dma_wait3A_107 : memref<1x128xi32, #tpu.memory_space<vmem>> -> memref<128xi32, #tpu.memory_space<vmem>>
      %dma_wait3A_109 = arith.constant 0 : i32
      %dma_wait3A_110 = tpu.memref_slice %arg9[%dma_wait3A_109] : memref<12288xf32, #tpu.memory_space<vmem_shared>> -> memref<12288xf32, #tpu.memory_space<vmem_shared>>
      tpu.wait_indirect_dma semaphore(%arg25 : memref<!tpu.dma_semaphore, #tpu.memory_space<semaphore_mem>>) src(%dma_wait3A_105 : memref<128xf32, #tpu.memory_space<vmem>>) dst(%dma_wait3A_110 : memref<12288xf32, #tpu.memory_space<vmem_shared>>)
      %scan3A_111 = arith.constant 0 : i32
      scf.yield %scan3A_111 : i32
    }
    %scan3A_52 = arith.constant 8 : i32
    "tpu.trace_stop"() : () -> ()
    %barrier3A_53 = arith.constant 0 : index
    tpu.barrier barrier_id(%barrier3A_53)
    "tpu.trace_start"() <{level = 10 : i32, message = "phC_dinv"}> : () -> ()
    "tpu.region"() ({
      %run_scoped3A = tpu.sem_alloc : memref<!tpu.dma_semaphore, #tpu.memory_space<semaphore_mem>>
      %dma_start3A_99 = tpu.memref_slice %arg9[%mul3A_3] : memref<12288xf32, #tpu.memory_space<vmem_shared>> -> memref<768xf32, #tpu.memory_space<vmem_shared>>
      %dma_start3A_100 = tpu.memref_slice %arg9[%mul3A_3] : memref<12288xf32, #tpu.memory_space<vmem_shared>> -> memref<768xf32, #tpu.memory_space<vmem_shared>>
      tpu.enqueue_dma source(%dma_start3A_100 : memref<768xf32, #tpu.memory_space<vmem_shared>>) target(%arg22 : memref<768xf32, #tpu.memory_space<vmem>>) target_semaphore(%run_scoped3A : memref<!tpu.dma_semaphore, #tpu.memory_space<semaphore_mem>>)
      %dma_wait3A_101 = tpu.memref_slice %arg9[%mul3A_3] : memref<12288xf32, #tpu.memory_space<vmem_shared>> -> memref<768xf32, #tpu.memory_space<vmem_shared>>
      %dma_wait3A_102 = tpu.memref_slice %arg9[%mul3A_3] : memref<12288xf32, #tpu.memory_space<vmem_shared>> -> memref<768xf32, #tpu.memory_space<vmem_shared>>
      tpu.wait_dma2 semaphore(%run_scoped3A : memref<!tpu.dma_semaphore, #tpu.memory_space<semaphore_mem>>) src(%dma_wait3A_102 : memref<768xf32, #tpu.memory_space<vmem_shared>>) dst(%arg22 : memref<768xf32, #tpu.memory_space<vmem>>)
      tpu.yield
    }) : () -> ()
    %parallel_loop3A_54 = arith.constant 0 : i32
    %parallel_loop3A_55 = arith.constant 48 : i32
    %parallel_loop3A_56 = arith.constant 1 : i32
    scf.for %parallel_loop3A_99 = %parallel_loop3A_54 to %parallel_loop3A_55 step %parallel_loop3A_56  : i32 {
      %parallel_loop3A_100 = arith.constant 16 : i32
      %parallel_loop3A_101 = arith.muli %parallel_loop3A_99, %parallel_loop3A_100 : i32
      %parallel_loop3A_102 = arith.index_cast %parallel_loop3A_101 : i32 to index
      %parallel_loop3A_103 = tpu.vector_load %arg22[%parallel_loop3A_102] {strides = array<i32>} : memref<768xf32, #tpu.memory_space<vmem>>, vector<16xf32>,
      %parallel_loop3A_104 = arith.constant 1.000000e+00 : f32
      %parallel_loop3A_105 = vector.broadcast %parallel_loop3A_104 : f32 to vector<16xf32>
      %parallel_loop3A_106 = arith.addf %parallel_loop3A_103, %parallel_loop3A_105 : vector<16xf32>
      %parallel_loop3A_107 = tpu.bitcast %parallel_loop3A_106 : vector<16xf32> -> vector<16xi32>
      %parallel_loop3A_108 = arith.constant 1 : i32
      %parallel_loop3A_109 = vector.broadcast %parallel_loop3A_108 : i32 to vector<16xi32>
      %parallel_loop3A_110 = arith.shrsi %parallel_loop3A_107, %parallel_loop3A_109 : vector<16xi32>
      %parallel_loop3A_111 = arith.constant 1597463007 : i32
      %parallel_loop3A_112 = vector.broadcast %parallel_loop3A_111 : i32 to vector<16xi32>
      %parallel_loop3A_113 = arith.subi %parallel_loop3A_112, %parallel_loop3A_110 : vector<16xi32>
      %parallel_loop3A_114 = tpu.bitcast %parallel_loop3A_113 : vector<16xi32> -> vector<16xf32>
      %parallel_loop3A_115 = arith.constant 5.000000e-01 : f32
      %parallel_loop3A_116 = vector.broadcast %parallel_loop3A_115 : f32 to vector<16xf32>
      %parallel_loop3A_117 = arith.mulf %parallel_loop3A_116, %parallel_loop3A_106 : vector<16xf32>
      %parallel_loop3A_118 = arith.mulf %parallel_loop3A_117, %parallel_loop3A_114 : vector<16xf32>
      %parallel_loop3A_119 = arith.mulf %parallel_loop3A_118, %parallel_loop3A_114 : vector<16xf32>
      %parallel_loop3A_120 = arith.constant 1.500000e+00 : f32
      %parallel_loop3A_121 = vector.broadcast %parallel_loop3A_120 : f32 to vector<16xf32>
      %parallel_loop3A_122 = arith.subf %parallel_loop3A_121, %parallel_loop3A_119 : vector<16xf32>
      %parallel_loop3A_123 = arith.mulf %parallel_loop3A_114, %parallel_loop3A_122 : vector<16xf32>
      %parallel_loop3A_124 = arith.constant 5.000000e-01 : f32
      %parallel_loop3A_125 = vector.broadcast %parallel_loop3A_124 : f32 to vector<16xf32>
      %parallel_loop3A_126 = arith.mulf %parallel_loop3A_125, %parallel_loop3A_106 : vector<16xf32>
      %parallel_loop3A_127 = arith.mulf %parallel_loop3A_126, %parallel_loop3A_123 : vector<16xf32>
      %parallel_loop3A_128 = arith.mulf %parallel_loop3A_127, %parallel_loop3A_123 : vector<16xf32>
      %parallel_loop3A_129 = arith.constant 1.500000e+00 : f32
      %parallel_loop3A_130 = vector.broadcast %parallel_loop3A_129 : f32 to vector<16xf32>
      %parallel_loop3A_131 = arith.subf %parallel_loop3A_130, %parallel_loop3A_128 : vector<16xf32>
      %parallel_loop3A_132 = arith.mulf %parallel_loop3A_123, %parallel_loop3A_131 : vector<16xf32>
      %parallel_loop3A_133 = arith.constant 5.000000e-01 : f32
      %parallel_loop3A_134 = vector.broadcast %parallel_loop3A_133 : f32 to vector<16xf32>
      %parallel_loop3A_135 = arith.mulf %parallel_loop3A_134, %parallel_loop3A_106 : vector<16xf32>
      %parallel_loop3A_136 = arith.mulf %parallel_loop3A_135, %parallel_loop3A_132 : vector<16xf32>
      %parallel_loop3A_137 = arith.mulf %parallel_loop3A_136, %parallel_loop3A_132 : vector<16xf32>
      %parallel_loop3A_138 = arith.constant 1.500000e+00 : f32
      %parallel_loop3A_139 = vector.broadcast %parallel_loop3A_138 : f32 to vector<16xf32>
      %parallel_loop3A_140 = arith.subf %parallel_loop3A_139, %parallel_loop3A_137 : vector<16xf32>
      %parallel_loop3A_141 = arith.mulf %parallel_loop3A_132, %parallel_loop3A_140 : vector<16xf32>
      %parallel_loop3A_142 = arith.constant 16 : i32
      %parallel_loop3A_143 = arith.muli %parallel_loop3A_99, %parallel_loop3A_142 : i32
      %parallel_loop3A_144 = arith.addi %mul3A_3, %parallel_loop3A_143 : i32
      %parallel_loop3A_145 = arith.index_cast %parallel_loop3A_144 : i32 to index
      %parallel_loop3A_146 = tpu.vector_load %arg11[%parallel_loop3A_145] {strides = array<i32>} : memref<12288xf32, #tpu.memory_space<vmem>>, vector<16xf32>,
      tpu.vector_store %arg11[%parallel_loop3A_145], %parallel_loop3A_141 {strides = array<i32>} : memref<12288xf32, #tpu.memory_space<vmem>>, vector<16xf32>,
    } {sc.loop_unroll_factor = 1 : i64, sc.parallel_access}
    "tpu.region"() ({
      %run_scoped3A = tpu.sem_alloc : memref<!tpu.dma_semaphore, #tpu.memory_space<semaphore_mem>>
      %dma_start3A_99 = tpu.memref_slice %arg11[%mul3A_3] : memref<12288xf32, #tpu.memory_space<vmem>> -> memref<768xf32, #tpu.memory_space<vmem>>
      %dma_start3A_100 = tpu.memref_slice %arg9[%mul3A_3] : memref<12288xf32, #tpu.memory_space<vmem_shared>> -> memref<768xf32, #tpu.memory_space<vmem_shared>>
      %dma_start3A_101 = tpu.memref_slice %arg9[%mul3A_3] : memref<12288xf32, #tpu.memory_space<vmem_shared>> -> memref<768xf32, #tpu.memory_space<vmem_shared>>
      %dma_start3A_102 = tpu.memref_slice %arg11[%mul3A_3] : memref<12288xf32, #tpu.memory_space<vmem>> -> memref<768xf32, #tpu.memory_space<vmem>>
      tpu.enqueue_dma source(%dma_start3A_102 : memref<768xf32, #tpu.memory_space<vmem>>) target(%dma_start3A_101 : memref<768xf32, #tpu.memory_space<vmem_shared>>) target_semaphore(%run_scoped3A : memref<!tpu.dma_semaphore, #tpu.memory_space<semaphore_mem>>)
      %dma_wait3A_103 = tpu.memref_slice %arg11[%mul3A_3] : memref<12288xf32, #tpu.memory_space<vmem>> -> memref<768xf32, #tpu.memory_space<vmem>>
      %dma_wait3A_104 = tpu.memref_slice %arg9[%mul3A_3] : memref<12288xf32, #tpu.memory_space<vmem_shared>> -> memref<768xf32, #tpu.memory_space<vmem_shared>>
      %dma_wait3A_105 = tpu.memref_slice %arg9[%mul3A_3] : memref<12288xf32, #tpu.memory_space<vmem_shared>> -> memref<768xf32, #tpu.memory_space<vmem_shared>>
      %dma_wait3A_106 = tpu.memref_slice %arg11[%mul3A_3] : memref<12288xf32, #tpu.memory_space<vmem>> -> memref<768xf32, #tpu.memory_space<vmem>>
      tpu.wait_dma2 semaphore(%run_scoped3A : memref<!tpu.dma_semaphore, #tpu.memory_space<semaphore_mem>>) src(%dma_wait3A_106 : memref<768xf32, #tpu.memory_space<vmem>>) dst(%dma_wait3A_105 : memref<768xf32, #tpu.memory_space<vmem_shared>>)
      tpu.yield
    }) : () -> ()
    %eq3A = arith.constant 0 : i32
    %eq3A_57 = arith.cmpi eq, %arg0, %eq3A : i32
    %convert_element_type3A = arith.extui %eq3A_57 : i1 to i32
    %cond3A = arith.constant 0 : i32
    %cond3A_58 = arith.cmpi ne, %convert_element_type3A, %cond3A : i32
    scf.if %cond3A_58 {
      "tpu.region"() ({
        %run_scoped3A = tpu.sem_alloc : memref<!tpu.dma_semaphore, #tpu.memory_space<semaphore_mem>>
        %dma_start3A_99 = tpu.memref_slice %arg11[%mul3A_3] : memref<12288xf32, #tpu.memory_space<vmem>> -> memref<768xf32, #tpu.memory_space<vmem>>
        %dma_start3A_100 = tpu.memref_slice %arg7[%mul3A_3] : memref<12288xf32, #tpu.memory_space<hbm>> -> memref<768xf32, #tpu.memory_space<hbm>>
        %dma_start3A_101 = tpu.memref_slice %arg7[%mul3A_3] : memref<12288xf32, #tpu.memory_space<hbm>> -> memref<768xf32, #tpu.memory_space<hbm>>
        %dma_start3A_102 = tpu.memref_slice %arg11[%mul3A_3] : memref<12288xf32, #tpu.memory_space<vmem>> -> memref<768xf32, #tpu.memory_space<vmem>>
        tpu.enqueue_dma source(%dma_start3A_102 : memref<768xf32, #tpu.memory_space<vmem>>) target(%dma_start3A_101 : memref<768xf32, #tpu.memory_space<hbm>>) target_semaphore(%run_scoped3A : memref<!tpu.dma_semaphore, #tpu.memory_space<semaphore_mem>>)
        %dma_wait3A_103 = tpu.memref_slice %arg11[%mul3A_3] : memref<12288xf32, #tpu.memory_space<vmem>> -> memref<768xf32, #tpu.memory_space<vmem>>
        %dma_wait3A_104 = tpu.memref_slice %arg7[%mul3A_3] : memref<12288xf32, #tpu.memory_space<hbm>> -> memref<768xf32, #tpu.memory_space<hbm>>
        %dma_wait3A_105 = tpu.memref_slice %arg7[%mul3A_3] : memref<12288xf32, #tpu.memory_space<hbm>> -> memref<768xf32, #tpu.memory_space<hbm>>
        %dma_wait3A_106 = tpu.memref_slice %arg11[%mul3A_3] : memref<12288xf32, #tpu.memory_space<vmem>> -> memref<768xf32, #tpu.memory_space<vmem>>
        tpu.wait_dma2 semaphore(%run_scoped3A : memref<!tpu.dma_semaphore, #tpu.memory_space<semaphore_mem>>) src(%dma_wait3A_106 : memref<768xf32, #tpu.memory_space<vmem>>) dst(%dma_wait3A_105 : memref<768xf32, #tpu.memory_space<hbm>>)
        tpu.yield
      }) : () -> ()
    } else {
    }
    %barrier3A_59 = arith.constant 0 : index
    tpu.barrier barrier_id(%barrier3A_59)
    "tpu.region"() ({
      %run_scoped3A = tpu.sem_alloc : memref<!tpu.dma_semaphore, #tpu.memory_space<semaphore_mem>>
      tpu.enqueue_dma source(%arg9 : memref<12288xf32, #tpu.memory_space<vmem_shared>>) target(%arg11 : memref<12288xf32, #tpu.memory_space<vmem>>) target_semaphore(%run_scoped3A : memref<!tpu.dma_semaphore, #tpu.memory_space<semaphore_mem>>)
      tpu.wait_dma2 semaphore(%run_scoped3A : memref<!tpu.dma_semaphore, #tpu.memory_space<semaphore_mem>>) src(%arg9 : memref<12288xf32, #tpu.memory_space<vmem_shared>>) dst(%arg11 : memref<12288xf32, #tpu.memory_space<vmem>>)
      tpu.yield
    }) : () -> ()
    "tpu.trace_stop"() : () -> ()
    %mul3A_60 = arith.constant 40 : i32
    %mul3A_61 = arith.muli %add3A, %mul3A_60 : i32
    "tpu.trace_start"() <{level = 10 : i32, message = "phD_edges_load"}> : () -> ()
    "tpu.region"() ({
      %run_scoped3A = tpu.sem_alloc : memref<!tpu.dma_semaphore, #tpu.memory_space<semaphore_mem>>
      %dma_start3A_99 = arith.constant 0 : i32
      %dma_start3A_100 = tpu.memref_slice %arg2[%mul3A_61, %dma_start3A_99] : memref<1280x128xi32, #tpu.memory_space<hbm>> -> memref<40x128xi32, #tpu.memory_space<hbm>>
      %dma_start3A_101 = arith.constant 0 : i32
      %dma_start3A_102 = tpu.memref_slice %arg2[%mul3A_61, %dma_start3A_101] : memref<1280x128xi32, #tpu.memory_space<hbm>> -> memref<40x128xi32, #tpu.memory_space<hbm>>
      tpu.enqueue_dma source(%dma_start3A_102 : memref<40x128xi32, #tpu.memory_space<hbm>>) target(%arg14 : memref<40x128xi32, #tpu.memory_space<vmem>>) target_semaphore(%run_scoped3A : memref<!tpu.dma_semaphore, #tpu.memory_space<semaphore_mem>>)
      %dma_wait3A_103 = arith.constant 0 : i32
      %dma_wait3A_104 = tpu.memref_slice %arg2[%mul3A_61, %dma_wait3A_103] : memref<1280x128xi32, #tpu.memory_space<hbm>> -> memref<40x128xi32, #tpu.memory_space<hbm>>
      %dma_wait3A_105 = arith.constant 0 : i32
      %dma_wait3A_106 = tpu.memref_slice %arg2[%mul3A_61, %dma_wait3A_105] : memref<1280x128xi32, #tpu.memory_space<hbm>> -> memref<40x128xi32, #tpu.memory_space<hbm>>
      tpu.wait_dma2 semaphore(%run_scoped3A : memref<!tpu.dma_semaphore, #tpu.memory_space<semaphore_mem>>) src(%dma_wait3A_106 : memref<40x128xi32, #tpu.memory_space<hbm>>) dst(%arg14 : memref<40x128xi32, #tpu.memory_space<vmem>>)
      tpu.yield
    }) : () -> ()
    "tpu.region"() ({
      %run_scoped3A = tpu.sem_alloc : memref<!tpu.dma_semaphore, #tpu.memory_space<semaphore_mem>>
      %dma_start3A_99 = arith.constant 0 : i32
      %dma_start3A_100 = tpu.memref_slice %arg3[%mul3A_61, %dma_start3A_99] : memref<1280x128xi32, #tpu.memory_space<hbm>> -> memref<40x128xi32, #tpu.memory_space<hbm>>
      %dma_start3A_101 = arith.constant 0 : i32
      %dma_start3A_102 = tpu.memref_slice %arg3[%mul3A_61, %dma_start3A_101] : memref<1280x128xi32, #tpu.memory_space<hbm>> -> memref<40x128xi32, #tpu.memory_space<hbm>>
      tpu.enqueue_dma source(%dma_start3A_102 : memref<40x128xi32, #tpu.memory_space<hbm>>) target(%arg15 : memref<40x128xi32, #tpu.memory_space<vmem>>) target_semaphore(%run_scoped3A : memref<!tpu.dma_semaphore, #tpu.memory_space<semaphore_mem>>)
      %dma_wait3A_103 = arith.constant 0 : i32
      %dma_wait3A_104 = tpu.memref_slice %arg3[%mul3A_61, %dma_wait3A_103] : memref<1280x128xi32, #tpu.memory_space<hbm>> -> memref<40x128xi32, #tpu.memory_space<hbm>>
      %dma_wait3A_105 = arith.constant 0 : i32
      %dma_wait3A_106 = tpu.memref_slice %arg3[%mul3A_61, %dma_wait3A_105] : memref<1280x128xi32, #tpu.memory_space<hbm>> -> memref<40x128xi32, #tpu.memory_space<hbm>>
      tpu.wait_dma2 semaphore(%run_scoped3A : memref<!tpu.dma_semaphore, #tpu.memory_space<semaphore_mem>>) src(%dma_wait3A_106 : memref<40x128xi32, #tpu.memory_space<hbm>>) dst(%arg15 : memref<40x128xi32, #tpu.memory_space<vmem>>)
      tpu.yield
    }) : () -> ()
    "tpu.region"() ({
      %run_scoped3A = tpu.sem_alloc : memref<!tpu.dma_semaphore, #tpu.memory_space<semaphore_mem>>
      %dma_start3A_99 = arith.constant 0 : i32
      %dma_start3A_100 = tpu.memref_slice %arg4[%mul3A_61, %dma_start3A_99] : memref<1280x128xf32, #tpu.memory_space<hbm>> -> memref<40x128xf32, #tpu.memory_space<hbm>>
      %dma_start3A_101 = arith.constant 0 : i32
      %dma_start3A_102 = tpu.memref_slice %arg4[%mul3A_61, %dma_start3A_101] : memref<1280x128xf32, #tpu.memory_space<hbm>> -> memref<40x128xf32, #tpu.memory_space<hbm>>
      tpu.enqueue_dma source(%dma_start3A_102 : memref<40x128xf32, #tpu.memory_space<hbm>>) target(%arg16 : memref<40x128xf32, #tpu.memory_space<vmem>>) target_semaphore(%run_scoped3A : memref<!tpu.dma_semaphore, #tpu.memory_space<semaphore_mem>>)
      %dma_wait3A_103 = arith.constant 0 : i32
      %dma_wait3A_104 = tpu.memref_slice %arg4[%mul3A_61, %dma_wait3A_103] : memref<1280x128xf32, #tpu.memory_space<hbm>> -> memref<40x128xf32, #tpu.memory_space<hbm>>
      %dma_wait3A_105 = arith.constant 0 : i32
      %dma_wait3A_106 = tpu.memref_slice %arg4[%mul3A_61, %dma_wait3A_105] : memref<1280x128xf32, #tpu.memory_space<hbm>> -> memref<40x128xf32, #tpu.memory_space<hbm>>
      tpu.wait_dma2 semaphore(%run_scoped3A : memref<!tpu.dma_semaphore, #tpu.memory_space<semaphore_mem>>) src(%dma_wait3A_106 : memref<40x128xf32, #tpu.memory_space<hbm>>) dst(%arg16 : memref<40x128xf32, #tpu.memory_space<vmem>>)
      tpu.yield
    }) : () -> ()
    %dma_start3A = arith.constant 0 : i32
    "tpu.trace_stop"() : () -> ()
    "tpu.trace_start"() <{level = 10 : i32, message = "phD_scatter"}> : () -> ()
    %dma_start3A_62 = arith.constant 0 : i32
    %dma_start3A_63 = tpu.memref_slice %arg14[%dma_start3A, %dma_start3A_62] : memref<40x128xi32, #tpu.memory_space<vmem>> -> memref<1x128xi32, #tpu.memory_space<vmem>>
    %dma_start3A_64 = tpu.memref_squeeze %dma_start3A_63 : memref<1x128xi32, #tpu.memory_space<vmem>> -> memref<128xi32, #tpu.memory_space<vmem>>
    %dma_start3A_65 = arith.constant 0 : i32
    %dma_start3A_66 = arith.constant 0 : i32
    %dma_start3A_67 = tpu.memref_slice %arg10[%dma_start3A_65, %dma_start3A_66] : memref<12288x24xf32, #tpu.memory_space<vmem_shared>> -> memref<12288x24xf32, #tpu.memory_space<vmem_shared>>
    tpu.enqueue_indirect_dma source(%dma_start3A_67 : memref<12288x24xf32, #tpu.memory_space<vmem_shared>>) target(%arg17 : memref<128x24xf32, #tpu.memory_space<vmem>>) offsets(%dma_start3A_64 : memref<128xi32, #tpu.memory_space<vmem>>) semaphore(%arg23 : memref<!tpu.dma_semaphore, #tpu.memory_space<semaphore_mem>>)
    %scan3A_68 = arith.constant 0 : i32
    %scan3A_69 = arith.constant 0 : i32
    %scan3A_70 = arith.constant 20 : i32
    %scan3A_71 = arith.addi %scan3A_69, %scan3A_70 : i32
    %scan3A_72 = arith.constant 1 : i32
    %scan3A_73 = scf.for %scan3A_99 = %scan3A_69 to %scan3A_71 step %scan3A_72 iter_args(%scan3A_100 = %scan3A_68) -> (i32)  : i32 {
      %mul3A_101 = arith.constant 2 : i32
      %mul3A_102 = arith.muli %mul3A_101, %scan3A_99 : i32
      %add3A_103 = arith.constant 1 : i32
      %add3A_104 = arith.addi %mul3A_102, %add3A_103 : i32
      %dma_start3A_105 = arith.constant 0 : i32
      %dma_start3A_106 = tpu.memref_slice %arg14[%add3A_104, %dma_start3A_105] : memref<40x128xi32, #tpu.memory_space<vmem>> -> memref<1x128xi32, #tpu.memory_space<vmem>>
      %dma_start3A_107 = tpu.memref_squeeze %dma_start3A_106 : memref<1x128xi32, #tpu.memory_space<vmem>> -> memref<128xi32, #tpu.memory_space<vmem>>
      %dma_start3A_108 = arith.constant 0 : i32
      %dma_start3A_109 = arith.constant 0 : i32
      %dma_start3A_110 = tpu.memref_slice %arg10[%dma_start3A_108, %dma_start3A_109] : memref<12288x24xf32, #tpu.memory_space<vmem_shared>> -> memref<12288x24xf32, #tpu.memory_space<vmem_shared>>
      tpu.enqueue_indirect_dma source(%dma_start3A_110 : memref<12288x24xf32, #tpu.memory_space<vmem_shared>>) target(%arg18 : memref<128x24xf32, #tpu.memory_space<vmem>>) offsets(%dma_start3A_107 : memref<128xi32, #tpu.memory_space<vmem>>) semaphore(%arg24 : memref<!tpu.dma_semaphore, #tpu.memory_space<semaphore_mem>>)
      %dma_wait3A_111 = arith.constant 0 : i32
      %dma_wait3A_112 = tpu.memref_slice %arg14[%mul3A_102, %dma_wait3A_111] : memref<40x128xi32, #tpu.memory_space<vmem>> -> memref<1x128xi32, #tpu.memory_space<vmem>>
      %dma_wait3A_113 = tpu.memref_squeeze %dma_wait3A_112 : memref<1x128xi32, #tpu.memory_space<vmem>> -> memref<128xi32, #tpu.memory_space<vmem>>
      %dma_wait3A_114 = arith.constant 0 : i32
      %dma_wait3A_115 = arith.constant 0 : i32
      %dma_wait3A_116 = tpu.memref_slice %arg10[%dma_wait3A_114, %dma_wait3A_115] : memref<12288x24xf32, #tpu.memory_space<vmem_shared>> -> memref<12288x24xf32, #tpu.memory_space<vmem_shared>>
      tpu.wait_indirect_dma semaphore(%arg23 : memref<!tpu.dma_semaphore, #tpu.memory_space<semaphore_mem>>) src(%dma_wait3A_116 : memref<12288x24xf32, #tpu.memory_space<vmem_shared>>) dst(%arg17 : memref<128x24xf32, #tpu.memory_space<vmem>>)
      %gt3A = arith.constant 0 : i32
      %gt3A_117 = arith.cmpi sgt, %scan3A_99, %gt3A : i32
      %convert_element_type3A_118 = arith.extui %gt3A_117 : i1 to i32
      %cond3A_119 = arith.constant 0 : i32
      %cond3A_120 = arith.cmpi ne, %convert_element_type3A_118, %cond3A_119 : i32
      scf.if %cond3A_120 {
        %dma_wait3A_155 = arith.constant 0 : i32
        %dma_wait3A_156 = arith.constant 0 : i32
        %dma_wait3A_157 = tpu.memref_slice %arg15[%dma_wait3A_155, %dma_wait3A_156] : memref<40x128xi32, #tpu.memory_space<vmem>> -> memref<1x128xi32, #tpu.memory_space<vmem>>
        %dma_wait3A_158 = tpu.memref_squeeze %dma_wait3A_157 : memref<1x128xi32, #tpu.memory_space<vmem>> -> memref<128xi32, #tpu.memory_space<vmem>>
        %dma_wait3A_159 = arith.constant 0 : i32
        %dma_wait3A_160 = arith.constant 0 : i32
        %dma_wait3A_161 = tpu.memref_slice %arg8[%dma_wait3A_159, %dma_wait3A_160] : memref<12288x32xf32, #tpu.memory_space<vmem_shared>> -> memref<12288x32xf32, #tpu.memory_space<vmem_shared>>
        tpu.wait_indirect_dma semaphore(%arg25 : memref<!tpu.dma_semaphore, #tpu.memory_space<semaphore_mem>>) src(%arg19 : memref<128x32xf32, #tpu.memory_space<vmem>>) dst(%dma_wait3A_161 : memref<12288x32xf32, #tpu.memory_space<vmem_shared>>)
      } else {
      }
      %parallel_loop3A_121 = arith.constant 0 : i32
      %parallel_loop3A_122 = arith.constant 8 : i32
      %parallel_loop3A_123 = arith.constant 1 : i32
      scf.for %parallel_loop3A_155 = %parallel_loop3A_121 to %parallel_loop3A_122 step %parallel_loop3A_123  : i32 {
        %parallel_loop3A_156 = arith.constant 16 : i32
        %parallel_loop3A_157 = arith.muli %parallel_loop3A_155, %parallel_loop3A_156 : i32
        %parallel_loop3A_158 = arith.index_cast %mul3A_102 : i32 to index
        %parallel_loop3A_159 = arith.index_cast %parallel_loop3A_157 : i32 to index
        %parallel_loop3A_160 = tpu.vector_load %arg14[%parallel_loop3A_158, %parallel_loop3A_159] {strides = array<i32>} : memref<40x128xi32, #tpu.memory_space<vmem>>, vector<16xi32>,
        %parallel_loop3A_161 = arith.constant 16 : i32
        %parallel_loop3A_162 = arith.muli %parallel_loop3A_155, %parallel_loop3A_161 : i32
        %parallel_loop3A_163 = arith.index_cast %mul3A_102 : i32 to index
        %parallel_loop3A_164 = arith.index_cast %parallel_loop3A_162 : i32 to index
        %parallel_loop3A_165 = tpu.vector_load %arg16[%parallel_loop3A_163, %parallel_loop3A_164] {strides = array<i32>} : memref<40x128xf32, #tpu.memory_space<vmem>>, vector<16xf32>,
        %parallel_loop3A_166 = tpu.vector_load_idx %arg11[%parallel_loop3A_160] : memref<12288xf32, #tpu.memory_space<vmem>>[vector<16xi32>], vector<16xf32>,
        %parallel_loop3A_167 = arith.mulf %parallel_loop3A_165, %parallel_loop3A_166 : vector<16xf32>
        %parallel_loop3A_168 = vector.extract_strided_slice %parallel_loop3A_167 {offsets = [0], sizes = [1], strides = [1]} : vector<16xf32> to vector<1xf32>
        %parallel_loop3A_169 = vector.extract %parallel_loop3A_168[0] : f32 from vector<1xf32>
        %parallel_loop3A_170 = arith.constant 16 : i32
        %parallel_loop3A_171 = arith.muli %parallel_loop3A_155, %parallel_loop3A_170 : i32
        %parallel_loop3A_172 = arith.constant 0 : i32
        %parallel_loop3A_173 = arith.addi %parallel_loop3A_171, %parallel_loop3A_172 : i32
        %parallel_loop3A_174 = arith.index_cast %parallel_loop3A_173 : i32 to index
        %parallel_loop3A_175 = arith.constant 0 : index
        %parallel_loop3A_176 = tpu.vector_load %arg17[%parallel_loop3A_174, %parallel_loop3A_175] {strides = array<i32>} : memref<128x24xf32, #tpu.memory_space<vmem>>, vector<16xf32>,
        %parallel_loop3A_177 = vector.broadcast %parallel_loop3A_169 : f32 to vector<16xf32>
        %parallel_loop3A_178 = arith.mulf %parallel_loop3A_176, %parallel_loop3A_177 : vector<16xf32>
        %parallel_loop3A_179 = arith.index_cast %parallel_loop3A_173 : i32 to index
        %parallel_loop3A_180 = arith.constant 0 : index
        %parallel_loop3A_181 = tpu.vector_load %arg19[%parallel_loop3A_179, %parallel_loop3A_180] {strides = array<i32>} : memref<128x32xf32, #tpu.memory_space<vmem>>, vector<16xf32>,
        tpu.vector_store %arg19[%parallel_loop3A_179, %parallel_loop3A_180], %parallel_loop3A_178 {strides = array<i32>} : memref<128x32xf32, #tpu.memory_space<vmem>>, vector<16xf32>,
        %parallel_loop3A_182 = arith.index_cast %parallel_loop3A_173 : i32 to index
        %parallel_loop3A_183 = arith.constant 8 : index
        %parallel_loop3A_184 = tpu.vector_load %arg17[%parallel_loop3A_182, %parallel_loop3A_183] {strides = array<i32>} : memref<128x24xf32, #tpu.memory_space<vmem>>, vector<16xf32>,
        %parallel_loop3A_185 = vector.broadcast %parallel_loop3A_169 : f32 to vector<16xf32>
        %parallel_loop3A_186 = arith.mulf %parallel_loop3A_184, %parallel_loop3A_185 : vector<16xf32>
        %parallel_loop3A_187 = arith.index_cast %parallel_loop3A_173 : i32 to index
        %parallel_loop3A_188 = arith.constant 8 : index
        %parallel_loop3A_189 = tpu.vector_load %arg19[%parallel_loop3A_187, %parallel_loop3A_188] {strides = array<i32>} : memref<128x32xf32, #tpu.memory_space<vmem>>, vector<16xf32>,
        tpu.vector_store %arg19[%parallel_loop3A_187, %parallel_loop3A_188], %parallel_loop3A_186 {strides = array<i32>} : memref<128x32xf32, #tpu.memory_space<vmem>>, vector<16xf32>,
        %parallel_loop3A_190 = vector.extract_strided_slice %parallel_loop3A_167 {offsets = [1], sizes = [1], strides = [1]} : vector<16xf32> to vector<1xf32>
        %parallel_loop3A_191 = vector.extract %parallel_loop3A_190[0] : f32 from vector<1xf32>
        %parallel_loop3A_192 = arith.constant 16 : i32
        %parallel_loop3A_193 = arith.muli %parallel_loop3A_155, %parallel_loop3A_192 : i32
        %parallel_loop3A_194 = arith.constant 1 : i32
        %parallel_loop3A_195 = arith.addi %parallel_loop3A_193, %parallel_loop3A_194 : i32
        %parallel_loop3A_196 = arith.index_cast %parallel_loop3A_195 : i32 to index
        %parallel_loop3A_197 = arith.constant 0 : index
        %parallel_loop3A_198 = tpu.vector_load %arg17[%parallel_loop3A_196, %parallel_loop3A_197] {strides = array<i32>} : memref<128x24xf32, #tpu.memory_space<vmem>>, vector<16xf32>,
        %parallel_loop3A_199 = vector.broadcast %parallel_loop3A_191 : f32 to vector<16xf32>
        %parallel_loop3A_200 = arith.mulf %parallel_loop3A_198, %parallel_loop3A_199 : vector<16xf32>
        %parallel_loop3A_201 = arith.index_cast %parallel_loop3A_195 : i32 to index
        %parallel_loop3A_202 = arith.constant 0 : index
        %parallel_loop3A_203 = tpu.vector_load %arg19[%parallel_loop3A_201, %parallel_loop3A_202] {strides = array<i32>} : memref<128x32xf32, #tpu.memory_space<vmem>>, vector<16xf32>,
        tpu.vector_store %arg19[%parallel_loop3A_201, %parallel_loop3A_202], %parallel_loop3A_200 {strides = array<i32>} : memref<128x32xf32, #tpu.memory_space<vmem>>, vector<16xf32>,
        %parallel_loop3A_204 = arith.index_cast %parallel_loop3A_195 : i32 to index
        %parallel_loop3A_205 = arith.constant 8 : index
        %parallel_loop3A_206 = tpu.vector_load %arg17[%parallel_loop3A_204, %parallel_loop3A_205] {strides = array<i32>} : memref<128x24xf32, #tpu.memory_space<vmem>>, vector<16xf32>,
        %parallel_loop3A_207 = vector.broadcast %parallel_loop3A_191 : f32 to vector<16xf32>
        %parallel_loop3A_208 = arith.mulf %parallel_loop3A_206, %parallel_loop3A_207 : vector<16xf32>
        %parallel_loop3A_209 = arith.index_cast %parallel_loop3A_195 : i32 to index
        %parallel_loop3A_210 = arith.constant 8 : index
        %parallel_loop3A_211 = tpu.vector_load %arg19[%parallel_loop3A_209, %parallel_loop3A_210] {strides = array<i32>} : memref<128x32xf32, #tpu.memory_space<vmem>>, vector<16xf32>,
        tpu.vector_store %arg19[%parallel_loop3A_209, %parallel_loop3A_210], %parallel_loop3A_208 {strides = array<i32>} : memref<128x32xf32, #tpu.memory_space<vmem>>, vector<16xf32>,
        %parallel_loop3A_212 = vector.extract_strided_slice %parallel_loop3A_167 {offsets = [2], sizes = [1], strides = [1]} : vector<16xf32> to vector<1xf32>
        %parallel_loop3A_213 = vector.extract %parallel_loop3A_212[0] : f32 from vector<1xf32>
        %parallel_loop3A_214 = arith.constant 16 : i32
        %parallel_loop3A_215 = arith.muli %parallel_loop3A_155, %parallel_loop3A_214 : i32
        %parallel_loop3A_216 = arith.constant 2 : i32
        %parallel_loop3A_217 = arith.addi %parallel_loop3A_215, %parallel_loop3A_216 : i32
        %parallel_loop3A_218 = arith.index_cast %parallel_loop3A_217 : i32 to index
        %parallel_loop3A_219 = arith.constant 0 : index
        %parallel_loop3A_220 = tpu.vector_load %arg17[%parallel_loop3A_218, %parallel_loop3A_219] {strides = array<i32>} : memref<128x24xf32, #tpu.memory_space<vmem>>, vector<16xf32>,
        %parallel_loop3A_221 = vector.broadcast %parallel_loop3A_213 : f32 to vector<16xf32>
        %parallel_loop3A_222 = arith.mulf %parallel_loop3A_220, %parallel_loop3A_221 : vector<16xf32>
        %parallel_loop3A_223 = arith.index_cast %parallel_loop3A_217 : i32 to index
        %parallel_loop3A_224 = arith.constant 0 : index
        %parallel_loop3A_225 = tpu.vector_load %arg19[%parallel_loop3A_223, %parallel_loop3A_224] {strides = array<i32>} : memref<128x32xf32, #tpu.memory_space<vmem>>, vector<16xf32>,
        tpu.vector_store %arg19[%parallel_loop3A_223, %parallel_loop3A_224], %parallel_loop3A_222 {strides = array<i32>} : memref<128x32xf32, #tpu.memory_space<vmem>>, vector<16xf32>,
        %parallel_loop3A_226 = arith.index_cast %parallel_loop3A_217 : i32 to index
        %parallel_loop3A_227 = arith.constant 8 : index
        %parallel_loop3A_228 = tpu.vector_load %arg17[%parallel_loop3A_226, %parallel_loop3A_227] {strides = array<i32>} : memref<128x24xf32, #tpu.memory_space<vmem>>, vector<16xf32>,
        %parallel_loop3A_229 = vector.broadcast %parallel_loop3A_213 : f32 to vector<16xf32>
        %parallel_loop3A_230 = arith.mulf %parallel_loop3A_228, %parallel_loop3A_229 : vector<16xf32>
        %parallel_loop3A_231 = arith.index_cast %parallel_loop3A_217 : i32 to index
        %parallel_loop3A_232 = arith.constant 8 : index
        %parallel_loop3A_233 = tpu.vector_load %arg19[%parallel_loop3A_231, %parallel_loop3A_232] {strides = array<i32>} : memref<128x32xf32, #tpu.memory_space<vmem>>, vector<16xf32>,
        tpu.vector_store %arg19[%parallel_loop3A_231, %parallel_loop3A_232], %parallel_loop3A_230 {strides = array<i32>} : memref<128x32xf32, #tpu.memory_space<vmem>>, vector<16xf32>,
        %parallel_loop3A_234 = vector.extract_strided_slice %parallel_loop3A_167 {offsets = [3], sizes = [1], strides = [1]} : vector<16xf32> to vector<1xf32>
        %parallel_loop3A_235 = vector.extract %parallel_loop3A_234[0] : f32 from vector<1xf32>
        %parallel_loop3A_236 = arith.constant 16 : i32
        %parallel_loop3A_237 = arith.muli %parallel_loop3A_155, %parallel_loop3A_236 : i32
        %parallel_loop3A_238 = arith.constant 3 : i32
        %parallel_loop3A_239 = arith.addi %parallel_loop3A_237, %parallel_loop3A_238 : i32
        %parallel_loop3A_240 = arith.index_cast %parallel_loop3A_239 : i32 to index
        %parallel_loop3A_241 = arith.constant 0 : index
        %parallel_loop3A_242 = tpu.vector_load %arg17[%parallel_loop3A_240, %parallel_loop3A_241] {strides = array<i32>} : memref<128x24xf32, #tpu.memory_space<vmem>>, vector<16xf32>,
        %parallel_loop3A_243 = vector.broadcast %parallel_loop3A_235 : f32 to vector<16xf32>
        %parallel_loop3A_244 = arith.mulf %parallel_loop3A_242, %parallel_loop3A_243 : vector<16xf32>
        %parallel_loop3A_245 = arith.index_cast %parallel_loop3A_239 : i32 to index
        %parallel_loop3A_246 = arith.constant 0 : index
        %parallel_loop3A_247 = tpu.vector_load %arg19[%parallel_loop3A_245, %parallel_loop3A_246] {strides = array<i32>} : memref<128x32xf32, #tpu.memory_space<vmem>>, vector<16xf32>,
        tpu.vector_store %arg19[%parallel_loop3A_245, %parallel_loop3A_246], %parallel_loop3A_244 {strides = array<i32>} : memref<128x32xf32, #tpu.memory_space<vmem>>, vector<16xf32>,
        %parallel_loop3A_248 = arith.index_cast %parallel_loop3A_239 : i32 to index
        %parallel_loop3A_249 = arith.constant 8 : index
        %parallel_loop3A_250 = tpu.vector_load %arg17[%parallel_loop3A_248, %parallel_loop3A_249] {strides = array<i32>} : memref<128x24xf32, #tpu.memory_space<vmem>>, vector<16xf32>,
        %parallel_loop3A_251 = vector.broadcast %parallel_loop3A_235 : f32 to vector<16xf32>
        %parallel_loop3A_252 = arith.mulf %parallel_loop3A_250, %parallel_loop3A_251 : vector<16xf32>
        %parallel_loop3A_253 = arith.index_cast %parallel_loop3A_239 : i32 to index
        %parallel_loop3A_254 = arith.constant 8 : index
        %parallel_loop3A_255 = tpu.vector_load %arg19[%parallel_loop3A_253, %parallel_loop3A_254] {strides = array<i32>} : memref<128x32xf32, #tpu.memory_space<vmem>>, vector<16xf32>,
        tpu.vector_store %arg19[%parallel_loop3A_253, %parallel_loop3A_254], %parallel_loop3A_252 {strides = array<i32>} : memref<128x32xf32, #tpu.memory_space<vmem>>, vector<16xf32>,
        %parallel_loop3A_256 = vector.extract_strided_slice %parallel_loop3A_167 {offsets = [4], sizes = [1], strides = [1]} : vector<16xf32> to vector<1xf32>
        %parallel_loop3A_257 = vector.extract %parallel_loop3A_256[0] : f32 from vector<1xf32>
        %parallel_loop3A_258 = arith.constant 16 : i32
        %parallel_loop3A_259 = arith.muli %parallel_loop3A_155, %parallel_loop3A_258 : i32
        %parallel_loop3A_260 = arith.constant 4 : i32
        %parallel_loop3A_261 = arith.addi %parallel_loop3A_259, %parallel_loop3A_260 : i32
        %parallel_loop3A_262 = arith.index_cast %parallel_loop3A_261 : i32 to index
        %parallel_loop3A_263 = arith.constant 0 : index
        %parallel_loop3A_264 = tpu.vector_load %arg17[%parallel_loop3A_262, %parallel_loop3A_263] {strides = array<i32>} : memref<128x24xf32, #tpu.memory_space<vmem>>, vector<16xf32>,
        %parallel_loop3A_265 = vector.broadcast %parallel_loop3A_257 : f32 to vector<16xf32>
        %parallel_loop3A_266 = arith.mulf %parallel_loop3A_264, %parallel_loop3A_265 : vector<16xf32>
        %parallel_loop3A_267 = arith.index_cast %parallel_loop3A_261 : i32 to index
        %parallel_loop3A_268 = arith.constant 0 : index
        %parallel_loop3A_269 = tpu.vector_load %arg19[%parallel_loop3A_267, %parallel_loop3A_268] {strides = array<i32>} : memref<128x32xf32, #tpu.memory_space<vmem>>, vector<16xf32>,
        tpu.vector_store %arg19[%parallel_loop3A_267, %parallel_loop3A_268], %parallel_loop3A_266 {strides = array<i32>} : memref<128x32xf32, #tpu.memory_space<vmem>>, vector<16xf32>,
        %parallel_loop3A_270 = arith.index_cast %parallel_loop3A_261 : i32 to index
        %parallel_loop3A_271 = arith.constant 8 : index
        %parallel_loop3A_272 = tpu.vector_load %arg17[%parallel_loop3A_270, %parallel_loop3A_271] {strides = array<i32>} : memref<128x24xf32, #tpu.memory_space<vmem>>, vector<16xf32>,
        %parallel_loop3A_273 = vector.broadcast %parallel_loop3A_257 : f32 to vector<16xf32>
        %parallel_loop3A_274 = arith.mulf %parallel_loop3A_272, %parallel_loop3A_273 : vector<16xf32>
        %parallel_loop3A_275 = arith.index_cast %parallel_loop3A_261 : i32 to index
        %parallel_loop3A_276 = arith.constant 8 : index
        %parallel_loop3A_277 = tpu.vector_load %arg19[%parallel_loop3A_275, %parallel_loop3A_276] {strides = array<i32>} : memref<128x32xf32, #tpu.memory_space<vmem>>, vector<16xf32>,
        tpu.vector_store %arg19[%parallel_loop3A_275, %parallel_loop3A_276], %parallel_loop3A_274 {strides = array<i32>} : memref<128x32xf32, #tpu.memory_space<vmem>>, vector<16xf32>,
        %parallel_loop3A_278 = vector.extract_strided_slice %parallel_loop3A_167 {offsets = [5], sizes = [1], strides = [1]} : vector<16xf32> to vector<1xf32>
        %parallel_loop3A_279 = vector.extract %parallel_loop3A_278[0] : f32 from vector<1xf32>
        %parallel_loop3A_280 = arith.constant 16 : i32
        %parallel_loop3A_281 = arith.muli %parallel_loop3A_155, %parallel_loop3A_280 : i32
        %parallel_loop3A_282 = arith.constant 5 : i32
        %parallel_loop3A_283 = arith.addi %parallel_loop3A_281, %parallel_loop3A_282 : i32
        %parallel_loop3A_284 = arith.index_cast %parallel_loop3A_283 : i32 to index
        %parallel_loop3A_285 = arith.constant 0 : index
        %parallel_loop3A_286 = tpu.vector_load %arg17[%parallel_loop3A_284, %parallel_loop3A_285] {strides = array<i32>} : memref<128x24xf32, #tpu.memory_space<vmem>>, vector<16xf32>,
        %parallel_loop3A_287 = vector.broadcast %parallel_loop3A_279 : f32 to vector<16xf32>
        %parallel_loop3A_288 = arith.mulf %parallel_loop3A_286, %parallel_loop3A_287 : vector<16xf32>
        %parallel_loop3A_289 = arith.index_cast %parallel_loop3A_283 : i32 to index
        %parallel_loop3A_290 = arith.constant 0 : index
        %parallel_loop3A_291 = tpu.vector_load %arg19[%parallel_loop3A_289, %parallel_loop3A_290] {strides = array<i32>} : memref<128x32xf32, #tpu.memory_space<vmem>>, vector<16xf32>,
        tpu.vector_store %arg19[%parallel_loop3A_289, %parallel_loop3A_290], %parallel_loop3A_288 {strides = array<i32>} : memref<128x32xf32, #tpu.memory_space<vmem>>, vector<16xf32>,
        %parallel_loop3A_292 = arith.index_cast %parallel_loop3A_283 : i32 to index
        %parallel_loop3A_293 = arith.constant 8 : index
        %parallel_loop3A_294 = tpu.vector_load %arg17[%parallel_loop3A_292, %parallel_loop3A_293] {strides = array<i32>} : memref<128x24xf32, #tpu.memory_space<vmem>>, vector<16xf32>,
        %parallel_loop3A_295 = vector.broadcast %parallel_loop3A_279 : f32 to vector<16xf32>
        %parallel_loop3A_296 = arith.mulf %parallel_loop3A_294, %parallel_loop3A_295 : vector<16xf32>
        %parallel_loop3A_297 = arith.index_cast %parallel_loop3A_283 : i32 to index
        %parallel_loop3A_298 = arith.constant 8 : index
        %parallel_loop3A_299 = tpu.vector_load %arg19[%parallel_loop3A_297, %parallel_loop3A_298] {strides = array<i32>} : memref<128x32xf32, #tpu.memory_space<vmem>>, vector<16xf32>,
        tpu.vector_store %arg19[%parallel_loop3A_297, %parallel_loop3A_298], %parallel_loop3A_296 {strides = array<i32>} : memref<128x32xf32, #tpu.memory_space<vmem>>, vector<16xf32>,
        %parallel_loop3A_300 = vector.extract_strided_slice %parallel_loop3A_167 {offsets = [6], sizes = [1], strides = [1]} : vector<16xf32> to vector<1xf32>
        %parallel_loop3A_301 = vector.extract %parallel_loop3A_300[0] : f32 from vector<1xf32>
        %parallel_loop3A_302 = arith.constant 16 : i32
        %parallel_loop3A_303 = arith.muli %parallel_loop3A_155, %parallel_loop3A_302 : i32
        %parallel_loop3A_304 = arith.constant 6 : i32
        %parallel_loop3A_305 = arith.addi %parallel_loop3A_303, %parallel_loop3A_304 : i32
        %parallel_loop3A_306 = arith.index_cast %parallel_loop3A_305 : i32 to index
        %parallel_loop3A_307 = arith.constant 0 : index
        %parallel_loop3A_308 = tpu.vector_load %arg17[%parallel_loop3A_306, %parallel_loop3A_307] {strides = array<i32>} : memref<128x24xf32, #tpu.memory_space<vmem>>, vector<16xf32>,
        %parallel_loop3A_309 = vector.broadcast %parallel_loop3A_301 : f32 to vector<16xf32>
        %parallel_loop3A_310 = arith.mulf %parallel_loop3A_308, %parallel_loop3A_309 : vector<16xf32>
        %parallel_loop3A_311 = arith.index_cast %parallel_loop3A_305 : i32 to index
        %parallel_loop3A_312 = arith.constant 0 : index
        %parallel_loop3A_313 = tpu.vector_load %arg19[%parallel_loop3A_311, %parallel_loop3A_312] {strides = array<i32>} : memref<128x32xf32, #tpu.memory_space<vmem>>, vector<16xf32>,
        tpu.vector_store %arg19[%parallel_loop3A_311, %parallel_loop3A_312], %parallel_loop3A_310 {strides = array<i32>} : memref<128x32xf32, #tpu.memory_space<vmem>>, vector<16xf32>,
        %parallel_loop3A_314 = arith.index_cast %parallel_loop3A_305 : i32 to index
        %parallel_loop3A_315 = arith.constant 8 : index
        %parallel_loop3A_316 = tpu.vector_load %arg17[%parallel_loop3A_314, %parallel_loop3A_315] {strides = array<i32>} : memref<128x24xf32, #tpu.memory_space<vmem>>, vector<16xf32>,
        %parallel_loop3A_317 = vector.broadcast %parallel_loop3A_301 : f32 to vector<16xf32>
        %parallel_loop3A_318 = arith.mulf %parallel_loop3A_316, %parallel_loop3A_317 : vector<16xf32>
        %parallel_loop3A_319 = arith.index_cast %parallel_loop3A_305 : i32 to index
        %parallel_loop3A_320 = arith.constant 8 : index
        %parallel_loop3A_321 = tpu.vector_load %arg19[%parallel_loop3A_319, %parallel_loop3A_320] {strides = array<i32>} : memref<128x32xf32, #tpu.memory_space<vmem>>, vector<16xf32>,
        tpu.vector_store %arg19[%parallel_loop3A_319, %parallel_loop3A_320], %parallel_loop3A_318 {strides = array<i32>} : memref<128x32xf32, #tpu.memory_space<vmem>>, vector<16xf32>,
        %parallel_loop3A_322 = vector.extract_strided_slice %parallel_loop3A_167 {offsets = [7], sizes = [1], strides = [1]} : vector<16xf32> to vector<1xf32>
        %parallel_loop3A_323 = vector.extract %parallel_loop3A_322[0] : f32 from vector<1xf32>
        %parallel_loop3A_324 = arith.constant 16 : i32
        %parallel_loop3A_325 = arith.muli %parallel_loop3A_155, %parallel_loop3A_324 : i32
        %parallel_loop3A_326 = arith.constant 7 : i32
        %parallel_loop3A_327 = arith.addi %parallel_loop3A_325, %parallel_loop3A_326 : i32
        %parallel_loop3A_328 = arith.index_cast %parallel_loop3A_327 : i32 to index
        %parallel_loop3A_329 = arith.constant 0 : index
        %parallel_loop3A_330 = tpu.vector_load %arg17[%parallel_loop3A_328, %parallel_loop3A_329] {strides = array<i32>} : memref<128x24xf32, #tpu.memory_space<vmem>>, vector<16xf32>,
        %parallel_loop3A_331 = vector.broadcast %parallel_loop3A_323 : f32 to vector<16xf32>
        %parallel_loop3A_332 = arith.mulf %parallel_loop3A_330, %parallel_loop3A_331 : vector<16xf32>
        %parallel_loop3A_333 = arith.index_cast %parallel_loop3A_327 : i32 to index
        %parallel_loop3A_334 = arith.constant 0 : index
        %parallel_loop3A_335 = tpu.vector_load %arg19[%parallel_loop3A_333, %parallel_loop3A_334] {strides = array<i32>} : memref<128x32xf32, #tpu.memory_space<vmem>>, vector<16xf32>,
        tpu.vector_store %arg19[%parallel_loop3A_333, %parallel_loop3A_334], %parallel_loop3A_332 {strides = array<i32>} : memref<128x32xf32, #tpu.memory_space<vmem>>, vector<16xf32>,
        %parallel_loop3A_336 = arith.index_cast %parallel_loop3A_327 : i32 to index
        %parallel_loop3A_337 = arith.constant 8 : index
        %parallel_loop3A_338 = tpu.vector_load %arg17[%parallel_loop3A_336, %parallel_loop3A_337] {strides = array<i32>} : memref<128x24xf32, #tpu.memory_space<vmem>>, vector<16xf32>,
        %parallel_loop3A_339 = vector.broadcast %parallel_loop3A_323 : f32 to vector<16xf32>
        %parallel_loop3A_340 = arith.mulf %parallel_loop3A_338, %parallel_loop3A_339 : vector<16xf32>
        %parallel_loop3A_341 = arith.index_cast %parallel_loop3A_327 : i32 to index
        %parallel_loop3A_342 = arith.constant 8 : index
        %parallel_loop3A_343 = tpu.vector_load %arg19[%parallel_loop3A_341, %parallel_loop3A_342] {strides = array<i32>} : memref<128x32xf32, #tpu.memory_space<vmem>>, vector<16xf32>,
        tpu.vector_store %arg19[%parallel_loop3A_341, %parallel_loop3A_342], %parallel_loop3A_340 {strides = array<i32>} : memref<128x32xf32, #tpu.memory_space<vmem>>, vector<16xf32>,
        %parallel_loop3A_344 = vector.extract_strided_slice %parallel_loop3A_167 {offsets = [8], sizes = [1], strides = [1]} : vector<16xf32> to vector<1xf32>
        %parallel_loop3A_345 = vector.extract %parallel_loop3A_344[0] : f32 from vector<1xf32>
        %parallel_loop3A_346 = arith.constant 16 : i32
        %parallel_loop3A_347 = arith.muli %parallel_loop3A_155, %parallel_loop3A_346 : i32
        %parallel_loop3A_348 = arith.constant 8 : i32
        %parallel_loop3A_349 = arith.addi %parallel_loop3A_347, %parallel_loop3A_348 : i32
        %parallel_loop3A_350 = arith.index_cast %parallel_loop3A_349 : i32 to index
        %parallel_loop3A_351 = arith.constant 0 : index
        %parallel_loop3A_352 = tpu.vector_load %arg17[%parallel_loop3A_350, %parallel_loop3A_351] {strides = array<i32>} : memref<128x24xf32, #tpu.memory_space<vmem>>, vector<16xf32>,
        %parallel_loop3A_353 = vector.broadcast %parallel_loop3A_345 : f32 to vector<16xf32>
        %parallel_loop3A_354 = arith.mulf %parallel_loop3A_352, %parallel_loop3A_353 : vector<16xf32>
        %parallel_loop3A_355 = arith.index_cast %parallel_loop3A_349 : i32 to index
        %parallel_loop3A_356 = arith.constant 0 : index
        %parallel_loop3A_357 = tpu.vector_load %arg19[%parallel_loop3A_355, %parallel_loop3A_356] {strides = array<i32>} : memref<128x32xf32, #tpu.memory_space<vmem>>, vector<16xf32>,
        tpu.vector_store %arg19[%parallel_loop3A_355, %parallel_loop3A_356], %parallel_loop3A_354 {strides = array<i32>} : memref<128x32xf32, #tpu.memory_space<vmem>>, vector<16xf32>,
        %parallel_loop3A_358 = arith.index_cast %parallel_loop3A_349 : i32 to index
        %parallel_loop3A_359 = arith.constant 8 : index
        %parallel_loop3A_360 = tpu.vector_load %arg17[%parallel_loop3A_358, %parallel_loop3A_359] {strides = array<i32>} : memref<128x24xf32, #tpu.memory_space<vmem>>, vector<16xf32>,
        %parallel_loop3A_361 = vector.broadcast %parallel_loop3A_345 : f32 to vector<16xf32>
        %parallel_loop3A_362 = arith.mulf %parallel_loop3A_360, %parallel_loop3A_361 : vector<16xf32>
        %parallel_loop3A_363 = arith.index_cast %parallel_loop3A_349 : i32 to index
        %parallel_loop3A_364 = arith.constant 8 : index
        %parallel_loop3A_365 = tpu.vector_load %arg19[%parallel_loop3A_363, %parallel_loop3A_364] {strides = array<i32>} : memref<128x32xf32, #tpu.memory_space<vmem>>, vector<16xf32>,
        tpu.vector_store %arg19[%parallel_loop3A_363, %parallel_loop3A_364], %parallel_loop3A_362 {strides = array<i32>} : memref<128x32xf32, #tpu.memory_space<vmem>>, vector<16xf32>,
        %parallel_loop3A_366 = vector.extract_strided_slice %parallel_loop3A_167 {offsets = [9], sizes = [1], strides = [1]} : vector<16xf32> to vector<1xf32>
        %parallel_loop3A_367 = vector.extract %parallel_loop3A_366[0] : f32 from vector<1xf32>
        %parallel_loop3A_368 = arith.constant 16 : i32
        %parallel_loop3A_369 = arith.muli %parallel_loop3A_155, %parallel_loop3A_368 : i32
        %parallel_loop3A_370 = arith.constant 9 : i32
        %parallel_loop3A_371 = arith.addi %parallel_loop3A_369, %parallel_loop3A_370 : i32
        %parallel_loop3A_372 = arith.index_cast %parallel_loop3A_371 : i32 to index
        %parallel_loop3A_373 = arith.constant 0 : index
        %parallel_loop3A_374 = tpu.vector_load %arg17[%parallel_loop3A_372, %parallel_loop3A_373] {strides = array<i32>} : memref<128x24xf32, #tpu.memory_space<vmem>>, vector<16xf32>,
        %parallel_loop3A_375 = vector.broadcast %parallel_loop3A_367 : f32 to vector<16xf32>
        %parallel_loop3A_376 = arith.mulf %parallel_loop3A_374, %parallel_loop3A_375 : vector<16xf32>
        %parallel_loop3A_377 = arith.index_cast %parallel_loop3A_371 : i32 to index
        %parallel_loop3A_378 = arith.constant 0 : index
        %parallel_loop3A_379 = tpu.vector_load %arg19[%parallel_loop3A_377, %parallel_loop3A_378] {strides = array<i32>} : memref<128x32xf32, #tpu.memory_space<vmem>>, vector<16xf32>,
        tpu.vector_store %arg19[%parallel_loop3A_377, %parallel_loop3A_378], %parallel_loop3A_376 {strides = array<i32>} : memref<128x32xf32, #tpu.memory_space<vmem>>, vector<16xf32>,
        %parallel_loop3A_380 = arith.index_cast %parallel_loop3A_371 : i32 to index
        %parallel_loop3A_381 = arith.constant 8 : index
        %parallel_loop3A_382 = tpu.vector_load %arg17[%parallel_loop3A_380, %parallel_loop3A_381] {strides = array<i32>} : memref<128x24xf32, #tpu.memory_space<vmem>>, vector<16xf32>,
        %parallel_loop3A_383 = vector.broadcast %parallel_loop3A_367 : f32 to vector<16xf32>
        %parallel_loop3A_384 = arith.mulf %parallel_loop3A_382, %parallel_loop3A_383 : vector<16xf32>
        %parallel_loop3A_385 = arith.index_cast %parallel_loop3A_371 : i32 to index
        %parallel_loop3A_386 = arith.constant 8 : index
        %parallel_loop3A_387 = tpu.vector_load %arg19[%parallel_loop3A_385, %parallel_loop3A_386] {strides = array<i32>} : memref<128x32xf32, #tpu.memory_space<vmem>>, vector<16xf32>,
        tpu.vector_store %arg19[%parallel_loop3A_385, %parallel_loop3A_386], %parallel_loop3A_384 {strides = array<i32>} : memref<128x32xf32, #tpu.memory_space<vmem>>, vector<16xf32>,
        %parallel_loop3A_388 = vector.extract_strided_slice %parallel_loop3A_167 {offsets = [10], sizes = [1], strides = [1]} : vector<16xf32> to vector<1xf32>
        %parallel_loop3A_389 = vector.extract %parallel_loop3A_388[0] : f32 from vector<1xf32>
        %parallel_loop3A_390 = arith.constant 16 : i32
        %parallel_loop3A_391 = arith.muli %parallel_loop3A_155, %parallel_loop3A_390 : i32
        %parallel_loop3A_392 = arith.constant 10 : i32
        %parallel_loop3A_393 = arith.addi %parallel_loop3A_391, %parallel_loop3A_392 : i32
        %parallel_loop3A_394 = arith.index_cast %parallel_loop3A_393 : i32 to index
        %parallel_loop3A_395 = arith.constant 0 : index
        %parallel_loop3A_396 = tpu.vector_load %arg17[%parallel_loop3A_394, %parallel_loop3A_395] {strides = array<i32>} : memref<128x24xf32, #tpu.memory_space<vmem>>, vector<16xf32>,
        %parallel_loop3A_397 = vector.broadcast %parallel_loop3A_389 : f32 to vector<16xf32>
        %parallel_loop3A_398 = arith.mulf %parallel_loop3A_396, %parallel_loop3A_397 : vector<16xf32>
        %parallel_loop3A_399 = arith.index_cast %parallel_loop3A_393 : i32 to index
        %parallel_loop3A_400 = arith.constant 0 : index
        %parallel_loop3A_401 = tpu.vector_load %arg19[%parallel_loop3A_399, %parallel_loop3A_400] {strides = array<i32>} : memref<128x32xf32, #tpu.memory_space<vmem>>, vector<16xf32>,
        tpu.vector_store %arg19[%parallel_loop3A_399, %parallel_loop3A_400], %parallel_loop3A_398 {strides = array<i32>} : memref<128x32xf32, #tpu.memory_space<vmem>>, vector<16xf32>,
        %parallel_loop3A_402 = arith.index_cast %parallel_loop3A_393 : i32 to index
        %parallel_loop3A_403 = arith.constant 8 : index
        %parallel_loop3A_404 = tpu.vector_load %arg17[%parallel_loop3A_402, %parallel_loop3A_403] {strides = array<i32>} : memref<128x24xf32, #tpu.memory_space<vmem>>, vector<16xf32>,
        %parallel_loop3A_405 = vector.broadcast %parallel_loop3A_389 : f32 to vector<16xf32>
        %parallel_loop3A_406 = arith.mulf %parallel_loop3A_404, %parallel_loop3A_405 : vector<16xf32>
        %parallel_loop3A_407 = arith.index_cast %parallel_loop3A_393 : i32 to index
        %parallel_loop3A_408 = arith.constant 8 : index
        %parallel_loop3A_409 = tpu.vector_load %arg19[%parallel_loop3A_407, %parallel_loop3A_408] {strides = array<i32>} : memref<128x32xf32, #tpu.memory_space<vmem>>, vector<16xf32>,
        tpu.vector_store %arg19[%parallel_loop3A_407, %parallel_loop3A_408], %parallel_loop3A_406 {strides = array<i32>} : memref<128x32xf32, #tpu.memory_space<vmem>>, vector<16xf32>,
        %parallel_loop3A_410 = vector.extract_strided_slice %parallel_loop3A_167 {offsets = [11], sizes = [1], strides = [1]} : vector<16xf32> to vector<1xf32>
        %parallel_loop3A_411 = vector.extract %parallel_loop3A_410[0] : f32 from vector<1xf32>
        %parallel_loop3A_412 = arith.constant 16 : i32
        %parallel_loop3A_413 = arith.muli %parallel_loop3A_155, %parallel_loop3A_412 : i32
        %parallel_loop3A_414 = arith.constant 11 : i32
        %parallel_loop3A_415 = arith.addi %parallel_loop3A_413, %parallel_loop3A_414 : i32
        %parallel_loop3A_416 = arith.index_cast %parallel_loop3A_415 : i32 to index
        %parallel_loop3A_417 = arith.constant 0 : index
        %parallel_loop3A_418 = tpu.vector_load %arg17[%parallel_loop3A_416, %parallel_loop3A_417] {strides = array<i32>} : memref<128x24xf32, #tpu.memory_space<vmem>>, vector<16xf32>,
        %parallel_loop3A_419 = vector.broadcast %parallel_loop3A_411 : f32 to vector<16xf32>
        %parallel_loop3A_420 = arith.mulf %parallel_loop3A_418, %parallel_loop3A_419 : vector<16xf32>
        %parallel_loop3A_421 = arith.index_cast %parallel_loop3A_415 : i32 to index
        %parallel_loop3A_422 = arith.constant 0 : index
        %parallel_loop3A_423 = tpu.vector_load %arg19[%parallel_loop3A_421, %parallel_loop3A_422] {strides = array<i32>} : memref<128x32xf32, #tpu.memory_space<vmem>>, vector<16xf32>,
        tpu.vector_store %arg19[%parallel_loop3A_421, %parallel_loop3A_422], %parallel_loop3A_420 {strides = array<i32>} : memref<128x32xf32, #tpu.memory_space<vmem>>, vector<16xf32>,
        %parallel_loop3A_424 = arith.index_cast %parallel_loop3A_415 : i32 to index
        %parallel_loop3A_425 = arith.constant 8 : index
        %parallel_loop3A_426 = tpu.vector_load %arg17[%parallel_loop3A_424, %parallel_loop3A_425] {strides = array<i32>} : memref<128x24xf32, #tpu.memory_space<vmem>>, vector<16xf32>,
        %parallel_loop3A_427 = vector.broadcast %parallel_loop3A_411 : f32 to vector<16xf32>
        %parallel_loop3A_428 = arith.mulf %parallel_loop3A_426, %parallel_loop3A_427 : vector<16xf32>
        %parallel_loop3A_429 = arith.index_cast %parallel_loop3A_415 : i32 to index
        %parallel_loop3A_430 = arith.constant 8 : index
        %parallel_loop3A_431 = tpu.vector_load %arg19[%parallel_loop3A_429, %parallel_loop3A_430] {strides = array<i32>} : memref<128x32xf32, #tpu.memory_space<vmem>>, vector<16xf32>,
        tpu.vector_store %arg19[%parallel_loop3A_429, %parallel_loop3A_430], %parallel_loop3A_428 {strides = array<i32>} : memref<128x32xf32, #tpu.memory_space<vmem>>, vector<16xf32>,
        %parallel_loop3A_432 = vector.extract_strided_slice %parallel_loop3A_167 {offsets = [12], sizes = [1], strides = [1]} : vector<16xf32> to vector<1xf32>
        %parallel_loop3A_433 = vector.extract %parallel_loop3A_432[0] : f32 from vector<1xf32>
        %parallel_loop3A_434 = arith.constant 16 : i32
        %parallel_loop3A_435 = arith.muli %parallel_loop3A_155, %parallel_loop3A_434 : i32
        %parallel_loop3A_436 = arith.constant 12 : i32
        %parallel_loop3A_437 = arith.addi %parallel_loop3A_435, %parallel_loop3A_436 : i32
        %parallel_loop3A_438 = arith.index_cast %parallel_loop3A_437 : i32 to index
        %parallel_loop3A_439 = arith.constant 0 : index
        %parallel_loop3A_440 = tpu.vector_load %arg17[%parallel_loop3A_438, %parallel_loop3A_439] {strides = array<i32>} : memref<128x24xf32, #tpu.memory_space<vmem>>, vector<16xf32>,
        %parallel_loop3A_441 = vector.broadcast %parallel_loop3A_433 : f32 to vector<16xf32>
        %parallel_loop3A_442 = arith.mulf %parallel_loop3A_440, %parallel_loop3A_441 : vector<16xf32>
        %parallel_loop3A_443 = arith.index_cast %parallel_loop3A_437 : i32 to index
        %parallel_loop3A_444 = arith.constant 0 : index
        %parallel_loop3A_445 = tpu.vector_load %arg19[%parallel_loop3A_443, %parallel_loop3A_444] {strides = array<i32>} : memref<128x32xf32, #tpu.memory_space<vmem>>, vector<16xf32>,
        tpu.vector_store %arg19[%parallel_loop3A_443, %parallel_loop3A_444], %parallel_loop3A_442 {strides = array<i32>} : memref<128x32xf32, #tpu.memory_space<vmem>>, vector<16xf32>,
        %parallel_loop3A_446 = arith.index_cast %parallel_loop3A_437 : i32 to index
        %parallel_loop3A_447 = arith.constant 8 : index
        %parallel_loop3A_448 = tpu.vector_load %arg17[%parallel_loop3A_446, %parallel_loop3A_447] {strides = array<i32>} : memref<128x24xf32, #tpu.memory_space<vmem>>, vector<16xf32>,
        %parallel_loop3A_449 = vector.broadcast %parallel_loop3A_433 : f32 to vector<16xf32>
        %parallel_loop3A_450 = arith.mulf %parallel_loop3A_448, %parallel_loop3A_449 : vector<16xf32>
        %parallel_loop3A_451 = arith.index_cast %parallel_loop3A_437 : i32 to index
        %parallel_loop3A_452 = arith.constant 8 : index
        %parallel_loop3A_453 = tpu.vector_load %arg19[%parallel_loop3A_451, %parallel_loop3A_452] {strides = array<i32>} : memref<128x32xf32, #tpu.memory_space<vmem>>, vector<16xf32>,
        tpu.vector_store %arg19[%parallel_loop3A_451, %parallel_loop3A_452], %parallel_loop3A_450 {strides = array<i32>} : memref<128x32xf32, #tpu.memory_space<vmem>>, vector<16xf32>,
        %parallel_loop3A_454 = vector.extract_strided_slice %parallel_loop3A_167 {offsets = [13], sizes = [1], strides = [1]} : vector<16xf32> to vector<1xf32>
        %parallel_loop3A_455 = vector.extract %parallel_loop3A_454[0] : f32 from vector<1xf32>
        %parallel_loop3A_456 = arith.constant 16 : i32
        %parallel_loop3A_457 = arith.muli %parallel_loop3A_155, %parallel_loop3A_456 : i32
        %parallel_loop3A_458 = arith.constant 13 : i32
        %parallel_loop3A_459 = arith.addi %parallel_loop3A_457, %parallel_loop3A_458 : i32
        %parallel_loop3A_460 = arith.index_cast %parallel_loop3A_459 : i32 to index
        %parallel_loop3A_461 = arith.constant 0 : index
        %parallel_loop3A_462 = tpu.vector_load %arg17[%parallel_loop3A_460, %parallel_loop3A_461] {strides = array<i32>} : memref<128x24xf32, #tpu.memory_space<vmem>>, vector<16xf32>,
        %parallel_loop3A_463 = vector.broadcast %parallel_loop3A_455 : f32 to vector<16xf32>
        %parallel_loop3A_464 = arith.mulf %parallel_loop3A_462, %parallel_loop3A_463 : vector<16xf32>
        %parallel_loop3A_465 = arith.index_cast %parallel_loop3A_459 : i32 to index
        %parallel_loop3A_466 = arith.constant 0 : index
        %parallel_loop3A_467 = tpu.vector_load %arg19[%parallel_loop3A_465, %parallel_loop3A_466] {strides = array<i32>} : memref<128x32xf32, #tpu.memory_space<vmem>>, vector<16xf32>,
        tpu.vector_store %arg19[%parallel_loop3A_465, %parallel_loop3A_466], %parallel_loop3A_464 {strides = array<i32>} : memref<128x32xf32, #tpu.memory_space<vmem>>, vector<16xf32>,
        %parallel_loop3A_468 = arith.index_cast %parallel_loop3A_459 : i32 to index
        %parallel_loop3A_469 = arith.constant 8 : index
        %parallel_loop3A_470 = tpu.vector_load %arg17[%parallel_loop3A_468, %parallel_loop3A_469] {strides = array<i32>} : memref<128x24xf32, #tpu.memory_space<vmem>>, vector<16xf32>,
        %parallel_loop3A_471 = vector.broadcast %parallel_loop3A_455 : f32 to vector<16xf32>
        %parallel_loop3A_472 = arith.mulf %parallel_loop3A_470, %parallel_loop3A_471 : vector<16xf32>
        %parallel_loop3A_473 = arith.index_cast %parallel_loop3A_459 : i32 to index
        %parallel_loop3A_474 = arith.constant 8 : index
        %parallel_loop3A_475 = tpu.vector_load %arg19[%parallel_loop3A_473, %parallel_loop3A_474] {strides = array<i32>} : memref<128x32xf32, #tpu.memory_space<vmem>>, vector<16xf32>,
        tpu.vector_store %arg19[%parallel_loop3A_473, %parallel_loop3A_474], %parallel_loop3A_472 {strides = array<i32>} : memref<128x32xf32, #tpu.memory_space<vmem>>, vector<16xf32>,
        %parallel_loop3A_476 = vector.extract_strided_slice %parallel_loop3A_167 {offsets = [14], sizes = [1], strides = [1]} : vector<16xf32> to vector<1xf32>
        %parallel_loop3A_477 = vector.extract %parallel_loop3A_476[0] : f32 from vector<1xf32>
        %parallel_loop3A_478 = arith.constant 16 : i32
        %parallel_loop3A_479 = arith.muli %parallel_loop3A_155, %parallel_loop3A_478 : i32
        %parallel_loop3A_480 = arith.constant 14 : i32
        %parallel_loop3A_481 = arith.addi %parallel_loop3A_479, %parallel_loop3A_480 : i32
        %parallel_loop3A_482 = arith.index_cast %parallel_loop3A_481 : i32 to index
        %parallel_loop3A_483 = arith.constant 0 : index
        %parallel_loop3A_484 = tpu.vector_load %arg17[%parallel_loop3A_482, %parallel_loop3A_483] {strides = array<i32>} : memref<128x24xf32, #tpu.memory_space<vmem>>, vector<16xf32>,
        %parallel_loop3A_485 = vector.broadcast %parallel_loop3A_477 : f32 to vector<16xf32>
        %parallel_loop3A_486 = arith.mulf %parallel_loop3A_484, %parallel_loop3A_485 : vector<16xf32>
        %parallel_loop3A_487 = arith.index_cast %parallel_loop3A_481 : i32 to index
        %parallel_loop3A_488 = arith.constant 0 : index
        %parallel_loop3A_489 = tpu.vector_load %arg19[%parallel_loop3A_487, %parallel_loop3A_488] {strides = array<i32>} : memref<128x32xf32, #tpu.memory_space<vmem>>, vector<16xf32>,
        tpu.vector_store %arg19[%parallel_loop3A_487, %parallel_loop3A_488], %parallel_loop3A_486 {strides = array<i32>} : memref<128x32xf32, #tpu.memory_space<vmem>>, vector<16xf32>,
        %parallel_loop3A_490 = arith.index_cast %parallel_loop3A_481 : i32 to index
        %parallel_loop3A_491 = arith.constant 8 : index
        %parallel_loop3A_492 = tpu.vector_load %arg17[%parallel_loop3A_490, %parallel_loop3A_491] {strides = array<i32>} : memref<128x24xf32, #tpu.memory_space<vmem>>, vector<16xf32>,
        %parallel_loop3A_493 = vector.broadcast %parallel_loop3A_477 : f32 to vector<16xf32>
        %parallel_loop3A_494 = arith.mulf %parallel_loop3A_492, %parallel_loop3A_493 : vector<16xf32>
        %parallel_loop3A_495 = arith.index_cast %parallel_loop3A_481 : i32 to index
        %parallel_loop3A_496 = arith.constant 8 : index
        %parallel_loop3A_497 = tpu.vector_load %arg19[%parallel_loop3A_495, %parallel_loop3A_496] {strides = array<i32>} : memref<128x32xf32, #tpu.memory_space<vmem>>, vector<16xf32>,
        tpu.vector_store %arg19[%parallel_loop3A_495, %parallel_loop3A_496], %parallel_loop3A_494 {strides = array<i32>} : memref<128x32xf32, #tpu.memory_space<vmem>>, vector<16xf32>,
        %parallel_loop3A_498 = vector.extract_strided_slice %parallel_loop3A_167 {offsets = [15], sizes = [1], strides = [1]} : vector<16xf32> to vector<1xf32>
        %parallel_loop3A_499 = vector.extract %parallel_loop3A_498[0] : f32 from vector<1xf32>
        %parallel_loop3A_500 = arith.constant 16 : i32
        %parallel_loop3A_501 = arith.muli %parallel_loop3A_155, %parallel_loop3A_500 : i32
        %parallel_loop3A_502 = arith.constant 15 : i32
        %parallel_loop3A_503 = arith.addi %parallel_loop3A_501, %parallel_loop3A_502 : i32
        %parallel_loop3A_504 = arith.index_cast %parallel_loop3A_503 : i32 to index
        %parallel_loop3A_505 = arith.constant 0 : index
        %parallel_loop3A_506 = tpu.vector_load %arg17[%parallel_loop3A_504, %parallel_loop3A_505] {strides = array<i32>} : memref<128x24xf32, #tpu.memory_space<vmem>>, vector<16xf32>,
        %parallel_loop3A_507 = vector.broadcast %parallel_loop3A_499 : f32 to vector<16xf32>
        %parallel_loop3A_508 = arith.mulf %parallel_loop3A_506, %parallel_loop3A_507 : vector<16xf32>
        %parallel_loop3A_509 = arith.index_cast %parallel_loop3A_503 : i32 to index
        %parallel_loop3A_510 = arith.constant 0 : index
        %parallel_loop3A_511 = tpu.vector_load %arg19[%parallel_loop3A_509, %parallel_loop3A_510] {strides = array<i32>} : memref<128x32xf32, #tpu.memory_space<vmem>>, vector<16xf32>,
        tpu.vector_store %arg19[%parallel_loop3A_509, %parallel_loop3A_510], %parallel_loop3A_508 {strides = array<i32>} : memref<128x32xf32, #tpu.memory_space<vmem>>, vector<16xf32>,
        %parallel_loop3A_512 = arith.index_cast %parallel_loop3A_503 : i32 to index
        %parallel_loop3A_513 = arith.constant 8 : index
        %parallel_loop3A_514 = tpu.vector_load %arg17[%parallel_loop3A_512, %parallel_loop3A_513] {strides = array<i32>} : memref<128x24xf32, #tpu.memory_space<vmem>>, vector<16xf32>,
        %parallel_loop3A_515 = vector.broadcast %parallel_loop3A_499 : f32 to vector<16xf32>
        %parallel_loop3A_516 = arith.mulf %parallel_loop3A_514, %parallel_loop3A_515 : vector<16xf32>
        %parallel_loop3A_517 = arith.index_cast %parallel_loop3A_503 : i32 to index
        %parallel_loop3A_518 = arith.constant 8 : index
        %parallel_loop3A_519 = tpu.vector_load %arg19[%parallel_loop3A_517, %parallel_loop3A_518] {strides = array<i32>} : memref<128x32xf32, #tpu.memory_space<vmem>>, vector<16xf32>,
        tpu.vector_store %arg19[%parallel_loop3A_517, %parallel_loop3A_518], %parallel_loop3A_516 {strides = array<i32>} : memref<128x32xf32, #tpu.memory_space<vmem>>, vector<16xf32>,
      } {sc.loop_unroll_factor = 2 : i64, sc.parallel_access}
      %dma_start3A_124 = arith.constant 0 : i32
      %dma_start3A_125 = tpu.memref_slice %arg15[%mul3A_102, %dma_start3A_124] : memref<40x128xi32, #tpu.memory_space<vmem>> -> memref<1x128xi32, #tpu.memory_space<vmem>>
      %dma_start3A_126 = tpu.memref_squeeze %dma_start3A_125 : memref<1x128xi32, #tpu.memory_space<vmem>> -> memref<128xi32, #tpu.memory_space<vmem>>
      %dma_start3A_127 = arith.constant 0 : i32
      %dma_start3A_128 = arith.constant 0 : i32
      %dma_start3A_129 = tpu.memref_slice %arg8[%dma_start3A_127, %dma_start3A_128] : memref<12288x32xf32, #tpu.memory_space<vmem_shared>> -> memref<12288x32xf32, #tpu.memory_space<vmem_shared>>
      tpu.enqueue_indirect_dma source(%arg19 : memref<128x32xf32, #tpu.memory_space<vmem>>) target(%dma_start3A_129 : memref<12288x32xf32, #tpu.memory_space<vmem_shared>>) offsets(%dma_start3A_126 : memref<128xi32, #tpu.memory_space<vmem>>) semaphore(%arg25 : memref<!tpu.dma_semaphore, #tpu.memory_space<semaphore_mem>>) {add = true}
      %lt3A = arith.constant 19 : i32
      %lt3A_130 = arith.cmpi slt, %scan3A_99, %lt3A : i32
      %convert_element_type3A_131 = arith.extui %lt3A_130 : i1 to i32
      %cond3A_132 = arith.constant 0 : i32
      %cond3A_133 = arith.cmpi ne, %convert_element_type3A_131, %cond3A_132 : i32
      scf.if %cond3A_133 {
        %add3A_155 = arith.constant 2 : i32
        %add3A_156 = arith.addi %mul3A_102, %add3A_155 : i32
        %dma_start3A_157 = arith.constant 0 : i32
        %dma_start3A_158 = tpu.memref_slice %arg14[%add3A_156, %dma_start3A_157] : memref<40x128xi32, #tpu.memory_space<vmem>> -> memref<1x128xi32, #tpu.memory_space<vmem>>
        %dma_start3A_159 = tpu.memref_squeeze %dma_start3A_158 : memref<1x128xi32, #tpu.memory_space<vmem>> -> memref<128xi32, #tpu.memory_space<vmem>>
        %dma_start3A_160 = arith.constant 0 : i32
        %dma_start3A_161 = arith.constant 0 : i32
        %dma_start3A_162 = tpu.memref_slice %arg10[%dma_start3A_160, %dma_start3A_161] : memref<12288x24xf32, #tpu.memory_space<vmem_shared>> -> memref<12288x24xf32, #tpu.memory_space<vmem_shared>>
        tpu.enqueue_indirect_dma source(%dma_start3A_162 : memref<12288x24xf32, #tpu.memory_space<vmem_shared>>) target(%arg17 : memref<128x24xf32, #tpu.memory_space<vmem>>) offsets(%dma_start3A_159 : memref<128xi32, #tpu.memory_space<vmem>>) semaphore(%arg23 : memref<!tpu.dma_semaphore, #tpu.memory_space<semaphore_mem>>)
      } else {
      }
      %dma_wait3A_134 = arith.constant 0 : i32
      %dma_wait3A_135 = tpu.memref_slice %arg14[%add3A_104, %dma_wait3A_134] : memref<40x128xi32, #tpu.memory_space<vmem>> -> memref<1x128xi32, #tpu.memory_space<vmem>>
      %dma_wait3A_136 = tpu.memref_squeeze %dma_wait3A_135 : memref<1x128xi32, #tpu.memory_space<vmem>> -> memref<128xi32, #tpu.memory_space<vmem>>
      %dma_wait3A_137 = arith.constant 0 : i32
      %dma_wait3A_138 = arith.constant 0 : i32
      %dma_wait3A_139 = tpu.memref_slice %arg10[%dma_wait3A_137, %dma_wait3A_138] : memref<12288x24xf32, #tpu.memory_space<vmem_shared>> -> memref<12288x24xf32, #tpu.memory_space<vmem_shared>>
      tpu.wait_indirect_dma semaphore(%arg24 : memref<!tpu.dma_semaphore, #tpu.memory_space<semaphore_mem>>) src(%dma_wait3A_139 : memref<12288x24xf32, #tpu.memory_space<vmem_shared>>) dst(%arg18 : memref<128x24xf32, #tpu.memory_space<vmem>>)
      %gt3A_140 = arith.constant 0 : i32
      %gt3A_141 = arith.cmpi sgt, %scan3A_99, %gt3A_140 : i32
      %convert_element_type3A_142 = arith.extui %gt3A_141 : i1 to i32
      %cond3A_143 = arith.constant 0 : i32
      %cond3A_144 = arith.cmpi ne, %convert_element_type3A_142, %cond3A_143 : i32
      scf.if %cond3A_144 {
        %dma_wait3A_155 = arith.constant 0 : i32
        %dma_wait3A_156 = arith.constant 0 : i32
        %dma_wait3A_157 = tpu.memref_slice %arg15[%dma_wait3A_155, %dma_wait3A_156] : memref<40x128xi32, #tpu.memory_space<vmem>> -> memref<1x128xi32, #tpu.memory_space<vmem>>
        %dma_wait3A_158 = tpu.memref_squeeze %dma_wait3A_157 : memref<1x128xi32, #tpu.memory_space<vmem>> -> memref<128xi32, #tpu.memory_space<vmem>>
        %dma_wait3A_159 = arith.constant 0 : i32
        %dma_wait3A_160 = arith.constant 0 : i32
        %dma_wait3A_161 = tpu.memref_slice %arg8[%dma_wait3A_159, %dma_wait3A_160] : memref<12288x32xf32, #tpu.memory_space<vmem_shared>> -> memref<12288x32xf32, #tpu.memory_space<vmem_shared>>
        tpu.wait_indirect_dma semaphore(%arg25 : memref<!tpu.dma_semaphore, #tpu.memory_space<semaphore_mem>>) src(%arg20 : memref<128x32xf32, #tpu.memory_space<vmem>>) dst(%dma_wait3A_161 : memref<12288x32xf32, #tpu.memory_space<vmem_shared>>)
      } else {
      }
      %parallel_loop3A_145 = arith.constant 0 : i32
      %parallel_loop3A_146 = arith.constant 8 : i32
      %parallel_loop3A_147 = arith.constant 1 : i32
      scf.for %parallel_loop3A_155 = %parallel_loop3A_145 to %parallel_loop3A_146 step %parallel_loop3A_147  : i32 {
        %parallel_loop3A_156 = arith.constant 16 : i32
        %parallel_loop3A_157 = arith.muli %parallel_loop3A_155, %parallel_loop3A_156 : i32
        %parallel_loop3A_158 = arith.index_cast %add3A_104 : i32 to index
        %parallel_loop3A_159 = arith.index_cast %parallel_loop3A_157 : i32 to index
        %parallel_loop3A_160 = tpu.vector_load %arg14[%parallel_loop3A_158, %parallel_loop3A_159] {strides = array<i32>} : memref<40x128xi32, #tpu.memory_space<vmem>>, vector<16xi32>,
        %parallel_loop3A_161 = arith.constant 16 : i32
        %parallel_loop3A_162 = arith.muli %parallel_loop3A_155, %parallel_loop3A_161 : i32
        %parallel_loop3A_163 = arith.index_cast %add3A_104 : i32 to index
        %parallel_loop3A_164 = arith.index_cast %parallel_loop3A_162 : i32 to index
        %parallel_loop3A_165 = tpu.vector_load %arg16[%parallel_loop3A_163, %parallel_loop3A_164] {strides = array<i32>} : memref<40x128xf32, #tpu.memory_space<vmem>>, vector<16xf32>,
        %parallel_loop3A_166 = tpu.vector_load_idx %arg11[%parallel_loop3A_160] : memref<12288xf32, #tpu.memory_space<vmem>>[vector<16xi32>], vector<16xf32>,
        %parallel_loop3A_167 = arith.mulf %parallel_loop3A_165, %parallel_loop3A_166 : vector<16xf32>
        %parallel_loop3A_168 = vector.extract_strided_slice %parallel_loop3A_167 {offsets = [0], sizes = [1], strides = [1]} : vector<16xf32> to vector<1xf32>
        %parallel_loop3A_169 = vector.extract %parallel_loop3A_168[0] : f32 from vector<1xf32>
        %parallel_loop3A_170 = arith.constant 16 : i32
        %parallel_loop3A_171 = arith.muli %parallel_loop3A_155, %parallel_loop3A_170 : i32
        %parallel_loop3A_172 = arith.constant 0 : i32
        %parallel_loop3A_173 = arith.addi %parallel_loop3A_171, %parallel_loop3A_172 : i32
        %parallel_loop3A_174 = arith.index_cast %parallel_loop3A_173 : i32 to index
        %parallel_loop3A_175 = arith.constant 0 : index
        %parallel_loop3A_176 = tpu.vector_load %arg18[%parallel_loop3A_174, %parallel_loop3A_175] {strides = array<i32>} : memref<128x24xf32, #tpu.memory_space<vmem>>, vector<16xf32>,
        %parallel_loop3A_177 = vector.broadcast %parallel_loop3A_169 : f32 to vector<16xf32>
        %parallel_loop3A_178 = arith.mulf %parallel_loop3A_176, %parallel_loop3A_177 : vector<16xf32>
        %parallel_loop3A_179 = arith.index_cast %parallel_loop3A_173 : i32 to index
        %parallel_loop3A_180 = arith.constant 0 : index
        %parallel_loop3A_181 = tpu.vector_load %arg20[%parallel_loop3A_179, %parallel_loop3A_180] {strides = array<i32>} : memref<128x32xf32, #tpu.memory_space<vmem>>, vector<16xf32>,
        tpu.vector_store %arg20[%parallel_loop3A_179, %parallel_loop3A_180], %parallel_loop3A_178 {strides = array<i32>} : memref<128x32xf32, #tpu.memory_space<vmem>>, vector<16xf32>,
        %parallel_loop3A_182 = arith.index_cast %parallel_loop3A_173 : i32 to index
        %parallel_loop3A_183 = arith.constant 8 : index
        %parallel_loop3A_184 = tpu.vector_load %arg18[%parallel_loop3A_182, %parallel_loop3A_183] {strides = array<i32>} : memref<128x24xf32, #tpu.memory_space<vmem>>, vector<16xf32>,
        %parallel_loop3A_185 = vector.broadcast %parallel_loop3A_169 : f32 to vector<16xf32>
        %parallel_loop3A_186 = arith.mulf %parallel_loop3A_184, %parallel_loop3A_185 : vector<16xf32>
        %parallel_loop3A_187 = arith.index_cast %parallel_loop3A_173 : i32 to index
        %parallel_loop3A_188 = arith.constant 8 : index
        %parallel_loop3A_189 = tpu.vector_load %arg20[%parallel_loop3A_187, %parallel_loop3A_188] {strides = array<i32>} : memref<128x32xf32, #tpu.memory_space<vmem>>, vector<16xf32>,
        tpu.vector_store %arg20[%parallel_loop3A_187, %parallel_loop3A_188], %parallel_loop3A_186 {strides = array<i32>} : memref<128x32xf32, #tpu.memory_space<vmem>>, vector<16xf32>,
        %parallel_loop3A_190 = vector.extract_strided_slice %parallel_loop3A_167 {offsets = [1], sizes = [1], strides = [1]} : vector<16xf32> to vector<1xf32>
        %parallel_loop3A_191 = vector.extract %parallel_loop3A_190[0] : f32 from vector<1xf32>
        %parallel_loop3A_192 = arith.constant 16 : i32
        %parallel_loop3A_193 = arith.muli %parallel_loop3A_155, %parallel_loop3A_192 : i32
        %parallel_loop3A_194 = arith.constant 1 : i32
        %parallel_loop3A_195 = arith.addi %parallel_loop3A_193, %parallel_loop3A_194 : i32
        %parallel_loop3A_196 = arith.index_cast %parallel_loop3A_195 : i32 to index
        %parallel_loop3A_197 = arith.constant 0 : index
        %parallel_loop3A_198 = tpu.vector_load %arg18[%parallel_loop3A_196, %parallel_loop3A_197] {strides = array<i32>} : memref<128x24xf32, #tpu.memory_space<vmem>>, vector<16xf32>,
        %parallel_loop3A_199 = vector.broadcast %parallel_loop3A_191 : f32 to vector<16xf32>
        %parallel_loop3A_200 = arith.mulf %parallel_loop3A_198, %parallel_loop3A_199 : vector<16xf32>
        %parallel_loop3A_201 = arith.index_cast %parallel_loop3A_195 : i32 to index
        %parallel_loop3A_202 = arith.constant 0 : index
        %parallel_loop3A_203 = tpu.vector_load %arg20[%parallel_loop3A_201, %parallel_loop3A_202] {strides = array<i32>} : memref<128x32xf32, #tpu.memory_space<vmem>>, vector<16xf32>,
        tpu.vector_store %arg20[%parallel_loop3A_201, %parallel_loop3A_202], %parallel_loop3A_200 {strides = array<i32>} : memref<128x32xf32, #tpu.memory_space<vmem>>, vector<16xf32>,
        %parallel_loop3A_204 = arith.index_cast %parallel_loop3A_195 : i32 to index
        %parallel_loop3A_205 = arith.constant 8 : index
        %parallel_loop3A_206 = tpu.vector_load %arg18[%parallel_loop3A_204, %parallel_loop3A_205] {strides = array<i32>} : memref<128x24xf32, #tpu.memory_space<vmem>>, vector<16xf32>,
        %parallel_loop3A_207 = vector.broadcast %parallel_loop3A_191 : f32 to vector<16xf32>
        %parallel_loop3A_208 = arith.mulf %parallel_loop3A_206, %parallel_loop3A_207 : vector<16xf32>
        %parallel_loop3A_209 = arith.index_cast %parallel_loop3A_195 : i32 to index
        %parallel_loop3A_210 = arith.constant 8 : index
        %parallel_loop3A_211 = tpu.vector_load %arg20[%parallel_loop3A_209, %parallel_loop3A_210] {strides = array<i32>} : memref<128x32xf32, #tpu.memory_space<vmem>>, vector<16xf32>,
        tpu.vector_store %arg20[%parallel_loop3A_209, %parallel_loop3A_210], %parallel_loop3A_208 {strides = array<i32>} : memref<128x32xf32, #tpu.memory_space<vmem>>, vector<16xf32>,
        %parallel_loop3A_212 = vector.extract_strided_slice %parallel_loop3A_167 {offsets = [2], sizes = [1], strides = [1]} : vector<16xf32> to vector<1xf32>
        %parallel_loop3A_213 = vector.extract %parallel_loop3A_212[0] : f32 from vector<1xf32>
        %parallel_loop3A_214 = arith.constant 16 : i32
        %parallel_loop3A_215 = arith.muli %parallel_loop3A_155, %parallel_loop3A_214 : i32
        %parallel_loop3A_216 = arith.constant 2 : i32
        %parallel_loop3A_217 = arith.addi %parallel_loop3A_215, %parallel_loop3A_216 : i32
        %parallel_loop3A_218 = arith.index_cast %parallel_loop3A_217 : i32 to index
        %parallel_loop3A_219 = arith.constant 0 : index
        %parallel_loop3A_220 = tpu.vector_load %arg18[%parallel_loop3A_218, %parallel_loop3A_219] {strides = array<i32>} : memref<128x24xf32, #tpu.memory_space<vmem>>, vector<16xf32>,
        %parallel_loop3A_221 = vector.broadcast %parallel_loop3A_213 : f32 to vector<16xf32>
        %parallel_loop3A_222 = arith.mulf %parallel_loop3A_220, %parallel_loop3A_221 : vector<16xf32>
        %parallel_loop3A_223 = arith.index_cast %parallel_loop3A_217 : i32 to index
        %parallel_loop3A_224 = arith.constant 0 : index
        %parallel_loop3A_225 = tpu.vector_load %arg20[%parallel_loop3A_223, %parallel_loop3A_224] {strides = array<i32>} : memref<128x32xf32, #tpu.memory_space<vmem>>, vector<16xf32>,
        tpu.vector_store %arg20[%parallel_loop3A_223, %parallel_loop3A_224], %parallel_loop3A_222 {strides = array<i32>} : memref<128x32xf32, #tpu.memory_space<vmem>>, vector<16xf32>,
        %parallel_loop3A_226 = arith.index_cast %parallel_loop3A_217 : i32 to index
        %parallel_loop3A_227 = arith.constant 8 : index
        %parallel_loop3A_228 = tpu.vector_load %arg18[%parallel_loop3A_226, %parallel_loop3A_227] {strides = array<i32>} : memref<128x24xf32, #tpu.memory_space<vmem>>, vector<16xf32>,
        %parallel_loop3A_229 = vector.broadcast %parallel_loop3A_213 : f32 to vector<16xf32>
        %parallel_loop3A_230 = arith.mulf %parallel_loop3A_228, %parallel_loop3A_229 : vector<16xf32>
        %parallel_loop3A_231 = arith.index_cast %parallel_loop3A_217 : i32 to index
        %parallel_loop3A_232 = arith.constant 8 : index
        %parallel_loop3A_233 = tpu.vector_load %arg20[%parallel_loop3A_231, %parallel_loop3A_232] {strides = array<i32>} : memref<128x32xf32, #tpu.memory_space<vmem>>, vector<16xf32>,
        tpu.vector_store %arg20[%parallel_loop3A_231, %parallel_loop3A_232], %parallel_loop3A_230 {strides = array<i32>} : memref<128x32xf32, #tpu.memory_space<vmem>>, vector<16xf32>,
        %parallel_loop3A_234 = vector.extract_strided_slice %parallel_loop3A_167 {offsets = [3], sizes = [1], strides = [1]} : vector<16xf32> to vector<1xf32>
        %parallel_loop3A_235 = vector.extract %parallel_loop3A_234[0] : f32 from vector<1xf32>
        %parallel_loop3A_236 = arith.constant 16 : i32
        %parallel_loop3A_237 = arith.muli %parallel_loop3A_155, %parallel_loop3A_236 : i32
        %parallel_loop3A_238 = arith.constant 3 : i32
        %parallel_loop3A_239 = arith.addi %parallel_loop3A_237, %parallel_loop3A_238 : i32
        %parallel_loop3A_240 = arith.index_cast %parallel_loop3A_239 : i32 to index
        %parallel_loop3A_241 = arith.constant 0 : index
        %parallel_loop3A_242 = tpu.vector_load %arg18[%parallel_loop3A_240, %parallel_loop3A_241] {strides = array<i32>} : memref<128x24xf32, #tpu.memory_space<vmem>>, vector<16xf32>,
        %parallel_loop3A_243 = vector.broadcast %parallel_loop3A_235 : f32 to vector<16xf32>
        %parallel_loop3A_244 = arith.mulf %parallel_loop3A_242, %parallel_loop3A_243 : vector<16xf32>
        %parallel_loop3A_245 = arith.index_cast %parallel_loop3A_239 : i32 to index
        %parallel_loop3A_246 = arith.constant 0 : index
        %parallel_loop3A_247 = tpu.vector_load %arg20[%parallel_loop3A_245, %parallel_loop3A_246] {strides = array<i32>} : memref<128x32xf32, #tpu.memory_space<vmem>>, vector<16xf32>,
        tpu.vector_store %arg20[%parallel_loop3A_245, %parallel_loop3A_246], %parallel_loop3A_244 {strides = array<i32>} : memref<128x32xf32, #tpu.memory_space<vmem>>, vector<16xf32>,
        %parallel_loop3A_248 = arith.index_cast %parallel_loop3A_239 : i32 to index
        %parallel_loop3A_249 = arith.constant 8 : index
        %parallel_loop3A_250 = tpu.vector_load %arg18[%parallel_loop3A_248, %parallel_loop3A_249] {strides = array<i32>} : memref<128x24xf32, #tpu.memory_space<vmem>>, vector<16xf32>,
        %parallel_loop3A_251 = vector.broadcast %parallel_loop3A_235 : f32 to vector<16xf32>
        %parallel_loop3A_252 = arith.mulf %parallel_loop3A_250, %parallel_loop3A_251 : vector<16xf32>
        %parallel_loop3A_253 = arith.index_cast %parallel_loop3A_239 : i32 to index
        %parallel_loop3A_254 = arith.constant 8 : index
        %parallel_loop3A_255 = tpu.vector_load %arg20[%parallel_loop3A_253, %parallel_loop3A_254] {strides = array<i32>} : memref<128x32xf32, #tpu.memory_space<vmem>>, vector<16xf32>,
        tpu.vector_store %arg20[%parallel_loop3A_253, %parallel_loop3A_254], %parallel_loop3A_252 {strides = array<i32>} : memref<128x32xf32, #tpu.memory_space<vmem>>, vector<16xf32>,
        %parallel_loop3A_256 = vector.extract_strided_slice %parallel_loop3A_167 {offsets = [4], sizes = [1], strides = [1]} : vector<16xf32> to vector<1xf32>
        %parallel_loop3A_257 = vector.extract %parallel_loop3A_256[0] : f32 from vector<1xf32>
        %parallel_loop3A_258 = arith.constant 16 : i32
        %parallel_loop3A_259 = arith.muli %parallel_loop3A_155, %parallel_loop3A_258 : i32
        %parallel_loop3A_260 = arith.constant 4 : i32
        %parallel_loop3A_261 = arith.addi %parallel_loop3A_259, %parallel_loop3A_260 : i32
        %parallel_loop3A_262 = arith.index_cast %parallel_loop3A_261 : i32 to index
        %parallel_loop3A_263 = arith.constant 0 : index
        %parallel_loop3A_264 = tpu.vector_load %arg18[%parallel_loop3A_262, %parallel_loop3A_263] {strides = array<i32>} : memref<128x24xf32, #tpu.memory_space<vmem>>, vector<16xf32>,
        %parallel_loop3A_265 = vector.broadcast %parallel_loop3A_257 : f32 to vector<16xf32>
        %parallel_loop3A_266 = arith.mulf %parallel_loop3A_264, %parallel_loop3A_265 : vector<16xf32>
        %parallel_loop3A_267 = arith.index_cast %parallel_loop3A_261 : i32 to index
        %parallel_loop3A_268 = arith.constant 0 : index
        %parallel_loop3A_269 = tpu.vector_load %arg20[%parallel_loop3A_267, %parallel_loop3A_268] {strides = array<i32>} : memref<128x32xf32, #tpu.memory_space<vmem>>, vector<16xf32>,
        tpu.vector_store %arg20[%parallel_loop3A_267, %parallel_loop3A_268], %parallel_loop3A_266 {strides = array<i32>} : memref<128x32xf32, #tpu.memory_space<vmem>>, vector<16xf32>,
        %parallel_loop3A_270 = arith.index_cast %parallel_loop3A_261 : i32 to index
        %parallel_loop3A_271 = arith.constant 8 : index
        %parallel_loop3A_272 = tpu.vector_load %arg18[%parallel_loop3A_270, %parallel_loop3A_271] {strides = array<i32>} : memref<128x24xf32, #tpu.memory_space<vmem>>, vector<16xf32>,
        %parallel_loop3A_273 = vector.broadcast %parallel_loop3A_257 : f32 to vector<16xf32>
        %parallel_loop3A_274 = arith.mulf %parallel_loop3A_272, %parallel_loop3A_273 : vector<16xf32>
        %parallel_loop3A_275 = arith.index_cast %parallel_loop3A_261 : i32 to index
        %parallel_loop3A_276 = arith.constant 8 : index
        %parallel_loop3A_277 = tpu.vector_load %arg20[%parallel_loop3A_275, %parallel_loop3A_276] {strides = array<i32>} : memref<128x32xf32, #tpu.memory_space<vmem>>, vector<16xf32>,
        tpu.vector_store %arg20[%parallel_loop3A_275, %parallel_loop3A_276], %parallel_loop3A_274 {strides = array<i32>} : memref<128x32xf32, #tpu.memory_space<vmem>>, vector<16xf32>,
        %parallel_loop3A_278 = vector.extract_strided_slice %parallel_loop3A_167 {offsets = [5], sizes = [1], strides = [1]} : vector<16xf32> to vector<1xf32>
        %parallel_loop3A_279 = vector.extract %parallel_loop3A_278[0] : f32 from vector<1xf32>
        %parallel_loop3A_280 = arith.constant 16 : i32
        %parallel_loop3A_281 = arith.muli %parallel_loop3A_155, %parallel_loop3A_280 : i32
        %parallel_loop3A_282 = arith.constant 5 : i32
        %parallel_loop3A_283 = arith.addi %parallel_loop3A_281, %parallel_loop3A_282 : i32
        %parallel_loop3A_284 = arith.index_cast %parallel_loop3A_283 : i32 to index
        %parallel_loop3A_285 = arith.constant 0 : index
        %parallel_loop3A_286 = tpu.vector_load %arg18[%parallel_loop3A_284, %parallel_loop3A_285] {strides = array<i32>} : memref<128x24xf32, #tpu.memory_space<vmem>>, vector<16xf32>,
        %parallel_loop3A_287 = vector.broadcast %parallel_loop3A_279 : f32 to vector<16xf32>
        %parallel_loop3A_288 = arith.mulf %parallel_loop3A_286, %parallel_loop3A_287 : vector<16xf32>
        %parallel_loop3A_289 = arith.index_cast %parallel_loop3A_283 : i32 to index
        %parallel_loop3A_290 = arith.constant 0 : index
        %parallel_loop3A_291 = tpu.vector_load %arg20[%parallel_loop3A_289, %parallel_loop3A_290] {strides = array<i32>} : memref<128x32xf32, #tpu.memory_space<vmem>>, vector<16xf32>,
        tpu.vector_store %arg20[%parallel_loop3A_289, %parallel_loop3A_290], %parallel_loop3A_288 {strides = array<i32>} : memref<128x32xf32, #tpu.memory_space<vmem>>, vector<16xf32>,
        %parallel_loop3A_292 = arith.index_cast %parallel_loop3A_283 : i32 to index
        %parallel_loop3A_293 = arith.constant 8 : index
        %parallel_loop3A_294 = tpu.vector_load %arg18[%parallel_loop3A_292, %parallel_loop3A_293] {strides = array<i32>} : memref<128x24xf32, #tpu.memory_space<vmem>>, vector<16xf32>,
        %parallel_loop3A_295 = vector.broadcast %parallel_loop3A_279 : f32 to vector<16xf32>
        %parallel_loop3A_296 = arith.mulf %parallel_loop3A_294, %parallel_loop3A_295 : vector<16xf32>
        %parallel_loop3A_297 = arith.index_cast %parallel_loop3A_283 : i32 to index
        %parallel_loop3A_298 = arith.constant 8 : index
        %parallel_loop3A_299 = tpu.vector_load %arg20[%parallel_loop3A_297, %parallel_loop3A_298] {strides = array<i32>} : memref<128x32xf32, #tpu.memory_space<vmem>>, vector<16xf32>,
        tpu.vector_store %arg20[%parallel_loop3A_297, %parallel_loop3A_298], %parallel_loop3A_296 {strides = array<i32>} : memref<128x32xf32, #tpu.memory_space<vmem>>, vector<16xf32>,
        %parallel_loop3A_300 = vector.extract_strided_slice %parallel_loop3A_167 {offsets = [6], sizes = [1], strides = [1]} : vector<16xf32> to vector<1xf32>
        %parallel_loop3A_301 = vector.extract %parallel_loop3A_300[0] : f32 from vector<1xf32>
        %parallel_loop3A_302 = arith.constant 16 : i32
        %parallel_loop3A_303 = arith.muli %parallel_loop3A_155, %parallel_loop3A_302 : i32
        %parallel_loop3A_304 = arith.constant 6 : i32
        %parallel_loop3A_305 = arith.addi %parallel_loop3A_303, %parallel_loop3A_304 : i32
        %parallel_loop3A_306 = arith.index_cast %parallel_loop3A_305 : i32 to index
        %parallel_loop3A_307 = arith.constant 0 : index
        %parallel_loop3A_308 = tpu.vector_load %arg18[%parallel_loop3A_306, %parallel_loop3A_307] {strides = array<i32>} : memref<128x24xf32, #tpu.memory_space<vmem>>, vector<16xf32>,
        %parallel_loop3A_309 = vector.broadcast %parallel_loop3A_301 : f32 to vector<16xf32>
        %parallel_loop3A_310 = arith.mulf %parallel_loop3A_308, %parallel_loop3A_309 : vector<16xf32>
        %parallel_loop3A_311 = arith.index_cast %parallel_loop3A_305 : i32 to index
        %parallel_loop3A_312 = arith.constant 0 : index
        %parallel_loop3A_313 = tpu.vector_load %arg20[%parallel_loop3A_311, %parallel_loop3A_312] {strides = array<i32>} : memref<128x32xf32, #tpu.memory_space<vmem>>, vector<16xf32>,
        tpu.vector_store %arg20[%parallel_loop3A_311, %parallel_loop3A_312], %parallel_loop3A_310 {strides = array<i32>} : memref<128x32xf32, #tpu.memory_space<vmem>>, vector<16xf32>,
        %parallel_loop3A_314 = arith.index_cast %parallel_loop3A_305 : i32 to index
        %parallel_loop3A_315 = arith.constant 8 : index
        %parallel_loop3A_316 = tpu.vector_load %arg18[%parallel_loop3A_314, %parallel_loop3A_315] {strides = array<i32>} : memref<128x24xf32, #tpu.memory_space<vmem>>, vector<16xf32>,
        %parallel_loop3A_317 = vector.broadcast %parallel_loop3A_301 : f32 to vector<16xf32>
        %parallel_loop3A_318 = arith.mulf %parallel_loop3A_316, %parallel_loop3A_317 : vector<16xf32>
        %parallel_loop3A_319 = arith.index_cast %parallel_loop3A_305 : i32 to index
        %parallel_loop3A_320 = arith.constant 8 : index
        %parallel_loop3A_321 = tpu.vector_load %arg20[%parallel_loop3A_319, %parallel_loop3A_320] {strides = array<i32>} : memref<128x32xf32, #tpu.memory_space<vmem>>, vector<16xf32>,
        tpu.vector_store %arg20[%parallel_loop3A_319, %parallel_loop3A_320], %parallel_loop3A_318 {strides = array<i32>} : memref<128x32xf32, #tpu.memory_space<vmem>>, vector<16xf32>,
        %parallel_loop3A_322 = vector.extract_strided_slice %parallel_loop3A_167 {offsets = [7], sizes = [1], strides = [1]} : vector<16xf32> to vector<1xf32>
        %parallel_loop3A_323 = vector.extract %parallel_loop3A_322[0] : f32 from vector<1xf32>
        %parallel_loop3A_324 = arith.constant 16 : i32
        %parallel_loop3A_325 = arith.muli %parallel_loop3A_155, %parallel_loop3A_324 : i32
        %parallel_loop3A_326 = arith.constant 7 : i32
        %parallel_loop3A_327 = arith.addi %parallel_loop3A_325, %parallel_loop3A_326 : i32
        %parallel_loop3A_328 = arith.index_cast %parallel_loop3A_327 : i32 to index
        %parallel_loop3A_329 = arith.constant 0 : index
        %parallel_loop3A_330 = tpu.vector_load %arg18[%parallel_loop3A_328, %parallel_loop3A_329] {strides = array<i32>} : memref<128x24xf32, #tpu.memory_space<vmem>>, vector<16xf32>,
        %parallel_loop3A_331 = vector.broadcast %parallel_loop3A_323 : f32 to vector<16xf32>
        %parallel_loop3A_332 = arith.mulf %parallel_loop3A_330, %parallel_loop3A_331 : vector<16xf32>
        %parallel_loop3A_333 = arith.index_cast %parallel_loop3A_327 : i32 to index
        %parallel_loop3A_334 = arith.constant 0 : index
        %parallel_loop3A_335 = tpu.vector_load %arg20[%parallel_loop3A_333, %parallel_loop3A_334] {strides = array<i32>} : memref<128x32xf32, #tpu.memory_space<vmem>>, vector<16xf32>,
        tpu.vector_store %arg20[%parallel_loop3A_333, %parallel_loop3A_334], %parallel_loop3A_332 {strides = array<i32>} : memref<128x32xf32, #tpu.memory_space<vmem>>, vector<16xf32>,
        %parallel_loop3A_336 = arith.index_cast %parallel_loop3A_327 : i32 to index
        %parallel_loop3A_337 = arith.constant 8 : index
        %parallel_loop3A_338 = tpu.vector_load %arg18[%parallel_loop3A_336, %parallel_loop3A_337] {strides = array<i32>} : memref<128x24xf32, #tpu.memory_space<vmem>>, vector<16xf32>,
        %parallel_loop3A_339 = vector.broadcast %parallel_loop3A_323 : f32 to vector<16xf32>
        %parallel_loop3A_340 = arith.mulf %parallel_loop3A_338, %parallel_loop3A_339 : vector<16xf32>
        %parallel_loop3A_341 = arith.index_cast %parallel_loop3A_327 : i32 to index
        %parallel_loop3A_342 = arith.constant 8 : index
        %parallel_loop3A_343 = tpu.vector_load %arg20[%parallel_loop3A_341, %parallel_loop3A_342] {strides = array<i32>} : memref<128x32xf32, #tpu.memory_space<vmem>>, vector<16xf32>,
        tpu.vector_store %arg20[%parallel_loop3A_341, %parallel_loop3A_342], %parallel_loop3A_340 {strides = array<i32>} : memref<128x32xf32, #tpu.memory_space<vmem>>, vector<16xf32>,
        %parallel_loop3A_344 = vector.extract_strided_slice %parallel_loop3A_167 {offsets = [8], sizes = [1], strides = [1]} : vector<16xf32> to vector<1xf32>
        %parallel_loop3A_345 = vector.extract %parallel_loop3A_344[0] : f32 from vector<1xf32>
        %parallel_loop3A_346 = arith.constant 16 : i32
        %parallel_loop3A_347 = arith.muli %parallel_loop3A_155, %parallel_loop3A_346 : i32
        %parallel_loop3A_348 = arith.constant 8 : i32
        %parallel_loop3A_349 = arith.addi %parallel_loop3A_347, %parallel_loop3A_348 : i32
        %parallel_loop3A_350 = arith.index_cast %parallel_loop3A_349 : i32 to index
        %parallel_loop3A_351 = arith.constant 0 : index
        %parallel_loop3A_352 = tpu.vector_load %arg18[%parallel_loop3A_350, %parallel_loop3A_351] {strides = array<i32>} : memref<128x24xf32, #tpu.memory_space<vmem>>, vector<16xf32>,
        %parallel_loop3A_353 = vector.broadcast %parallel_loop3A_345 : f32 to vector<16xf32>
        %parallel_loop3A_354 = arith.mulf %parallel_loop3A_352, %parallel_loop3A_353 : vector<16xf32>
        %parallel_loop3A_355 = arith.index_cast %parallel_loop3A_349 : i32 to index
        %parallel_loop3A_356 = arith.constant 0 : index
        %parallel_loop3A_357 = tpu.vector_load %arg20[%parallel_loop3A_355, %parallel_loop3A_356] {strides = array<i32>} : memref<128x32xf32, #tpu.memory_space<vmem>>, vector<16xf32>,
        tpu.vector_store %arg20[%parallel_loop3A_355, %parallel_loop3A_356], %parallel_loop3A_354 {strides = array<i32>} : memref<128x32xf32, #tpu.memory_space<vmem>>, vector<16xf32>,
        %parallel_loop3A_358 = arith.index_cast %parallel_loop3A_349 : i32 to index
        %parallel_loop3A_359 = arith.constant 8 : index
        %parallel_loop3A_360 = tpu.vector_load %arg18[%parallel_loop3A_358, %parallel_loop3A_359] {strides = array<i32>} : memref<128x24xf32, #tpu.memory_space<vmem>>, vector<16xf32>,
        %parallel_loop3A_361 = vector.broadcast %parallel_loop3A_345 : f32 to vector<16xf32>
        %parallel_loop3A_362 = arith.mulf %parallel_loop3A_360, %parallel_loop3A_361 : vector<16xf32>
        %parallel_loop3A_363 = arith.index_cast %parallel_loop3A_349 : i32 to index
        %parallel_loop3A_364 = arith.constant 8 : index
        %parallel_loop3A_365 = tpu.vector_load %arg20[%parallel_loop3A_363, %parallel_loop3A_364] {strides = array<i32>} : memref<128x32xf32, #tpu.memory_space<vmem>>, vector<16xf32>,
        tpu.vector_store %arg20[%parallel_loop3A_363, %parallel_loop3A_364], %parallel_loop3A_362 {strides = array<i32>} : memref<128x32xf32, #tpu.memory_space<vmem>>, vector<16xf32>,
        %parallel_loop3A_366 = vector.extract_strided_slice %parallel_loop3A_167 {offsets = [9], sizes = [1], strides = [1]} : vector<16xf32> to vector<1xf32>
        %parallel_loop3A_367 = vector.extract %parallel_loop3A_366[0] : f32 from vector<1xf32>
        %parallel_loop3A_368 = arith.constant 16 : i32
        %parallel_loop3A_369 = arith.muli %parallel_loop3A_155, %parallel_loop3A_368 : i32
        %parallel_loop3A_370 = arith.constant 9 : i32
        %parallel_loop3A_371 = arith.addi %parallel_loop3A_369, %parallel_loop3A_370 : i32
        %parallel_loop3A_372 = arith.index_cast %parallel_loop3A_371 : i32 to index
        %parallel_loop3A_373 = arith.constant 0 : index
        %parallel_loop3A_374 = tpu.vector_load %arg18[%parallel_loop3A_372, %parallel_loop3A_373] {strides = array<i32>} : memref<128x24xf32, #tpu.memory_space<vmem>>, vector<16xf32>,
        %parallel_loop3A_375 = vector.broadcast %parallel_loop3A_367 : f32 to vector<16xf32>
        %parallel_loop3A_376 = arith.mulf %parallel_loop3A_374, %parallel_loop3A_375 : vector<16xf32>
        %parallel_loop3A_377 = arith.index_cast %parallel_loop3A_371 : i32 to index
        %parallel_loop3A_378 = arith.constant 0 : index
        %parallel_loop3A_379 = tpu.vector_load %arg20[%parallel_loop3A_377, %parallel_loop3A_378] {strides = array<i32>} : memref<128x32xf32, #tpu.memory_space<vmem>>, vector<16xf32>,
        tpu.vector_store %arg20[%parallel_loop3A_377, %parallel_loop3A_378], %parallel_loop3A_376 {strides = array<i32>} : memref<128x32xf32, #tpu.memory_space<vmem>>, vector<16xf32>,
        %parallel_loop3A_380 = arith.index_cast %parallel_loop3A_371 : i32 to index
        %parallel_loop3A_381 = arith.constant 8 : index
        %parallel_loop3A_382 = tpu.vector_load %arg18[%parallel_loop3A_380, %parallel_loop3A_381] {strides = array<i32>} : memref<128x24xf32, #tpu.memory_space<vmem>>, vector<16xf32>,
        %parallel_loop3A_383 = vector.broadcast %parallel_loop3A_367 : f32 to vector<16xf32>
        %parallel_loop3A_384 = arith.mulf %parallel_loop3A_382, %parallel_loop3A_383 : vector<16xf32>
        %parallel_loop3A_385 = arith.index_cast %parallel_loop3A_371 : i32 to index
        %parallel_loop3A_386 = arith.constant 8 : index
        %parallel_loop3A_387 = tpu.vector_load %arg20[%parallel_loop3A_385, %parallel_loop3A_386] {strides = array<i32>} : memref<128x32xf32, #tpu.memory_space<vmem>>, vector<16xf32>,
        tpu.vector_store %arg20[%parallel_loop3A_385, %parallel_loop3A_386], %parallel_loop3A_384 {strides = array<i32>} : memref<128x32xf32, #tpu.memory_space<vmem>>, vector<16xf32>,
        %parallel_loop3A_388 = vector.extract_strided_slice %parallel_loop3A_167 {offsets = [10], sizes = [1], strides = [1]} : vector<16xf32> to vector<1xf32>
        %parallel_loop3A_389 = vector.extract %parallel_loop3A_388[0] : f32 from vector<1xf32>
        %parallel_loop3A_390 = arith.constant 16 : i32
        %parallel_loop3A_391 = arith.muli %parallel_loop3A_155, %parallel_loop3A_390 : i32
        %parallel_loop3A_392 = arith.constant 10 : i32
        %parallel_loop3A_393 = arith.addi %parallel_loop3A_391, %parallel_loop3A_392 : i32
        %parallel_loop3A_394 = arith.index_cast %parallel_loop3A_393 : i32 to index
        %parallel_loop3A_395 = arith.constant 0 : index
        %parallel_loop3A_396 = tpu.vector_load %arg18[%parallel_loop3A_394, %parallel_loop3A_395] {strides = array<i32>} : memref<128x24xf32, #tpu.memory_space<vmem>>, vector<16xf32>,
        %parallel_loop3A_397 = vector.broadcast %parallel_loop3A_389 : f32 to vector<16xf32>
        %parallel_loop3A_398 = arith.mulf %parallel_loop3A_396, %parallel_loop3A_397 : vector<16xf32>
        %parallel_loop3A_399 = arith.index_cast %parallel_loop3A_393 : i32 to index
        %parallel_loop3A_400 = arith.constant 0 : index
        %parallel_loop3A_401 = tpu.vector_load %arg20[%parallel_loop3A_399, %parallel_loop3A_400] {strides = array<i32>} : memref<128x32xf32, #tpu.memory_space<vmem>>, vector<16xf32>,
        tpu.vector_store %arg20[%parallel_loop3A_399, %parallel_loop3A_400], %parallel_loop3A_398 {strides = array<i32>} : memref<128x32xf32, #tpu.memory_space<vmem>>, vector<16xf32>,
        %parallel_loop3A_402 = arith.index_cast %parallel_loop3A_393 : i32 to index
        %parallel_loop3A_403 = arith.constant 8 : index
        %parallel_loop3A_404 = tpu.vector_load %arg18[%parallel_loop3A_402, %parallel_loop3A_403] {strides = array<i32>} : memref<128x24xf32, #tpu.memory_space<vmem>>, vector<16xf32>,
        %parallel_loop3A_405 = vector.broadcast %parallel_loop3A_389 : f32 to vector<16xf32>
        %parallel_loop3A_406 = arith.mulf %parallel_loop3A_404, %parallel_loop3A_405 : vector<16xf32>
        %parallel_loop3A_407 = arith.index_cast %parallel_loop3A_393 : i32 to index
        %parallel_loop3A_408 = arith.constant 8 : index
        %parallel_loop3A_409 = tpu.vector_load %arg20[%parallel_loop3A_407, %parallel_loop3A_408] {strides = array<i32>} : memref<128x32xf32, #tpu.memory_space<vmem>>, vector<16xf32>,
        tpu.vector_store %arg20[%parallel_loop3A_407, %parallel_loop3A_408], %parallel_loop3A_406 {strides = array<i32>} : memref<128x32xf32, #tpu.memory_space<vmem>>, vector<16xf32>,
        %parallel_loop3A_410 = vector.extract_strided_slice %parallel_loop3A_167 {offsets = [11], sizes = [1], strides = [1]} : vector<16xf32> to vector<1xf32>
        %parallel_loop3A_411 = vector.extract %parallel_loop3A_410[0] : f32 from vector<1xf32>
        %parallel_loop3A_412 = arith.constant 16 : i32
        %parallel_loop3A_413 = arith.muli %parallel_loop3A_155, %parallel_loop3A_412 : i32
        %parallel_loop3A_414 = arith.constant 11 : i32
        %parallel_loop3A_415 = arith.addi %parallel_loop3A_413, %parallel_loop3A_414 : i32
        %parallel_loop3A_416 = arith.index_cast %parallel_loop3A_415 : i32 to index
        %parallel_loop3A_417 = arith.constant 0 : index
        %parallel_loop3A_418 = tpu.vector_load %arg18[%parallel_loop3A_416, %parallel_loop3A_417] {strides = array<i32>} : memref<128x24xf32, #tpu.memory_space<vmem>>, vector<16xf32>,
        %parallel_loop3A_419 = vector.broadcast %parallel_loop3A_411 : f32 to vector<16xf32>
        %parallel_loop3A_420 = arith.mulf %parallel_loop3A_418, %parallel_loop3A_419 : vector<16xf32>
        %parallel_loop3A_421 = arith.index_cast %parallel_loop3A_415 : i32 to index
        %parallel_loop3A_422 = arith.constant 0 : index
        %parallel_loop3A_423 = tpu.vector_load %arg20[%parallel_loop3A_421, %parallel_loop3A_422] {strides = array<i32>} : memref<128x32xf32, #tpu.memory_space<vmem>>, vector<16xf32>,
        tpu.vector_store %arg20[%parallel_loop3A_421, %parallel_loop3A_422], %parallel_loop3A_420 {strides = array<i32>} : memref<128x32xf32, #tpu.memory_space<vmem>>, vector<16xf32>,
        %parallel_loop3A_424 = arith.index_cast %parallel_loop3A_415 : i32 to index
        %parallel_loop3A_425 = arith.constant 8 : index
        %parallel_loop3A_426 = tpu.vector_load %arg18[%parallel_loop3A_424, %parallel_loop3A_425] {strides = array<i32>} : memref<128x24xf32, #tpu.memory_space<vmem>>, vector<16xf32>,
        %parallel_loop3A_427 = vector.broadcast %parallel_loop3A_411 : f32 to vector<16xf32>
        %parallel_loop3A_428 = arith.mulf %parallel_loop3A_426, %parallel_loop3A_427 : vector<16xf32>
        %parallel_loop3A_429 = arith.index_cast %parallel_loop3A_415 : i32 to index
        %parallel_loop3A_430 = arith.constant 8 : index
        %parallel_loop3A_431 = tpu.vector_load %arg20[%parallel_loop3A_429, %parallel_loop3A_430] {strides = array<i32>} : memref<128x32xf32, #tpu.memory_space<vmem>>, vector<16xf32>,
        tpu.vector_store %arg20[%parallel_loop3A_429, %parallel_loop3A_430], %parallel_loop3A_428 {strides = array<i32>} : memref<128x32xf32, #tpu.memory_space<vmem>>, vector<16xf32>,
        %parallel_loop3A_432 = vector.extract_strided_slice %parallel_loop3A_167 {offsets = [12], sizes = [1], strides = [1]} : vector<16xf32> to vector<1xf32>
        %parallel_loop3A_433 = vector.extract %parallel_loop3A_432[0] : f32 from vector<1xf32>
        %parallel_loop3A_434 = arith.constant 16 : i32
        %parallel_loop3A_435 = arith.muli %parallel_loop3A_155, %parallel_loop3A_434 : i32
        %parallel_loop3A_436 = arith.constant 12 : i32
        %parallel_loop3A_437 = arith.addi %parallel_loop3A_435, %parallel_loop3A_436 : i32
        %parallel_loop3A_438 = arith.index_cast %parallel_loop3A_437 : i32 to index
        %parallel_loop3A_439 = arith.constant 0 : index
        %parallel_loop3A_440 = tpu.vector_load %arg18[%parallel_loop3A_438, %parallel_loop3A_439] {strides = array<i32>} : memref<128x24xf32, #tpu.memory_space<vmem>>, vector<16xf32>,
        %parallel_loop3A_441 = vector.broadcast %parallel_loop3A_433 : f32 to vector<16xf32>
        %parallel_loop3A_442 = arith.mulf %parallel_loop3A_440, %parallel_loop3A_441 : vector<16xf32>
        %parallel_loop3A_443 = arith.index_cast %parallel_loop3A_437 : i32 to index
        %parallel_loop3A_444 = arith.constant 0 : index
        %parallel_loop3A_445 = tpu.vector_load %arg20[%parallel_loop3A_443, %parallel_loop3A_444] {strides = array<i32>} : memref<128x32xf32, #tpu.memory_space<vmem>>, vector<16xf32>,
        tpu.vector_store %arg20[%parallel_loop3A_443, %parallel_loop3A_444], %parallel_loop3A_442 {strides = array<i32>} : memref<128x32xf32, #tpu.memory_space<vmem>>, vector<16xf32>,
        %parallel_loop3A_446 = arith.index_cast %parallel_loop3A_437 : i32 to index
        %parallel_loop3A_447 = arith.constant 8 : index
        %parallel_loop3A_448 = tpu.vector_load %arg18[%parallel_loop3A_446, %parallel_loop3A_447] {strides = array<i32>} : memref<128x24xf32, #tpu.memory_space<vmem>>, vector<16xf32>,
        %parallel_loop3A_449 = vector.broadcast %parallel_loop3A_433 : f32 to vector<16xf32>
        %parallel_loop3A_450 = arith.mulf %parallel_loop3A_448, %parallel_loop3A_449 : vector<16xf32>
        %parallel_loop3A_451 = arith.index_cast %parallel_loop3A_437 : i32 to index
        %parallel_loop3A_452 = arith.constant 8 : index
        %parallel_loop3A_453 = tpu.vector_load %arg20[%parallel_loop3A_451, %parallel_loop3A_452] {strides = array<i32>} : memref<128x32xf32, #tpu.memory_space<vmem>>, vector<16xf32>,
        tpu.vector_store %arg20[%parallel_loop3A_451, %parallel_loop3A_452], %parallel_loop3A_450 {strides = array<i32>} : memref<128x32xf32, #tpu.memory_space<vmem>>, vector<16xf32>,
        %parallel_loop3A_454 = vector.extract_strided_slice %parallel_loop3A_167 {offsets = [13], sizes = [1], strides = [1]} : vector<16xf32> to vector<1xf32>
        %parallel_loop3A_455 = vector.extract %parallel_loop3A_454[0] : f32 from vector<1xf32>
        %parallel_loop3A_456 = arith.constant 16 : i32
        %parallel_loop3A_457 = arith.muli %parallel_loop3A_155, %parallel_loop3A_456 : i32
        %parallel_loop3A_458 = arith.constant 13 : i32
        %parallel_loop3A_459 = arith.addi %parallel_loop3A_457, %parallel_loop3A_458 : i32
        %parallel_loop3A_460 = arith.index_cast %parallel_loop3A_459 : i32 to index
        %parallel_loop3A_461 = arith.constant 0 : index
        %parallel_loop3A_462 = tpu.vector_load %arg18[%parallel_loop3A_460, %parallel_loop3A_461] {strides = array<i32>} : memref<128x24xf32, #tpu.memory_space<vmem>>, vector<16xf32>,
        %parallel_loop3A_463 = vector.broadcast %parallel_loop3A_455 : f32 to vector<16xf32>
        %parallel_loop3A_464 = arith.mulf %parallel_loop3A_462, %parallel_loop3A_463 : vector<16xf32>
        %parallel_loop3A_465 = arith.index_cast %parallel_loop3A_459 : i32 to index
        %parallel_loop3A_466 = arith.constant 0 : index
        %parallel_loop3A_467 = tpu.vector_load %arg20[%parallel_loop3A_465, %parallel_loop3A_466] {strides = array<i32>} : memref<128x32xf32, #tpu.memory_space<vmem>>, vector<16xf32>,
        tpu.vector_store %arg20[%parallel_loop3A_465, %parallel_loop3A_466], %parallel_loop3A_464 {strides = array<i32>} : memref<128x32xf32, #tpu.memory_space<vmem>>, vector<16xf32>,
        %parallel_loop3A_468 = arith.index_cast %parallel_loop3A_459 : i32 to index
        %parallel_loop3A_469 = arith.constant 8 : index
        %parallel_loop3A_470 = tpu.vector_load %arg18[%parallel_loop3A_468, %parallel_loop3A_469] {strides = array<i32>} : memref<128x24xf32, #tpu.memory_space<vmem>>, vector<16xf32>,
        %parallel_loop3A_471 = vector.broadcast %parallel_loop3A_455 : f32 to vector<16xf32>
        %parallel_loop3A_472 = arith.mulf %parallel_loop3A_470, %parallel_loop3A_471 : vector<16xf32>
        %parallel_loop3A_473 = arith.index_cast %parallel_loop3A_459 : i32 to index
        %parallel_loop3A_474 = arith.constant 8 : index
        %parallel_loop3A_475 = tpu.vector_load %arg20[%parallel_loop3A_473, %parallel_loop3A_474] {strides = array<i32>} : memref<128x32xf32, #tpu.memory_space<vmem>>, vector<16xf32>,
        tpu.vector_store %arg20[%parallel_loop3A_473, %parallel_loop3A_474], %parallel_loop3A_472 {strides = array<i32>} : memref<128x32xf32, #tpu.memory_space<vmem>>, vector<16xf32>,
        %parallel_loop3A_476 = vector.extract_strided_slice %parallel_loop3A_167 {offsets = [14], sizes = [1], strides = [1]} : vector<16xf32> to vector<1xf32>
        %parallel_loop3A_477 = vector.extract %parallel_loop3A_476[0] : f32 from vector<1xf32>
        %parallel_loop3A_478 = arith.constant 16 : i32
        %parallel_loop3A_479 = arith.muli %parallel_loop3A_155, %parallel_loop3A_478 : i32
        %parallel_loop3A_480 = arith.constant 14 : i32
        %parallel_loop3A_481 = arith.addi %parallel_loop3A_479, %parallel_loop3A_480 : i32
        %parallel_loop3A_482 = arith.index_cast %parallel_loop3A_481 : i32 to index
        %parallel_loop3A_483 = arith.constant 0 : index
        %parallel_loop3A_484 = tpu.vector_load %arg18[%parallel_loop3A_482, %parallel_loop3A_483] {strides = array<i32>} : memref<128x24xf32, #tpu.memory_space<vmem>>, vector<16xf32>,
        %parallel_loop3A_485 = vector.broadcast %parallel_loop3A_477 : f32 to vector<16xf32>
        %parallel_loop3A_486 = arith.mulf %parallel_loop3A_484, %parallel_loop3A_485 : vector<16xf32>
        %parallel_loop3A_487 = arith.index_cast %parallel_loop3A_481 : i32 to index
        %parallel_loop3A_488 = arith.constant 0 : index
        %parallel_loop3A_489 = tpu.vector_load %arg20[%parallel_loop3A_487, %parallel_loop3A_488] {strides = array<i32>} : memref<128x32xf32, #tpu.memory_space<vmem>>, vector<16xf32>,
        tpu.vector_store %arg20[%parallel_loop3A_487, %parallel_loop3A_488], %parallel_loop3A_486 {strides = array<i32>} : memref<128x32xf32, #tpu.memory_space<vmem>>, vector<16xf32>,
        %parallel_loop3A_490 = arith.index_cast %parallel_loop3A_481 : i32 to index
        %parallel_loop3A_491 = arith.constant 8 : index
        %parallel_loop3A_492 = tpu.vector_load %arg18[%parallel_loop3A_490, %parallel_loop3A_491] {strides = array<i32>} : memref<128x24xf32, #tpu.memory_space<vmem>>, vector<16xf32>,
        %parallel_loop3A_493 = vector.broadcast %parallel_loop3A_477 : f32 to vector<16xf32>
        %parallel_loop3A_494 = arith.mulf %parallel_loop3A_492, %parallel_loop3A_493 : vector<16xf32>
        %parallel_loop3A_495 = arith.index_cast %parallel_loop3A_481 : i32 to index
        %parallel_loop3A_496 = arith.constant 8 : index
        %parallel_loop3A_497 = tpu.vector_load %arg20[%parallel_loop3A_495, %parallel_loop3A_496] {strides = array<i32>} : memref<128x32xf32, #tpu.memory_space<vmem>>, vector<16xf32>,
        tpu.vector_store %arg20[%parallel_loop3A_495, %parallel_loop3A_496], %parallel_loop3A_494 {strides = array<i32>} : memref<128x32xf32, #tpu.memory_space<vmem>>, vector<16xf32>,
        %parallel_loop3A_498 = vector.extract_strided_slice %parallel_loop3A_167 {offsets = [15], sizes = [1], strides = [1]} : vector<16xf32> to vector<1xf32>
        %parallel_loop3A_499 = vector.extract %parallel_loop3A_498[0] : f32 from vector<1xf32>
        %parallel_loop3A_500 = arith.constant 16 : i32
        %parallel_loop3A_501 = arith.muli %parallel_loop3A_155, %parallel_loop3A_500 : i32
        %parallel_loop3A_502 = arith.constant 15 : i32
        %parallel_loop3A_503 = arith.addi %parallel_loop3A_501, %parallel_loop3A_502 : i32
        %parallel_loop3A_504 = arith.index_cast %parallel_loop3A_503 : i32 to index
        %parallel_loop3A_505 = arith.constant 0 : index
        %parallel_loop3A_506 = tpu.vector_load %arg18[%parallel_loop3A_504, %parallel_loop3A_505] {strides = array<i32>} : memref<128x24xf32, #tpu.memory_space<vmem>>, vector<16xf32>,
        %parallel_loop3A_507 = vector.broadcast %parallel_loop3A_499 : f32 to vector<16xf32>
        %parallel_loop3A_508 = arith.mulf %parallel_loop3A_506, %parallel_loop3A_507 : vector<16xf32>
        %parallel_loop3A_509 = arith.index_cast %parallel_loop3A_503 : i32 to index
        %parallel_loop3A_510 = arith.constant 0 : index
        %parallel_loop3A_511 = tpu.vector_load %arg20[%parallel_loop3A_509, %parallel_loop3A_510] {strides = array<i32>} : memref<128x32xf32, #tpu.memory_space<vmem>>, vector<16xf32>,
        tpu.vector_store %arg20[%parallel_loop3A_509, %parallel_loop3A_510], %parallel_loop3A_508 {strides = array<i32>} : memref<128x32xf32, #tpu.memory_space<vmem>>, vector<16xf32>,
        %parallel_loop3A_512 = arith.index_cast %parallel_loop3A_503 : i32 to index
        %parallel_loop3A_513 = arith.constant 8 : index
        %parallel_loop3A_514 = tpu.vector_load %arg18[%parallel_loop3A_512, %parallel_loop3A_513] {strides = array<i32>} : memref<128x24xf32, #tpu.memory_space<vmem>>, vector<16xf32>,
        %parallel_loop3A_515 = vector.broadcast %parallel_loop3A_499 : f32 to vector<16xf32>
        %parallel_loop3A_516 = arith.mulf %parallel_loop3A_514, %parallel_loop3A_515 : vector<16xf32>
        %parallel_loop3A_517 = arith.index_cast %parallel_loop3A_503 : i32 to index
        %parallel_loop3A_518 = arith.constant 8 : index
        %parallel_loop3A_519 = tpu.vector_load %arg20[%parallel_loop3A_517, %parallel_loop3A_518] {strides = array<i32>} : memref<128x32xf32, #tpu.memory_space<vmem>>, vector<16xf32>,
        tpu.vector_store %arg20[%parallel_loop3A_517, %parallel_loop3A_518], %parallel_loop3A_516 {strides = array<i32>} : memref<128x32xf32, #tpu.memory_space<vmem>>, vector<16xf32>,
      } {sc.loop_unroll_factor = 2 : i64, sc.parallel_access}
      %dma_start3A_148 = arith.constant 0 : i32
      %dma_start3A_149 = tpu.memref_slice %arg15[%add3A_104, %dma_start3A_148] : memref<40x128xi32, #tpu.memory_space<vmem>> -> memref<1x128xi32, #tpu.memory_space<vmem>>
      %dma_start3A_150 = tpu.memref_squeeze %dma_start3A_149 : memref<1x128xi32, #tpu.memory_space<vmem>> -> memref<128xi32, #tpu.memory_space<vmem>>
      %dma_start3A_151 = arith.constant 0 : i32
      %dma_start3A_152 = arith.constant 0 : i32
      %dma_start3A_153 = tpu.memref_slice %arg8[%dma_start3A_151, %dma_start3A_152] : memref<12288x32xf32, #tpu.memory_space<vmem_shared>> -> memref<12288x32xf32, #tpu.memory_space<vmem_shared>>
      tpu.enqueue_indirect_dma source(%arg20 : memref<128x32xf32, #tpu.memory_space<vmem>>) target(%dma_start3A_153 : memref<12288x32xf32, #tpu.memory_space<vmem_shared>>) offsets(%dma_start3A_150 : memref<128xi32, #tpu.memory_space<vmem>>) semaphore(%arg25 : memref<!tpu.dma_semaphore, #tpu.memory_space<semaphore_mem>>) {add = true}
      %scan3A_154 = arith.constant 0 : i32
      scf.yield %scan3A_154 : i32
    }
    %scan3A_74 = arith.constant 20 : i32
    %dma_wait3A = arith.constant 0 : i32
    %dma_wait3A_75 = arith.constant 0 : i32
    %dma_wait3A_76 = tpu.memref_slice %arg15[%dma_wait3A, %dma_wait3A_75] : memref<40x128xi32, #tpu.memory_space<vmem>> -> memref<1x128xi32, #tpu.memory_space<vmem>>
    %dma_wait3A_77 = tpu.memref_squeeze %dma_wait3A_76 : memref<1x128xi32, #tpu.memory_space<vmem>> -> memref<128xi32, #tpu.memory_space<vmem>>
    %dma_wait3A_78 = arith.constant 0 : i32
    %dma_wait3A_79 = arith.constant 0 : i32
    %dma_wait3A_80 = tpu.memref_slice %arg8[%dma_wait3A_78, %dma_wait3A_79] : memref<12288x32xf32, #tpu.memory_space<vmem_shared>> -> memref<12288x32xf32, #tpu.memory_space<vmem_shared>>
    tpu.wait_indirect_dma semaphore(%arg25 : memref<!tpu.dma_semaphore, #tpu.memory_space<semaphore_mem>>) src(%arg19 : memref<128x32xf32, #tpu.memory_space<vmem>>) dst(%dma_wait3A_80 : memref<12288x32xf32, #tpu.memory_space<vmem_shared>>)
    %dma_wait3A_81 = arith.constant 0 : i32
    %dma_wait3A_82 = arith.constant 0 : i32
    %dma_wait3A_83 = tpu.memref_slice %arg15[%dma_wait3A_81, %dma_wait3A_82] : memref<40x128xi32, #tpu.memory_space<vmem>> -> memref<1x128xi32, #tpu.memory_space<vmem>>
    %dma_wait3A_84 = tpu.memref_squeeze %dma_wait3A_83 : memref<1x128xi32, #tpu.memory_space<vmem>> -> memref<128xi32, #tpu.memory_space<vmem>>
    %dma_wait3A_85 = arith.constant 0 : i32
    %dma_wait3A_86 = arith.constant 0 : i32
    %dma_wait3A_87 = tpu.memref_slice %arg8[%dma_wait3A_85, %dma_wait3A_86] : memref<12288x32xf32, #tpu.memory_space<vmem_shared>> -> memref<12288x32xf32, #tpu.memory_space<vmem_shared>>
    tpu.wait_indirect_dma semaphore(%arg25 : memref<!tpu.dma_semaphore, #tpu.memory_space<semaphore_mem>>) src(%arg20 : memref<128x32xf32, #tpu.memory_space<vmem>>) dst(%dma_wait3A_87 : memref<12288x32xf32, #tpu.memory_space<vmem_shared>>)
    "tpu.trace_stop"() : () -> ()
    %barrier3A_88 = arith.constant 0 : index
    tpu.barrier barrier_id(%barrier3A_88)
    %eq3A_89 = arith.constant 0 : i32
    "tpu.trace_start"() <{level = 10 : i32, message = "phE_out"}> : () -> ()
    %eq3A_90 = arith.cmpi eq, %arg0, %eq3A_89 : i32
    %convert_element_type3A_91 = arith.extui %eq3A_90 : i1 to i32
    %cond3A_92 = arith.constant 0 : i32
    %cond3A_93 = arith.cmpi ne, %convert_element_type3A_91, %cond3A_92 : i32
    scf.if %cond3A_93 {
      %scan3A_99 = arith.constant 0 : i32
      %scan3A_100 = arith.constant 0 : i32
      %scan3A_101 = arith.constant 6 : i32
      %scan3A_102 = arith.addi %scan3A_100, %scan3A_101 : i32
      %scan3A_103 = arith.constant 1 : i32
      %scan3A_104 = scf.for %scan3A_106 = %scan3A_100 to %scan3A_102 step %scan3A_103 iter_args(%scan3A_107 = %scan3A_99) -> (i32)  : i32 {
        %mul3A_108 = arith.constant 128 : i32
        %mul3A_109 = arith.muli %scan3A_106, %mul3A_108 : i32
        %add3A_110 = arith.addi %mul3A_3, %mul3A_109 : i32
        "tpu.region"() ({
          %run_scoped3A = tpu.sem_alloc : memref<!tpu.dma_semaphore, #tpu.memory_space<semaphore_mem>>
          %dma_start3A_115 = arith.constant 0 : i32
          %dma_start3A_116 = tpu.memref_slice %arg8[%add3A_110, %dma_start3A_115] : memref<12288x32xf32, #tpu.memory_space<vmem_shared>> -> memref<128x32xf32, #tpu.memory_space<vmem_shared>>
          %dma_start3A_117 = arith.constant 0 : i32
          %dma_start3A_118 = tpu.memref_slice %arg8[%add3A_110, %dma_start3A_117] : memref<12288x32xf32, #tpu.memory_space<vmem_shared>> -> memref<128x32xf32, #tpu.memory_space<vmem_shared>>
          tpu.enqueue_dma source(%dma_start3A_118 : memref<128x32xf32, #tpu.memory_space<vmem_shared>>) target(%arg19 : memref<128x32xf32, #tpu.memory_space<vmem>>) target_semaphore(%run_scoped3A : memref<!tpu.dma_semaphore, #tpu.memory_space<semaphore_mem>>)
          %dma_wait3A_119 = arith.constant 0 : i32
          %dma_wait3A_120 = tpu.memref_slice %arg8[%add3A_110, %dma_wait3A_119] : memref<12288x32xf32, #tpu.memory_space<vmem_shared>> -> memref<128x32xf32, #tpu.memory_space<vmem_shared>>
          %dma_wait3A_121 = arith.constant 0 : i32
          %dma_wait3A_122 = tpu.memref_slice %arg8[%add3A_110, %dma_wait3A_121] : memref<12288x32xf32, #tpu.memory_space<vmem_shared>> -> memref<128x32xf32, #tpu.memory_space<vmem_shared>>
          tpu.wait_dma2 semaphore(%run_scoped3A : memref<!tpu.dma_semaphore, #tpu.memory_space<semaphore_mem>>) src(%dma_wait3A_122 : memref<128x32xf32, #tpu.memory_space<vmem_shared>>) dst(%arg19 : memref<128x32xf32, #tpu.memory_space<vmem>>)
          tpu.yield
        }) : () -> ()
        "tpu.region"() ({
          %run_scoped3A = tpu.sem_alloc : memref<!tpu.dma_semaphore, #tpu.memory_space<semaphore_mem>>
          %dma_start3A_115 = arith.constant 0 : i32
          %dma_start3A_116 = tpu.memref_slice %arg10[%add3A_110, %dma_start3A_115] : memref<12288x24xf32, #tpu.memory_space<vmem_shared>> -> memref<128x24xf32, #tpu.memory_space<vmem_shared>>
          %dma_start3A_117 = arith.constant 0 : i32
          %dma_start3A_118 = tpu.memref_slice %arg10[%add3A_110, %dma_start3A_117] : memref<12288x24xf32, #tpu.memory_space<vmem_shared>> -> memref<128x24xf32, #tpu.memory_space<vmem_shared>>
          tpu.enqueue_dma source(%dma_start3A_118 : memref<128x24xf32, #tpu.memory_space<vmem_shared>>) target(%arg17 : memref<128x24xf32, #tpu.memory_space<vmem>>) target_semaphore(%run_scoped3A : memref<!tpu.dma_semaphore, #tpu.memory_space<semaphore_mem>>)
          %dma_wait3A_119 = arith.constant 0 : i32
          %dma_wait3A_120 = tpu.memref_slice %arg10[%add3A_110, %dma_wait3A_119] : memref<12288x24xf32, #tpu.memory_space<vmem_shared>> -> memref<128x24xf32, #tpu.memory_space<vmem_shared>>
          %dma_wait3A_121 = arith.constant 0 : i32
          %dma_wait3A_122 = tpu.memref_slice %arg10[%add3A_110, %dma_wait3A_121] : memref<12288x24xf32, #tpu.memory_space<vmem_shared>> -> memref<128x24xf32, #tpu.memory_space<vmem_shared>>
          tpu.wait_dma2 semaphore(%run_scoped3A : memref<!tpu.dma_semaphore, #tpu.memory_space<semaphore_mem>>) src(%dma_wait3A_122 : memref<128x24xf32, #tpu.memory_space<vmem_shared>>) dst(%arg17 : memref<128x24xf32, #tpu.memory_space<vmem>>)
          tpu.yield
        }) : () -> ()
        %parallel_loop3A_111 = arith.constant 0 : i32
        %parallel_loop3A_112 = arith.constant 8 : i32
        %parallel_loop3A_113 = arith.constant 1 : i32
        scf.for %parallel_loop3A_115 = %parallel_loop3A_111 to %parallel_loop3A_112 step %parallel_loop3A_113  : i32 {
          %parallel_loop3A_116 = arith.constant 16 : i32
          %parallel_loop3A_117 = arith.muli %parallel_loop3A_115, %parallel_loop3A_116 : i32
          %parallel_loop3A_118 = arith.addi %add3A_110, %parallel_loop3A_117 : i32
          %parallel_loop3A_119 = arith.index_cast %parallel_loop3A_118 : i32 to index
          %parallel_loop3A_120 = tpu.vector_load %arg11[%parallel_loop3A_119] {strides = array<i32>} : memref<12288xf32, #tpu.memory_space<vmem>>, vector<16xf32>,
          %parallel_loop3A_121 = vector.extract_strided_slice %parallel_loop3A_120 {offsets = [0], sizes = [1], strides = [1]} : vector<16xf32> to vector<1xf32>
          %parallel_loop3A_122 = vector.extract %parallel_loop3A_121[0] : f32 from vector<1xf32>
          %parallel_loop3A_123 = arith.constant 16 : i32
          %parallel_loop3A_124 = arith.muli %parallel_loop3A_115, %parallel_loop3A_123 : i32
          %parallel_loop3A_125 = arith.constant 0 : i32
          %parallel_loop3A_126 = arith.addi %parallel_loop3A_124, %parallel_loop3A_125 : i32
          %parallel_loop3A_127 = arith.index_cast %parallel_loop3A_126 : i32 to index
          %parallel_loop3A_128 = arith.constant 0 : index
          %parallel_loop3A_129 = tpu.vector_load %arg19[%parallel_loop3A_127, %parallel_loop3A_128] {strides = array<i32>} : memref<128x32xf32, #tpu.memory_space<vmem>>, vector<16xf32>,
          %parallel_loop3A_130 = arith.index_cast %parallel_loop3A_126 : i32 to index
          %parallel_loop3A_131 = arith.constant 8 : index
          %parallel_loop3A_132 = tpu.vector_load %arg19[%parallel_loop3A_130, %parallel_loop3A_131] {strides = array<i32>} : memref<128x32xf32, #tpu.memory_space<vmem>>, vector<16xf32>,
          %parallel_loop3A_133 = arith.index_cast %parallel_loop3A_126 : i32 to index
          %parallel_loop3A_134 = arith.constant 0 : index
          %parallel_loop3A_135 = tpu.vector_load %arg17[%parallel_loop3A_133, %parallel_loop3A_134] {strides = array<i32>} : memref<128x24xf32, #tpu.memory_space<vmem>>, vector<16xf32>,
          %parallel_loop3A_136 = vector.broadcast %parallel_loop3A_122 : f32 to vector<16xf32>
          %parallel_loop3A_137 = arith.mulf %parallel_loop3A_135, %parallel_loop3A_136 : vector<16xf32>
          %parallel_loop3A_138 = arith.addf %parallel_loop3A_129, %parallel_loop3A_137 : vector<16xf32>
          %parallel_loop3A_139 = arith.index_cast %parallel_loop3A_126 : i32 to index
          %parallel_loop3A_140 = arith.constant 0 : index
          %parallel_loop3A_141 = tpu.vector_load %arg19[%parallel_loop3A_139, %parallel_loop3A_140] {strides = array<i32>} : memref<128x32xf32, #tpu.memory_space<vmem>>, vector<16xf32>,
          tpu.vector_store %arg19[%parallel_loop3A_139, %parallel_loop3A_140], %parallel_loop3A_138 {strides = array<i32>} : memref<128x32xf32, #tpu.memory_space<vmem>>, vector<16xf32>,
          %parallel_loop3A_142 = arith.index_cast %parallel_loop3A_126 : i32 to index
          %parallel_loop3A_143 = arith.constant 8 : index
          %parallel_loop3A_144 = tpu.vector_load %arg17[%parallel_loop3A_142, %parallel_loop3A_143] {strides = array<i32>} : memref<128x24xf32, #tpu.memory_space<vmem>>, vector<16xf32>,
          %parallel_loop3A_145 = vector.broadcast %parallel_loop3A_122 : f32 to vector<16xf32>
          %parallel_loop3A_146 = arith.mulf %parallel_loop3A_144, %parallel_loop3A_145 : vector<16xf32>
          %parallel_loop3A_147 = arith.addf %parallel_loop3A_132, %parallel_loop3A_146 : vector<16xf32>
          %parallel_loop3A_148 = arith.index_cast %parallel_loop3A_126 : i32 to index
          %parallel_loop3A_149 = arith.constant 8 : index
          %parallel_loop3A_150 = tpu.vector_load %arg19[%parallel_loop3A_148, %parallel_loop3A_149] {strides = array<i32>} : memref<128x32xf32, #tpu.memory_space<vmem>>, vector<16xf32>,
          tpu.vector_store %arg19[%parallel_loop3A_148, %parallel_loop3A_149], %parallel_loop3A_147 {strides = array<i32>} : memref<128x32xf32, #tpu.memory_space<vmem>>, vector<16xf32>,
          %parallel_loop3A_151 = vector.extract_strided_slice %parallel_loop3A_120 {offsets = [1], sizes = [1], strides = [1]} : vector<16xf32> to vector<1xf32>
          %parallel_loop3A_152 = vector.extract %parallel_loop3A_151[0] : f32 from vector<1xf32>
          %parallel_loop3A_153 = arith.constant 16 : i32
          %parallel_loop3A_154 = arith.muli %parallel_loop3A_115, %parallel_loop3A_153 : i32
          %parallel_loop3A_155 = arith.constant 1 : i32
          %parallel_loop3A_156 = arith.addi %parallel_loop3A_154, %parallel_loop3A_155 : i32
          %parallel_loop3A_157 = arith.index_cast %parallel_loop3A_156 : i32 to index
          %parallel_loop3A_158 = arith.constant 0 : index
          %parallel_loop3A_159 = tpu.vector_load %arg19[%parallel_loop3A_157, %parallel_loop3A_158] {strides = array<i32>} : memref<128x32xf32, #tpu.memory_space<vmem>>, vector<16xf32>,
          %parallel_loop3A_160 = arith.index_cast %parallel_loop3A_156 : i32 to index
          %parallel_loop3A_161 = arith.constant 8 : index
          %parallel_loop3A_162 = tpu.vector_load %arg19[%parallel_loop3A_160, %parallel_loop3A_161] {strides = array<i32>} : memref<128x32xf32, #tpu.memory_space<vmem>>, vector<16xf32>,
          %parallel_loop3A_163 = arith.index_cast %parallel_loop3A_156 : i32 to index
          %parallel_loop3A_164 = arith.constant 0 : index
          %parallel_loop3A_165 = tpu.vector_load %arg17[%parallel_loop3A_163, %parallel_loop3A_164] {strides = array<i32>} : memref<128x24xf32, #tpu.memory_space<vmem>>, vector<16xf32>,
          %parallel_loop3A_166 = vector.broadcast %parallel_loop3A_152 : f32 to vector<16xf32>
          %parallel_loop3A_167 = arith.mulf %parallel_loop3A_165, %parallel_loop3A_166 : vector<16xf32>
          %parallel_loop3A_168 = arith.addf %parallel_loop3A_159, %parallel_loop3A_167 : vector<16xf32>
          %parallel_loop3A_169 = arith.index_cast %parallel_loop3A_156 : i32 to index
          %parallel_loop3A_170 = arith.constant 0 : index
          %parallel_loop3A_171 = tpu.vector_load %arg19[%parallel_loop3A_169, %parallel_loop3A_170] {strides = array<i32>} : memref<128x32xf32, #tpu.memory_space<vmem>>, vector<16xf32>,
          tpu.vector_store %arg19[%parallel_loop3A_169, %parallel_loop3A_170], %parallel_loop3A_168 {strides = array<i32>} : memref<128x32xf32, #tpu.memory_space<vmem>>, vector<16xf32>,
          %parallel_loop3A_172 = arith.index_cast %parallel_loop3A_156 : i32 to index
          %parallel_loop3A_173 = arith.constant 8 : index
          %parallel_loop3A_174 = tpu.vector_load %arg17[%parallel_loop3A_172, %parallel_loop3A_173] {strides = array<i32>} : memref<128x24xf32, #tpu.memory_space<vmem>>, vector<16xf32>,
          %parallel_loop3A_175 = vector.broadcast %parallel_loop3A_152 : f32 to vector<16xf32>
          %parallel_loop3A_176 = arith.mulf %parallel_loop3A_174, %parallel_loop3A_175 : vector<16xf32>
          %parallel_loop3A_177 = arith.addf %parallel_loop3A_162, %parallel_loop3A_176 : vector<16xf32>
          %parallel_loop3A_178 = arith.index_cast %parallel_loop3A_156 : i32 to index
          %parallel_loop3A_179 = arith.constant 8 : index
          %parallel_loop3A_180 = tpu.vector_load %arg19[%parallel_loop3A_178, %parallel_loop3A_179] {strides = array<i32>} : memref<128x32xf32, #tpu.memory_space<vmem>>, vector<16xf32>,
          tpu.vector_store %arg19[%parallel_loop3A_178, %parallel_loop3A_179], %parallel_loop3A_177 {strides = array<i32>} : memref<128x32xf32, #tpu.memory_space<vmem>>, vector<16xf32>,
          %parallel_loop3A_181 = vector.extract_strided_slice %parallel_loop3A_120 {offsets = [2], sizes = [1], strides = [1]} : vector<16xf32> to vector<1xf32>
          %parallel_loop3A_182 = vector.extract %parallel_loop3A_181[0] : f32 from vector<1xf32>
          %parallel_loop3A_183 = arith.constant 16 : i32
          %parallel_loop3A_184 = arith.muli %parallel_loop3A_115, %parallel_loop3A_183 : i32
          %parallel_loop3A_185 = arith.constant 2 : i32
          %parallel_loop3A_186 = arith.addi %parallel_loop3A_184, %parallel_loop3A_185 : i32
          %parallel_loop3A_187 = arith.index_cast %parallel_loop3A_186 : i32 to index
          %parallel_loop3A_188 = arith.constant 0 : index
          %parallel_loop3A_189 = tpu.vector_load %arg19[%parallel_loop3A_187, %parallel_loop3A_188] {strides = array<i32>} : memref<128x32xf32, #tpu.memory_space<vmem>>, vector<16xf32>,
          %parallel_loop3A_190 = arith.index_cast %parallel_loop3A_186 : i32 to index
          %parallel_loop3A_191 = arith.constant 8 : index
          %parallel_loop3A_192 = tpu.vector_load %arg19[%parallel_loop3A_190, %parallel_loop3A_191] {strides = array<i32>} : memref<128x32xf32, #tpu.memory_space<vmem>>, vector<16xf32>,
          %parallel_loop3A_193 = arith.index_cast %parallel_loop3A_186 : i32 to index
          %parallel_loop3A_194 = arith.constant 0 : index
          %parallel_loop3A_195 = tpu.vector_load %arg17[%parallel_loop3A_193, %parallel_loop3A_194] {strides = array<i32>} : memref<128x24xf32, #tpu.memory_space<vmem>>, vector<16xf32>,
          %parallel_loop3A_196 = vector.broadcast %parallel_loop3A_182 : f32 to vector<16xf32>
          %parallel_loop3A_197 = arith.mulf %parallel_loop3A_195, %parallel_loop3A_196 : vector<16xf32>
          %parallel_loop3A_198 = arith.addf %parallel_loop3A_189, %parallel_loop3A_197 : vector<16xf32>
          %parallel_loop3A_199 = arith.index_cast %parallel_loop3A_186 : i32 to index
          %parallel_loop3A_200 = arith.constant 0 : index
          %parallel_loop3A_201 = tpu.vector_load %arg19[%parallel_loop3A_199, %parallel_loop3A_200] {strides = array<i32>} : memref<128x32xf32, #tpu.memory_space<vmem>>, vector<16xf32>,
          tpu.vector_store %arg19[%parallel_loop3A_199, %parallel_loop3A_200], %parallel_loop3A_198 {strides = array<i32>} : memref<128x32xf32, #tpu.memory_space<vmem>>, vector<16xf32>,
          %parallel_loop3A_202 = arith.index_cast %parallel_loop3A_186 : i32 to index
          %parallel_loop3A_203 = arith.constant 8 : index
          %parallel_loop3A_204 = tpu.vector_load %arg17[%parallel_loop3A_202, %parallel_loop3A_203] {strides = array<i32>} : memref<128x24xf32, #tpu.memory_space<vmem>>, vector<16xf32>,
          %parallel_loop3A_205 = vector.broadcast %parallel_loop3A_182 : f32 to vector<16xf32>
          %parallel_loop3A_206 = arith.mulf %parallel_loop3A_204, %parallel_loop3A_205 : vector<16xf32>
          %parallel_loop3A_207 = arith.addf %parallel_loop3A_192, %parallel_loop3A_206 : vector<16xf32>
          %parallel_loop3A_208 = arith.index_cast %parallel_loop3A_186 : i32 to index
          %parallel_loop3A_209 = arith.constant 8 : index
          %parallel_loop3A_210 = tpu.vector_load %arg19[%parallel_loop3A_208, %parallel_loop3A_209] {strides = array<i32>} : memref<128x32xf32, #tpu.memory_space<vmem>>, vector<16xf32>,
          tpu.vector_store %arg19[%parallel_loop3A_208, %parallel_loop3A_209], %parallel_loop3A_207 {strides = array<i32>} : memref<128x32xf32, #tpu.memory_space<vmem>>, vector<16xf32>,
          %parallel_loop3A_211 = vector.extract_strided_slice %parallel_loop3A_120 {offsets = [3], sizes = [1], strides = [1]} : vector<16xf32> to vector<1xf32>
          %parallel_loop3A_212 = vector.extract %parallel_loop3A_211[0] : f32 from vector<1xf32>
          %parallel_loop3A_213 = arith.constant 16 : i32
          %parallel_loop3A_214 = arith.muli %parallel_loop3A_115, %parallel_loop3A_213 : i32
          %parallel_loop3A_215 = arith.constant 3 : i32
          %parallel_loop3A_216 = arith.addi %parallel_loop3A_214, %parallel_loop3A_215 : i32
          %parallel_loop3A_217 = arith.index_cast %parallel_loop3A_216 : i32 to index
          %parallel_loop3A_218 = arith.constant 0 : index
          %parallel_loop3A_219 = tpu.vector_load %arg19[%parallel_loop3A_217, %parallel_loop3A_218] {strides = array<i32>} : memref<128x32xf32, #tpu.memory_space<vmem>>, vector<16xf32>,
          %parallel_loop3A_220 = arith.index_cast %parallel_loop3A_216 : i32 to index
          %parallel_loop3A_221 = arith.constant 8 : index
          %parallel_loop3A_222 = tpu.vector_load %arg19[%parallel_loop3A_220, %parallel_loop3A_221] {strides = array<i32>} : memref<128x32xf32, #tpu.memory_space<vmem>>, vector<16xf32>,
          %parallel_loop3A_223 = arith.index_cast %parallel_loop3A_216 : i32 to index
          %parallel_loop3A_224 = arith.constant 0 : index
          %parallel_loop3A_225 = tpu.vector_load %arg17[%parallel_loop3A_223, %parallel_loop3A_224] {strides = array<i32>} : memref<128x24xf32, #tpu.memory_space<vmem>>, vector<16xf32>,
          %parallel_loop3A_226 = vector.broadcast %parallel_loop3A_212 : f32 to vector<16xf32>
          %parallel_loop3A_227 = arith.mulf %parallel_loop3A_225, %parallel_loop3A_226 : vector<16xf32>
          %parallel_loop3A_228 = arith.addf %parallel_loop3A_219, %parallel_loop3A_227 : vector<16xf32>
          %parallel_loop3A_229 = arith.index_cast %parallel_loop3A_216 : i32 to index
          %parallel_loop3A_230 = arith.constant 0 : index
          %parallel_loop3A_231 = tpu.vector_load %arg19[%parallel_loop3A_229, %parallel_loop3A_230] {strides = array<i32>} : memref<128x32xf32, #tpu.memory_space<vmem>>, vector<16xf32>,
          tpu.vector_store %arg19[%parallel_loop3A_229, %parallel_loop3A_230], %parallel_loop3A_228 {strides = array<i32>} : memref<128x32xf32, #tpu.memory_space<vmem>>, vector<16xf32>,
          %parallel_loop3A_232 = arith.index_cast %parallel_loop3A_216 : i32 to index
          %parallel_loop3A_233 = arith.constant 8 : index
          %parallel_loop3A_234 = tpu.vector_load %arg17[%parallel_loop3A_232, %parallel_loop3A_233] {strides = array<i32>} : memref<128x24xf32, #tpu.memory_space<vmem>>, vector<16xf32>,
          %parallel_loop3A_235 = vector.broadcast %parallel_loop3A_212 : f32 to vector<16xf32>
          %parallel_loop3A_236 = arith.mulf %parallel_loop3A_234, %parallel_loop3A_235 : vector<16xf32>
          %parallel_loop3A_237 = arith.addf %parallel_loop3A_222, %parallel_loop3A_236 : vector<16xf32>
          %parallel_loop3A_238 = arith.index_cast %parallel_loop3A_216 : i32 to index
          %parallel_loop3A_239 = arith.constant 8 : index
          %parallel_loop3A_240 = tpu.vector_load %arg19[%parallel_loop3A_238, %parallel_loop3A_239] {strides = array<i32>} : memref<128x32xf32, #tpu.memory_space<vmem>>, vector<16xf32>,
          tpu.vector_store %arg19[%parallel_loop3A_238, %parallel_loop3A_239], %parallel_loop3A_237 {strides = array<i32>} : memref<128x32xf32, #tpu.memory_space<vmem>>, vector<16xf32>,
          %parallel_loop3A_241 = vector.extract_strided_slice %parallel_loop3A_120 {offsets = [4], sizes = [1], strides = [1]} : vector<16xf32> to vector<1xf32>
          %parallel_loop3A_242 = vector.extract %parallel_loop3A_241[0] : f32 from vector<1xf32>
          %parallel_loop3A_243 = arith.constant 16 : i32
          %parallel_loop3A_244 = arith.muli %parallel_loop3A_115, %parallel_loop3A_243 : i32
          %parallel_loop3A_245 = arith.constant 4 : i32
          %parallel_loop3A_246 = arith.addi %parallel_loop3A_244, %parallel_loop3A_245 : i32
          %parallel_loop3A_247 = arith.index_cast %parallel_loop3A_246 : i32 to index
          %parallel_loop3A_248 = arith.constant 0 : index
          %parallel_loop3A_249 = tpu.vector_load %arg19[%parallel_loop3A_247, %parallel_loop3A_248] {strides = array<i32>} : memref<128x32xf32, #tpu.memory_space<vmem>>, vector<16xf32>,
          %parallel_loop3A_250 = arith.index_cast %parallel_loop3A_246 : i32 to index
          %parallel_loop3A_251 = arith.constant 8 : index
          %parallel_loop3A_252 = tpu.vector_load %arg19[%parallel_loop3A_250, %parallel_loop3A_251] {strides = array<i32>} : memref<128x32xf32, #tpu.memory_space<vmem>>, vector<16xf32>,
          %parallel_loop3A_253 = arith.index_cast %parallel_loop3A_246 : i32 to index
          %parallel_loop3A_254 = arith.constant 0 : index
          %parallel_loop3A_255 = tpu.vector_load %arg17[%parallel_loop3A_253, %parallel_loop3A_254] {strides = array<i32>} : memref<128x24xf32, #tpu.memory_space<vmem>>, vector<16xf32>,
          %parallel_loop3A_256 = vector.broadcast %parallel_loop3A_242 : f32 to vector<16xf32>
          %parallel_loop3A_257 = arith.mulf %parallel_loop3A_255, %parallel_loop3A_256 : vector<16xf32>
          %parallel_loop3A_258 = arith.addf %parallel_loop3A_249, %parallel_loop3A_257 : vector<16xf32>
          %parallel_loop3A_259 = arith.index_cast %parallel_loop3A_246 : i32 to index
          %parallel_loop3A_260 = arith.constant 0 : index
          %parallel_loop3A_261 = tpu.vector_load %arg19[%parallel_loop3A_259, %parallel_loop3A_260] {strides = array<i32>} : memref<128x32xf32, #tpu.memory_space<vmem>>, vector<16xf32>,
          tpu.vector_store %arg19[%parallel_loop3A_259, %parallel_loop3A_260], %parallel_loop3A_258 {strides = array<i32>} : memref<128x32xf32, #tpu.memory_space<vmem>>, vector<16xf32>,
          %parallel_loop3A_262 = arith.index_cast %parallel_loop3A_246 : i32 to index
          %parallel_loop3A_263 = arith.constant 8 : index
          %parallel_loop3A_264 = tpu.vector_load %arg17[%parallel_loop3A_262, %parallel_loop3A_263] {strides = array<i32>} : memref<128x24xf32, #tpu.memory_space<vmem>>, vector<16xf32>,
          %parallel_loop3A_265 = vector.broadcast %parallel_loop3A_242 : f32 to vector<16xf32>
          %parallel_loop3A_266 = arith.mulf %parallel_loop3A_264, %parallel_loop3A_265 : vector<16xf32>
          %parallel_loop3A_267 = arith.addf %parallel_loop3A_252, %parallel_loop3A_266 : vector<16xf32>
          %parallel_loop3A_268 = arith.index_cast %parallel_loop3A_246 : i32 to index
          %parallel_loop3A_269 = arith.constant 8 : index
          %parallel_loop3A_270 = tpu.vector_load %arg19[%parallel_loop3A_268, %parallel_loop3A_269] {strides = array<i32>} : memref<128x32xf32, #tpu.memory_space<vmem>>, vector<16xf32>,
          tpu.vector_store %arg19[%parallel_loop3A_268, %parallel_loop3A_269], %parallel_loop3A_267 {strides = array<i32>} : memref<128x32xf32, #tpu.memory_space<vmem>>, vector<16xf32>,
          %parallel_loop3A_271 = vector.extract_strided_slice %parallel_loop3A_120 {offsets = [5], sizes = [1], strides = [1]} : vector<16xf32> to vector<1xf32>
          %parallel_loop3A_272 = vector.extract %parallel_loop3A_271[0] : f32 from vector<1xf32>
          %parallel_loop3A_273 = arith.constant 16 : i32
          %parallel_loop3A_274 = arith.muli %parallel_loop3A_115, %parallel_loop3A_273 : i32
          %parallel_loop3A_275 = arith.constant 5 : i32
          %parallel_loop3A_276 = arith.addi %parallel_loop3A_274, %parallel_loop3A_275 : i32
          %parallel_loop3A_277 = arith.index_cast %parallel_loop3A_276 : i32 to index
          %parallel_loop3A_278 = arith.constant 0 : index
          %parallel_loop3A_279 = tpu.vector_load %arg19[%parallel_loop3A_277, %parallel_loop3A_278] {strides = array<i32>} : memref<128x32xf32, #tpu.memory_space<vmem>>, vector<16xf32>,
          %parallel_loop3A_280 = arith.index_cast %parallel_loop3A_276 : i32 to index
          %parallel_loop3A_281 = arith.constant 8 : index
          %parallel_loop3A_282 = tpu.vector_load %arg19[%parallel_loop3A_280, %parallel_loop3A_281] {strides = array<i32>} : memref<128x32xf32, #tpu.memory_space<vmem>>, vector<16xf32>,
          %parallel_loop3A_283 = arith.index_cast %parallel_loop3A_276 : i32 to index
          %parallel_loop3A_284 = arith.constant 0 : index
          %parallel_loop3A_285 = tpu.vector_load %arg17[%parallel_loop3A_283, %parallel_loop3A_284] {strides = array<i32>} : memref<128x24xf32, #tpu.memory_space<vmem>>, vector<16xf32>,
          %parallel_loop3A_286 = vector.broadcast %parallel_loop3A_272 : f32 to vector<16xf32>
          %parallel_loop3A_287 = arith.mulf %parallel_loop3A_285, %parallel_loop3A_286 : vector<16xf32>
          %parallel_loop3A_288 = arith.addf %parallel_loop3A_279, %parallel_loop3A_287 : vector<16xf32>
          %parallel_loop3A_289 = arith.index_cast %parallel_loop3A_276 : i32 to index
          %parallel_loop3A_290 = arith.constant 0 : index
          %parallel_loop3A_291 = tpu.vector_load %arg19[%parallel_loop3A_289, %parallel_loop3A_290] {strides = array<i32>} : memref<128x32xf32, #tpu.memory_space<vmem>>, vector<16xf32>,
          tpu.vector_store %arg19[%parallel_loop3A_289, %parallel_loop3A_290], %parallel_loop3A_288 {strides = array<i32>} : memref<128x32xf32, #tpu.memory_space<vmem>>, vector<16xf32>,
          %parallel_loop3A_292 = arith.index_cast %parallel_loop3A_276 : i32 to index
          %parallel_loop3A_293 = arith.constant 8 : index
          %parallel_loop3A_294 = tpu.vector_load %arg17[%parallel_loop3A_292, %parallel_loop3A_293] {strides = array<i32>} : memref<128x24xf32, #tpu.memory_space<vmem>>, vector<16xf32>,
          %parallel_loop3A_295 = vector.broadcast %parallel_loop3A_272 : f32 to vector<16xf32>
          %parallel_loop3A_296 = arith.mulf %parallel_loop3A_294, %parallel_loop3A_295 : vector<16xf32>
          %parallel_loop3A_297 = arith.addf %parallel_loop3A_282, %parallel_loop3A_296 : vector<16xf32>
          %parallel_loop3A_298 = arith.index_cast %parallel_loop3A_276 : i32 to index
          %parallel_loop3A_299 = arith.constant 8 : index
          %parallel_loop3A_300 = tpu.vector_load %arg19[%parallel_loop3A_298, %parallel_loop3A_299] {strides = array<i32>} : memref<128x32xf32, #tpu.memory_space<vmem>>, vector<16xf32>,
          tpu.vector_store %arg19[%parallel_loop3A_298, %parallel_loop3A_299], %parallel_loop3A_297 {strides = array<i32>} : memref<128x32xf32, #tpu.memory_space<vmem>>, vector<16xf32>,
          %parallel_loop3A_301 = vector.extract_strided_slice %parallel_loop3A_120 {offsets = [6], sizes = [1], strides = [1]} : vector<16xf32> to vector<1xf32>
          %parallel_loop3A_302 = vector.extract %parallel_loop3A_301[0] : f32 from vector<1xf32>
          %parallel_loop3A_303 = arith.constant 16 : i32
          %parallel_loop3A_304 = arith.muli %parallel_loop3A_115, %parallel_loop3A_303 : i32
          %parallel_loop3A_305 = arith.constant 6 : i32
          %parallel_loop3A_306 = arith.addi %parallel_loop3A_304, %parallel_loop3A_305 : i32
          %parallel_loop3A_307 = arith.index_cast %parallel_loop3A_306 : i32 to index
          %parallel_loop3A_308 = arith.constant 0 : index
          %parallel_loop3A_309 = tpu.vector_load %arg19[%parallel_loop3A_307, %parallel_loop3A_308] {strides = array<i32>} : memref<128x32xf32, #tpu.memory_space<vmem>>, vector<16xf32>,
          %parallel_loop3A_310 = arith.index_cast %parallel_loop3A_306 : i32 to index
          %parallel_loop3A_311 = arith.constant 8 : index
          %parallel_loop3A_312 = tpu.vector_load %arg19[%parallel_loop3A_310, %parallel_loop3A_311] {strides = array<i32>} : memref<128x32xf32, #tpu.memory_space<vmem>>, vector<16xf32>,
          %parallel_loop3A_313 = arith.index_cast %parallel_loop3A_306 : i32 to index
          %parallel_loop3A_314 = arith.constant 0 : index
          %parallel_loop3A_315 = tpu.vector_load %arg17[%parallel_loop3A_313, %parallel_loop3A_314] {strides = array<i32>} : memref<128x24xf32, #tpu.memory_space<vmem>>, vector<16xf32>,
          %parallel_loop3A_316 = vector.broadcast %parallel_loop3A_302 : f32 to vector<16xf32>
          %parallel_loop3A_317 = arith.mulf %parallel_loop3A_315, %parallel_loop3A_316 : vector<16xf32>
          %parallel_loop3A_318 = arith.addf %parallel_loop3A_309, %parallel_loop3A_317 : vector<16xf32>
          %parallel_loop3A_319 = arith.index_cast %parallel_loop3A_306 : i32 to index
          %parallel_loop3A_320 = arith.constant 0 : index
          %parallel_loop3A_321 = tpu.vector_load %arg19[%parallel_loop3A_319, %parallel_loop3A_320] {strides = array<i32>} : memref<128x32xf32, #tpu.memory_space<vmem>>, vector<16xf32>,
          tpu.vector_store %arg19[%parallel_loop3A_319, %parallel_loop3A_320], %parallel_loop3A_318 {strides = array<i32>} : memref<128x32xf32, #tpu.memory_space<vmem>>, vector<16xf32>,
          %parallel_loop3A_322 = arith.index_cast %parallel_loop3A_306 : i32 to index
          %parallel_loop3A_323 = arith.constant 8 : index
          %parallel_loop3A_324 = tpu.vector_load %arg17[%parallel_loop3A_322, %parallel_loop3A_323] {strides = array<i32>} : memref<128x24xf32, #tpu.memory_space<vmem>>, vector<16xf32>,
          %parallel_loop3A_325 = vector.broadcast %parallel_loop3A_302 : f32 to vector<16xf32>
          %parallel_loop3A_326 = arith.mulf %parallel_loop3A_324, %parallel_loop3A_325 : vector<16xf32>
          %parallel_loop3A_327 = arith.addf %parallel_loop3A_312, %parallel_loop3A_326 : vector<16xf32>
          %parallel_loop3A_328 = arith.index_cast %parallel_loop3A_306 : i32 to index
          %parallel_loop3A_329 = arith.constant 8 : index
          %parallel_loop3A_330 = tpu.vector_load %arg19[%parallel_loop3A_328, %parallel_loop3A_329] {strides = array<i32>} : memref<128x32xf32, #tpu.memory_space<vmem>>, vector<16xf32>,
          tpu.vector_store %arg19[%parallel_loop3A_328, %parallel_loop3A_329], %parallel_loop3A_327 {strides = array<i32>} : memref<128x32xf32, #tpu.memory_space<vmem>>, vector<16xf32>,
          %parallel_loop3A_331 = vector.extract_strided_slice %parallel_loop3A_120 {offsets = [7], sizes = [1], strides = [1]} : vector<16xf32> to vector<1xf32>
          %parallel_loop3A_332 = vector.extract %parallel_loop3A_331[0] : f32 from vector<1xf32>
          %parallel_loop3A_333 = arith.constant 16 : i32
          %parallel_loop3A_334 = arith.muli %parallel_loop3A_115, %parallel_loop3A_333 : i32
          %parallel_loop3A_335 = arith.constant 7 : i32
          %parallel_loop3A_336 = arith.addi %parallel_loop3A_334, %parallel_loop3A_335 : i32
          %parallel_loop3A_337 = arith.index_cast %parallel_loop3A_336 : i32 to index
          %parallel_loop3A_338 = arith.constant 0 : index
          %parallel_loop3A_339 = tpu.vector_load %arg19[%parallel_loop3A_337, %parallel_loop3A_338] {strides = array<i32>} : memref<128x32xf32, #tpu.memory_space<vmem>>, vector<16xf32>,
          %parallel_loop3A_340 = arith.index_cast %parallel_loop3A_336 : i32 to index
          %parallel_loop3A_341 = arith.constant 8 : index
          %parallel_loop3A_342 = tpu.vector_load %arg19[%parallel_loop3A_340, %parallel_loop3A_341] {strides = array<i32>} : memref<128x32xf32, #tpu.memory_space<vmem>>, vector<16xf32>,
          %parallel_loop3A_343 = arith.index_cast %parallel_loop3A_336 : i32 to index
          %parallel_loop3A_344 = arith.constant 0 : index
          %parallel_loop3A_345 = tpu.vector_load %arg17[%parallel_loop3A_343, %parallel_loop3A_344] {strides = array<i32>} : memref<128x24xf32, #tpu.memory_space<vmem>>, vector<16xf32>,
          %parallel_loop3A_346 = vector.broadcast %parallel_loop3A_332 : f32 to vector<16xf32>
          %parallel_loop3A_347 = arith.mulf %parallel_loop3A_345, %parallel_loop3A_346 : vector<16xf32>
          %parallel_loop3A_348 = arith.addf %parallel_loop3A_339, %parallel_loop3A_347 : vector<16xf32>
          %parallel_loop3A_349 = arith.index_cast %parallel_loop3A_336 : i32 to index
          %parallel_loop3A_350 = arith.constant 0 : index
          %parallel_loop3A_351 = tpu.vector_load %arg19[%parallel_loop3A_349, %parallel_loop3A_350] {strides = array<i32>} : memref<128x32xf32, #tpu.memory_space<vmem>>, vector<16xf32>,
          tpu.vector_store %arg19[%parallel_loop3A_349, %parallel_loop3A_350], %parallel_loop3A_348 {strides = array<i32>} : memref<128x32xf32, #tpu.memory_space<vmem>>, vector<16xf32>,
          %parallel_loop3A_352 = arith.index_cast %parallel_loop3A_336 : i32 to index
          %parallel_loop3A_353 = arith.constant 8 : index
          %parallel_loop3A_354 = tpu.vector_load %arg17[%parallel_loop3A_352, %parallel_loop3A_353] {strides = array<i32>} : memref<128x24xf32, #tpu.memory_space<vmem>>, vector<16xf32>,
          %parallel_loop3A_355 = vector.broadcast %parallel_loop3A_332 : f32 to vector<16xf32>
          %parallel_loop3A_356 = arith.mulf %parallel_loop3A_354, %parallel_loop3A_355 : vector<16xf32>
          %parallel_loop3A_357 = arith.addf %parallel_loop3A_342, %parallel_loop3A_356 : vector<16xf32>
          %parallel_loop3A_358 = arith.index_cast %parallel_loop3A_336 : i32 to index
          %parallel_loop3A_359 = arith.constant 8 : index
          %parallel_loop3A_360 = tpu.vector_load %arg19[%parallel_loop3A_358, %parallel_loop3A_359] {strides = array<i32>} : memref<128x32xf32, #tpu.memory_space<vmem>>, vector<16xf32>,
          tpu.vector_store %arg19[%parallel_loop3A_358, %parallel_loop3A_359], %parallel_loop3A_357 {strides = array<i32>} : memref<128x32xf32, #tpu.memory_space<vmem>>, vector<16xf32>,
          %parallel_loop3A_361 = vector.extract_strided_slice %parallel_loop3A_120 {offsets = [8], sizes = [1], strides = [1]} : vector<16xf32> to vector<1xf32>
          %parallel_loop3A_362 = vector.extract %parallel_loop3A_361[0] : f32 from vector<1xf32>
          %parallel_loop3A_363 = arith.constant 16 : i32
          %parallel_loop3A_364 = arith.muli %parallel_loop3A_115, %parallel_loop3A_363 : i32
          %parallel_loop3A_365 = arith.constant 8 : i32
          %parallel_loop3A_366 = arith.addi %parallel_loop3A_364, %parallel_loop3A_365 : i32
          %parallel_loop3A_367 = arith.index_cast %parallel_loop3A_366 : i32 to index
          %parallel_loop3A_368 = arith.constant 0 : index
          %parallel_loop3A_369 = tpu.vector_load %arg19[%parallel_loop3A_367, %parallel_loop3A_368] {strides = array<i32>} : memref<128x32xf32, #tpu.memory_space<vmem>>, vector<16xf32>,
          %parallel_loop3A_370 = arith.index_cast %parallel_loop3A_366 : i32 to index
          %parallel_loop3A_371 = arith.constant 8 : index
          %parallel_loop3A_372 = tpu.vector_load %arg19[%parallel_loop3A_370, %parallel_loop3A_371] {strides = array<i32>} : memref<128x32xf32, #tpu.memory_space<vmem>>, vector<16xf32>,
          %parallel_loop3A_373 = arith.index_cast %parallel_loop3A_366 : i32 to index
          %parallel_loop3A_374 = arith.constant 0 : index
          %parallel_loop3A_375 = tpu.vector_load %arg17[%parallel_loop3A_373, %parallel_loop3A_374] {strides = array<i32>} : memref<128x24xf32, #tpu.memory_space<vmem>>, vector<16xf32>,
          %parallel_loop3A_376 = vector.broadcast %parallel_loop3A_362 : f32 to vector<16xf32>
          %parallel_loop3A_377 = arith.mulf %parallel_loop3A_375, %parallel_loop3A_376 : vector<16xf32>
          %parallel_loop3A_378 = arith.addf %parallel_loop3A_369, %parallel_loop3A_377 : vector<16xf32>
          %parallel_loop3A_379 = arith.index_cast %parallel_loop3A_366 : i32 to index
          %parallel_loop3A_380 = arith.constant 0 : index
          %parallel_loop3A_381 = tpu.vector_load %arg19[%parallel_loop3A_379, %parallel_loop3A_380] {strides = array<i32>} : memref<128x32xf32, #tpu.memory_space<vmem>>, vector<16xf32>,
          tpu.vector_store %arg19[%parallel_loop3A_379, %parallel_loop3A_380], %parallel_loop3A_378 {strides = array<i32>} : memref<128x32xf32, #tpu.memory_space<vmem>>, vector<16xf32>,
          %parallel_loop3A_382 = arith.index_cast %parallel_loop3A_366 : i32 to index
          %parallel_loop3A_383 = arith.constant 8 : index
          %parallel_loop3A_384 = tpu.vector_load %arg17[%parallel_loop3A_382, %parallel_loop3A_383] {strides = array<i32>} : memref<128x24xf32, #tpu.memory_space<vmem>>, vector<16xf32>,
          %parallel_loop3A_385 = vector.broadcast %parallel_loop3A_362 : f32 to vector<16xf32>
          %parallel_loop3A_386 = arith.mulf %parallel_loop3A_384, %parallel_loop3A_385 : vector<16xf32>
          %parallel_loop3A_387 = arith.addf %parallel_loop3A_372, %parallel_loop3A_386 : vector<16xf32>
          %parallel_loop3A_388 = arith.index_cast %parallel_loop3A_366 : i32 to index
          %parallel_loop3A_389 = arith.constant 8 : index
          %parallel_loop3A_390 = tpu.vector_load %arg19[%parallel_loop3A_388, %parallel_loop3A_389] {strides = array<i32>} : memref<128x32xf32, #tpu.memory_space<vmem>>, vector<16xf32>,
          tpu.vector_store %arg19[%parallel_loop3A_388, %parallel_loop3A_389], %parallel_loop3A_387 {strides = array<i32>} : memref<128x32xf32, #tpu.memory_space<vmem>>, vector<16xf32>,
          %parallel_loop3A_391 = vector.extract_strided_slice %parallel_loop3A_120 {offsets = [9], sizes = [1], strides = [1]} : vector<16xf32> to vector<1xf32>
          %parallel_loop3A_392 = vector.extract %parallel_loop3A_391[0] : f32 from vector<1xf32>
          %parallel_loop3A_393 = arith.constant 16 : i32
          %parallel_loop3A_394 = arith.muli %parallel_loop3A_115, %parallel_loop3A_393 : i32
          %parallel_loop3A_395 = arith.constant 9 : i32
          %parallel_loop3A_396 = arith.addi %parallel_loop3A_394, %parallel_loop3A_395 : i32
          %parallel_loop3A_397 = arith.index_cast %parallel_loop3A_396 : i32 to index
          %parallel_loop3A_398 = arith.constant 0 : index
          %parallel_loop3A_399 = tpu.vector_load %arg19[%parallel_loop3A_397, %parallel_loop3A_398] {strides = array<i32>} : memref<128x32xf32, #tpu.memory_space<vmem>>, vector<16xf32>,
          %parallel_loop3A_400 = arith.index_cast %parallel_loop3A_396 : i32 to index
          %parallel_loop3A_401 = arith.constant 8 : index
          %parallel_loop3A_402 = tpu.vector_load %arg19[%parallel_loop3A_400, %parallel_loop3A_401] {strides = array<i32>} : memref<128x32xf32, #tpu.memory_space<vmem>>, vector<16xf32>,
          %parallel_loop3A_403 = arith.index_cast %parallel_loop3A_396 : i32 to index
          %parallel_loop3A_404 = arith.constant 0 : index
          %parallel_loop3A_405 = tpu.vector_load %arg17[%parallel_loop3A_403, %parallel_loop3A_404] {strides = array<i32>} : memref<128x24xf32, #tpu.memory_space<vmem>>, vector<16xf32>,
          %parallel_loop3A_406 = vector.broadcast %parallel_loop3A_392 : f32 to vector<16xf32>
          %parallel_loop3A_407 = arith.mulf %parallel_loop3A_405, %parallel_loop3A_406 : vector<16xf32>
          %parallel_loop3A_408 = arith.addf %parallel_loop3A_399, %parallel_loop3A_407 : vector<16xf32>
          %parallel_loop3A_409 = arith.index_cast %parallel_loop3A_396 : i32 to index
          %parallel_loop3A_410 = arith.constant 0 : index
          %parallel_loop3A_411 = tpu.vector_load %arg19[%parallel_loop3A_409, %parallel_loop3A_410] {strides = array<i32>} : memref<128x32xf32, #tpu.memory_space<vmem>>, vector<16xf32>,
          tpu.vector_store %arg19[%parallel_loop3A_409, %parallel_loop3A_410], %parallel_loop3A_408 {strides = array<i32>} : memref<128x32xf32, #tpu.memory_space<vmem>>, vector<16xf32>,
          %parallel_loop3A_412 = arith.index_cast %parallel_loop3A_396 : i32 to index
          %parallel_loop3A_413 = arith.constant 8 : index
          %parallel_loop3A_414 = tpu.vector_load %arg17[%parallel_loop3A_412, %parallel_loop3A_413] {strides = array<i32>} : memref<128x24xf32, #tpu.memory_space<vmem>>, vector<16xf32>,
          %parallel_loop3A_415 = vector.broadcast %parallel_loop3A_392 : f32 to vector<16xf32>
          %parallel_loop3A_416 = arith.mulf %parallel_loop3A_414, %parallel_loop3A_415 : vector<16xf32>
          %parallel_loop3A_417 = arith.addf %parallel_loop3A_402, %parallel_loop3A_416 : vector<16xf32>
          %parallel_loop3A_418 = arith.index_cast %parallel_loop3A_396 : i32 to index
          %parallel_loop3A_419 = arith.constant 8 : index
          %parallel_loop3A_420 = tpu.vector_load %arg19[%parallel_loop3A_418, %parallel_loop3A_419] {strides = array<i32>} : memref<128x32xf32, #tpu.memory_space<vmem>>, vector<16xf32>,
          tpu.vector_store %arg19[%parallel_loop3A_418, %parallel_loop3A_419], %parallel_loop3A_417 {strides = array<i32>} : memref<128x32xf32, #tpu.memory_space<vmem>>, vector<16xf32>,
          %parallel_loop3A_421 = vector.extract_strided_slice %parallel_loop3A_120 {offsets = [10], sizes = [1], strides = [1]} : vector<16xf32> to vector<1xf32>
          %parallel_loop3A_422 = vector.extract %parallel_loop3A_421[0] : f32 from vector<1xf32>
          %parallel_loop3A_423 = arith.constant 16 : i32
          %parallel_loop3A_424 = arith.muli %parallel_loop3A_115, %parallel_loop3A_423 : i32
          %parallel_loop3A_425 = arith.constant 10 : i32
          %parallel_loop3A_426 = arith.addi %parallel_loop3A_424, %parallel_loop3A_425 : i32
          %parallel_loop3A_427 = arith.index_cast %parallel_loop3A_426 : i32 to index
          %parallel_loop3A_428 = arith.constant 0 : index
          %parallel_loop3A_429 = tpu.vector_load %arg19[%parallel_loop3A_427, %parallel_loop3A_428] {strides = array<i32>} : memref<128x32xf32, #tpu.memory_space<vmem>>, vector<16xf32>,
          %parallel_loop3A_430 = arith.index_cast %parallel_loop3A_426 : i32 to index
          %parallel_loop3A_431 = arith.constant 8 : index
          %parallel_loop3A_432 = tpu.vector_load %arg19[%parallel_loop3A_430, %parallel_loop3A_431] {strides = array<i32>} : memref<128x32xf32, #tpu.memory_space<vmem>>, vector<16xf32>,
          %parallel_loop3A_433 = arith.index_cast %parallel_loop3A_426 : i32 to index
          %parallel_loop3A_434 = arith.constant 0 : index
          %parallel_loop3A_435 = tpu.vector_load %arg17[%parallel_loop3A_433, %parallel_loop3A_434] {strides = array<i32>} : memref<128x24xf32, #tpu.memory_space<vmem>>, vector<16xf32>,
          %parallel_loop3A_436 = vector.broadcast %parallel_loop3A_422 : f32 to vector<16xf32>
          %parallel_loop3A_437 = arith.mulf %parallel_loop3A_435, %parallel_loop3A_436 : vector<16xf32>
          %parallel_loop3A_438 = arith.addf %parallel_loop3A_429, %parallel_loop3A_437 : vector<16xf32>
          %parallel_loop3A_439 = arith.index_cast %parallel_loop3A_426 : i32 to index
          %parallel_loop3A_440 = arith.constant 0 : index
          %parallel_loop3A_441 = tpu.vector_load %arg19[%parallel_loop3A_439, %parallel_loop3A_440] {strides = array<i32>} : memref<128x32xf32, #tpu.memory_space<vmem>>, vector<16xf32>,
          tpu.vector_store %arg19[%parallel_loop3A_439, %parallel_loop3A_440], %parallel_loop3A_438 {strides = array<i32>} : memref<128x32xf32, #tpu.memory_space<vmem>>, vector<16xf32>,
          %parallel_loop3A_442 = arith.index_cast %parallel_loop3A_426 : i32 to index
          %parallel_loop3A_443 = arith.constant 8 : index
          %parallel_loop3A_444 = tpu.vector_load %arg17[%parallel_loop3A_442, %parallel_loop3A_443] {strides = array<i32>} : memref<128x24xf32, #tpu.memory_space<vmem>>, vector<16xf32>,
          %parallel_loop3A_445 = vector.broadcast %parallel_loop3A_422 : f32 to vector<16xf32>
          %parallel_loop3A_446 = arith.mulf %parallel_loop3A_444, %parallel_loop3A_445 : vector<16xf32>
          %parallel_loop3A_447 = arith.addf %parallel_loop3A_432, %parallel_loop3A_446 : vector<16xf32>
          %parallel_loop3A_448 = arith.index_cast %parallel_loop3A_426 : i32 to index
          %parallel_loop3A_449 = arith.constant 8 : index
          %parallel_loop3A_450 = tpu.vector_load %arg19[%parallel_loop3A_448, %parallel_loop3A_449] {strides = array<i32>} : memref<128x32xf32, #tpu.memory_space<vmem>>, vector<16xf32>,
          tpu.vector_store %arg19[%parallel_loop3A_448, %parallel_loop3A_449], %parallel_loop3A_447 {strides = array<i32>} : memref<128x32xf32, #tpu.memory_space<vmem>>, vector<16xf32>,
          %parallel_loop3A_451 = vector.extract_strided_slice %parallel_loop3A_120 {offsets = [11], sizes = [1], strides = [1]} : vector<16xf32> to vector<1xf32>
          %parallel_loop3A_452 = vector.extract %parallel_loop3A_451[0] : f32 from vector<1xf32>
          %parallel_loop3A_453 = arith.constant 16 : i32
          %parallel_loop3A_454 = arith.muli %parallel_loop3A_115, %parallel_loop3A_453 : i32
          %parallel_loop3A_455 = arith.constant 11 : i32
          %parallel_loop3A_456 = arith.addi %parallel_loop3A_454, %parallel_loop3A_455 : i32
          %parallel_loop3A_457 = arith.index_cast %parallel_loop3A_456 : i32 to index
          %parallel_loop3A_458 = arith.constant 0 : index
          %parallel_loop3A_459 = tpu.vector_load %arg19[%parallel_loop3A_457, %parallel_loop3A_458] {strides = array<i32>} : memref<128x32xf32, #tpu.memory_space<vmem>>, vector<16xf32>,
          %parallel_loop3A_460 = arith.index_cast %parallel_loop3A_456 : i32 to index
          %parallel_loop3A_461 = arith.constant 8 : index
          %parallel_loop3A_462 = tpu.vector_load %arg19[%parallel_loop3A_460, %parallel_loop3A_461] {strides = array<i32>} : memref<128x32xf32, #tpu.memory_space<vmem>>, vector<16xf32>,
          %parallel_loop3A_463 = arith.index_cast %parallel_loop3A_456 : i32 to index
          %parallel_loop3A_464 = arith.constant 0 : index
          %parallel_loop3A_465 = tpu.vector_load %arg17[%parallel_loop3A_463, %parallel_loop3A_464] {strides = array<i32>} : memref<128x24xf32, #tpu.memory_space<vmem>>, vector<16xf32>,
          %parallel_loop3A_466 = vector.broadcast %parallel_loop3A_452 : f32 to vector<16xf32>
          %parallel_loop3A_467 = arith.mulf %parallel_loop3A_465, %parallel_loop3A_466 : vector<16xf32>
          %parallel_loop3A_468 = arith.addf %parallel_loop3A_459, %parallel_loop3A_467 : vector<16xf32>
          %parallel_loop3A_469 = arith.index_cast %parallel_loop3A_456 : i32 to index
          %parallel_loop3A_470 = arith.constant 0 : index
          %parallel_loop3A_471 = tpu.vector_load %arg19[%parallel_loop3A_469, %parallel_loop3A_470] {strides = array<i32>} : memref<128x32xf32, #tpu.memory_space<vmem>>, vector<16xf32>,
          tpu.vector_store %arg19[%parallel_loop3A_469, %parallel_loop3A_470], %parallel_loop3A_468 {strides = array<i32>} : memref<128x32xf32, #tpu.memory_space<vmem>>, vector<16xf32>,
          %parallel_loop3A_472 = arith.index_cast %parallel_loop3A_456 : i32 to index
          %parallel_loop3A_473 = arith.constant 8 : index
          %parallel_loop3A_474 = tpu.vector_load %arg17[%parallel_loop3A_472, %parallel_loop3A_473] {strides = array<i32>} : memref<128x24xf32, #tpu.memory_space<vmem>>, vector<16xf32>,
          %parallel_loop3A_475 = vector.broadcast %parallel_loop3A_452 : f32 to vector<16xf32>
          %parallel_loop3A_476 = arith.mulf %parallel_loop3A_474, %parallel_loop3A_475 : vector<16xf32>
          %parallel_loop3A_477 = arith.addf %parallel_loop3A_462, %parallel_loop3A_476 : vector<16xf32>
          %parallel_loop3A_478 = arith.index_cast %parallel_loop3A_456 : i32 to index
          %parallel_loop3A_479 = arith.constant 8 : index
          %parallel_loop3A_480 = tpu.vector_load %arg19[%parallel_loop3A_478, %parallel_loop3A_479] {strides = array<i32>} : memref<128x32xf32, #tpu.memory_space<vmem>>, vector<16xf32>,
          tpu.vector_store %arg19[%parallel_loop3A_478, %parallel_loop3A_479], %parallel_loop3A_477 {strides = array<i32>} : memref<128x32xf32, #tpu.memory_space<vmem>>, vector<16xf32>,
          %parallel_loop3A_481 = vector.extract_strided_slice %parallel_loop3A_120 {offsets = [12], sizes = [1], strides = [1]} : vector<16xf32> to vector<1xf32>
          %parallel_loop3A_482 = vector.extract %parallel_loop3A_481[0] : f32 from vector<1xf32>
          %parallel_loop3A_483 = arith.constant 16 : i32
          %parallel_loop3A_484 = arith.muli %parallel_loop3A_115, %parallel_loop3A_483 : i32
          %parallel_loop3A_485 = arith.constant 12 : i32
          %parallel_loop3A_486 = arith.addi %parallel_loop3A_484, %parallel_loop3A_485 : i32
          %parallel_loop3A_487 = arith.index_cast %parallel_loop3A_486 : i32 to index
          %parallel_loop3A_488 = arith.constant 0 : index
          %parallel_loop3A_489 = tpu.vector_load %arg19[%parallel_loop3A_487, %parallel_loop3A_488] {strides = array<i32>} : memref<128x32xf32, #tpu.memory_space<vmem>>, vector<16xf32>,
          %parallel_loop3A_490 = arith.index_cast %parallel_loop3A_486 : i32 to index
          %parallel_loop3A_491 = arith.constant 8 : index
          %parallel_loop3A_492 = tpu.vector_load %arg19[%parallel_loop3A_490, %parallel_loop3A_491] {strides = array<i32>} : memref<128x32xf32, #tpu.memory_space<vmem>>, vector<16xf32>,
          %parallel_loop3A_493 = arith.index_cast %parallel_loop3A_486 : i32 to index
          %parallel_loop3A_494 = arith.constant 0 : index
          %parallel_loop3A_495 = tpu.vector_load %arg17[%parallel_loop3A_493, %parallel_loop3A_494] {strides = array<i32>} : memref<128x24xf32, #tpu.memory_space<vmem>>, vector<16xf32>,
          %parallel_loop3A_496 = vector.broadcast %parallel_loop3A_482 : f32 to vector<16xf32>
          %parallel_loop3A_497 = arith.mulf %parallel_loop3A_495, %parallel_loop3A_496 : vector<16xf32>
          %parallel_loop3A_498 = arith.addf %parallel_loop3A_489, %parallel_loop3A_497 : vector<16xf32>
          %parallel_loop3A_499 = arith.index_cast %parallel_loop3A_486 : i32 to index
          %parallel_loop3A_500 = arith.constant 0 : index
          %parallel_loop3A_501 = tpu.vector_load %arg19[%parallel_loop3A_499, %parallel_loop3A_500] {strides = array<i32>} : memref<128x32xf32, #tpu.memory_space<vmem>>, vector<16xf32>,
          tpu.vector_store %arg19[%parallel_loop3A_499, %parallel_loop3A_500], %parallel_loop3A_498 {strides = array<i32>} : memref<128x32xf32, #tpu.memory_space<vmem>>, vector<16xf32>,
          %parallel_loop3A_502 = arith.index_cast %parallel_loop3A_486 : i32 to index
          %parallel_loop3A_503 = arith.constant 8 : index
          %parallel_loop3A_504 = tpu.vector_load %arg17[%parallel_loop3A_502, %parallel_loop3A_503] {strides = array<i32>} : memref<128x24xf32, #tpu.memory_space<vmem>>, vector<16xf32>,
          %parallel_loop3A_505 = vector.broadcast %parallel_loop3A_482 : f32 to vector<16xf32>
          %parallel_loop3A_506 = arith.mulf %parallel_loop3A_504, %parallel_loop3A_505 : vector<16xf32>
          %parallel_loop3A_507 = arith.addf %parallel_loop3A_492, %parallel_loop3A_506 : vector<16xf32>
          %parallel_loop3A_508 = arith.index_cast %parallel_loop3A_486 : i32 to index
          %parallel_loop3A_509 = arith.constant 8 : index
          %parallel_loop3A_510 = tpu.vector_load %arg19[%parallel_loop3A_508, %parallel_loop3A_509] {strides = array<i32>} : memref<128x32xf32, #tpu.memory_space<vmem>>, vector<16xf32>,
          tpu.vector_store %arg19[%parallel_loop3A_508, %parallel_loop3A_509], %parallel_loop3A_507 {strides = array<i32>} : memref<128x32xf32, #tpu.memory_space<vmem>>, vector<16xf32>,
          %parallel_loop3A_511 = vector.extract_strided_slice %parallel_loop3A_120 {offsets = [13], sizes = [1], strides = [1]} : vector<16xf32> to vector<1xf32>
          %parallel_loop3A_512 = vector.extract %parallel_loop3A_511[0] : f32 from vector<1xf32>
          %parallel_loop3A_513 = arith.constant 16 : i32
          %parallel_loop3A_514 = arith.muli %parallel_loop3A_115, %parallel_loop3A_513 : i32
          %parallel_loop3A_515 = arith.constant 13 : i32
          %parallel_loop3A_516 = arith.addi %parallel_loop3A_514, %parallel_loop3A_515 : i32
          %parallel_loop3A_517 = arith.index_cast %parallel_loop3A_516 : i32 to index
          %parallel_loop3A_518 = arith.constant 0 : index
          %parallel_loop3A_519 = tpu.vector_load %arg19[%parallel_loop3A_517, %parallel_loop3A_518] {strides = array<i32>} : memref<128x32xf32, #tpu.memory_space<vmem>>, vector<16xf32>,
          %parallel_loop3A_520 = arith.index_cast %parallel_loop3A_516 : i32 to index
          %parallel_loop3A_521 = arith.constant 8 : index
          %parallel_loop3A_522 = tpu.vector_load %arg19[%parallel_loop3A_520, %parallel_loop3A_521] {strides = array<i32>} : memref<128x32xf32, #tpu.memory_space<vmem>>, vector<16xf32>,
          %parallel_loop3A_523 = arith.index_cast %parallel_loop3A_516 : i32 to index
          %parallel_loop3A_524 = arith.constant 0 : index
          %parallel_loop3A_525 = tpu.vector_load %arg17[%parallel_loop3A_523, %parallel_loop3A_524] {strides = array<i32>} : memref<128x24xf32, #tpu.memory_space<vmem>>, vector<16xf32>,
          %parallel_loop3A_526 = vector.broadcast %parallel_loop3A_512 : f32 to vector<16xf32>
          %parallel_loop3A_527 = arith.mulf %parallel_loop3A_525, %parallel_loop3A_526 : vector<16xf32>
          %parallel_loop3A_528 = arith.addf %parallel_loop3A_519, %parallel_loop3A_527 : vector<16xf32>
          %parallel_loop3A_529 = arith.index_cast %parallel_loop3A_516 : i32 to index
          %parallel_loop3A_530 = arith.constant 0 : index
          %parallel_loop3A_531 = tpu.vector_load %arg19[%parallel_loop3A_529, %parallel_loop3A_530] {strides = array<i32>} : memref<128x32xf32, #tpu.memory_space<vmem>>, vector<16xf32>,
          tpu.vector_store %arg19[%parallel_loop3A_529, %parallel_loop3A_530], %parallel_loop3A_528 {strides = array<i32>} : memref<128x32xf32, #tpu.memory_space<vmem>>, vector<16xf32>,
          %parallel_loop3A_532 = arith.index_cast %parallel_loop3A_516 : i32 to index
          %parallel_loop3A_533 = arith.constant 8 : index
          %parallel_loop3A_534 = tpu.vector_load %arg17[%parallel_loop3A_532, %parallel_loop3A_533] {strides = array<i32>} : memref<128x24xf32, #tpu.memory_space<vmem>>, vector<16xf32>,
          %parallel_loop3A_535 = vector.broadcast %parallel_loop3A_512 : f32 to vector<16xf32>
          %parallel_loop3A_536 = arith.mulf %parallel_loop3A_534, %parallel_loop3A_535 : vector<16xf32>
          %parallel_loop3A_537 = arith.addf %parallel_loop3A_522, %parallel_loop3A_536 : vector<16xf32>
          %parallel_loop3A_538 = arith.index_cast %parallel_loop3A_516 : i32 to index
          %parallel_loop3A_539 = arith.constant 8 : index
          %parallel_loop3A_540 = tpu.vector_load %arg19[%parallel_loop3A_538, %parallel_loop3A_539] {strides = array<i32>} : memref<128x32xf32, #tpu.memory_space<vmem>>, vector<16xf32>,
          tpu.vector_store %arg19[%parallel_loop3A_538, %parallel_loop3A_539], %parallel_loop3A_537 {strides = array<i32>} : memref<128x32xf32, #tpu.memory_space<vmem>>, vector<16xf32>,
          %parallel_loop3A_541 = vector.extract_strided_slice %parallel_loop3A_120 {offsets = [14], sizes = [1], strides = [1]} : vector<16xf32> to vector<1xf32>
          %parallel_loop3A_542 = vector.extract %parallel_loop3A_541[0] : f32 from vector<1xf32>
          %parallel_loop3A_543 = arith.constant 16 : i32
          %parallel_loop3A_544 = arith.muli %parallel_loop3A_115, %parallel_loop3A_543 : i32
          %parallel_loop3A_545 = arith.constant 14 : i32
          %parallel_loop3A_546 = arith.addi %parallel_loop3A_544, %parallel_loop3A_545 : i32
          %parallel_loop3A_547 = arith.index_cast %parallel_loop3A_546 : i32 to index
          %parallel_loop3A_548 = arith.constant 0 : index
          %parallel_loop3A_549 = tpu.vector_load %arg19[%parallel_loop3A_547, %parallel_loop3A_548] {strides = array<i32>} : memref<128x32xf32, #tpu.memory_space<vmem>>, vector<16xf32>,
          %parallel_loop3A_550 = arith.index_cast %parallel_loop3A_546 : i32 to index
          %parallel_loop3A_551 = arith.constant 8 : index
          %parallel_loop3A_552 = tpu.vector_load %arg19[%parallel_loop3A_550, %parallel_loop3A_551] {strides = array<i32>} : memref<128x32xf32, #tpu.memory_space<vmem>>, vector<16xf32>,
          %parallel_loop3A_553 = arith.index_cast %parallel_loop3A_546 : i32 to index
          %parallel_loop3A_554 = arith.constant 0 : index
          %parallel_loop3A_555 = tpu.vector_load %arg17[%parallel_loop3A_553, %parallel_loop3A_554] {strides = array<i32>} : memref<128x24xf32, #tpu.memory_space<vmem>>, vector<16xf32>,
          %parallel_loop3A_556 = vector.broadcast %parallel_loop3A_542 : f32 to vector<16xf32>
          %parallel_loop3A_557 = arith.mulf %parallel_loop3A_555, %parallel_loop3A_556 : vector<16xf32>
          %parallel_loop3A_558 = arith.addf %parallel_loop3A_549, %parallel_loop3A_557 : vector<16xf32>
          %parallel_loop3A_559 = arith.index_cast %parallel_loop3A_546 : i32 to index
          %parallel_loop3A_560 = arith.constant 0 : index
          %parallel_loop3A_561 = tpu.vector_load %arg19[%parallel_loop3A_559, %parallel_loop3A_560] {strides = array<i32>} : memref<128x32xf32, #tpu.memory_space<vmem>>, vector<16xf32>,
          tpu.vector_store %arg19[%parallel_loop3A_559, %parallel_loop3A_560], %parallel_loop3A_558 {strides = array<i32>} : memref<128x32xf32, #tpu.memory_space<vmem>>, vector<16xf32>,
          %parallel_loop3A_562 = arith.index_cast %parallel_loop3A_546 : i32 to index
          %parallel_loop3A_563 = arith.constant 8 : index
          %parallel_loop3A_564 = tpu.vector_load %arg17[%parallel_loop3A_562, %parallel_loop3A_563] {strides = array<i32>} : memref<128x24xf32, #tpu.memory_space<vmem>>, vector<16xf32>,
          %parallel_loop3A_565 = vector.broadcast %parallel_loop3A_542 : f32 to vector<16xf32>
          %parallel_loop3A_566 = arith.mulf %parallel_loop3A_564, %parallel_loop3A_565 : vector<16xf32>
          %parallel_loop3A_567 = arith.addf %parallel_loop3A_552, %parallel_loop3A_566 : vector<16xf32>
          %parallel_loop3A_568 = arith.index_cast %parallel_loop3A_546 : i32 to index
          %parallel_loop3A_569 = arith.constant 8 : index
          %parallel_loop3A_570 = tpu.vector_load %arg19[%parallel_loop3A_568, %parallel_loop3A_569] {strides = array<i32>} : memref<128x32xf32, #tpu.memory_space<vmem>>, vector<16xf32>,
          tpu.vector_store %arg19[%parallel_loop3A_568, %parallel_loop3A_569], %parallel_loop3A_567 {strides = array<i32>} : memref<128x32xf32, #tpu.memory_space<vmem>>, vector<16xf32>,
          %parallel_loop3A_571 = vector.extract_strided_slice %parallel_loop3A_120 {offsets = [15], sizes = [1], strides = [1]} : vector<16xf32> to vector<1xf32>
          %parallel_loop3A_572 = vector.extract %parallel_loop3A_571[0] : f32 from vector<1xf32>
          %parallel_loop3A_573 = arith.constant 16 : i32
          %parallel_loop3A_574 = arith.muli %parallel_loop3A_115, %parallel_loop3A_573 : i32
          %parallel_loop3A_575 = arith.constant 15 : i32
          %parallel_loop3A_576 = arith.addi %parallel_loop3A_574, %parallel_loop3A_575 : i32
          %parallel_loop3A_577 = arith.index_cast %parallel_loop3A_576 : i32 to index
          %parallel_loop3A_578 = arith.constant 0 : index
          %parallel_loop3A_579 = tpu.vector_load %arg19[%parallel_loop3A_577, %parallel_loop3A_578] {strides = array<i32>} : memref<128x32xf32, #tpu.memory_space<vmem>>, vector<16xf32>,
          %parallel_loop3A_580 = arith.index_cast %parallel_loop3A_576 : i32 to index
          %parallel_loop3A_581 = arith.constant 8 : index
          %parallel_loop3A_582 = tpu.vector_load %arg19[%parallel_loop3A_580, %parallel_loop3A_581] {strides = array<i32>} : memref<128x32xf32, #tpu.memory_space<vmem>>, vector<16xf32>,
          %parallel_loop3A_583 = arith.index_cast %parallel_loop3A_576 : i32 to index
          %parallel_loop3A_584 = arith.constant 0 : index
          %parallel_loop3A_585 = tpu.vector_load %arg17[%parallel_loop3A_583, %parallel_loop3A_584] {strides = array<i32>} : memref<128x24xf32, #tpu.memory_space<vmem>>, vector<16xf32>,
          %parallel_loop3A_586 = vector.broadcast %parallel_loop3A_572 : f32 to vector<16xf32>
          %parallel_loop3A_587 = arith.mulf %parallel_loop3A_585, %parallel_loop3A_586 : vector<16xf32>
          %parallel_loop3A_588 = arith.addf %parallel_loop3A_579, %parallel_loop3A_587 : vector<16xf32>
          %parallel_loop3A_589 = arith.index_cast %parallel_loop3A_576 : i32 to index
          %parallel_loop3A_590 = arith.constant 0 : index
          %parallel_loop3A_591 = tpu.vector_load %arg19[%parallel_loop3A_589, %parallel_loop3A_590] {strides = array<i32>} : memref<128x32xf32, #tpu.memory_space<vmem>>, vector<16xf32>,
          tpu.vector_store %arg19[%parallel_loop3A_589, %parallel_loop3A_590], %parallel_loop3A_588 {strides = array<i32>} : memref<128x32xf32, #tpu.memory_space<vmem>>, vector<16xf32>,
          %parallel_loop3A_592 = arith.index_cast %parallel_loop3A_576 : i32 to index
          %parallel_loop3A_593 = arith.constant 8 : index
          %parallel_loop3A_594 = tpu.vector_load %arg17[%parallel_loop3A_592, %parallel_loop3A_593] {strides = array<i32>} : memref<128x24xf32, #tpu.memory_space<vmem>>, vector<16xf32>,
          %parallel_loop3A_595 = vector.broadcast %parallel_loop3A_572 : f32 to vector<16xf32>
          %parallel_loop3A_596 = arith.mulf %parallel_loop3A_594, %parallel_loop3A_595 : vector<16xf32>
          %parallel_loop3A_597 = arith.addf %parallel_loop3A_582, %parallel_loop3A_596 : vector<16xf32>
          %parallel_loop3A_598 = arith.index_cast %parallel_loop3A_576 : i32 to index
          %parallel_loop3A_599 = arith.constant 8 : index
          %parallel_loop3A_600 = tpu.vector_load %arg19[%parallel_loop3A_598, %parallel_loop3A_599] {strides = array<i32>} : memref<128x32xf32, #tpu.memory_space<vmem>>, vector<16xf32>,
          tpu.vector_store %arg19[%parallel_loop3A_598, %parallel_loop3A_599], %parallel_loop3A_597 {strides = array<i32>} : memref<128x32xf32, #tpu.memory_space<vmem>>, vector<16xf32>,
        } {sc.loop_unroll_factor = 2 : i64, sc.parallel_access}
        "tpu.region"() ({
          %run_scoped3A = tpu.sem_alloc : memref<!tpu.dma_semaphore, #tpu.memory_space<semaphore_mem>>
          %dma_start3A_115 = arith.constant 0 : i32
          %dma_start3A_116 = tpu.memref_slice %arg6[%arg0, %add3A_110, %dma_start3A_115] : memref<2x12288x32xf32, #tpu.memory_space<hbm>> -> memref<1x128x32xf32, #tpu.memory_space<hbm>>
          %dma_start3A_117 = tpu.memref_squeeze %dma_start3A_116 : memref<1x128x32xf32, #tpu.memory_space<hbm>> -> memref<128x32xf32, #tpu.memory_space<hbm>>
          %dma_start3A_118 = arith.constant 0 : i32
          %dma_start3A_119 = tpu.memref_slice %arg6[%arg0, %add3A_110, %dma_start3A_118] : memref<2x12288x32xf32, #tpu.memory_space<hbm>> -> memref<1x128x32xf32, #tpu.memory_space<hbm>>
          %dma_start3A_120 = tpu.memref_squeeze %dma_start3A_119 : memref<1x128x32xf32, #tpu.memory_space<hbm>> -> memref<128x32xf32, #tpu.memory_space<hbm>>
          tpu.enqueue_dma source(%arg19 : memref<128x32xf32, #tpu.memory_space<vmem>>) target(%dma_start3A_120 : memref<128x32xf32, #tpu.memory_space<hbm>>) target_semaphore(%run_scoped3A : memref<!tpu.dma_semaphore, #tpu.memory_space<semaphore_mem>>)
          %dma_wait3A_121 = arith.constant 0 : i32
          %dma_wait3A_122 = tpu.memref_slice %arg6[%arg0, %add3A_110, %dma_wait3A_121] : memref<2x12288x32xf32, #tpu.memory_space<hbm>> -> memref<1x128x32xf32, #tpu.memory_space<hbm>>
          %dma_wait3A_123 = tpu.memref_squeeze %dma_wait3A_122 : memref<1x128x32xf32, #tpu.memory_space<hbm>> -> memref<128x32xf32, #tpu.memory_space<hbm>>
          %dma_wait3A_124 = arith.constant 0 : i32
          %dma_wait3A_125 = tpu.memref_slice %arg6[%arg0, %add3A_110, %dma_wait3A_124] : memref<2x12288x32xf32, #tpu.memory_space<hbm>> -> memref<1x128x32xf32, #tpu.memory_space<hbm>>
          %dma_wait3A_126 = tpu.memref_squeeze %dma_wait3A_125 : memref<1x128x32xf32, #tpu.memory_space<hbm>> -> memref<128x32xf32, #tpu.memory_space<hbm>>
          tpu.wait_dma2 semaphore(%run_scoped3A : memref<!tpu.dma_semaphore, #tpu.memory_space<semaphore_mem>>) src(%arg19 : memref<128x32xf32, #tpu.memory_space<vmem>>) dst(%dma_wait3A_126 : memref<128x32xf32, #tpu.memory_space<hbm>>)
          tpu.yield
        }) : () -> ()
        %scan3A_114 = arith.constant 0 : i32
        scf.yield %scan3A_114 : i32
      }
      %scan3A_105 = arith.constant 6 : i32
    } else {
    }
    %eq3A_94 = arith.constant 1 : i32
    %eq3A_95 = arith.cmpi eq, %arg0, %eq3A_94 : i32
    %convert_element_type3A_96 = arith.extui %eq3A_95 : i1 to i32
    %cond3A_97 = arith.constant 0 : i32
    %cond3A_98 = arith.cmpi ne, %convert_element_type3A_96, %cond3A_97 : i32
    scf.if %cond3A_98 {
      "tpu.region"() ({
        %run_scoped3A = tpu.sem_alloc : memref<!tpu.dma_semaphore, #tpu.memory_space<semaphore_mem>>
        %dma_start3A_99 = arith.constant 0 : i32
        %dma_start3A_100 = tpu.memref_slice %arg6[%arg0, %mul3A_3, %dma_start3A_99] : memref<2x12288x32xf32, #tpu.memory_space<hbm>> -> memref<1x768x32xf32, #tpu.memory_space<hbm>>
        %dma_start3A_101 = tpu.memref_squeeze %dma_start3A_100 : memref<1x768x32xf32, #tpu.memory_space<hbm>> -> memref<768x32xf32, #tpu.memory_space<hbm>>
        %dma_start3A_102 = arith.constant 0 : i32
        %dma_start3A_103 = tpu.memref_slice %arg8[%mul3A_3, %dma_start3A_102] : memref<12288x32xf32, #tpu.memory_space<vmem_shared>> -> memref<768x32xf32, #tpu.memory_space<vmem_shared>>
        tpu.enqueue_dma source(%dma_start3A_103 : memref<768x32xf32, #tpu.memory_space<vmem_shared>>) target(%dma_start3A_101 : memref<768x32xf32, #tpu.memory_space<hbm>>) target_semaphore(%run_scoped3A : memref<!tpu.dma_semaphore, #tpu.memory_space<semaphore_mem>>)
        %dma_wait3A_104 = arith.constant 0 : i32
        %dma_wait3A_105 = tpu.memref_slice %arg6[%arg0, %mul3A_3, %dma_wait3A_104] : memref<2x12288x32xf32, #tpu.memory_space<hbm>> -> memref<1x768x32xf32, #tpu.memory_space<hbm>>
        %dma_wait3A_106 = tpu.memref_squeeze %dma_wait3A_105 : memref<1x768x32xf32, #tpu.memory_space<hbm>> -> memref<768x32xf32, #tpu.memory_space<hbm>>
        %dma_wait3A_107 = arith.constant 0 : i32
        %dma_wait3A_108 = tpu.memref_slice %arg8[%mul3A_3, %dma_wait3A_107] : memref<12288x32xf32, #tpu.memory_space<vmem_shared>> -> memref<768x32xf32, #tpu.memory_space<vmem_shared>>
        tpu.wait_dma2 semaphore(%run_scoped3A : memref<!tpu.dma_semaphore, #tpu.memory_space<semaphore_mem>>) src(%dma_wait3A_108 : memref<768x32xf32, #tpu.memory_space<vmem_shared>>) dst(%dma_wait3A_106 : memref<768x32xf32, #tpu.memory_space<hbm>>)
        tpu.yield
      }) : () -> ()
    } else {
    }
    "tpu.trace_stop"() : () -> ()
    return
  }
}

module attributes {stable_mosaic.version = 14 : i64} {
  func.func @temporal_conv_readout_tc(%arg0: i32, %arg1: memref<2x2048x32xf32, #tpu.memory_space<vmem>>, %arg2: memref<1x2048xf32, #tpu.memory_space<vmem>>, %arg3: memref<768x32xbf16, #tpu.memory_space<vmem>>, %arg4: memref<768x32xbf16, #tpu.memory_space<vmem>>, %arg5: memref<768x1xf32, #tpu.memory_space<vmem>>, %arg6: memref<768x1xf32, #tpu.memory_space<vmem>>, %arg7: memref<1x1xf32, #tpu.memory_space<vmem>>, %arg8: memref<2x1x2048xf32, #tpu.memory_space<vmem>>) attributes {dimension_semantics = [#tpu.dimension_semantics<arbitrary>], iteration_bounds = array<i64: 6>, scalar_prefetch = 0 : i64, scratch_operands = 0 : i64, tpu.core_type = #tpu.core_type<tc>, window_params = [{transform_indices = @transform_0, window_bounds = array<i64: 2, 2048, 32>}, {transform_indices = @transform_1, window_bounds = array<i64: 1, 2048>}, {pipeline_mode = #tpu.pipeline_mode<synchronous>, transform_indices = @transform_2, window_bounds = array<i64: 768, 32>}, {pipeline_mode = #tpu.pipeline_mode<synchronous>, transform_indices = @transform_3, window_bounds = array<i64: 768, 32>}, {pipeline_mode = #tpu.pipeline_mode<synchronous>, transform_indices = @transform_4, window_bounds = array<i64: 768, 1>}, {pipeline_mode = #tpu.pipeline_mode<synchronous>, transform_indices = @transform_5, window_bounds = array<i64: 768, 1>}, {pipeline_mode = #tpu.pipeline_mode<synchronous>, transform_indices = @transform_6, window_bounds = array<i64: 1, 1>}, {transform_indices = @transform_7, window_bounds = array<i64: 2, 1, 2048>}]} {
    %get3A = arith.constant 0 : index
    %get3A_0 = arith.constant 0 : index
    %get3A_1 = arith.constant 0 : index
    %get3A_2 = vector.load %arg1[%get3A, %get3A_0, %get3A_1] : memref<2x2048x32xf32, #tpu.memory_space<vmem>>, vector<1x2048x32xf32>
    %get3A_3 = vector.shape_cast %get3A_2 : vector<1x2048x32xf32> to vector<2048x32xf32>
    %get3A_4 = arith.constant 1 : index
    %get3A_5 = arith.constant 0 : index
    %get3A_6 = arith.constant 0 : index
    %get3A_7 = vector.load %arg1[%get3A_4, %get3A_5, %get3A_6] : memref<2x2048x32xf32, #tpu.memory_space<vmem>>, vector<1x2048x32xf32>
    %get3A_8 = vector.shape_cast %get3A_7 : vector<1x2048x32xf32> to vector<2048x32xf32>
    %add3A = arith.addf %get3A_3, %get3A_8 : vector<2048x32xf32>
    %convert_element_type3A = arith.truncf %add3A : vector<2048x32xf32> to vector<2048x32xbf16>
    %convert_element_type3A_9 = arith.extf %convert_element_type3A : vector<2048x32xbf16> to vector<2048x32xf32>
    %sub3A = arith.subf %add3A, %convert_element_type3A_9 : vector<2048x32xf32>
    %convert_element_type3A_10 = arith.truncf %sub3A : vector<2048x32xf32> to vector<2048x32xbf16>
    %get3A_11 = arith.constant 0 : index
    %get3A_12 = arith.constant 0 : index
    %get3A_13 = vector.load %arg3[%get3A_11, %get3A_12] : memref<768x32xbf16, #tpu.memory_space<vmem>>, vector<768x32xbf16>
    %dot_general3A = arith.constant dense<0.000000e+00> : vector<768x2048xf32>
    %dot_general3A_14 = tpu.matmul %get3A_13, %convert_element_type3A, %dot_general3A {dimension_numbers = #tpu.dot_dimension_numbers<[1], [1], [0], [0], [0, 0, 1, 0], [], []>, transpose_lhs_hint = false} : vector<768x32xbf16>, vector<2048x32xbf16>, vector<768x2048xf32> -> vector<768x2048xf32>
    %get3A_15 = arith.constant 0 : index
    %get3A_16 = arith.constant 0 : index
    %get3A_17 = vector.load %arg3[%get3A_15, %get3A_16] : memref<768x32xbf16, #tpu.memory_space<vmem>>, vector<768x32xbf16>
    %dot_general3A_18 = arith.constant dense<0.000000e+00> : vector<768x2048xf32>
    %dot_general3A_19 = tpu.matmul %get3A_17, %convert_element_type3A_10, %dot_general3A_18 {dimension_numbers = #tpu.dot_dimension_numbers<[1], [1], [0], [0], [0, 0, 1, 0], [], []>, transpose_lhs_hint = false} : vector<768x32xbf16>, vector<2048x32xbf16>, vector<768x2048xf32> -> vector<768x2048xf32>
    %add3A_20 = arith.addf %dot_general3A_14, %dot_general3A_19 : vector<768x2048xf32>
    %get3A_21 = arith.constant 0 : index
    %get3A_22 = arith.constant 0 : index
    %get3A_23 = vector.load %arg4[%get3A_21, %get3A_22] : memref<768x32xbf16, #tpu.memory_space<vmem>>, vector<768x32xbf16>
    %dot_general3A_24 = arith.constant dense<0.000000e+00> : vector<768x2048xf32>
    %dot_general3A_25 = tpu.matmul %get3A_23, %convert_element_type3A, %dot_general3A_24 {dimension_numbers = #tpu.dot_dimension_numbers<[1], [1], [0], [0], [0, 0, 1, 0], [], []>, transpose_lhs_hint = false} : vector<768x32xbf16>, vector<2048x32xbf16>, vector<768x2048xf32> -> vector<768x2048xf32>
    %add3A_26 = arith.addf %add3A_20, %dot_general3A_25 : vector<768x2048xf32>
    %get3A_27 = arith.constant 0 : index
    %get3A_28 = arith.constant 0 : index
    %get3A_29 = vector.load %arg2[%get3A_27, %get3A_28] : memref<1x2048xf32, #tpu.memory_space<vmem>>, vector<1x2048xf32>
    %mul3A = vector.broadcast %get3A_29 : vector<1x2048xf32> to vector<768x2048xf32>
    %mul3A_30 = arith.mulf %mul3A, %add3A_26 : vector<768x2048xf32>
    %get3A_31 = arith.constant 0 : index
    %get3A_32 = arith.constant 0 : index
    %get3A_33 = vector.load %arg5[%get3A_31, %get3A_32] : memref<768x1xf32, #tpu.memory_space<vmem>>, vector<768x1xf32>
    %add3A_34 = vector.broadcast %get3A_33 : vector<768x1xf32> to vector<768x2048xf32>
    %add3A_35 = arith.addf %mul3A_30, %add3A_34 : vector<768x2048xf32>
    %max3A = arith.constant 0.000000e+00 : f32
    %max3A_36 = vector.broadcast %max3A : f32 to vector<768x2048xf32>
    %max3A_37 = arith.maximumf %add3A_35, %max3A_36 : vector<768x2048xf32>
    %get3A_38 = arith.constant 0 : index
    %get3A_39 = arith.constant 0 : index
    %get3A_40 = vector.load %arg6[%get3A_38, %get3A_39] : memref<768x1xf32, #tpu.memory_space<vmem>>, vector<768x1xf32>
    %mul3A_41 = vector.broadcast %get3A_40 : vector<768x1xf32> to vector<768x2048xf32>
    %mul3A_42 = arith.mulf %max3A_37, %mul3A_41 : vector<768x2048xf32>
    %slice3A = vector.extract_strided_slice %mul3A_42 {offsets = [0, 0], sizes = [384, 2048], strides = [1, 1]} : vector<768x2048xf32> to vector<384x2048xf32>
    %reduce_sum3A = arith.constant dense<0.000000e+00> : vector<2048xf32>
    %reduce_sum3A_43 = vector.multi_reduction <add>, %slice3A, %reduce_sum3A [0] : vector<384x2048xf32> to vector<2048xf32>
    %broadcast_in_dim3A = vector.shape_cast %reduce_sum3A_43 : vector<2048xf32> to vector<1x2048xf32>
    %get3A_44 = arith.constant 0 : index
    %get3A_45 = arith.constant 0 : index
    %get3A_46 = vector.load %arg7[%get3A_44, %get3A_45] : memref<1x1xf32, #tpu.memory_space<vmem>>, vector<1x1xf32>
    %get3A_47 = vector.extract %get3A_46[0, 0] : f32 from vector<1x1xf32>
    %add3A_48 = vector.broadcast %get3A_47 : f32 to vector<1x2048xf32>
    %add3A_49 = arith.addf %broadcast_in_dim3A, %add3A_48 : vector<1x2048xf32>
    %swap3A = arith.constant 0 : index
    %swap3A_50 = arith.constant 0 : index
    %swap3A_51 = arith.constant 0 : index
    %swap3A_52 = vector.load %arg8[%swap3A, %swap3A_50, %swap3A_51] : memref<2x1x2048xf32, #tpu.memory_space<vmem>>, vector<1x1x2048xf32>
    %swap3A_53 = vector.shape_cast %swap3A_52 : vector<1x1x2048xf32> to vector<1x2048xf32>
    %swap3A_54 = vector.shape_cast %add3A_49 : vector<1x2048xf32> to vector<1x1x2048xf32>
    tpu.vector_store %arg8[%swap3A, %swap3A_50, %swap3A_51], %swap3A_54 {strides = array<i32>} : memref<2x1x2048xf32, #tpu.memory_space<vmem>>, vector<1x1x2048xf32>,
    %slice3A_55 = vector.extract_strided_slice %mul3A_42 {offsets = [384, 0], sizes = [384, 2048], strides = [1, 1]} : vector<768x2048xf32> to vector<384x2048xf32>
    %reduce_sum3A_56 = arith.constant dense<0.000000e+00> : vector<2048xf32>
    %reduce_sum3A_57 = vector.multi_reduction <add>, %slice3A_55, %reduce_sum3A_56 [0] : vector<384x2048xf32> to vector<2048xf32>
    %broadcast_in_dim3A_58 = vector.shape_cast %reduce_sum3A_57 : vector<2048xf32> to vector<1x2048xf32>
    %get3A_59 = arith.constant 0 : index
    %get3A_60 = arith.constant 0 : index
    %get3A_61 = vector.load %arg7[%get3A_59, %get3A_60] : memref<1x1xf32, #tpu.memory_space<vmem>>, vector<1x1xf32>
    %get3A_62 = vector.extract %get3A_61[0, 0] : f32 from vector<1x1xf32>
    %add3A_63 = vector.broadcast %get3A_62 : f32 to vector<1x2048xf32>
    %add3A_64 = arith.addf %broadcast_in_dim3A_58, %add3A_63 : vector<1x2048xf32>
    %swap3A_65 = arith.constant 1 : index
    %swap3A_66 = arith.constant 0 : index
    %swap3A_67 = arith.constant 0 : index
    %swap3A_68 = vector.load %arg8[%swap3A_65, %swap3A_66, %swap3A_67] : memref<2x1x2048xf32, #tpu.memory_space<vmem>>, vector<1x1x2048xf32>
    %swap3A_69 = vector.shape_cast %swap3A_68 : vector<1x1x2048xf32> to vector<1x2048xf32>
    %swap3A_70 = vector.shape_cast %add3A_64 : vector<1x2048xf32> to vector<1x1x2048xf32>
    tpu.vector_store %arg8[%swap3A_65, %swap3A_66, %swap3A_67], %swap3A_70 {strides = array<i32>} : memref<2x1x2048xf32, #tpu.memory_space<vmem>>, vector<1x1x2048xf32>,
    return
  }
  func.func @transform_0(%arg0: i32) -> (i32, i32, i32) {
    %c0_i32 = arith.constant 0 : i32
    %c0_i32_0 = arith.constant 0 : i32
    %c0_i32_1 = arith.constant 0 : i32
    return %c0_i32, %arg0, %c0_i32_0 : i32, i32, i32
  }
  func.func @transform_1(%arg0: i32) -> (i32, i32) {
    %c0_i32 = arith.constant 0 : i32
    %c0_i32_0 = arith.constant 0 : i32
    return %c0_i32, %arg0 : i32, i32
  }
  func.func @transform_2(%arg0: i32) -> (i32, i32) {
    %c0_i32 = arith.constant 0 : i32
    %c0_i32_0 = arith.constant 0 : i32
    %c0_i32_1 = arith.constant 0 : i32
    return %c0_i32, %c0_i32_0 : i32, i32
  }
  func.func @transform_3(%arg0: i32) -> (i32, i32) {
    %c0_i32 = arith.constant 0 : i32
    %c0_i32_0 = arith.constant 0 : i32
    %c0_i32_1 = arith.constant 0 : i32
    return %c0_i32, %c0_i32_0 : i32, i32
  }
  func.func @transform_4(%arg0: i32) -> (i32, i32) {
    %c0_i32 = arith.constant 0 : i32
    %c0_i32_0 = arith.constant 0 : i32
    %c0_i32_1 = arith.constant 0 : i32
    return %c0_i32, %c0_i32_0 : i32, i32
  }
  func.func @transform_5(%arg0: i32) -> (i32, i32) {
    %c0_i32 = arith.constant 0 : i32
    %c0_i32_0 = arith.constant 0 : i32
    %c0_i32_1 = arith.constant 0 : i32
    return %c0_i32, %c0_i32_0 : i32, i32
  }
  func.func @transform_6(%arg0: i32) -> (i32, i32) {
    %c0_i32 = arith.constant 0 : i32
    %c0_i32_0 = arith.constant 0 : i32
    %c0_i32_1 = arith.constant 0 : i32
    return %c0_i32, %c0_i32_0 : i32, i32
  }
  func.func @transform_7(%arg0: i32) -> (i32, i32, i32) {
    %c0_i32 = arith.constant 0 : i32
    %c0_i32_0 = arith.constant 0 : i32
    %c0_i32_1 = arith.constant 0 : i32
    return %c0_i32, %c0_i32_0, %arg0 : i32, i32, i32
  }
}

</mosaic_0001>

<sc_bundles>
// kernel: gcn_edge_scatter_sc.3.cloned.1.call-start
scs
__scs_entry_jumppad:
0x0: {  	(pc) =	sbr.rel $0x88, $3  }
0x1: {  	(tag) =	ssettag $0x0;
	lr =	simm.s32 $0x1  }
0x2: {  	[smem:$0x3F98] =	sst lr;
	_ =	strace $0xD0000000  }
0x3: {  	_ = 	snop  }
0x4: {  	_ = 	snop  }
0x5: {  	_ = 	snop  }
0x6: {  	_ = 	snop  }
0x7: {  	_ = 	snop  }
__scs_overlays_trampoline_lowered:
0x8: {  	[smem:$0x3FA7] =	sst s0  }
0x9: {  	[smem:$0x3FA8] =	sst s1  }
0xa: {  	[smem:$0x3FA9] =	sst s2  }
0xb: {  	[smem:$0x3FAA] =	sst s3  }
0xc: {  	[smem:$0x3FAB] =	sst s4  }
0xd: {  	[smem:$0x3FAC] =	sst s5  }
0xe: {  	[smem:$0x3FAD] =	sst s6  }
0xf: {  	[smem:$0x3FAE] =	sst s7  }
0x10: {  	[smem:$0x3FAF] =	sst s8  }
0x11: {  	[smem:$0x3FB0] =	sst s9;
	s0 =	simm.s32 @!p0 $0x0  }
0x12: {  	s1 =	sld [smem:$0x3F96];
	s0 =	simm.s32 @p0 $0x1  }
0x13: {  	[smem:$0x3FB1] =	sst s0;
	s0 =	simm.s32 @!p1 $0x0  }
0x14: {  	s2 =	sld [smem:$0x3F95];
	s0 =	simm.s32 @p1 $0x1  }
0x15: {  	[smem:$0x3FB2] =	sst s0;
	s0 =	simm.s32 @!p2 $0x0  }
0x16: {  	s3 =	sld [smem:$0x3FDB];
	s0 =	simm.s32 @p2 $0x1  }
0x17: {  	s4 =	simm.s32 $0x1BF5;
	[smem:$0x3FB4] =	sst s0  }
0x18: {  	s0 =	sld [smem:$0x3F97];
	_ =	swait.ge [sflag:s4], $0x0  }
0x19: {  	s7 =	sld [smem:$0x3F98]  }
0x1a: {  	s8 =	sadd.s32 $0xFFFFE003, lr  }
0x1b: {  	s9 =	sadd.s32 $0xFFFFFEF7, lr;
	s5 =	simm.s32 $0xFFFFFFFF;
	p2 =	slt.u32 s8, $0xFFFFF086  }
0x1c: {  	p1 =	slt.u32 s9, $0xF7A;
	s5 =	simm.s32 @!p2 $0x0  }
0x1d: {  	s5 =	simm.s32 @p1 $0x1;
	p0 =	seq.s32 s7, s2  }
0x1e: {  	s7 =	smul.u32 @!p0 $0xF7A, s2;
	p2 =	seq.s32 @!p0 s5, $0x0  }
0x1f: {  	s9 =	smul.u32 $0xF7A, s1;
	s8 =	simm.s32 @!p0 $0x1BF5;
	p2 =	por !p2, p0  }
0x20: {  	[sflag:s8] =	ssyncset.s32 @!p0 $0xFFFFF086;
	s6 =	sadd.s32 @!p0 s3, s7;
	s7 =	simm.s32 @!p0 $0x108  }
0x21: {  	s3 =	sadd.s32 s3, s9;
	s6 =	sadd.s32 @!p0 $0x88, s6;
	s7 =	simm.s32 @p2 $0x1082  }
0x22: {  	[simem:s7], [sflag:s8] =	dma.local @!p0 [hbm:s6], $0xF7A  }
0x23: {  	s9 =	sor.u32 $0xD0000000, s2;
	s6 =	simm.s32 $0x108;
	_ =	swait.ge @!p0 [sflag:s8], $0x0  }
0x24: {  	s3 =	sadd.s32 $0x88, s3;
	s6 =	simm.s32 @!p1 $0x1082;
	[sflag:s4] =	ssyncset.s32 $0xFFFFF086  }
0x25: {  	[simem:s6], [sflag:s4] =	dma.local [hbm:s3], $0xF7A  }
0x26: {  	[smem:$0x3F98] =	sst s1;
	(tag) =	ssettag s2;
	_ =	strace s9  }
0x27: {  	s1 =	sld [smem:$0x3FA8]  }
0x28: {  	s2 =	sld [smem:$0x3FA9]  }
0x29: {  	s4 =	sld [smem:$0x3FAB]  }
0x2a: {  	p0 =	seq.s32 s5, $0x0;
	s5 =	sld [smem:$0x3FAC]  }
0x2b: {  	s6 =	sld [smem:$0x3FAD]  }
0x2c: {  	s7 =	sld [smem:$0x3FAE]  }
0x2d: {  	s3 =	simm.s32 $0x108;
	s8 =	sld [smem:$0x3FAF]  }
0x2e: {  	s3 =	simm.s32 @!p0 $0x1082;
	s9 =	sld [smem:$0x3FB0]  }
0x2f: {  	lr =	sadd.s32 s0, s3;
	s0 =	sld [smem:$0x3FA7]  }
0x30: {  	s3 =	sld [smem:$0x3FAA]  }
0x31: {  	[smem:$0x3FB3] =	sst s10  }
0x32: {  	s10 =	sld [smem:$0x3FB1];
	_ =	sdelay $0x3  }
0x33: {  	p0 =	seq.s32 s10, $0x1;
	s10 =	sld [smem:$0x3FB3];
	_ =	sdelay $0x3  }
0x34: {  	[smem:$0x3FB3] =	sst s10  }
0x35: {  	s10 =	sld [smem:$0x3FB2];
	_ =	sdelay $0x3  }
0x36: {  	p1 =	seq.s32 s10, $0x1;
	s10 =	sld [smem:$0x3FB3];
	_ =	sdelay $0x3  }
0x37: {  	[smem:$0x3FB3] =	sst s10  }
0x38: {  	s10 =	sld [smem:$0x3FB4]  }
0x39: {  	_ = 	snop;
	(pc) =	sbr.ind lr, $3  }
0x3a: {  	_ = 	snop  }
0x3b: {  	_ = 	snop  }
0x3c: {  	p2 =	seq.s32 s10, $0x1;
	s10 =	sld [smem:$0x3FB3]  }
0x3d: {  	_ =	shalt  }
0x3e: {  	_ =	shalt  }
0x3f: {  	_ =	shalt  }
0x40: {  	_ =	shalt  }
0x41: {  	_ =	shalt  }
0x42: {  	_ =	shalt  }
0x43: {  	_ =	shalt  }
0x44: {  	_ =	shalt  }
0x45: {  	_ =	shalt  }
0x46: {  	_ =	shalt  }
0x47: {  	_ =	shalt  }
0x48: {  	_ =	shalt  }
0x49: {  	_ =	shalt  }
0x4a: {  	_ =	shalt  }
0x4b: {  	_ =	shalt  }
0x4c: {  	_ =	shalt  }
0x4d: {  	_ =	shalt  }
0x4e: {  	_ =	shalt  }
0x4f: {  	_ =	shalt  }
0x50: {  	_ =	shalt  }
0x51: {  	_ =	shalt  }
0x52: {  	_ =	shalt  }
0x53: {  	_ =	shalt  }
0x54: {  	_ =	shalt  }
0x55: {  	_ =	shalt  }
0x56: {  	_ =	shalt  }
0x57: {  	_ =	shalt  }
0x58: {  	_ =	shalt  }
0x59: {  	_ =	shalt  }
0x5a: {  	_ =	shalt  }
0x5b: {  	_ =	shalt  }
0x5c: {  	_ =	shalt  }
0x5d: {  	_ =	shalt  }
0x5e: {  	_ =	shalt  }
0x5f: {  	_ =	shalt  }
0x60: {  	_ =	shalt  }
0x61: {  	_ =	shalt  }
0x62: {  	_ =	shalt  }
0x63: {  	_ =	shalt  }
0x64: {  	_ =	shalt  }
0x65: {  	_ =	shalt  }
0x66: {  	_ =	shalt  }
0x67: {  	_ =	shalt  }
0x68: {  	_ =	shalt  }
0x69: {  	_ =	shalt  }
0x6a: {  	_ =	shalt  }
0x6b: {  	_ =	shalt  }
0x6c: {  	_ =	shalt  }
0x6d: {  	_ =	shalt  }
0x6e: {  	_ =	shalt  }
0x6f: {  	_ =	shalt  }
0x70: {  	_ =	shalt  }
0x71: {  	_ =	shalt  }
0x72: {  	_ =	shalt  }
0x73: {  	_ =	shalt  }
0x74: {  	_ =	shalt  }
0x75: {  	_ =	shalt  }
0x76: {  	_ =	shalt  }
0x77: {  	_ =	shalt  }
0x78: {  	_ =	shalt  }
0x79: {  	_ =	shalt  }
0x7a: {  	_ =	shalt  }
0x7b: {  	_ =	shalt  }
0x7c: {  	_ =	shalt  }
0x7d: {  	_ =	shalt  }
0x7e: {  	_ =	shalt  }
0x7f: {  	_ =	shalt  }
0x80: {  	_ =	shalt  }
0x81: {  	_ =	shalt  }
0x82: {  	_ =	shalt  }
0x83: {  	_ =	shalt  }
0x84: {  	_ =	shalt  }
0x85: {  	_ =	shalt  }
0x86: {  	_ =	shalt  }
0x87: {  	_ =	shalt  }
.Lfunc_end0:
.L_simem_size_0:
called_computation_lowered:
.L_overlay_start_0:
0x88: {  	s2 =	sld [smem:$0x3FD9]  }
0x89: {  	s3 =	sld [smem:$0x3FFE];
	_ =	sdelay $0x1  }
0x8a: {  	s1 =	srdreg.scid  }
0x8b: {  	s0 =	sand.u32 $0x1, s1  }
0x8c: {  	s17 =	sshll.u32 s0, $0xA;
	s2 =	sadd.s32 s3, s2  }
0x8d: {  	s2 =	sadd.s32 s2, s17  }
0x8e: {  	[smem:$0x3FBF] =	sst s2  }
0x8f: {  	_ = 	snop  }
0x90: {  	s2 =	sld [smem:$0x3FD0];
	(tm) =	ssettm $0x1  }
0x91: {  	s18 =	sld [smem:$0x3FFB];
	_ =	sdelay $0x3  }
0x92: {  	_ =	strace s18  }
0x93: {  	s3 =	sld [smem:$0x3FFC];
	_ =	sdelay $0x3  }
0x94: {  	_ =	strace s3  }
0x95: {  	s3 =	sld [smem:$0x3FFD];
	_ =	sdelay $0x3  }
0x96: {  	_ =	strace s3  }
0x97: {  	_ =	strace $0x8FFFFFFF  }
0x98: {  	s19 =	sld [smem:$0x3FDB];
	_ =	sdelay $0x1  }
0x99: {  	s4 =	simm.s32 $_scs_section_size  }
0x9a: {  	s5 =	simm.s32 $_size__tile_overlayer_lowered;
	s6 =	simm.s32 $_tile_overlayer_lowered  }
0x9b: {  	s22 =	simm.s32 $0x1BFF;
	s21 =	sshll.u32 s6, $0x1;
	s3 =	sadd.s32 s4, s19  }
0x9c: {  	s7 =	simm.s32 $0x0;
	s20 =	sshll.u32 s5, $0x1;
	s5 =	sadd.s32 s21, s3  }
0x9d: {  	[timem:s7], [sflag:s22] =	dma.local [hbm:s5], s20  }
0x9e: {  	_ =	swait.ge [sflag:s22], s20  }
0x9f: {  	s4 =	ssub.s32 $0x0, s20;
	[sflag:s22] =	ssyncset.done $0x0  }
0xa0: {  	[sflag:s22] =	ssyncadd.s32 s4;
	_ =	sdelay $0x1  }
0xa1: {  	s23 =	simm.s32 $0x1B8B  }
0xa2: {  	_ =	swait.ge [sflag:s23], $0x1  }
0xa3: {  	[sflag:s23] =	ssyncset.done $0x0  }
0xa4: {  	s25 =	simm.s32 $0x1B8E;
	s24 =	sld [smem:$0x3FFE];
	[sflag:s23] =	ssyncadd.s32 $0xFFFFFFFF  }
0xa5: {  	s26 =	simm.s32 $execute0_lowered;
	[smem:$0x3FD2] =	sst s25  }
0xa6: {  	s5 =	sshll.u32 s26, $0x1;
	_ =	strace $0x80000046;
	[dreg:$0x1] =	wrdreg $0xFFFFFFFF  }
0xa7: {  	s28 =	simm.s32 $_size_execute0_lowered;
	s3 =	sadd.s32 s3, s5;
	[dreg:$0x0] =	wrdreg $0x0  }
0xa8: {  	s5 =	sshll.u32 s28, $0x1;
	[dreg:$0x2] =	wrdreg s3  }
0xa9: {  	[dreg:$0x3] =	wrdreg s5  }
0xaa: {  	[dreg:$0x4] =	wrdreg $0xC0  }
0xab: {  	_ =	task [dreg:s7], $0x5FFFF  }
0xac: {  	[dreg:$0x1] =	wrdreg $0xFFFFFFFF  }
0xad: {  	[dreg:$0x0] =	wrdreg $0x60  }
0xae: {  	[dreg:$0x2] =	wrdreg s24  }
0xaf: {  	[dreg:$0x3] =	wrdreg s2  }
0xb0: {  	[dreg:$0x4] =	wrdreg $0x0  }
0xb1: {  	[dreg:$0x5] =	wrdreg $0x60000  }
0xb2: {  	[dreg:$0x6] =	wrdreg $0x63000  }
0xb3: {  	[dreg:$0x7] =	wrdreg $0x9  }
0xb4: {  	_ =	task.clear_ibuf [dreg:s7], $0x8FFFF;
	_ =	strace $0x90000046  }
0xb5: {  	s29 =	simm.s32 $0x9;
	_ =	strace $0x8000004F  }
0xb6: {  	_ =	swait.ge [sflag:s29], $0x1  }
0xb7: {  	[sflag:s29] =	ssyncadd.s32 $0xFFFFFFFF  }
0xb8: {  	_ =	strace $0x9000004F  }
0xb9: {  	_ =	sfence  }
0xba: {  	s30 =	sld [smem:$0x0];
	_ =	sdelay $0x2  }
0xbb: {  	s31 =	sshll.u32 s1, $0xD;
	s1 =	sshrl.u32 s1, $0x2  }
0xbc: {  	s3 =	sand.u32 $0x4000, s31;
	s1 =	sadd.s32 s1, s30  }
0xbd: {  	s0 =	sor.u32 s3, s0;
	s1 =	sshll.u32 s1, $0x11  }
0xbe: {  	s0 =	sor.u32 s1, s0  }
0xbf: {  	s0 =	sadd.s32 $0x8F2B, s0  }
0xc0: {  	[sflag:s0] =	ssyncadd.remote.s32 $0x1  }
0xc1: {  	_ =	sfence.sel $0xFFFF  }
0xc2: {  	[dreg:$0x0] =	wrdreg $0xFFFFFFFF;
	(pc) =	sbr.abs _section_cstart, $3  }
0xc3: {  	[dreg:$0x1] =	wrdreg $0xFFFFFFFF  }
0xc4: {  	_ =	task.clear_ibuf [dreg:s7], $0x2FFFF;
	_ =	strace $0x9FFFFFFF  }
0xc5: {  	(tm) =	ssettm $0x7FFFFFFF  }
tec
execute0_lowered:
.L_overlay_start_1:
0x0: {  	(tag) =	ssettag $0x1  }
0x1: {  	s0 =	rddreg [dreg:$0x0]  }
0x2: {  	s2 =	rddreg [dreg:$0x1]  }
0x3: {  	s1 =	rddreg [dreg:$0x2]  }
0x4: {  	s4 =	srdreg.scid;
	s17 =	stileid.u32  }
0x5: {  	s3 =	rddreg [dreg:$0x3];
	s7 =	simm.s32 $0x0;
	s8 =	smul.u32 $0x4800, s17  }
0x6: {  	s5 =	sand.u32 $0x1, s4;
	s4 =	rddreg [dreg:$0x4];
	s10 =	smul.u32 $0x18000, s17  }
0x7: {  	s6 =	sshll.u32 s17, $0x1;
	[smem:$0x7FF] =	sst s7;
	s7 =	smul.u32 $0x300, s17  }
0x8: {  	s11 =	sadd.s32 $0x6C00, s0;
	s12 =	sadd.s32 $0xBC00, s0;
	s22 =	smul.u32 $0x6000, s17  }
0x9: {  	s18 =	sadd.s32 $0x19C00, s0;
	s25 =	smul.u32 $0x500, s17;
	s6 =	sor.u32 s5, s6  }
0xa: {  	_ =	strace $0x80000047;
	s21 =	ssub.s32 $0x2, s5;
	p0 =	sne.s32 s5, $0x0  }
0xb: {  	[dreg:$0x6] =	wrdreg s18;
	s10 =	sshrl.u32 s10, $0x2;
	s29 =	sadd.s32 s11, s25  }
0xc: {  	s28 =	sshrl.u32 s7, $0x3;
	s30 =	sadd.s32 s12, s25;
	[dreg:$0xd] =	wrdreg s29  }
0xd: {  	s10 =	sadd.s32 s10, s1;
	s2 =	sadd.s32 s2, s28;
	[dreg:$0xe] =	wrdreg s30  }
0xe: {  	s6 =	smul.u32 $0x280, s6;
	s15 =	sadd.s32 $0x800, s10;
	[dreg:$0xc] =	wrdreg s2  }
0xf: {  	s20 =	sshrl.u32 s8, $0x3;
	s23 =	sadd.s32 $0x1000, s10;
	[dreg:$0x7] =	wrdreg s15  }
0x10: {  	s14 =	sshrl.u32 s21, $0x1;
	s24 =	sadd.s32 $0x1800, s10;
	[dreg:$0x8] =	wrdreg s23  }
0x11: {  	s13 =	sadd.s32 s20, s0;
	s16 =	sadd.s32 $0x2000, s10;
	[dreg:$0x9] =	wrdreg s24  }
0x12: {  	s9 =	sadd.s32 s6, s0;
	s26 =	sadd.s32 $0x2800, s10;
	[dreg:$0xa] =	wrdreg s16  }
0x13: {  	s0 =	ssub.s32 s21, s14;
	s31 =	sadd.s32 s11, s6;
	[dreg:$0xb] =	wrdreg s26  }
0x14: {  	s6 =	sadd.s32 s12, s6;
	s11 =	sadd.s32 $0x3000, s10;
	[dreg:$0xf] =	wrdreg s31  }
0x15: {  	s12 =	sadd.s32 $0x3800, s10;
	s19 =	sadd.s32 $0x5000, s10;
	[dreg:$0x10] =	wrdreg s6  }
0x16: {  	s20 =	sadd.s32 $0x5800, s10;
	s21 =	sadd.s32 s22, s1;
	[dreg:$0x11] =	wrdreg s11  }
0x17: {  	s22 =	sshrl.u32 s22, $0x3;
	s25 =	sadd.s32 $0x10C00, s13;
	[dreg:$0x12] =	wrdreg s12  }
0x18: {  	s13 =	simm.s32 $0x17300;
	s14 =	simm.s32 $0x1;
	[dreg:$0x15] =	wrdreg s19  }
0x19: {  	s15 =	sadd.s32 $0x4000, s10;
	s16 =	sadd.s32 $0x4800, s10;
	[dreg:$0x16] =	wrdreg s20  }
0x1a: {  	[dreg:$0x17] =	wrdreg s21;
	s23 =	smul.u32 $0xC00, s17;
	s24 =	sadd.s32 s8, s4  }
0x1b: {  	[dreg:$0x18] =	wrdreg s25;
	s2 =	sadd.s32 s18, s22;
	s26 =	sadd.s32 $0x1C00, s9  }
0x1c: {  	s0 =	smax.u32 s0, $0x1;
	s22 =	sadd.s32 s7, s3;
	[dreg:$0x13] =	wrdreg s15  }
0x1d: {  	s31 =	sadd.s32 $0xAB00, s7;
	s8 =	simm.s32 $0x4;
	[dreg:$0x14] =	wrdreg s16  }
0x1e: {  	s19 =	simm.s32 $0x1A700;
	s9 =	simm.s32 $0x80;
	[dreg:$0x19] =	wrdreg s26  }
0x1f: {  	s10 =	simm.s32 $0x3;
	s11 =	simm.s32 $0xAB00;
	[dreg:$0x1b] =	wrdreg s0  }
.Ltmp0:
0x20: {  	s12 =	simm.s32 $0x16700;
	[dreg:$0x1f] =	wrdreg s31;
	(pc) =	sbr.rel .LBB2_1-.Ltmp0, $4  }
0x21: {  	s17 =	simm.s32 $0x18F00;
	s2 =	sadd.s32 $0xC000, s2;
	v1 =	vmov s31;
	[dreg:$0x1e] =	wrdreg s22  }
0x22: {  	s30 =	sshrl.u32 s24, $0x3;
	[dreg:$0x1a] =	wrdreg s2;
	s28 =	sshrl.u32 s23, $0x2  }
0x23: {  	s15 =	simm.s32 $0x17F00;
	[dreg:$0x1d] =	wrdreg s30;
	s29 =	sadd.s32 $0xAB10, s28  }
0x24: {  	v0 =	vimm.f32 $0.0e+00;
	s16 =	simm.s32 $0x2;
	s2 =	simm.s32 $0x0;
	[dreg:$0x1c] =	wrdreg s29  }
.LBB2_25:
0x25: {  	s5 =	sld [smem:$0x7FC]  }
0x26: {  	s0 =	rddreg [dreg:$0x17]  }
0x27: {  	s2 =	rddreg [dreg:$0x1a];
	s0 =	sshrl.u32 s0, $0x3  }
0x28: {  	[hbm:s2], [sflag:s5] =	dma.local [spmem:s0], $0xC00  }
0x29: {  	_ =	swait.ge [sflag:s8], $0xC00  }
0x2a: {  	[sflag:s8] =	ssyncset.done $0x0  }
0x2b: {  	[sflag:s8] =	ssyncadd.s32 $0xFFFFF400  }
.LBB2_26:
0x2c: {  	s2 =	sld [smem:$0x7FD];
	_ =	sdelay $0x2  }
0x2d: {  	s0 =	rddreg [dreg:$0x1b];
	s2 =	sadd.s32 $0x1, s2  }
0x2e: {  	p1 =	sne.s32 s2, s0  }
.Ltmp1:
0x2f: {  	_ = 	snop;
	(pc) =	sbr.rel @!p1 .LBB2_27-.Ltmp1, $3  }
0x30: {  	_ =	sdelay $0x1  }
0x31: {  	_ =	strace $0x9000004E  }
0x32: {  	s19 =	simm.s32 $0x1A700;
	s22 =	rddreg [dreg:$0x1e]  }
.LBB2_1:
0x33: {  	[smem:$0x7FD] =	sst s2  }
0x34: {  	s0 =	simm.s32 $0x80;
	s2 =	simm.s32 $0x0;
	_ =	strace $0x80000048  }
.LBB2_2:
0x35: {  	p1 =	sne.s32 s0, $0x1F80;
	[tilespmem:s2+$0x19F00] =	vst v0;
	s5 =	smov.u32 s0;
	s0 =	sadd.s32 $0x80, s0  }
.Ltmp2:
0x36: {  	[tilespmem:s2+$0x19F10] =	vst v0;
	(pc) =	sbr.rel @p1 .LBB2_2-.Ltmp2, $2  }
0x37: {  	_ =	sdelay $0x2  }
0x38: {  	s2 =	sshra.s32 s5, $0x2  }
0x39: {  	[tilespmem:s2+$0x19F00] =	vst v0  }
0x3a: {  	[tilespmem:s2+$0x19F10] =	vst v0;
	s0 =	simm.s32 $0x40;
	s2 =	simm.s32 $0x0  }
.LBB2_4:
0x3b: {  	p1 =	sne.s32 s0, $0xBC0;
	[tilespmem:s2+$0x1A700] =	vst v0;
	s2 =	smov.u32 s0;
	s0 =	sadd.s32 $0x40, s0  }
.Ltmp3:
0x3c: {  	(pc) =	sbr.rel @p1 .LBB2_4-.Ltmp3, $2  }
0x3d: {  	_ =	sdelay $0x2  }
0x3e: {  	s2 =	sshra.s32 s2, $0x2  }
0x3f: {  	[tilespmem:s2+$0x1A700] =	vst v0;
	s0 =	simm.s32 $0x80;
	s2 =	simm.s32 $0x0  }
.LBB2_6:
0x40: {  	p1 =	sne.s32 s0, $0x3F80;
	[tilespmem:s2+$0x17F10] =	vst v0;
	s5 =	smov.u32 s0;
	s0 =	sadd.s32 $0x80, s0  }
.Ltmp4:
0x41: {  	[tilespmem:s2+$0x18F10] =	vst v0;
	(pc) =	sbr.rel @p1 .LBB2_6-.Ltmp4, $2  }
0x42: {  	_ =	sdelay $0x2  }
0x43: {  	s2 =	sshra.s32 s5, $0x2  }
0x44: {  	[tilespmem:s2+$0x17F10] =	vst v0  }
0x45: {  	[tilespmem:s2+$0x18F10] =	vst v0  }
0x46: {  	s26 =	simm.s32 $0x19F00;
	s0 =	rddreg [dreg:$0x17]  }
0x47: {  	[spmem:s0] =	stream.linear.scatter [tilespmem:s26], [sflag:$0x4], $0x800, $0x200038;
	[tilespmem:$0x1AA00] =	vst v63  }
0x48: {  	_ =	swait.ge [sflag:s8], $0x800  }
0x49: {  	[sflag:s8] =	ssyncset.done $0x0  }
0x4a: {  	s28 =	rddreg [dreg:$0x7];
	[sflag:s8] =	ssyncadd.s32 $0xFFFFF800  }
0x4b: {  	[spmem:s28] =	stream.linear.scatter [tilespmem:s26], [sflag:$0x4], $0x800, $0x200038;
	[tilespmem:$0x1AA00] =	vst v63  }
0x4c: {  	_ =	swait.ge [sflag:s8], $0x800  }
0x4d: {  	[sflag:s8] =	ssyncset.done $0x0  }
0x4e: {  	s29 =	rddreg [dreg:$0x8];
	[sflag:s8] =	ssyncadd.s32 $0xFFFFF800  }
0x4f: {  	[spmem:s29] =	stream.linear.scatter [tilespmem:s26], [sflag:$0x4], $0x800, $0x200038;
	[tilespmem:$0x1AA00] =	vst v63  }
0x50: {  	_ =	swait.ge [sflag:s8], $0x800  }
0x51: {  	[sflag:s8] =	ssyncset.done $0x0  }
0x52: {  	s30 =	rddreg [dreg:$0x9];
	[sflag:s8] =	ssyncadd.s32 $0xFFFFF800  }
0x53: {  	[spmem:s30] =	stream.linear.scatter [tilespmem:s26], [sflag:$0x4], $0x800, $0x200038;
	[tilespmem:$0x1AA00] =	vst v63  }
0x54: {  	_ =	swait.ge [sflag:s8], $0x800  }
0x55: {  	[sflag:s8] =	ssyncset.done $0x0  }
0x56: {  	s31 =	rddreg [dreg:$0xa];
	[sflag:s8] =	ssyncadd.s32 $0xFFFFF800  }
0x57: {  	[spmem:s31] =	stream.linear.scatter [tilespmem:s26], [sflag:$0x4], $0x800, $0x200038;
	[tilespmem:$0x1AA00] =	vst v63  }
0x58: {  	_ =	swait.ge [sflag:s8], $0x800  }
0x59: {  	[sflag:s8] =	ssyncset.done $0x0  }
0x5a: {  	s5 =	rddreg [dreg:$0xb];
	[sflag:s8] =	ssyncadd.s32 $0xFFFFF800  }
0x5b: {  	[spmem:s5] =	stream.linear.scatter [tilespmem:s26], [sflag:$0x4], $0x800, $0x200038;
	[tilespmem:$0x1AA00] =	vst v63  }
0x5c: {  	_ =	swait.ge [sflag:s8], $0x800  }
0x5d: {  	[sflag:s8] =	ssyncset.done $0x0  }
0x5e: {  	s6 =	rddreg [dreg:$0x11];
	[sflag:s8] =	ssyncadd.s32 $0xFFFFF800  }
0x5f: {  	[spmem:s6] =	stream.linear.scatter [tilespmem:s26], [sflag:$0x4], $0x800, $0x200038;
	[tilespmem:$0x1AA00] =	vst v63  }
0x60: {  	_ =	swait.ge [sflag:s8], $0x800  }
0x61: {  	[sflag:s8] =	ssyncset.done $0x0  }
0x62: {  	s18 =	rddreg [dreg:$0x12];
	[sflag:s8] =	ssyncadd.s32 $0xFFFFF800  }
0x63: {  	[spmem:s18] =	stream.linear.scatter [tilespmem:s26], [sflag:$0x4], $0x800, $0x200038;
	[tilespmem:$0x1AA00] =	vst v63  }
0x64: {  	_ =	swait.ge [sflag:s8], $0x800  }
0x65: {  	[sflag:s8] =	ssyncset.done $0x0  }
0x66: {  	s20 =	rddreg [dreg:$0x13];
	[sflag:s8] =	ssyncadd.s32 $0xFFFFF800  }
0x67: {  	[spmem:s20] =	stream.linear.scatter [tilespmem:s26], [sflag:$0x4], $0x800, $0x200038;
	[tilespmem:$0x1AA00] =	vst v63  }
0x68: {  	_ =	swait.ge [sflag:s8], $0x800  }
0x69: {  	[sflag:s8] =	ssyncset.done $0x0  }
0x6a: {  	s21 =	rddreg [dreg:$0x14];
	[sflag:s8] =	ssyncadd.s32 $0xFFFFF800  }
0x6b: {  	[spmem:s21] =	stream.linear.scatter [tilespmem:s26], [sflag:$0x4], $0x800, $0x200038;
	[tilespmem:$0x1AA00] =	vst v63  }
0x6c: {  	_ =	swait.ge [sflag:s8], $0x800  }
0x6d: {  	[sflag:s8] =	ssyncset.done $0x0  }
0x6e: {  	s23 =	rddreg [dreg:$0x15];
	[sflag:s8] =	ssyncadd.s32 $0xFFFFF800  }
0x6f: {  	[spmem:s23] =	stream.linear.scatter [tilespmem:s26], [sflag:$0x4], $0x800, $0x200038;
	[tilespmem:$0x1AA00] =	vst v63  }
0x70: {  	_ =	swait.ge [sflag:s8], $0x800  }
0x71: {  	[sflag:s8] =	ssyncset.done $0x0  }
0x72: {  	s24 =	rddreg [dreg:$0x16];
	[sflag:s8] =	ssyncadd.s32 $0xFFFFF800  }
0x73: {  	[spmem:s24] =	stream.linear.scatter [tilespmem:s26], [sflag:$0x4], $0x800, $0x200038;
	[tilespmem:$0x1AA00] =	vst v63  }
0x74: {  	_ =	swait.ge [sflag:s8], $0x800  }
0x75: {  	[sflag:s8] =	ssyncset.done $0x0  }
0x76: {  	[sflag:s8] =	ssyncadd.s32 $0xFFFFF800  }
0x77: {  	[spmem:s22] =	stream.linear.scatter [tilespmem:s19], [sflag:$0x4], $0x300, $0x200038;
	[tilespmem:$0x1AA00] =	vst v63  }
0x78: {  	_ =	swait.ge [sflag:s8], $0x300  }
0x79: {  	s25 =	stileid.u32;
	[sflag:s8] =	ssyncset.done $0x0  }
0x7a: {  	s0 =	sshll.u32 s25, $0x6;
	[sflag:s8] =	ssyncadd.s32 $0xFFFFFD00  }
0x7b: {  	s5 =	sor.u32 $0x1C04, s0;
	_ =	strace $0x90000048  }
0x7c: {  	_ =	strace $0x80000049;
	[smem:$0x7FC] =	sst s5  }
0x7d: {  	s26 =	rddreg [dreg:$0x18]  }
0x7e: {  	s28 =	rddreg [dreg:$0x1d]  }
0x7f: {  	[spmem:s28], [sflag:s5] =	dma.local [hbm:s26], $0x900  }
0x80: {  	_ =	swait.ge [sflag:s8], $0x900  }
0x81: {  	[sflag:s8] =	ssyncset.done $0x0  }
0x82: {  	[sflag:s8] =	ssyncadd.s32 $0xFFFFF700  }
0x83: {  	_ =	strace $0x90000049  }
0x84: {  	[bflag:$0x0] =	sbarrier.arrive $0xFFFF  }
0x85: {  	_ =	strace $0x8000004A  }
0x86: {  	s29 =	simm.s32 $0x0;
	s30 =	simm.s32 $0xDB00;
	s31 =	rddreg [dreg:$0xd]  }
0x87: {  	[tilespmem:s30], [sflag:$0x4] =	stream.linear.gather [hbm4b:s31+s29], $0x2800, $0x200038;
	[tilespmem:$0x1AA00] =	vst v63  }
0x88: {  	_ =	swait.ge [sflag:s8], $0x2800  }
0x89: {  	[sflag:s8] =	ssyncset.done $0x0  }
0x8a: {  	s0 =	simm.s32 $0x10300;
	s6 =	rddreg [dreg:$0xe];
	[sflag:s8] =	ssyncadd.s32 $0xFFFFD800  }
0x8b: {  	[tilespmem:s0], [sflag:$0x4] =	stream.linear.gather [hbm4b:s6+s29], $0x2800, $0x200038;
	[tilespmem:$0x1AA00] =	vst v63  }
0x8c: {  	_ =	swait.ge [sflag:s8], $0x2800  }
0x8d: {  	p1 =	por $0x1, $0x1;
	[sflag:s8] =	ssyncset.done $0x0  }
0x8e: {  	s6 =	simm.s32 @!p1 $0x3;
	[sflag:s8] =	ssyncadd.s32 $0xFFFFD800  }
0x8f: {  	[spmem:s3] =	stream.indirect.scatter.add.f32 [tilespmem:s0], [sflag:$0x3], $0x1, s30, s9, $0x2000b8;
	[tilespmem:$0x1AA00] =	vst v63  }
0x90: {  	_ =	swait.ge @!p1 [sflag:s6], $0x80  }
0x91: {  	s2 =	simm.s32 $0x1;
	s5 =	simm.s32 $0xDB80;
	[sflag:s6] =	ssyncset.done @!p1 $0x0  }
.LBB2_8:
0x92: {  	[sflag:s6] =	ssyncadd.s32 @!p1 $0xFFFFFF80  }
0x93: {  	s0 =	sadd.s32 $0x80, s0;
	s6 =	smov.u32 s2;
	s2 =	sadd.s32 $0x1, s2  }
0x94: {  	p2 =	sne.s32 s2, $0x50  }
0x95: {  	[spmem:s3] =	stream.indirect.scatter.add.f32 [tilespmem:s0], [sflag:$0x3], $0x1, s5, s9, $0x2000b8;
	[tilespmem:$0x1AA00] =	vst v63  }
.Ltmp5:
0x96: {  	_ = 	snop;
	(pc) =	sbr.rel @p2 .LBB2_8-.Ltmp5, $4  }
0x97: {  	p1 =	slt.u32 s6, $0x8  }
0x98: {  	s6 =	simm.s32 @!p1 $0x3  }
0x99: {  	_ =	swait.ge @!p1 [sflag:s6], $0x80  }
0x9a: {  	s5 =	sadd.s32 $0x80, s5;
	[sflag:s6] =	ssyncset.done @!p1 $0x0  }
0x9b: {  	[sflag:s6] =	ssyncadd.s32 @!p1 $0xFFFFFF80  }
0x9c: {  	_ =	swait.ge [sflag:s10], $0x80  }
0x9d: {  	[sflag:s10] =	ssyncset.done $0x0  }
0x9e: {  	[sflag:s10] =	ssyncadd.s32 $0xFFFFFF80  }
0x9f: {  	_ =	swait.ge [sflag:s10], $0x80  }
0xa0: {  	[sflag:s10] =	ssyncset.done $0x0  }
0xa1: {  	[sflag:s10] =	ssyncadd.s32 $0xFFFFFF80  }
0xa2: {  	_ =	swait.ge [sflag:s10], $0x80  }
0xa3: {  	[sflag:s10] =	ssyncset.done $0x0  }
0xa4: {  	[sflag:s10] =	ssyncadd.s32 $0xFFFFFF80  }
0xa5: {  	_ =	swait.ge [sflag:s10], $0x80  }
0xa6: {  	[sflag:s10] =	ssyncset.done $0x0  }
0xa7: {  	[sflag:s10] =	ssyncadd.s32 $0xFFFFFF80  }
0xa8: {  	_ =	swait.ge [sflag:s10], $0x80  }
0xa9: {  	[sflag:s10] =	ssyncset.done $0x0  }
0xaa: {  	[sflag:s10] =	ssyncadd.s32 $0xFFFFFF80  }
0xab: {  	_ =	swait.ge [sflag:s10], $0x80  }
0xac: {  	[sflag:s10] =	ssyncset.done $0x0  }
0xad: {  	[sflag:s10] =	ssyncadd.s32 $0xFFFFFF80  }
0xae: {  	_ =	swait.ge [sflag:s10], $0x80  }
0xaf: {  	[sflag:s10] =	ssyncset.done $0x0  }
0xb0: {  	[sflag:s10] =	ssyncadd.s32 $0xFFFFFF80  }
0xb1: {  	_ =	swait.ge [sflag:s10], $0x80  }
0xb2: {  	[sflag:s10] =	ssyncset.done $0x0  }
0xb3: {  	[sflag:s10] =	ssyncadd.s32 $0xFFFFFF80  }
0xb4: {  	_ =	strace $0x9000004A  }
0xb5: {  	[bflag:$0x0] =	sbarrier.arrive $0xFFFF  }
0xb6: {  	_ =	strace $0x8000004B  }
0xb7: {  	[tilespmem:s19], [sflag:$0x4] =	stream.linear.gather [spmem:s22], $0x300, $0x200038;
	[tilespmem:$0x1AA00] =	vst v63  }
0xb8: {  	_ =	swait.ge [sflag:s8], $0x300  }
0xb9: {  	[sflag:s8] =	ssyncset.done $0x0  }
0xba: {  	s2 =	simm.s32 $0x0;
	[sflag:s8] =	ssyncadd.s32 $0xFFFFFD00  }
0xbb: {  	v2 =	vld [tilespmem:s2+$0x1A700];
	_ =	sdelay $0x4  }
0xbc: {  	s0 =	simm.s32 $0x10;
	v2 =	vadd.f32 $1.000000000e+00, v2  }
0xbd: {  	v3 =	vld [tilespmem:s0+$0x1A700]  }
0xbe: {  	v4 =	vshra.s32 v2, $0x1;
	v5 =	vmul.f32 $5.000000000e-01, v2  }
0xbf: {  	v2 =	vsub.s32 $0x5F3759DF, v4  }
0xc0: {  	v4 =	vmul.f32 v2, v5  }
0xc1: {  	s5 =	simm.s32 $0x20  }
0xc2: {  	v6 =	vld [tilespmem:s5+$0x1A700];
	v3 =	vadd.f32 $1.000000000e+00, v3;
	v4 =	vmul.f32 v2, v4;
	_ =	sdelay $0x1  }
0xc3: {  	v7 =	vshra.s32 v3, $0x1;
	v9 =	vmul.f32 $5.000000000e-01, v3;
	v3 =	vsub.f32 $1.500000000e+00, v4  }
0xc4: {  	v4 =	vsub.s32 $0x5F3759DF, v7  }
0xc5: {  	v7 =	vmul.f32 v4, v9;
	v3 =	vmul.f32 v2, v3  }
0xc6: {  	s6 =	simm.s32 $0x30;
	v2 =	vadd.f32 $1.000000000e+00, v6  }
0xc7: {  	v6 =	vld [tilespmem:s6+$0x1A700];
	v7 =	vmul.f32 v4, v7;
	v8 =	vmul.f32 v3, v5  }
0xc8: {  	v10 =	vshra.s32 v2, $0x1;
	v2 =	vmul.f32 $5.000000000e-01, v2  }
0xc9: {  	v7 =	vsub.f32 $1.500000000e+00, v7;
	v10 =	vsub.s32 $0x5F3759DF, v10;
	v8 =	vmul.f32 v8, v3  }
0xca: {  	v11 =	vmul.f32 v10, v2  }
0xcb: {  	v4 =	vmul.f32 v4, v7;
	v7 =	vsub.f32 $1.500000000e+00, v8  }
0xcc: {  	v6 =	vadd.f32 $1.000000000e+00, v6;
	v11 =	vmul.f32 v10, v11  }
0xcd: {  	s18 =	simm.s32 $0x40;
	v12 =	vmul.f32 v4, v9;
	v7 =	vmul.f32 v7, v3  }
0xce: {  	v8 =	vld [tilespmem:s18+$0x1A700];
	v13 =	vshra.s32 v6, $0x1;
	v3 =	vmul.f32 $5.000000000e-01, v6;
	v6 =	vsub.f32 $1.500000000e+00, v11  }
0xcf: {  	v14 =	vsub.s32 $0x5F3759DF, v13;
	v11 =	vmul.f32 v12, v4;
	v5 =	vmul.f32 v7, v5  }
0xd0: {  	v12 =	vmul.f32 v14, v3;
	v6 =	vmul.f32 v10, v6  }
0xd1: {  	v10 =	vsub.f32 $1.500000000e+00, v11;
	v5 =	vmul.f32 v5, v7  }
0xd2: {  	v11 =	vmul.f32 v14, v12;
	v12 =	vmul.f32 v6, v2  }
0xd3: {  	s19 =	simm.s32 $0x50;
	v8 =	vadd.f32 $1.000000000e+00, v8;
	v4 =	vmul.f32 v10, v4  }
0xd4: {  	v15 =	vsub.f32 $1.500000000e+00, v5;
	v16 =	vsub.f32 $1.500000000e+00, v11;
	v11 =	vmul.f32 v12, v6;
	v12 =	vld [tilespmem:s19+$0x1A700]  }
0xd5: {  	v13 =	vshra.s32 v8, $0x1;
	v5 =	vmul.f32 $5.000000000e-01, v8  }
0xd6: {  	v8 =	vsub.s32 $0x5F3759DF, v13;
	v10 =	vmul.f32 v4, v9;
	v7 =	vmul.f32 v15, v7  }
0xd7: {  	s20 =	simm.s32 $0x180;
	v13 =	vmul.f32 v8, v5;
	v9 =	vmul.f32 v14, v16  }
.LBB2_10:
0xd8: {  	s21 =	sshra.s32 s20, $0x2  }
0xd9: {  	v14 =	vadd.f32 $1.000000000e+00, v12;
	v11 =	vsub.f32 $1.500000000e+00, v11;
	v10 =	vmul.f32 v10, v4;
	[tilespmem:v1+s2+$0x0 ss:$0x1] =	vst.idx.msk $0xffff, v7;
	s2 =	smov.u32 s0;
	s0 =	smov.u32 s5;
	p1 =	sne.s32 s20, $0xBC0  }
.Ltmp6:
0xda: {  	s5 =	smov.u32 s6;
	s6 =	smov.u32 s18;
	v12 =	vld [tilespmem:s21+$0x1A700];
	v7 =	vmul.f32 v8, v13;
	v13 =	vmul.f32 v9, v3;
	(pc) =	sbr.rel @p1 .LBB2_10-.Ltmp6, $4  }
0xdb: {  	s20 =	sadd.s32 $0x40, s20;
	s18 =	smov.u32 s19;
	v15 =	vshra.s32 v14, $0x1;
	v16 =	vmul.f32 v11, v6;
	v17 =	vsub.f32 $1.500000000e+00, v10;
	v6 =	vmovc v9  }
0xdc: {  	s19 =	smov.u32 s21;
	v14 =	vmul.f32 $5.000000000e-01, v14;
	v9 =	vsub.f32 $1.500000000e+00, v7;
	v11 =	vmul.f32 v13, v6  }
0xdd: {  	v15 =	vsub.s32 $0x5F3759DF, v15;
	v10 =	vmul.f32 v16, v2;
	v7 =	vmul.f32 v17, v4;
	v4 =	vmovc v16;
	v2 =	vmovc v3  }
0xde: {  	v13 =	vmul.f32 v15, v14;
	v3 =	vmovc v5;
	v5 =	vmovc v14;
	v9 =	vmul.f32 v8, v9;
	v8 =	vmov v15  }
0xdf: {  	v12 =	vadd.f32 $1.000000000e+00, v12;
	_ =	sdelay $0x1  }
0xe0: {  	v14 =	vshra.s32 v12, $0x1;
	v12 =	vmul.f32 $5.000000000e-01, v12  }
0xe1: {  	v14 =	vsub.s32 $0x5F3759DF, v14  }
0xe2: {  	v15 =	vmul.f32 v14, v12  }
0xe3: {  	v13 =	vmul.f32 v8, v13  }
0xe4: {  	v15 =	vmul.f32 v14, v15  }
0xe5: {  	v13 =	vsub.f32 $1.500000000e+00, v13  }
0xe6: {  	v15 =	vsub.f32 $1.500000000e+00, v15  }
0xe7: {  	v53 =	vmul.f32 v8, v13  }
0xe8: {  	v54 =	vmul.f32 v9, v3;
	v14 =	vmul.f32 v14, v15  }
0xe9: {  	v55 =	vmul.f32 v53, v5  }
0xea: {  	v13 =	vmul.f32 v54, v9;
	v16 =	vmul.f32 v14, v12  }
0xeb: {  	v11 =	vsub.f32 $1.500000000e+00, v11;
	v15 =	vmul.f32 v55, v53  }
0xec: {  	v13 =	vsub.f32 $1.500000000e+00, v13;
	v16 =	vmul.f32 v16, v14  }
0xed: {  	v6 =	vmul.f32 v11, v6;
	v56 =	vsub.f32 $1.500000000e+00, v15  }
0xee: {  	v10 =	vmul.f32 v10, v4;
	v57 =	vmul.f32 v13, v9;
	v58 =	vsub.f32 $1.500000000e+00, v16  }
0xef: {  	v2 =	vmul.f32 v6, v2;
	v8 =	vmul.f32 v56, v53  }
0xf0: {  	v3 =	vmul.f32 v57, v3;
	v59 =	vmul.f32 v58, v14  }
0xf1: {  	v2 =	vmul.f32 v2, v6;
	v60 =	vmul.f32 v8, v5  }
0xf2: {  	v10 =	vsub.f32 $1.500000000e+00, v10;
	v3 =	vmul.f32 v3, v57;
	v12 =	vmul.f32 v59, v12  }
0xf3: {  	v2 =	vsub.f32 $1.500000000e+00, v2;
	v5 =	vmul.f32 v60, v8  }
0xf4: {  	v61 =	vmul.f32 v10, v4;
	v3 =	vsub.f32 $1.500000000e+00, v3;
	v62 =	vmul.f32 v12, v59  }
0xf5: {  	[tilespmem:v1+s2+$0x0 ss:$0x1] =	vst.idx.msk $0xffff, v7;
	v2 =	vmul.f32 v2, v6;
	v5 =	vsub.f32 $1.500000000e+00, v5  }
0xf6: {  	[tilespmem:v1+s0+$0x0 ss:$0x1] =	vst.idx.msk $0xffff, v61;
	v3 =	vmul.f32 v3, v57;
	v63 =	vsub.f32 $1.500000000e+00, v62  }
0xf7: {  	[tilespmem:v1+s5+$0x0 ss:$0x1] =	vst.idx.msk $0xffff, v2;
	v2 =	vmul.f32 v5, v8  }
0xf8: {  	[tilespmem:v1+s6+$0x0 ss:$0x1] =	vst.idx.msk $0xffff, v3;
	v3 =	vmul.f32 v63, v59  }
0xf9: {  	[tilespmem:v1+s18+$0x0 ss:$0x1] =	vst.idx.msk $0xffff, v2  }
0xfa: {  	[tilespmem:v1+s19+$0x0 ss:$0x1] =	vst.idx.msk $0xffff, v3  }
0xfb: {  	s5 =	rddreg [dreg:$0x1f]  }
0xfc: {  	[spmem:s22] =	stream.linear.scatter [tilespmem:s5], [sflag:$0x4], $0x300, $0x200038;
	[tilespmem:$0x1AA00] =	vst v63  }
0xfd: {  	_ =	swait.ge [sflag:s8], $0x300  }
0xfe: {  	[sflag:s8] =	ssyncset.done $0x0  }
0xff: {  	s0 =	simm.s32 @!p0 $0x0;
	s2 =	rddreg [dreg:$0xc];
	[sflag:s8] =	ssyncadd.s32 $0xFFFFFD00  }
0x100: {  	[hbm4b:s2+s0] =	stream.linear.scatter @!p0 [tilespmem:s5], [sflag:$0x4], $0x300, $0x200038;
	[tilespmem:$0x1AA00] =	vst v63  }
0x101: {  	s0 =	simm.s32 @!p0 $0x4  }
0x102: {  	_ =	swait.ge @!p0 [sflag:s0], $0x300  }
0x103: {  	[sflag:s0] =	ssyncset.done @!p0 $0x0  }
0x104: {  	[sflag:s0] =	ssyncadd.s32 @!p0 $0xFFFFFD00  }
0x105: {  	[bflag:$0x0] =	sbarrier.arrive $0xFFFF  }
0x106: {  	[tilespmem:s11], [sflag:$0x4] =	stream.linear.gather [spmem:s3], $0x3000, $0x200038;
	[tilespmem:$0x1AA00] =	vst v63  }
0x107: {  	_ =	swait.ge [sflag:s8], $0x3000  }
0x108: {  	[sflag:s8] =	ssyncset.done $0x0  }
0x109: {  	[sflag:s8] =	ssyncadd.s32 $0xFFFFD000  }
0x10a: {  	_ =	strace $0x9000004B  }
0x10b: {  	_ =	strace $0x8000004C  }
0x10c: {  	s20 =	simm.s32 $0x0;
	s26 =	simm.s32 $0x12B00;
	s25 =	rddreg [dreg:$0x19]  }
0x10d: {  	[tilespmem:s26], [sflag:$0x4] =	stream.linear.gather [hbm4b:s25+s20], $0x1400, $0x200038;
	[tilespmem:$0x1AA00] =	vst v63  }
0x10e: {  	_ =	swait.ge [sflag:s8], $0x1400  }
0x10f: {  	[sflag:s8] =	ssyncset.done $0x0  }
0x110: {  	s29 =	simm.s32 $0x13F00;
	s28 =	rddreg [dreg:$0xf];
	[sflag:s8] =	ssyncadd.s32 $0xFFFFEC00  }
0x111: {  	[tilespmem:s29], [sflag:$0x4] =	stream.linear.gather [hbm4b:s28+s20], $0x1400, $0x200038;
	[tilespmem:$0x1AA00] =	vst v63  }
0x112: {  	_ =	swait.ge [sflag:s8], $0x1400  }
0x113: {  	[sflag:s8] =	ssyncset.done $0x0  }
0x114: {  	s31 =	simm.s32 $0x15300;
	s30 =	rddreg [dreg:$0x10];
	[sflag:s8] =	ssyncadd.s32 $0xFFFFEC00  }
0x115: {  	[tilespmem:s31], [sflag:$0x4] =	stream.linear.gather [hbm4b:s30+s20], $0x1400, $0x200038;
	[tilespmem:$0x1AA00] =	vst v63  }
0x116: {  	_ =	swait.ge [sflag:s8], $0x1400  }
0x117: {  	[sflag:s8] =	ssyncset.done $0x0  }
0x118: {  	[sflag:s8] =	ssyncadd.s32 $0xFFFFEC00  }
0x119: {  	s21 =	simm.s32 $0x12B10;
	s23 =	simm.s32 $0x12B90;
	_ =	strace $0x9000004C  }
0x11a: {  	s22 =	simm.s32 $0x15310;
	s25 =	simm.s32 $0x15390;
	_ =	strace $0x8000004D  }
0x11b: {  	[tilespmem:s12], [sflag:$0x1] =	stream.indirect.gather [spmem:s4], $0x18, s26, s9, $0x2000b8;
	[tilespmem:$0x1AA00] =	vst v63  }
.LBB2_12:
0x11c: {  	s2 =	sshll.u32 s20, $0x8  }
0x11d: {  	s0 =	sadd.s32 $0x12B80, s2  }
0x11e: {  	[tilespmem:s13], [sflag:$0x2] =	stream.indirect.gather [spmem:s4], $0x18, s0, s9, $0x2000b8;
	[tilespmem:$0x1AA00] =	vst v63  }
0x11f: {  	_ =	swait.ge [sflag:s14], $0xC00  }
0x120: {  	p1 =	seq.s32 s20, $0x0;
	[sflag:s14] =	ssyncset.done $0x0  }
0x121: {  	s0 =	simm.s32 @!p1 $0x3;
	[sflag:s14] =	ssyncadd.s32 $0xFFFFF400  }
0x122: {  	_ =	swait.ge @!p1 [sflag:s0], $0x1000  }
0x123: {  	[sflag:s0] =	ssyncset.done @!p1 $0x0  }
0x124: {  	[sflag:s0] =	ssyncadd.s32 @!p1 $0xFFFFF000  }
0x125: {  	v2 =	vld [tilespmem:s21+$0x0];
	_ =	sdelay $0x6  }
0x126: {  	v3 =	vld [tilespmem:s22+$0x0]  }
0x127: {  	v2 =	vld.idx.msk [tilespmem:v2+s11+$0x0], $0xffff;
	_ =	sdelay $0x2  }
0x128: {  	s31 =	simm.s32 $0x16880  }
0x129: {  	v4 =	vld [tilespmem:s31+$0x0]  }
0x12a: {  	v2 =	vmul.f32 v2, v3;
	_ =	sdelay $0x1  }
0x12b: {  	v3 =	vbroadcast v2, $0x0;
	_ =	sdelay $0x1  }
0x12c: {  	v4 =	vmul.f32 v3, v4  }
0x12d: {  	s29 =	simm.s32 $0x18100;
	v5 =	vld [tilespmem:s21+$0xFFFFFFF0]  }
0x12e: {  	[tilespmem:s29+$0x0] =	vst v4  }
0x12f: {  	v4 =	vld [tilespmem:s31+$0x8];
	_ =	sdelay $0x4  }
0x130: {  	v3 =	vmul.f32 v4, v3  }
0x131: {  	v4 =	vld.idx.msk [tilespmem:v5+s11+$0x0], $0xffff  }
0x132: {  	v5 =	vld [tilespmem:s22+$0xFFFFFFF0];
	[tilespmem:s29+$0x8] =	vst v3  }
0x133: {  	v3 =	vld [tilespmem:s31+$0x18];
	_ =	sdelay $0x2  }
0x134: {  	v6 =	vbroadcast v2, $0x1  }
0x135: {  	v7 =	vld [tilespmem:s31+$0xFFFFFE80]  }
0x136: {  	v5 =	vmul.f32 v4, v5;
	v3 =	vmul.f32 v3, v6;
	_ =	sdelay $0x1  }
0x137: {  	v4 =	vbroadcast v5, $0x0;
	[tilespmem:s29+$0x20] =	vst v3  }
0x138: {  	v3 =	vld [tilespmem:s31+$0x20]  }
0x139: {  	v7 =	vmul.f32 v4, v7;
	_ =	sdelay $0x1  }
0x13a: {  	[tilespmem:s29+$0xFFFFFE00] =	vst v7  }
0x13b: {  	v7 =	vld [tilespmem:s31+$0xFFFFFE88]  }
0x13c: {  	v3 =	vmul.f32 v3, v6;
	_ =	sdelay $0x1  }
0x13d: {  	[tilespmem:s29+$0x28] =	vst v3  }
0x13e: {  	v3 =	vld [tilespmem:s31+$0x30]  }
0x13f: {  	v4 =	vmul.f32 v7, v4;
	_ =	sdelay $0x1  }
0x140: {  	[tilespmem:s29+$0xFFFFFE08] =	vst v4;
	v4 =	vbroadcast v2, $0x2  }
0x141: {  	v6 =	vld [tilespmem:s31+$0xFFFFFE98]  }
0x142: {  	v3 =	vmul.f32 v3, v4;
	_ =	sdelay $0x1  }
0x143: {  	v7 =	vbroadcast v5, $0x1;
	[tilespmem:s29+$0x40] =	vst v3  }
0x144: {  	v3 =	vld [tilespmem:s31+$0x38]  }
0x145: {  	v6 =	vmul.f32 v6, v7;
	_ =	sdelay $0x1  }
0x146: {  	[tilespmem:s29+$0xFFFFFE20] =	vst v6  }
0x147: {  	v6 =	vld [tilespmem:s31+$0xFFFFFEA0]  }
0x148: {  	v3 =	vmul.f32 v3, v4;
	_ =	sdelay $0x1  }
0x149: {  	[tilespmem:s29+$0x48] =	vst v3  }
0x14a: {  	v3 =	vld [tilespmem:s31+$0x48]  }
0x14b: {  	v4 =	vmul.f32 v6, v7;
	_ =	sdelay $0x1  }
0x14c: {  	[tilespmem:s29+$0xFFFFFE28] =	vst v4;
	v4 =	vbroadcast v2, $0x3  }
0x14d: {  	v6 =	vld [tilespmem:s31+$0xFFFFFEB0]  }
0x14e: {  	v3 =	vmul.f32 v3, v4;
	_ =	sdelay $0x1  }
0x14f: {  	v7 =	vbroadcast v5, $0x2;
	[tilespmem:s29+$0x60] =	vst v3  }
0x150: {  	v3 =	vld [tilespmem:s31+$0x50]  }
0x151: {  	v6 =	vmul.f32 v6, v7;
	_ =	sdelay $0x1  }
0x152: {  	[tilespmem:s29+$0xFFFFFE40] =	vst v6  }
0x153: {  	v6 =	vld [tilespmem:s31+$0xFFFFFEB8]  }
0x154: {  	v3 =	vmul.f32 v3, v4;
	_ =	sdelay $0x1  }
0x155: {  	[tilespmem:s29+$0x68] =	vst v3  }
0x156: {  	v3 =	vld [tilespmem:s31+$0x60]  }
0x157: {  	s5 =	sadd.s32 $0x20, s21;
	v4 =	vmul.f32 v6, v7  }
0x158: {  	v6 =	vld [tilespmem:s5+$0x0]  }
0x159: {  	[tilespmem:s29+$0xFFFFFE48] =	vst v4;
	v4 =	vbroadcast v2, $0x4;
	_ =	sdelay $0x1  }
0x15a: {  	v7 =	vld [tilespmem:s31+$0xFFFFFEC8];
	v3 =	vmul.f32 v3, v4;
	_ =	sdelay $0x1  }
0x15b: {  	v8 =	vld [tilespmem:s5+$0xFFFFFFF0];
	[tilespmem:s29+$0x80] =	vst v3  }
0x15c: {  	s26 =	sadd.s32 $0x20, s22;
	v9 =	vbroadcast v5, $0x3;
	v3 =	vld [tilespmem:s31+$0x68]  }
0x15d: {  	v10 =	vld [tilespmem:s26+$0x0]  }
0x15e: {  	v7 =	vmul.f32 v7, v9;
	v6 =	vld.idx.msk [tilespmem:v6+s11+$0x0], $0xffff;
	_ =	sdelay $0x1  }
0x15f: {  	v11 =	vld [tilespmem:s26+$0xFFFFFFF0];
	[tilespmem:s29+$0xFFFFFE60] =	vst v7  }
0x160: {  	s24 =	simm.s32 $0x16B80;
	v7 =	vld [tilespmem:s31+$0xFFFFFED0];
	v3 =	vmul.f32 v3, v4  }
0x161: {  	v4 =	vld [tilespmem:s24+$0x0]  }
0x162: {  	v8 =	vld.idx.msk [tilespmem:v8+s11+$0x0], $0xffff;
	[tilespmem:s29+$0x88] =	vst v3;
	v3 =	vmul.f32 v6, v10  }
0x163: {  	v10 =	vld [tilespmem:s31+$0x78]  }
0x164: {  	v12 =	vbroadcast v3, $0x0  }
0x165: {  	v6 =	vmul.f32 v7, v9  }
0x166: {  	v7 =	vbroadcast v2, $0x5;
	v4 =	vmul.f32 v12, v4  }
0x167: {  	s30 =	simm.s32 $0x18500;
	v9 =	vld [tilespmem:s24+$0xFFFFFE80];
	[tilespmem:s29+$0xFFFFFE68] =	vst v6  }
0x168: {  	v6 =	vmul.f32 v8, v11;
	v13 =	vld [tilespmem:s31+$0xFFFFFEE0];
	v8 =	vmul.f32 v10, v7;
	[tilespmem:s30+$0x0] =	vst v4  }
0x169: {  	v4 =	vld [tilespmem:s24+$0x8]  }
0x16a: {  	v10 =	vbroadcast v6, $0x0;
	[tilespmem:s29+$0xA0] =	vst v8  }
0x16b: {  	v8 =	vbroadcast v5, $0x4;
	v11 =	vld [tilespmem:s31+$0x80]  }
0x16c: {  	v9 =	vmul.f32 v10, v9  }
0x16d: {  	v13 =	vmul.f32 v13, v8  }
0x16e: {  	[tilespmem:s30+$0xFFFFFE00] =	vst v9;
	v4 =	vmul.f32 v4, v12  }
0x16f: {  	v9 =	vld [tilespmem:s24+$0xFFFFFE88];
	[tilespmem:s29+$0xFFFFFE80] =	vst v13  }
0x170: {  	v12 =	vld [tilespmem:s31+$0xFFFFFEE8];
	v7 =	vmul.f32 v11, v7;
	[tilespmem:s30+$0x8] =	vst v4  }
0x171: {  	v4 =	vld [tilespmem:s24+$0x18]  }
0x172: {  	[tilespmem:s29+$0xA8] =	vst v7  }
0x173: {  	v7 =	vld [tilespmem:s31+$0x90]  }
0x174: {  	v9 =	vmul.f32 v9, v10;
	v10 =	vbroadcast v3, $0x1  }
0x175: {  	v8 =	vmul.f32 v12, v8  }
0x176: {  	[tilespmem:s30+$0xFFFFFE08] =	vst v9;
	v9 =	vbroadcast v2, $0x6;
	v4 =	vmul.f32 v4, v10  }
0x177: {  	[tilespmem:s29+$0xFFFFFE88] =	vst v8;
	v8 =	vld [tilespmem:s24+$0xFFFFFE98]  }
0x178: {  	v11 =	vld [tilespmem:s31+$0xFFFFFEF8];
	v7 =	vmul.f32 v7, v9;
	[tilespmem:s30+$0x20] =	vst v4  }
0x179: {  	v4 =	vld [tilespmem:s24+$0x20]  }
0x17a: {  	v12 =	vbroadcast v6, $0x1;
	[tilespmem:s29+$0xC0] =	vst v7  }
0x17b: {  	v7 =	vbroadcast v5, $0x5;
	v13 =	vld [tilespmem:s31+$0x98]  }
0x17c: {  	v8 =	vmul.f32 v8, v12  }
0x17d: {  	v11 =	vmul.f32 v11, v7  }
0x17e: {  	[tilespmem:s30+$0xFFFFFE20] =	vst v8;
	v4 =	vmul.f32 v4, v10  }
0x17f: {  	[tilespmem:s29+$0xFFFFFEA0] =	vst v11;
	v8 =	vld [tilespmem:s24+$0xFFFFFEA0]  }
0x180: {  	v10 =	vld [tilespmem:s31+$0xFFFFFF00];
	v9 =	vmul.f32 v13, v9;
	[tilespmem:s30+$0x28] =	vst v4  }
0x181: {  	v4 =	vld [tilespmem:s24+$0x30]  }
0x182: {  	[tilespmem:s29+$0xC8] =	vst v9  }
0x183: {  	v9 =	vld [tilespmem:s31+$0xA8]  }
0x184: {  	v11 =	vbroadcast v3, $0x2;
	v8 =	vmul.f32 v8, v12  }
0x185: {  	v7 =	vmul.f32 v10, v7  }
0x186: {  	[tilespmem:s30+$0xFFFFFE28] =	vst v8;
	v8 =	vbroadcast v2, $0x7;
	v4 =	vmul.f32 v4, v11  }
0x187: {  	[tilespmem:s29+$0xFFFFFEA8] =	vst v7;
	v7 =	vld [tilespmem:s24+$0xFFFFFEB0]  }
0x188: {  	v10 =	vld [tilespmem:s31+$0xFFFFFF10];
	v9 =	vmul.f32 v9, v8;
	[tilespmem:s30+$0x40] =	vst v4  }
0x189: {  	v4 =	vld [tilespmem:s24+$0x38]  }
0x18a: {  	v12 =	vbroadcast v6, $0x2;
	[tilespmem:s29+$0xE0] =	vst v9  }
0x18b: {  	v9 =	vbroadcast v5, $0x6;
	v13 =	vld [tilespmem:s31+$0xB0]  }
0x18c: {  	v7 =	vmul.f32 v7, v12  }
0x18d: {  	v10 =	vmul.f32 v10, v9  }
0x18e: {  	[tilespmem:s30+$0xFFFFFE40] =	vst v7;
	v4 =	vmul.f32 v4, v11  }
0x18f: {  	[tilespmem:s29+$0xFFFFFEC0] =	vst v10;
	v7 =	vld [tilespmem:s24+$0xFFFFFEB8]  }
0x190: {  	v10 =	vld [tilespmem:s31+$0xFFFFFF18];
	v8 =	vmul.f32 v13, v8;
	[tilespmem:s30+$0x48] =	vst v4  }
0x191: {  	v4 =	vld [tilespmem:s24+$0x48]  }
0x192: {  	[tilespmem:s29+$0xE8] =	vst v8  }
0x193: {  	v8 =	vld [tilespmem:s31+$0xC0]  }
0x194: {  	v11 =	vbroadcast v3, $0x3;
	v7 =	vmul.f32 v7, v12  }
0x195: {  	v9 =	vmul.f32 v10, v9  }
0x196: {  	[tilespmem:s30+$0xFFFFFE48] =	vst v7;
	v7 =	vbroadcast v2, $0x8;
	v4 =	vmul.f32 v4, v11  }
0x197: {  	[tilespmem:s29+$0xFFFFFEC8] =	vst v9;
	v9 =	vld [tilespmem:s24+$0xFFFFFEC8]  }
0x198: {  	v10 =	vld [tilespmem:s31+$0xFFFFFF28];
	v8 =	vmul.f32 v8, v7;
	[tilespmem:s30+$0x60] =	vst v4  }
0x199: {  	v4 =	vld [tilespmem:s24+$0x50]  }
0x19a: {  	v12 =	vbroadcast v6, $0x3;
	[tilespmem:s29+$0x100] =	vst v8  }
0x19b: {  	v8 =	vbroadcast v5, $0x7;
	v13 =	vld [tilespmem:s31+$0xC8]  }
0x19c: {  	v9 =	vmul.f32 v9, v12  }
0x19d: {  	v10 =	vmul.f32 v10, v8  }
0x19e: {  	[tilespmem:s30+$0xFFFFFE60] =	vst v9;
	v4 =	vmul.f32 v4, v11  }
0x19f: {  	[tilespmem:s29+$0xFFFFFEE0] =	vst v10;
	v9 =	vld [tilespmem:s24+$0xFFFFFED0]  }
0x1a0: {  	v10 =	vld [tilespmem:s31+$0xFFFFFF30];
	v7 =	vmul.f32 v13, v7;
	[tilespmem:s30+$0x68] =	vst v4  }
0x1a1: {  	v4 =	vld [tilespmem:s24+$0x60]  }
0x1a2: {  	[tilespmem:s29+$0x108] =	vst v7  }
0x1a3: {  	s6 =	sadd.s32 $0x20, s5;
	v7 =	vld [tilespmem:s31+$0xD8]  }
0x1a4: {  	v11 =	vld [tilespmem:s6+$0x0];
	v9 =	vmul.f32 v9, v12;
	v12 =	vbroadcast v3, $0x4  }
0x1a5: {  	v8 =	vmul.f32 v10, v8  }
0x1a6: {  	v10 =	vld [tilespmem:s6+$0xFFFFFFF0];
	[tilespmem:s30+$0xFFFFFE68] =	vst v9;
	v9 =	vbroadcast v2, $0x9;
	v4 =	vmul.f32 v4, v12  }
0x1a7: {  	s0 =	sadd.s32 $0x20, s26;
	[tilespmem:s29+$0xFFFFFEE8] =	vst v8;
	v8 =	vld [tilespmem:s24+$0xFFFFFEE0]  }
0x1a8: {  	v15 =	vld [tilespmem:s0+$0x0];
	v7 =	vmul.f32 v7, v9;
	[tilespmem:s30+$0x80] =	vst v4  }
0x1a9: {  	s19 =	simm.s32 $0x16E80;
	v4 =	vld [tilespmem:s24+$0x68]  }
0x1aa: {  	v17 =	vld [tilespmem:s19+$0x0];
	v14 =	vbroadcast v6, $0x4;
	[tilespmem:s29+$0x120] =	vst v7  }
0x1ab: {  	v7 =	vld [tilespmem:s31+$0xE0]  }
0x1ac: {  	v11 =	vld.idx.msk [tilespmem:v11+s11+$0x0], $0xffff;
	v8 =	vmul.f32 v8, v14  }
0x1ad: {  	v13 =	vld [tilespmem:s31+$0xFFFFFF40]  }
0x1ae: {  	v10 =	vld.idx.msk [tilespmem:v10+s11+$0x0], $0xffff;
	[tilespmem:s30+$0xFFFFFE80] =	vst v8;
	v4 =	vmul.f32 v4, v12  }
0x1af: {  	v12 =	vld [tilespmem:s24+$0xFFFFFEE8]  }
0x1b0: {  	v8 =	vld [tilespmem:s0+$0xFFFFFFF0];
	[tilespmem:s30+$0x88] =	vst v4;
	v7 =	vmul.f32 v7, v9  }
0x1b1: {  	v16 =	vbroadcast v5, $0x8;
	v4 =	vmul.f32 v11, v15;
	v11 =	vld [tilespmem:s24+$0x78]  }
0x1b2: {  	[tilespmem:s29+$0x128] =	vst v7  }
0x1b3: {  	v9 =	vmul.f32 v13, v16;
	v7 =	vbroadcast v4, $0x0;
	v13 =	vld [tilespmem:s31+$0xF0]  }
0x1b4: {  	v12 =	vmul.f32 v12, v14;
	v14 =	vbroadcast v3, $0x5  }
0x1b5: {  	v15 =	vld [tilespmem:s19+$0xFFFFFE80];
	[tilespmem:s29+$0xFFFFFF00] =	vst v9;
	v9 =	vmul.f32 v10, v8;
	v17 =	vmul.f32 v7, v17  }
0x1b6: {  	s18 =	simm.s32 $0x18900;
	v10 =	vbroadcast v2, $0xA;
	v18 =	vld [tilespmem:s31+$0xFFFFFF48];
	[tilespmem:s30+$0xFFFFFE88] =	vst v12;
	v8 =	vmul.f32 v11, v14  }
0x1b7: {  	[tilespmem:s18+$0x0] =	vst v17;
	v11 =	vld [tilespmem:s24+$0xFFFFFEF8]  }
0x1b8: {  	v12 =	vbroadcast v9, $0x0;
	v17 =	vld [tilespmem:s19+$0x8];
	[tilespmem:s30+$0xA0] =	vst v8;
	v8 =	vmul.f32 v13, v10  }
0x1b9: {  	v13 =	vld [tilespmem:s24+$0x80]  }
0x1ba: {  	v19 =	vbroadcast v6, $0x5;
	v15 =	vmul.f32 v12, v15;
	[tilespmem:s29+$0x140] =	vst v8  }
0x1bb: {  	v16 =	vmul.f32 v18, v16;
	v8 =	vld [tilespmem:s31+$0xF8]  }
0x1bc: {  	[tilespmem:s18+$0xFFFFFE00] =	vst v15;
	v11 =	vmul.f32 v11, v19  }
0x1bd: {  	[tilespmem:s29+$0xFFFFFF08] =	vst v16;
	v15 =	vld [tilespmem:s19+$0xFFFFFE88];
	v7 =	vmul.f32 v17, v7  }
0x1be: {  	v16 =	vld [tilespmem:s31+$0xFFFFFF58];
	[tilespmem:s30+$0xFFFFFEA0] =	vst v11;
	v11 =	vmul.f32 v13, v14  }
0x1bf: {  	[tilespmem:s18+$0x8] =	vst v7;
	v7 =	vld [tilespmem:s24+$0xFFFFFF00]  }
0x1c0: {  	v13 =	vld [tilespmem:s19+$0x18];
	[tilespmem:s30+$0xA8] =	vst v11;
	v8 =	vmul.f32 v8, v10  }
0x1c1: {  	v11 =	vbroadcast v5, $0x9;
	v10 =	vld [tilespmem:s24+$0x90]  }
0x1c2: {  	v12 =	vmul.f32 v15, v12;
	[tilespmem:s29+$0x148] =	vst v8  }
0x1c3: {  	v14 =	vmul.f32 v16, v11;
	v8 =	vbroadcast v4, $0x1;
	v15 =	vld [tilespmem:s31+$0x108]  }
0x1c4: {  	[tilespmem:s18+$0xFFFFFE08] =	vst v12;
	v12 =	vbroadcast v3, $0x6;
	v7 =	vmul.f32 v7, v19  }
0x1c5: {  	v16 =	vld [tilespmem:s19+$0xFFFFFE98];
	[tilespmem:s29+$0xFFFFFF20] =	vst v14;
	v13 =	vmul.f32 v13, v8  }
0x1c6: {  	v14 =	vld [tilespmem:s31+$0xFFFFFF60];
	[tilespmem:s30+$0xFFFFFEA8] =	vst v7;
	v7 =	vmul.f32 v10, v12;
	v10 =	vbroadcast v2, $0xB  }
0x1c7: {  	[tilespmem:s18+$0x20] =	vst v13;
	v13 =	vld [tilespmem:s24+$0xFFFFFF10]  }
0x1c8: {  	v17 =	vbroadcast v9, $0x1;
	v18 =	vld [tilespmem:s19+$0x20];
	[tilespmem:s30+$0xC0] =	vst v7;
	v7 =	vmul.f32 v15, v10  }
0x1c9: {  	v15 =	vld [tilespmem:s24+$0x98]  }
0x1ca: {  	v19 =	vbroadcast v6, $0x6;
	v16 =	vmul.f32 v16, v17;
	[tilespmem:s29+$0x160] =	vst v7  }
0x1cb: {  	v7 =	vmul.f32 v14, v11;
	v11 =	vld [tilespmem:s31+$0x110]  }
0x1cc: {  	[tilespmem:s18+$0xFFFFFE20] =	vst v16;
	v13 =	vmul.f32 v13, v19  }
0x1cd: {  	v14 =	vld [tilespmem:s19+$0xFFFFFEA0];
	[tilespmem:s29+$0xFFFFFF28] =	vst v7;
	v7 =	vmul.f32 v18, v8  }
0x1ce: {  	v8 =	vld [tilespmem:s31+$0xFFFFFF70];
	[tilespmem:s30+$0xFFFFFEC0] =	vst v13;
	v12 =	vmul.f32 v15, v12  }
0x1cf: {  	[tilespmem:s18+$0x28] =	vst v7;
	v7 =	vld [tilespmem:s24+$0xFFFFFF18]  }
0x1d0: {  	v13 =	vld [tilespmem:s19+$0x30];
	[tilespmem:s30+$0xC8] =	vst v12;
	v10 =	vmul.f32 v11, v10  }
0x1d1: {  	v12 =	vbroadcast v5, $0xA;
	v11 =	vld [tilespmem:s24+$0xA8]  }
0x1d2: {  	v14 =	vmul.f32 v14, v17;
	[tilespmem:s29+$0x168] =	vst v10  }
0x1d3: {  	v15 =	vbroadcast v4, $0x2;
	v8 =	vmul.f32 v8, v12;
	v16 =	vld [tilespmem:s31+$0x120]  }
0x1d4: {  	[tilespmem:s18+$0xFFFFFE28] =	vst v14;
	v14 =	vbroadcast v3, $0x7;
	v7 =	vmul.f32 v7, v19  }
0x1d5: {  	v17 =	vld [tilespmem:s19+$0xFFFFFEB0];
	[tilespmem:s29+$0xFFFFFF40] =	vst v8;
	v8 =	vmul.f32 v13, v15  }
0x1d6: {  	v20 =	vbroadcast v2, $0xC;
	v18 =	vld [tilespmem:s31+$0xFFFFFF78];
	[tilespmem:s30+$0xFFFFFEC8] =	vst v7;
	v11 =	vmul.f32 v11, v14  }
0x1d7: {  	v30 =	vbroadcast v2, $0xD;
	[tilespmem:s18+$0x40] =	vst v8;
	v8 =	vld [tilespmem:s24+$0xFFFFFF28]  }
0x1d8: {  	v22 =	vbroadcast v9, $0x2;
	v23 =	vld [tilespmem:s19+$0x38];
	[tilespmem:s30+$0xE0] =	vst v11;
	v11 =	vmul.f32 v16, v20  }
0x1d9: {  	v31 =	vbroadcast v5, $0xB;
	v33 =	vbroadcast v3, $0x8;
	v24 =	vld [tilespmem:s24+$0xB0]  }
0x1da: {  	v25 =	vbroadcast v6, $0x7;
	v16 =	vmul.f32 v17, v22;
	[tilespmem:s29+$0x180] =	vst v11  }
0x1db: {  	v21 =	vbroadcast v6, $0x8;
	v11 =	vmul.f32 v18, v12;
	v12 =	vld [tilespmem:s31+$0x128]  }
0x1dc: {  	v32 =	vbroadcast v4, $0x3;
	[tilespmem:s18+$0xFFFFFE40] =	vst v16;
	v8 =	vmul.f32 v8, v25  }
0x1dd: {  	v29 =	vbroadcast v9, $0x3;
	v18 =	vld [tilespmem:s19+$0xFFFFFEB8];
	[tilespmem:s29+$0xFFFFFF48] =	vst v11;
	v15 =	vmul.f32 v23, v15  }
0x1de: {  	v27 =	vbroadcast v9, $0x4;
	v23 =	vld [tilespmem:s31+$0xFFFFFF88];
	[tilespmem:s30+$0xFFFFFEE0] =	vst v8;
	v24 =	vmul.f32 v24, v14  }
0x1df: {  	v26 =	vbroadcast v9, $0x5;
	v10 =	vbroadcast v5, $0xD;
	[tilespmem:s18+$0x48] =	vst v15;
	v15 =	vld [tilespmem:s24+$0xFFFFFF30]  }
0x1e0: {  	v19 =	vbroadcast v6, $0x9;
	v28 =	vld [tilespmem:s19+$0x48];
	[tilespmem:s30+$0xE8] =	vst v24;
	v12 =	vmul.f32 v12, v20  }
0x1e1: {  	v13 =	vbroadcast v5, $0xC;
	v7 =	vbroadcast v5, $0xE;
	v20 =	vld [tilespmem:s24+$0xC0]  }
0x1e2: {  	v5 =	vbroadcast v5, $0xF;
	v18 =	vmul.f32 v18, v22;
	[tilespmem:s29+$0x188] =	vst v12  }
0x1e3: {  	v17 =	vbroadcast v6, $0xA;
	v12 =	vmul.f32 v23, v31;
	v23 =	vld [tilespmem:s31+$0x138]  }
0x1e4: {  	v16 =	vbroadcast v6, $0xB;
	[tilespmem:s18+$0xFFFFFE48] =	vst v18;
	v15 =	vmul.f32 v15, v25  }
0x1e5: {  	v11 =	vbroadcast v6, $0xD;
	v34 =	vld [tilespmem:s19+$0xFFFFFEC8];
	[tilespmem:s29+$0xFFFFFF60] =	vst v12;
	v12 =	vmul.f32 v28, v32  }
0x1e6: {  	v8 =	vbroadcast v6, $0xE;
	v35 =	vld [tilespmem:s31+$0xFFFFFF90];
	[tilespmem:s30+$0xFFFFFEE8] =	vst v15;
	v15 =	vmul.f32 v20, v33  }
0x1e7: {  	v14 =	vbroadcast v6, $0xC;
	v6 =	vbroadcast v6, $0xF;
	[tilespmem:s18+$0x60] =	vst v12  }
0x1e8: {  	v24 =	vbroadcast v9, $0x7;
	v12 =	vld [tilespmem:s24+$0xFFFFFF40];
	[tilespmem:s30+$0x100] =	vst v15;
	v15 =	vmul.f32 v23, v30  }
0x1e9: {  	v22 =	vbroadcast v9, $0x9;
	v18 =	vbroadcast v9, $0xB;
	v36 =	vld [tilespmem:s19+$0x50]  }
0x1ea: {  	v25 =	vbroadcast v9, $0x6;
	v34 =	vmul.f32 v34, v29;
	v37 =	vld [tilespmem:s24+$0xC8];
	[tilespmem:s29+$0x1A0] =	vst v15  }
0x1eb: {  	v28 =	vbroadcast v9, $0x8;
	v35 =	vmul.f32 v35, v31;
	v31 =	vld [tilespmem:s31+$0x140]  }
0x1ec: {  	v20 =	vbroadcast v9, $0xA;
	v23 =	vbroadcast v9, $0xC;
	[tilespmem:s18+$0xFFFFFE60] =	vst v34  }
0x1ed: {  	v15 =	vbroadcast v9, $0xD;
	v38 =	vmul.f32 v12, v21;
	v34 =	vld [tilespmem:s19+$0xFFFFFED0];
	[tilespmem:s29+$0xFFFFFF68] =	vst v35  }
0x1ee: {  	s28 =	simm.s32 $0x18900;
	s26 =	sor.u32 $0x80, s2;
	v12 =	vbroadcast v9, $0xE;
	v35 =	vmul.f32 v36, v32;
	v32 =	vld [tilespmem:s31+$0xFFFFFFA0]  }
0x1ef: {  	s2 =	simm.s32 $0x16E80;
	s5 =	simm.s32 $0x4;
	s6 =	sadd.s32 $0x20, s6;
	v9 =	vbroadcast v9, $0xF;
	[tilespmem:s30+$0xFFFFFF00] =	vst v38;
	v33 =	vmul.f32 v37, v33  }
.LBB2_13:
0x1f0: {  	v36 =	vld [tilespmem:s6+$0x0];
	[tilespmem:s18+$0x68] =	vst v35;
	v30 =	vmul.f32 v31, v30  }
0x1f1: {  	v31 =	vld [tilespmem:s19+$0x60];
	[tilespmem:s30+$0x108] =	vst v33  }
0x1f2: {  	v29 =	vmul.f32 v34, v29;
	v33 =	vld [tilespmem:s24+$0xD8];
	[tilespmem:s29+$0x1A8] =	vst v30  }
0x1f3: {  	s5 =	sadd.s32 $0x2, s5;
	v30 =	vmul.f32 v32, v13;
	v32 =	vld [tilespmem:s31+$0x150]  }
0x1f4: {  	p2 =	slt.u32 s5, $0x6;
	v34 =	vld [tilespmem:s6+$0xFFFFFFF0];
	[tilespmem:s18+$0xFFFFFE68] =	vst v29;
	v29 =	vbroadcast v4, $0x4  }
0x1f5: {  	v37 =	vbroadcast v3, $0x9;
	v35 =	vld [tilespmem:s19+$0xFFFFFEE0];
	[tilespmem:s29+$0xFFFFFF80] =	vst v30  }
0x1f6: {  	v38 =	vbroadcast v2, $0xE;
	v30 =	vmul.f32 v31, v29;
	v31 =	vld [tilespmem:s24+$0xFFFFFF48]  }
0x1f7: {  	v33 =	vmul.f32 v33, v37;
	v39 =	vld [tilespmem:s31+$0xFFFFFFA8]  }
0x1f8: {  	v36 =	vld.idx.msk [tilespmem:v36+s11+$0x0], $0xffff;
	[tilespmem:s18+$0x80] =	vst v30;
	v30 =	vmul.f32 v32, v38  }
0x1f9: {  	v32 =	vld [tilespmem:s19+$0x68];
	[tilespmem:s30+$0x120] =	vst v33  }
0x1fa: {  	v33 =	vmul.f32 v35, v27;
	v35 =	vld [tilespmem:s24+$0xE0];
	[tilespmem:s29+$0x1C0] =	vst v30  }
0x1fb: {  	s0 =	sadd.s32 $0x20, s0;
	v30 =	vmul.f32 v31, v21;
	v31 =	vld [tilespmem:s31+$0x158];
	v21 =	vmov v28  }
0x1fc: {  	v28 =	vld [tilespmem:s0+$0x0];
	[tilespmem:s18+$0xFFFFFE80] =	vst v33;
	v33 =	vmul.f32 v39, v13;
	v13 =	vmov v14;
	v14 =	vmov v23  }
0x1fd: {  	v23 =	vld.idx.msk [tilespmem:v34+s11+$0x0], $0xffff;
	[tilespmem:s30+$0xFFFFFF08] =	vst v30  }
0x1fe: {  	v30 =	vld [tilespmem:s0+$0xFFFFFFF0];
	v29 =	vmul.f32 v32, v29;
	[tilespmem:s29+$0xFFFFFF88] =	vst v33  }
0x1ff: {  	s19 =	sadd.s32 $0x300, s19;
	v32 =	vld [tilespmem:s2+$0xFFFFFEE8];
	v33 =	vmul.f32 v35, v37  }
0x200: {  	v34 =	vld [tilespmem:s19+$0x0];
	[tilespmem:s18+$0x88] =	vst v29;
	v29 =	vmul.f32 v31, v38  }
0x201: {  	v28 =	vmul.f32 v36, v28;
	v31 =	vld [tilespmem:s2+$0x78];
	[tilespmem:s30+$0x128] =	vst v33  }
0x202: {  	v33 =	vld [tilespmem:s24+$0xF0];
	[tilespmem:s29+$0x1C8] =	vst v29  }
0x203: {  	v35 =	vmul.f32 v23, v30;
	v23 =	vbroadcast v28, $0x0;
	v29 =	vld [tilespmem:s31+$0x168]  }
0x204: {  	v30 =	vld [tilespmem:s19+$0xFFFFFE80];
	v27 =	vmul.f32 v32, v27;
	v32 =	vbroadcast v4, $0x5  }
0x205: {  	v37 =	vbroadcast v3, $0xA;
	v34 =	vmul.f32 v23, v34;
	v36 =	vld [tilespmem:s24+$0xFFFFFF58]  }
0x206: {  	v39 =	vbroadcast v2, $0xF;
	v2 =	vmovc v3;
	v3 =	vmovc v4;
	s18 =	sadd.s32 $0x400, s18;
	v4 =	vmov v28;
	[tilespmem:s28+$0xFFFFFE88] =	vst v27;
	v27 =	vmul.f32 v31, v32;
	v38 =	vld [tilespmem:s31+$0xFFFFFFB8]  }
0x207: {  	v40 =	vbroadcast v35, $0x0;
	[tilespmem:s18+$0x0] =	vst v34;
	v28 =	vld [tilespmem:s2+$0xFFFFFEF8];
	v31 =	vmul.f32 v33, v37  }
0x208: {  	v34 =	vbroadcast v35, $0x1;
	v33 =	vld [tilespmem:s19+$0x8];
	[tilespmem:s28+$0xA0] =	vst v27;
	v41 =	vmul.f32 v29, v39  }
0x209: {  	v42 =	vmul.f32 v40, v30;
	v30 =	vbroadcast v35, $0x2;
	v43 =	vld [tilespmem:s2+$0x80];
	[tilespmem:s30+$0x140] =	vst v31  }
0x20a: {  	v29 =	vbroadcast v35, $0x3;
	v27 =	vbroadcast v35, $0x4;
	v44 =	vld [tilespmem:s24+$0xF8];
	[tilespmem:s29+$0x1E0] =	vst v41  }
0x20b: {  	v41 =	vbroadcast v35, $0x5;
	[tilespmem:s18+$0xFFFFFE00] =	vst v42;
	v42 =	vbroadcast v35, $0x6;
	v45 =	vld [tilespmem:s31+$0x170]  }
0x20c: {  	v31 =	vbroadcast v35, $0x7;
	v46 =	vld [tilespmem:s19+$0xFFFFFE88];
	v47 =	vmul.f32 v28, v26  }
0x20d: {  	v28 =	vbroadcast v35, $0x8;
	v23 =	vmul.f32 v33, v23  }
0x20e: {  	v48 =	vbroadcast v35, $0x9;
	[tilespmem:s28+$0xFFFFFEA0] =	vst v47;
	v32 =	vmul.f32 v43, v32  }
0x20f: {  	v36 =	vmul.f32 v36, v19;
	[tilespmem:s18+$0x8] =	vst v23;
	v33 =	vld [tilespmem:s2+$0xFFFFFF00];
	v23 =	vmul.f32 v44, v37  }
0x210: {  	v37 =	vbroadcast v35, $0xA;
	v43 =	vld [tilespmem:s19+$0x18];
	[tilespmem:s28+$0xA8] =	vst v32;
	v39 =	vmul.f32 v45, v39  }
0x211: {  	v32 =	vbroadcast v35, $0xB;
	v40 =	vmul.f32 v46, v40;
	v44 =	vld [tilespmem:s2+$0x90];
	[tilespmem:s30+$0x148] =	vst v23  }
0x212: {  	v45 =	vbroadcast v35, $0xD;
	v23 =	vbroadcast v35, $0xC;
	v46 =	vld [tilespmem:s24+$0x108];
	[tilespmem:s29+$0x1E8] =	vst v39  }
0x213: {  	v38 =	vmul.f32 v38, v10;
	v39 =	vbroadcast v4, $0x1;
	[tilespmem:s18+$0xFFFFFE08] =	vst v40  }
0x214: {  	v47 =	vbroadcast v3, $0x6;
	v40 =	vld [tilespmem:s19+$0xFFFFFE98];
	v33 =	vmul.f32 v33, v26;
	[tilespmem:s30+$0xFFFFFF20] =	vst v36;
	v26 =	vmov v41  }
0x215: {  	v36 =	vmul.f32 v43, v39;
	v41 =	vld [tilespmem:s24+$0xFFFFFF60];
	v43 =	vbroadcast v2, $0xB;
	[tilespmem:s29+$0xFFFFFFA0] =	vst v38  }
0x216: {  	v38 =	vbroadcast v35, $0xE;
	[tilespmem:s28+$0xFFFFFEA8] =	vst v33;
	v44 =	vmul.f32 v44, v47;
	v49 =	vld [tilespmem:s31+$0xFFFFFFC0]  }
0x217: {  	v33 =	vbroadcast v35, $0xF;
	[tilespmem:s18+$0x20] =	vst v36;
	v35 =	vld [tilespmem:s2+$0xFFFFFF10];
	v36 =	vmul.f32 v46, v43  }
0x218: {  	v46 =	vld [tilespmem:s19+$0x20];
	[tilespmem:s28+$0xC0] =	vst v44  }
0x219: {  	v40 =	vmul.f32 v40, v34;
	v44 =	vld [tilespmem:s2+$0x98];
	[tilespmem:s30+$0x160] =	vst v36  }
0x21a: {  	v36 =	vmul.f32 v41, v19;
	v41 =	vld [tilespmem:s24+$0x110];
	v19 =	vmov v22;
	v22 =	vmov v48  }
0x21b: {  	[tilespmem:s18+$0xFFFFFE20] =	vst v40;
	v40 =	vmul.f32 v49, v10;
	v10 =	vmovc v11;
	v11 =	vmov v15;
	v15 =	vmov v45  }
0x21c: {  	v45 =	vld [tilespmem:s19+$0xFFFFFEA0];
	v35 =	vmul.f32 v35, v25;
	[tilespmem:s30+$0xFFFFFF28] =	vst v36  }
0x21d: {  	v36 =	vmul.f32 v46, v39;
	v39 =	vld [tilespmem:s24+$0xFFFFFF70];
	[tilespmem:s29+$0xFFFFFFA8] =	vst v40  }
0x21e: {  	[tilespmem:s28+$0xFFFFFEC0] =	vst v35;
	v35 =	vmul.f32 v44, v47;
	v40 =	vld [tilespmem:s31+$0xFFFFFFD0]  }
0x21f: {  	[tilespmem:s18+$0x28] =	vst v36;
	v36 =	vld [tilespmem:s2+$0xFFFFFF18];
	v41 =	vmul.f32 v41, v43  }
0x220: {  	v43 =	vld [tilespmem:s19+$0x30];
	[tilespmem:s28+$0xC8] =	vst v35  }
0x221: {  	v34 =	vmul.f32 v45, v34;
	v35 =	vld [tilespmem:s2+$0xA8];
	[tilespmem:s30+$0x168] =	vst v41  }
0x222: {  	v39 =	vmul.f32 v39, v17;
	v41 =	vld [tilespmem:s24+$0x120]  }
0x223: {  	[tilespmem:s18+$0xFFFFFE28] =	vst v34;
	v34 =	vbroadcast v4, $0x2;
	v40 =	vmul.f32 v40, v7  }
0x224: {  	v45 =	vbroadcast v3, $0x7;
	v44 =	vld [tilespmem:s19+$0xFFFFFEB0];
	v36 =	vmul.f32 v36, v25;
	[tilespmem:s30+$0xFFFFFF40] =	vst v39;
	v25 =	vmov v42  }
0x225: {  	v39 =	vmul.f32 v43, v34;
	v42 =	vld [tilespmem:s24+$0xFFFFFF78];
	v43 =	vbroadcast v2, $0xC;
	[tilespmem:s29+$0xFFFFFFC0] =	vst v40  }
0x226: {  	[tilespmem:s28+$0xFFFFFEC8] =	vst v36;
	v35 =	vmul.f32 v35, v45;
	v36 =	vld [tilespmem:s31+$0xFFFFFFD8]  }
0x227: {  	[tilespmem:s18+$0x40] =	vst v39;
	v39 =	vld [tilespmem:s2+$0xFFFFFF28];
	v40 =	vmul.f32 v41, v43  }
0x228: {  	v41 =	vld [tilespmem:s19+$0x38];
	[tilespmem:s28+$0xE0] =	vst v35  }
0x229: {  	v35 =	vmul.f32 v44, v30;
	v44 =	vld [tilespmem:s2+$0xB0];
	[tilespmem:s30+$0x180] =	vst v40  }
0x22a: {  	v40 =	vmul.f32 v42, v17;
	v42 =	vld [tilespmem:s24+$0x128];
	v17 =	vmov v20;
	v20 =	vmov v37  }
0x22b: {  	[tilespmem:s18+$0xFFFFFE40] =	vst v35;
	v35 =	vmul.f32 v36, v7;
	v7 =	vmovc v8;
	v8 =	vmov v12;
	v12 =	vmov v38  }
0x22c: {  	v36 =	vld [tilespmem:s19+$0xFFFFFEB8];
	v37 =	vmul.f32 v39, v24;
	[tilespmem:s30+$0xFFFFFF48] =	vst v40  }
0x22d: {  	v34 =	vmul.f32 v41, v34;
	v38 =	vld [tilespmem:s24+$0xFFFFFF88];
	[tilespmem:s29+$0xFFFFFFC8] =	vst v35  }
0x22e: {  	[tilespmem:s28+$0xFFFFFEE0] =	vst v37;
	v35 =	vmul.f32 v44, v45;
	v37 =	vld [tilespmem:s31+$0xFFFFFFE8]  }
0x22f: {  	[tilespmem:s18+$0x48] =	vst v34;
	v34 =	vld [tilespmem:s2+$0xFFFFFF30];
	v39 =	vmul.f32 v42, v43  }
0x230: {  	v40 =	vld [tilespmem:s19+$0x48];
	[tilespmem:s28+$0xE8] =	vst v35  }
0x231: {  	v30 =	vmul.f32 v36, v30;
	v35 =	vld [tilespmem:s2+$0xC0];
	[tilespmem:s30+$0x188] =	vst v39  }
0x232: {  	v36 =	vmul.f32 v38, v16;
	v38 =	vld [tilespmem:s24+$0x138]  }
0x233: {  	v39 =	vbroadcast v4, $0x3;
	[tilespmem:s18+$0xFFFFFE48] =	vst v30;
	v37 =	vmul.f32 v37, v5  }
0x234: {  	v42 =	vbroadcast v3, $0x8;
	v41 =	vld [tilespmem:s19+$0xFFFFFEC8];
	v34 =	vmul.f32 v34, v24;
	[tilespmem:s30+$0xFFFFFF60] =	vst v36;
	v24 =	vmov v31  }
0x235: {  	v30 =	vbroadcast v2, $0xD;
	v31 =	vmul.f32 v40, v39;
	v36 =	vld [tilespmem:s24+$0xFFFFFF90];
	[tilespmem:s29+$0xFFFFFFE0] =	vst v37  }
0x236: {  	[tilespmem:s28+$0xFFFFFEE8] =	vst v34;
	v34 =	vmul.f32 v35, v42;
	v35 =	vld [tilespmem:s31+$0xFFFFFFF0];
	s31 =	smov.u32 s24;
	s24 =	smov.u32 s2;
	s2 =	smov.u32 s19  }
0x237: {  	[tilespmem:s18+$0x60] =	vst v31;
	v37 =	vld [tilespmem:s24+$0xFFFFFF40];
	v31 =	vmul.f32 v38, v30  }
0x238: {  	v38 =	vld [tilespmem:s19+$0x50];
	[tilespmem:s28+$0x100] =	vst v34  }
0x239: {  	v34 =	vmul.f32 v41, v29;
	v40 =	vld [tilespmem:s24+$0xC8];
	[tilespmem:s30+$0x1A0] =	vst v31  }
.Ltmp7:
0x23a: {  	v36 =	vmul.f32 v36, v16;
	v31 =	vld [tilespmem:s31+$0x140];
	v16 =	vmov v18;
	v18 =	vmov v32;
	(pc) =	sbr.rel @p2 .LBB2_13-.Ltmp7, $4  }
0x23b: {  	[tilespmem:s18+$0xFFFFFE60] =	vst v34;
	v41 =	vmul.f32 v35, v5;
	v5 =	vmovc v6;
	v6 =	vmov v9;
	v9 =	vmov v33  }
0x23c: {  	v34 =	vld [tilespmem:s19+$0xFFFFFED0];
	v33 =	vmul.f32 v37, v21;
	[tilespmem:s30+$0xFFFFFF68] =	vst v36  }
0x23d: {  	v35 =	vmul.f32 v38, v39;
	v32 =	vld [tilespmem:s31+$0xFFFFFFA0];
	[tilespmem:s29+$0xFFFFFFE8] =	vst v41;
	s29 =	smov.u32 s30;
	s30 =	smov.u32 s28;
	s28 =	smov.u32 s18  }
0x23e: {  	s6 =	sadd.s32 $0x20, s6;
	[tilespmem:s30+$0xFFFFFF00] =	vst v33;
	v33 =	vmul.f32 v40, v42  }
0x23f: {  	_ =	sdelay $0x1  }
0x240: {  	v29 =	vmul.f32 v34, v29  }
0x241: {  	[tilespmem:s18+$0x68] =	vst v35  }
0x242: {  	v59 =	vld [tilespmem:s19+$0x60];
	[tilespmem:s18+$0xFFFFFE68] =	vst v29  }
0x243: {  	v29 =	vld [tilespmem:s19+$0xFFFFFEE0];
	_ =	sdelay $0x1  }
0x244: {  	v60 =	vbroadcast v4, $0x4;
	_ =	sdelay $0x1  }
0x245: {  	v34 =	vmul.f32 v59, v60  }
0x246: {  	v29 =	vmul.f32 v29, v27  }
0x247: {  	[tilespmem:s18+$0x80] =	vst v34  }
0x248: {  	v34 =	vld [tilespmem:s19+$0x68];
	[tilespmem:s18+$0xFFFFFE80] =	vst v29  }
0x249: {  	v29 =	vld [tilespmem:s2+$0xFFFFFEE8];
	_ =	sdelay $0x3  }
0x24a: {  	v34 =	vmul.f32 v34, v60  }
0x24b: {  	v61 =	vmul.f32 v29, v27  }
0x24c: {  	[tilespmem:s18+$0x88] =	vst v34  }
0x24d: {  	v62 =	vld [tilespmem:s2+$0x78];
	[tilespmem:s28+$0xFFFFFE88] =	vst v61  }
0x24e: {  	v27 =	vld [tilespmem:s2+$0xFFFFFEF8];
	_ =	sdelay $0x1  }
0x24f: {  	v63 =	vbroadcast v4, $0x5;
	_ =	sdelay $0x1  }
0x250: {  	v29 =	vmul.f32 v62, v63  }
0x251: {  	v27 =	vmul.f32 v27, v26  }
0x252: {  	[tilespmem:s28+$0xA0] =	vst v29  }
0x253: {  	v29 =	vld [tilespmem:s2+$0x80];
	[tilespmem:s28+$0xFFFFFEA0] =	vst v27  }
0x254: {  	v27 =	vld [tilespmem:s2+$0xFFFFFF00];
	_ =	sdelay $0x3  }
0x255: {  	v29 =	vmul.f32 v29, v63  }
0x256: {  	v36 =	vmul.f32 v27, v26  }
0x257: {  	[tilespmem:s28+$0xA8] =	vst v29  }
0x258: {  	v37 =	vld [tilespmem:s2+$0x90];
	[tilespmem:s28+$0xFFFFFEA8] =	vst v36  }
0x259: {  	v26 =	vld [tilespmem:s2+$0xFFFFFF10];
	_ =	sdelay $0x1  }
0x25a: {  	v38 =	vbroadcast v4, $0x6;
	_ =	sdelay $0x1  }
0x25b: {  	v27 =	vmul.f32 v37, v38  }
0x25c: {  	v26 =	vmul.f32 v26, v25  }
0x25d: {  	[tilespmem:s28+$0xC0] =	vst v27  }
0x25e: {  	v27 =	vld [tilespmem:s2+$0x98];
	[tilespmem:s28+$0xFFFFFEC0] =	vst v26  }
0x25f: {  	v26 =	vld [tilespmem:s2+$0xFFFFFF18];
	_ =	sdelay $0x3  }
0x260: {  	v27 =	vmul.f32 v27, v38  }
0x261: {  	v39 =	vmul.f32 v26, v25  }
0x262: {  	[tilespmem:s28+$0xC8] =	vst v27  }
0x263: {  	v40 =	vld [tilespmem:s2+$0xA8];
	[tilespmem:s28+$0xFFFFFEC8] =	vst v39  }
0x264: {  	v25 =	vld [tilespmem:s2+$0xFFFFFF28];
	_ =	sdelay $0x1  }
0x265: {  	v41 =	vbroadcast v4, $0x7;
	_ =	sdelay $0x1  }
0x266: {  	v26 =	vmul.f32 v40, v41  }
0x267: {  	v25 =	vmul.f32 v25, v24  }
0x268: {  	[tilespmem:s28+$0xE0] =	vst v26  }
0x269: {  	v26 =	vld [tilespmem:s2+$0xB0];
	[tilespmem:s28+$0xFFFFFEE0] =	vst v25  }
0x26a: {  	v25 =	vld [tilespmem:s2+$0xFFFFFF30];
	_ =	sdelay $0x3  }
0x26b: {  	v26 =	vmul.f32 v26, v41  }
0x26c: {  	v42 =	vmul.f32 v25, v24  }
0x26d: {  	[tilespmem:s28+$0xE8] =	vst v26  }
0x26e: {  	v43 =	vld [tilespmem:s2+$0xC0];
	[tilespmem:s28+$0xFFFFFEE8] =	vst v42  }
0x26f: {  	v24 =	vld [tilespmem:s2+$0xFFFFFF40];
	_ =	sdelay $0x1  }
0x270: {  	v44 =	vbroadcast v4, $0x8;
	_ =	sdelay $0x1  }
0x271: {  	v25 =	vmul.f32 v43, v44  }
0x272: {  	v24 =	vmul.f32 v24, v28  }
0x273: {  	v45 =	vld [tilespmem:s24+$0xFFFFFF48];
	[tilespmem:s28+$0x100] =	vst v25  }
0x274: {  	v25 =	vld [tilespmem:s2+$0xC8];
	[tilespmem:s28+$0xFFFFFF00] =	vst v24  }
0x275: {  	v24 =	vld [tilespmem:s2+$0xFFFFFF48];
	_ =	sdelay $0x2  }
0x276: {  	v21 =	vmul.f32 v45, v21  }
0x277: {  	[tilespmem:s30+$0x108] =	vst v33;
	v25 =	vmul.f32 v25, v44  }
0x278: {  	v46 =	vld [tilespmem:s24+$0xD8];
	[tilespmem:s30+$0xFFFFFF08] =	vst v21;
	v47 =	vmul.f32 v24, v28  }
0x279: {  	v48 =	vld [tilespmem:s24+$0xFFFFFF58];
	[tilespmem:s28+$0x108] =	vst v25  }
0x27a: {  	v25 =	vld [tilespmem:s2+$0xD8];
	[tilespmem:s28+$0xFFFFFF08] =	vst v47  }
0x27b: {  	v49 =	vbroadcast v3, $0x9;
	v50 =	vld [tilespmem:s2+$0xFFFFFF58];
	_ =	sdelay $0x1  }
0x27c: {  	v51 =	vbroadcast v4, $0x9;
	v26 =	vmul.f32 v46, v49  }
0x27d: {  	v24 =	vmul.f32 v48, v19  }
0x27e: {  	[tilespmem:s30+$0x120] =	vst v26;
	v25 =	vmul.f32 v25, v51  }
0x27f: {  	v26 =	vld [tilespmem:s24+$0xE0];
	[tilespmem:s30+$0xFFFFFF20] =	vst v24;
	v52 =	vmul.f32 v50, v22  }
0x280: {  	v53 =	vld [tilespmem:s24+$0xFFFFFF60];
	[tilespmem:s28+$0x120] =	vst v25  }
0x281: {  	v25 =	vld [tilespmem:s2+$0xE0];
	[tilespmem:s28+$0xFFFFFF20] =	vst v52  }
0x282: {  	v24 =	vld [tilespmem:s2+$0xFFFFFF60];
	_ =	sdelay $0x1  }
0x283: {  	v21 =	vmul.f32 v26, v49  }
0x284: {  	v54 =	vmul.f32 v53, v19  }
0x285: {  	[tilespmem:s30+$0x128] =	vst v21;
	v55 =	vmul.f32 v25, v51  }
0x286: {  	v56 =	vld [tilespmem:s24+$0xF0];
	[tilespmem:s30+$0xFFFFFF28] =	vst v54;
	v57 =	vmul.f32 v24, v22  }
0x287: {  	v58 =	vld [tilespmem:s24+$0xFFFFFF70];
	[tilespmem:s28+$0x128] =	vst v55  }
0x288: {  	v21 =	vld [tilespmem:s2+$0xF0];
	[tilespmem:s28+$0xFFFFFF28] =	vst v57  }
0x289: {  	v59 =	vbroadcast v3, $0xA;
	v60 =	vld [tilespmem:s2+$0xFFFFFF70];
	_ =	sdelay $0x1  }
0x28a: {  	v61 =	vbroadcast v4, $0xA;
	v25 =	vmul.f32 v56, v59  }
0x28b: {  	v22 =	vmul.f32 v58, v17  }
0x28c: {  	[tilespmem:s30+$0x140] =	vst v25;
	v21 =	vmul.f32 v21, v61  }
0x28d: {  	v25 =	vld [tilespmem:s24+$0xF8];
	[tilespmem:s30+$0xFFFFFF40] =	vst v22;
	v62 =	vmul.f32 v60, v20  }
0x28e: {  	v63 =	vld [tilespmem:s24+$0xFFFFFF78];
	[tilespmem:s28+$0x140] =	vst v21  }
0x28f: {  	v21 =	vld [tilespmem:s2+$0xF8];
	[tilespmem:s28+$0xFFFFFF40] =	vst v62  }
0x290: {  	v22 =	vld [tilespmem:s2+$0xFFFFFF78];
	_ =	sdelay $0x1  }
0x291: {  	v19 =	vmul.f32 v25, v59  }
0x292: {  	v24 =	vmul.f32 v63, v17  }
0x293: {  	[tilespmem:s30+$0x148] =	vst v19;
	v25 =	vmul.f32 v21, v61  }
0x294: {  	v26 =	vld [tilespmem:s24+$0x108];
	[tilespmem:s30+$0xFFFFFF48] =	vst v24;
	v27 =	vmul.f32 v22, v20  }
0x295: {  	v28 =	vld [tilespmem:s24+$0xFFFFFF88];
	[tilespmem:s28+$0x148] =	vst v25  }
0x296: {  	v19 =	vld [tilespmem:s2+$0x108];
	[tilespmem:s28+$0xFFFFFF48] =	vst v27  }
0x297: {  	v29 =	vbroadcast v3, $0xB;
	v33 =	vld [tilespmem:s2+$0xFFFFFF88];
	_ =	sdelay $0x1  }
0x298: {  	v34 =	vbroadcast v4, $0xB;
	v21 =	vmul.f32 v26, v29  }
0x299: {  	v20 =	vmul.f32 v28, v16  }
0x29a: {  	[tilespmem:s30+$0x160] =	vst v21;
	v19 =	vmul.f32 v19, v34  }
0x29b: {  	v21 =	vld [tilespmem:s24+$0x110];
	[tilespmem:s30+$0xFFFFFF60] =	vst v20;
	v35 =	vmul.f32 v33, v18  }
0x29c: {  	v36 =	vld [tilespmem:s24+$0xFFFFFF90];
	[tilespmem:s28+$0x160] =	vst v19  }
0x29d: {  	v19 =	vld [tilespmem:s2+$0x110];
	[tilespmem:s28+$0xFFFFFF60] =	vst v35  }
0x29e: {  	v20 =	vld [tilespmem:s2+$0xFFFFFF90];
	_ =	sdelay $0x1  }
0x29f: {  	v17 =	vmul.f32 v21, v29  }
0x2a0: {  	v37 =	vmul.f32 v36, v16  }
0x2a1: {  	[tilespmem:s30+$0x168] =	vst v17;
	v38 =	vmul.f32 v19, v34  }
0x2a2: {  	v39 =	vld [tilespmem:s24+$0x120];
	[tilespmem:s30+$0xFFFFFF68] =	vst v37;
	v40 =	vmul.f32 v20, v18  }
0x2a3: {  	v41 =	vld [tilespmem:s24+$0xFFFFFFA0];
	[tilespmem:s28+$0x168] =	vst v38  }
0x2a4: {  	v17 =	vld [tilespmem:s2+$0x120];
	[tilespmem:s28+$0xFFFFFF68] =	vst v40  }
0x2a5: {  	v42 =	vbroadcast v3, $0xC;
	v43 =	vld [tilespmem:s2+$0xFFFFFFA0]  }
0x2a6: {  	v44 =	vmul.f32 v32, v13  }
0x2a7: {  	v45 =	vbroadcast v4, $0xC;
	v19 =	vmul.f32 v39, v42  }
0x2a8: {  	[tilespmem:s29+$0xFFFFFF80] =	vst v44;
	v18 =	vmul.f32 v41, v14  }
0x2a9: {  	v21 =	vld [tilespmem:s31+$0xFFFFFFA8];
	[tilespmem:s30+$0x180] =	vst v19;
	v17 =	vmul.f32 v17, v45  }
0x2aa: {  	v19 =	vld [tilespmem:s24+$0x128];
	[tilespmem:s30+$0xFFFFFF80] =	vst v18;
	v46 =	vmul.f32 v43, v23  }
0x2ab: {  	v47 =	vld [tilespmem:s24+$0xFFFFFFA8];
	[tilespmem:s28+$0x180] =	vst v17  }
0x2ac: {  	v17 =	vld [tilespmem:s2+$0x128];
	[tilespmem:s28+$0xFFFFFF80] =	vst v46  }
0x2ad: {  	v18 =	vld [tilespmem:s2+$0xFFFFFFA8]  }
0x2ae: {  	v48 =	vmul.f32 v21, v13  }
0x2af: {  	v16 =	vmul.f32 v19, v42  }
0x2b0: {  	[tilespmem:s29+$0xFFFFFF88] =	vst v48;
	v49 =	vmul.f32 v47, v14  }
0x2b1: {  	v50 =	vld [tilespmem:s31+$0xFFFFFFB8];
	[tilespmem:s30+$0x188] =	vst v16;
	v51 =	vmul.f32 v17, v45  }
0x2b2: {  	v52 =	vld [tilespmem:s24+$0x138];
	[tilespmem:s30+$0xFFFFFF88] =	vst v49;
	v53 =	vmul.f32 v18, v23  }
0x2b3: {  	v54 =	vld [tilespmem:s24+$0xFFFFFFB8];
	[tilespmem:s28+$0x188] =	vst v51  }
0x2b4: {  	v16 =	vld [tilespmem:s2+$0x138];
	[tilespmem:s28+$0xFFFFFF88] =	vst v53  }
0x2b5: {  	v55 =	vbroadcast v3, $0xD;
	v56 =	vld [tilespmem:s2+$0xFFFFFFB8]  }
0x2b6: {  	v14 =	vmul.f32 v50, v10  }
0x2b7: {  	v57 =	vbroadcast v4, $0xD;
	v17 =	vmul.f32 v52, v55  }
0x2b8: {  	[tilespmem:s29+$0xFFFFFFA0] =	vst v14;
	v58 =	vmul.f32 v54, v11  }
0x2b9: {  	v59 =	vld [tilespmem:s31+$0xFFFFFFC0];
	[tilespmem:s30+$0x1A0] =	vst v17;
	v16 =	vmul.f32 v16, v57  }
0x2ba: {  	v17 =	vld [tilespmem:s24+$0x140];
	[tilespmem:s30+$0xFFFFFFA0] =	vst v58;
	v60 =	vmul.f32 v56, v15  }
0x2bb: {  	v61 =	vld [tilespmem:s24+$0xFFFFFFC0];
	[tilespmem:s28+$0x1A0] =	vst v16  }
0x2bc: {  	v16 =	vld [tilespmem:s2+$0x140];
	[tilespmem:s28+$0xFFFFFFA0] =	vst v60  }
0x2bd: {  	v62 =	vmul.f32 v31, v30;
	v63 =	vld [tilespmem:s2+$0xFFFFFFC0]  }
0x2be: {  	v23 =	vmul.f32 v59, v10  }
0x2bf: {  	[tilespmem:s29+$0x1A8] =	vst v62;
	v13 =	vmul.f32 v17, v55  }
0x2c0: {  	v14 =	vld [tilespmem:s31+$0x150];
	[tilespmem:s29+$0xFFFFFFA8] =	vst v23;
	v24 =	vmul.f32 v61, v11  }
0x2c1: {  	v25 =	vld [tilespmem:s31+$0xFFFFFFD0];
	[tilespmem:s30+$0x1A8] =	vst v13;
	v26 =	vmul.f32 v16, v57  }
0x2c2: {  	v27 =	vld [tilespmem:s24+$0x150];
	[tilespmem:s30+$0xFFFFFFA8] =	vst v24;
	v28 =	vmul.f32 v63, v15  }
0x2c3: {  	v29 =	vbroadcast v2, $0xE;
	v30 =	vld [tilespmem:s24+$0xFFFFFFD0];
	[tilespmem:s28+$0x1A8] =	vst v26  }
0x2c4: {  	v13 =	vld [tilespmem:s2+$0x150];
	[tilespmem:s28+$0xFFFFFFA8] =	vst v28  }
0x2c5: {  	v32 =	vbroadcast v3, $0xE;
	v31 =	vmul.f32 v14, v29;
	v33 =	vld [tilespmem:s2+$0xFFFFFFD0]  }
0x2c6: {  	v11 =	vmul.f32 v25, v7  }
0x2c7: {  	v35 =	vbroadcast v4, $0xE;
	[tilespmem:s29+$0x1C0] =	vst v31;
	v34 =	vmul.f32 v27, v32  }
0x2c8: {  	v36 =	vld [tilespmem:s31+$0x158];
	[tilespmem:s29+$0xFFFFFFC0] =	vst v11;
	v37 =	vmul.f32 v30, v8  }
0x2c9: {  	v38 =	vld [tilespmem:s31+$0xFFFFFFD8];
	[tilespmem:s30+$0x1C0] =	vst v34;
	v39 =	vmul.f32 v13, v35  }
0x2ca: {  	v40 =	vld [tilespmem:s24+$0x158];
	[tilespmem:s30+$0xFFFFFFC0] =	vst v37;
	v41 =	vmul.f32 v33, v12  }
0x2cb: {  	v42 =	vld [tilespmem:s24+$0xFFFFFFD8];
	[tilespmem:s28+$0x1C0] =	vst v39  }
0x2cc: {  	v10 =	vld [tilespmem:s2+$0x158];
	[tilespmem:s28+$0xFFFFFFC0] =	vst v41  }
0x2cd: {  	v43 =	vmul.f32 v36, v29;
	v44 =	vld [tilespmem:s2+$0xFFFFFFD8]  }
0x2ce: {  	v45 =	vmul.f32 v38, v7  }
0x2cf: {  	[tilespmem:s29+$0x1C8] =	vst v43;
	v46 =	vmul.f32 v40, v32  }
0x2d0: {  	v47 =	vld [tilespmem:s31+$0x168];
	[tilespmem:s29+$0xFFFFFFC8] =	vst v45;
	v48 =	vmul.f32 v42, v8  }
0x2d1: {  	v49 =	vld [tilespmem:s31+$0xFFFFFFE8];
	[tilespmem:s30+$0x1C8] =	vst v46;
	v10 =	vmul.f32 v10, v35  }
0x2d2: {  	v11 =	vld [tilespmem:s24+$0x168];
	[tilespmem:s30+$0xFFFFFFC8] =	vst v48;
	v50 =	vmul.f32 v44, v12  }
0x2d3: {  	v2 =	vbroadcast v2, $0xF;
	v51 =	vld [tilespmem:s24+$0xFFFFFFE8];
	[tilespmem:s28+$0x1C8] =	vst v10  }
0x2d4: {  	v10 =	vld [tilespmem:s2+$0x168];
	[tilespmem:s28+$0xFFFFFFC8] =	vst v50  }
0x2d5: {  	v3 =	vbroadcast v3, $0xF;
	v52 =	vmul.f32 v47, v2;
	v53 =	vld [tilespmem:s2+$0xFFFFFFE8]  }
0x2d6: {  	v8 =	vmul.f32 v49, v5  }
0x2d7: {  	v55 =	vbroadcast v4, $0xF;
	[tilespmem:s29+$0x1E0] =	vst v52;
	v54 =	vmul.f32 v11, v3  }
0x2d8: {  	v56 =	vld [tilespmem:s31+$0x170];
	[tilespmem:s29+$0xFFFFFFE0] =	vst v8;
	v57 =	vmul.f32 v51, v6  }
0x2d9: {  	v58 =	vld [tilespmem:s31+$0xFFFFFFF0];
	[tilespmem:s30+$0x1E0] =	vst v54;
	v59 =	vmul.f32 v10, v55  }
0x2da: {  	v60 =	vld [tilespmem:s24+$0x170];
	[tilespmem:s30+$0xFFFFFFE0] =	vst v57;
	v61 =	vmul.f32 v53, v9  }
0x2db: {  	v62 =	vld [tilespmem:s24+$0xFFFFFFF0];
	[tilespmem:s28+$0x1E0] =	vst v59  }
0x2dc: {  	v7 =	vld [tilespmem:s2+$0x170];
	[tilespmem:s28+$0xFFFFFFE0] =	vst v61  }
0x2dd: {  	v2 =	vmul.f32 v56, v2;
	v8 =	vld [tilespmem:s2+$0xFFFFFFF0]  }
0x2de: {  	v63 =	vmul.f32 v58, v5  }
0x2df: {  	[tilespmem:s29+$0x1E8] =	vst v2;
	v2 =	vmul.f32 v60, v3  }
0x2e0: {  	p2 =	sne.s32 s20, $0x13;
	[tilespmem:s29+$0xFFFFFFE8] =	vst v63;
	v3 =	vmul.f32 v62, v6  }
.Ltmp8:
0x2e1: {  	[tilespmem:s30+$0x1E8] =	vst v2;
	v2 =	vmul.f32 v7, v55;
	(pc) =	sbr.rel @p2 .LBB2_16-.Ltmp8, $4  }
0x2e2: {  	s0 =	sshll.u32 s20, $0xA;
	[tilespmem:s30+$0xFFFFFFE8] =	vst v3;
	v3 =	vmul.f32 v8, v9  }
0x2e3: {  	s0 =	sshrl.u32 s0, $0x2;
	[tilespmem:s28+$0x1E8] =	vst v2  }
0x2e4: {  	s31 =	sadd.s32 $0x13F00, s0;
	[tilespmem:s28+$0xFFFFFFE8] =	vst v3  }
0x2e5: {  	[spmem:s1] =	stream.indirect.scatter.add.f32 [tilespmem:s15], [sflag:$0x3], $0x20, s31, s9, $0x2000b8;
	[tilespmem:$0x1AA00] =	vst v63  }
.Ltmp9:
0x2e6: {  	(pc) =	sbr.rel .LBB2_17-.Ltmp9, $4  }
0x2e7: {  	_ = 	snop  }
0x2e8: {  	_ =	swait.ge [sflag:s16], $0xC00  }
0x2e9: {  	[sflag:s16] =	ssyncset.done $0x0  }
0x2ea: {  	[sflag:s16] =	ssyncadd.s32 $0xFFFFF400  }
.LBB2_16:
.Ltmp10:
0x2eb: {  	s0 =	sadd.s32 $0x12C00, s0;
	(pc) =	sbr.rel @p1 .LBB2_18-.Ltmp10, $4  }
0x2ec: {  	[tilespmem:s12], [sflag:$0x1] =	stream.indirect.gather [spmem:s4], $0x18, s0, s9, $0x2000b8;
	[tilespmem:$0x1AA00] =	vst v63  }
0x2ed: {  	_ =	swait.ge [sflag:s16], $0xC00  }
0x2ee: {  	[sflag:s16] =	ssyncset.done $0x0  }
0x2ef: {  	[sflag:s16] =	ssyncadd.s32 $0xFFFFF400  }
.LBB2_17:
0x2f0: {  	_ =	swait.ge [sflag:s10], $0x1000  }
0x2f1: {  	[sflag:s10] =	ssyncset.done $0x0  }
0x2f2: {  	[sflag:s10] =	ssyncadd.s32 $0xFFFFF000  }
.LBB2_18:
0x2f3: {  	v2 =	vld [tilespmem:s23+$0x0];
	_ =	sdelay $0x6  }
0x2f4: {  	v3 =	vld [tilespmem:s25+$0x0]  }
0x2f5: {  	v2 =	vld.idx.msk [tilespmem:v2+s11+$0x0], $0xffff;
	_ =	sdelay $0x2  }
0x2f6: {  	s31 =	simm.s32 $0x17480  }
0x2f7: {  	v4 =	vld [tilespmem:s31+$0x0]  }
0x2f8: {  	v2 =	vmul.f32 v2, v3;
	_ =	sdelay $0x1  }
0x2f9: {  	v3 =	vbroadcast v2, $0x0;
	_ =	sdelay $0x1  }
0x2fa: {  	v4 =	vmul.f32 v3, v4  }
0x2fb: {  	s29 =	simm.s32 $0x19100;
	v5 =	vld [tilespmem:s23+$0xFFFFFFF0]  }
0x2fc: {  	[tilespmem:s29+$0x0] =	vst v4  }
0x2fd: {  	v4 =	vld [tilespmem:s31+$0x8];
	_ =	sdelay $0x4  }
0x2fe: {  	v3 =	vmul.f32 v4, v3  }
0x2ff: {  	v4 =	vld.idx.msk [tilespmem:v5+s11+$0x0], $0xffff  }
0x300: {  	v5 =	vld [tilespmem:s25+$0xFFFFFFF0];
	[tilespmem:s29+$0x8] =	vst v3  }
0x301: {  	v3 =	vld [tilespmem:s31+$0x18];
	_ =	sdelay $0x2  }
0x302: {  	v6 =	vbroadcast v2, $0x1  }
0x303: {  	v7 =	vld [tilespmem:s31+$0xFFFFFE80]  }
0x304: {  	v5 =	vmul.f32 v4, v5;
	v3 =	vmul.f32 v3, v6;
	_ =	sdelay $0x1  }
0x305: {  	v4 =	vbroadcast v5, $0x0;
	[tilespmem:s29+$0x20] =	vst v3  }
0x306: {  	v3 =	vld [tilespmem:s31+$0x20]  }
0x307: {  	v7 =	vmul.f32 v4, v7;
	_ =	sdelay $0x1  }
0x308: {  	[tilespmem:s29+$0xFFFFFE00] =	vst v7  }
0x309: {  	v7 =	vld [tilespmem:s31+$0xFFFFFE88]  }
0x30a: {  	v3 =	vmul.f32 v3, v6;
	_ =	sdelay $0x1  }
0x30b: {  	[tilespmem:s29+$0x28] =	vst v3  }
0x30c: {  	v3 =	vld [tilespmem:s31+$0x30]  }
0x30d: {  	v4 =	vmul.f32 v7, v4;
	_ =	sdelay $0x1  }
0x30e: {  	[tilespmem:s29+$0xFFFFFE08] =	vst v4;
	v4 =	vbroadcast v2, $0x2  }
0x30f: {  	v6 =	vld [tilespmem:s31+$0xFFFFFE98]  }
0x310: {  	v3 =	vmul.f32 v3, v4;
	_ =	sdelay $0x1  }
0x311: {  	v7 =	vbroadcast v5, $0x1;
	[tilespmem:s29+$0x40] =	vst v3  }
0x312: {  	v3 =	vld [tilespmem:s31+$0x38]  }
0x313: {  	v6 =	vmul.f32 v6, v7;
	_ =	sdelay $0x1  }
0x314: {  	[tilespmem:s29+$0xFFFFFE20] =	vst v6  }
0x315: {  	v6 =	vld [tilespmem:s31+$0xFFFFFEA0]  }
0x316: {  	v3 =	vmul.f32 v3, v4;
	_ =	sdelay $0x1  }
0x317: {  	[tilespmem:s29+$0x48] =	vst v3  }
0x318: {  	v3 =	vld [tilespmem:s31+$0x48]  }
0x319: {  	v4 =	vmul.f32 v6, v7;
	_ =	sdelay $0x1  }
0x31a: {  	[tilespmem:s29+$0xFFFFFE28] =	vst v4;
	v4 =	vbroadcast v2, $0x3  }
0x31b: {  	v6 =	vld [tilespmem:s31+$0xFFFFFEB0]  }
0x31c: {  	v3 =	vmul.f32 v3, v4;
	_ =	sdelay $0x1  }
0x31d: {  	v7 =	vbroadcast v5, $0x2;
	[tilespmem:s29+$0x60] =	vst v3  }
0x31e: {  	v3 =	vld [tilespmem:s31+$0x50]  }
0x31f: {  	v6 =	vmul.f32 v6, v7;
	_ =	sdelay $0x1  }
0x320: {  	[tilespmem:s29+$0xFFFFFE40] =	vst v6  }
0x321: {  	v6 =	vld [tilespmem:s31+$0xFFFFFEB8]  }
0x322: {  	v3 =	vmul.f32 v3, v4;
	_ =	sdelay $0x1  }
0x323: {  	[tilespmem:s29+$0x68] =	vst v3  }
0x324: {  	v3 =	vld [tilespmem:s31+$0x60]  }
0x325: {  	s2 =	sadd.s32 $0x20, s23;
	v4 =	vmul.f32 v6, v7  }
0x326: {  	v6 =	vld [tilespmem:s2+$0x0]  }
0x327: {  	[tilespmem:s29+$0xFFFFFE48] =	vst v4;
	v4 =	vbroadcast v2, $0x4;
	_ =	sdelay $0x1  }
0x328: {  	v7 =	vld [tilespmem:s31+$0xFFFFFEC8];
	v3 =	vmul.f32 v3, v4;
	_ =	sdelay $0x1  }
0x329: {  	v8 =	vld [tilespmem:s2+$0xFFFFFFF0];
	[tilespmem:s29+$0x80] =	vst v3  }
0x32a: {  	s0 =	sadd.s32 $0x20, s25;
	v9 =	vbroadcast v5, $0x3;
	v3 =	vld [tilespmem:s31+$0x68]  }
0x32b: {  	v10 =	vld [tilespmem:s0+$0x0]  }
0x32c: {  	v7 =	vmul.f32 v7, v9;
	v6 =	vld.idx.msk [tilespmem:v6+s11+$0x0], $0xffff;
	_ =	sdelay $0x1  }
0x32d: {  	v11 =	vld [tilespmem:s0+$0xFFFFFFF0];
	[tilespmem:s29+$0xFFFFFE60] =	vst v7  }
0x32e: {  	s30 =	simm.s32 $0x17780;
	v7 =	vld [tilespmem:s31+$0xFFFFFED0];
	v3 =	vmul.f32 v3, v4  }
0x32f: {  	v4 =	vld [tilespmem:s30+$0x0]  }
0x330: {  	v8 =	vld.idx.msk [tilespmem:v8+s11+$0x0], $0xffff;
	[tilespmem:s29+$0x88] =	vst v3;
	v3 =	vmul.f32 v6, v10  }
0x331: {  	v10 =	vld [tilespmem:s31+$0x78]  }
0x332: {  	v12 =	vbroadcast v3, $0x0  }
0x333: {  	v6 =	vmul.f32 v7, v9  }
0x334: {  	v7 =	vbroadcast v2, $0x5;
	v4 =	vmul.f32 v12, v4  }
0x335: {  	s24 =	simm.s32 $0x19500;
	v9 =	vld [tilespmem:s30+$0xFFFFFE80];
	[tilespmem:s29+$0xFFFFFE68] =	vst v6  }
0x336: {  	v6 =	vmul.f32 v8, v11;
	v13 =	vld [tilespmem:s31+$0xFFFFFEE0];
	v8 =	vmul.f32 v10, v7;
	[tilespmem:s24+$0x0] =	vst v4  }
0x337: {  	v4 =	vld [tilespmem:s30+$0x8]  }
0x338: {  	v10 =	vbroadcast v6, $0x0;
	[tilespmem:s29+$0xA0] =	vst v8  }
0x339: {  	v8 =	vbroadcast v5, $0x4;
	v11 =	vld [tilespmem:s31+$0x80]  }
0x33a: {  	v9 =	vmul.f32 v10, v9  }
0x33b: {  	v13 =	vmul.f32 v13, v8  }
0x33c: {  	[tilespmem:s24+$0xFFFFFE00] =	vst v9;
	v4 =	vmul.f32 v4, v12  }
0x33d: {  	v9 =	vld [tilespmem:s30+$0xFFFFFE88];
	[tilespmem:s29+$0xFFFFFE80] =	vst v13  }
0x33e: {  	v12 =	vld [tilespmem:s31+$0xFFFFFEE8];
	v7 =	vmul.f32 v11, v7;
	[tilespmem:s24+$0x8] =	vst v4  }
0x33f: {  	v4 =	vld [tilespmem:s30+$0x18]  }
0x340: {  	[tilespmem:s29+$0xA8] =	vst v7  }
0x341: {  	v7 =	vld [tilespmem:s31+$0x90]  }
0x342: {  	v9 =	vmul.f32 v9, v10;
	v10 =	vbroadcast v3, $0x1  }
0x343: {  	v8 =	vmul.f32 v12, v8  }
0x344: {  	[tilespmem:s24+$0xFFFFFE08] =	vst v9;
	v9 =	vbroadcast v2, $0x6;
	v4 =	vmul.f32 v4, v10  }
0x345: {  	[tilespmem:s29+$0xFFFFFE88] =	vst v8;
	v8 =	vld [tilespmem:s30+$0xFFFFFE98]  }
0x346: {  	v11 =	vld [tilespmem:s31+$0xFFFFFEF8];
	v7 =	vmul.f32 v7, v9;
	[tilespmem:s24+$0x20] =	vst v4  }
0x347: {  	v4 =	vld [tilespmem:s30+$0x20]  }
0x348: {  	v12 =	vbroadcast v6, $0x1;
	[tilespmem:s29+$0xC0] =	vst v7  }
0x349: {  	v7 =	vbroadcast v5, $0x5;
	v13 =	vld [tilespmem:s31+$0x98]  }
0x34a: {  	v8 =	vmul.f32 v8, v12  }
0x34b: {  	v11 =	vmul.f32 v11, v7  }
0x34c: {  	[tilespmem:s24+$0xFFFFFE20] =	vst v8;
	v4 =	vmul.f32 v4, v10  }
0x34d: {  	[tilespmem:s29+$0xFFFFFEA0] =	vst v11;
	v8 =	vld [tilespmem:s30+$0xFFFFFEA0]  }
0x34e: {  	v10 =	vld [tilespmem:s31+$0xFFFFFF00];
	v9 =	vmul.f32 v13, v9;
	[tilespmem:s24+$0x28] =	vst v4  }
0x34f: {  	v4 =	vld [tilespmem:s30+$0x30]  }
0x350: {  	[tilespmem:s29+$0xC8] =	vst v9  }
0x351: {  	v9 =	vld [tilespmem:s31+$0xA8]  }
0x352: {  	v11 =	vbroadcast v3, $0x2;
	v8 =	vmul.f32 v8, v12  }
0x353: {  	v7 =	vmul.f32 v10, v7  }
0x354: {  	[tilespmem:s24+$0xFFFFFE28] =	vst v8;
	v8 =	vbroadcast v2, $0x7;
	v4 =	vmul.f32 v4, v11  }
0x355: {  	[tilespmem:s29+$0xFFFFFEA8] =	vst v7;
	v7 =	vld [tilespmem:s30+$0xFFFFFEB0]  }
0x356: {  	v10 =	vld [tilespmem:s31+$0xFFFFFF10];
	v9 =	vmul.f32 v9, v8;
	[tilespmem:s24+$0x40] =	vst v4  }
0x357: {  	v4 =	vld [tilespmem:s30+$0x38]  }
0x358: {  	v12 =	vbroadcast v6, $0x2;
	[tilespmem:s29+$0xE0] =	vst v9  }
0x359: {  	v9 =	vbroadcast v5, $0x6;
	v13 =	vld [tilespmem:s31+$0xB0]  }
0x35a: {  	v7 =	vmul.f32 v7, v12  }
0x35b: {  	v10 =	vmul.f32 v10, v9  }
0x35c: {  	[tilespmem:s24+$0xFFFFFE40] =	vst v7;
	v4 =	vmul.f32 v4, v11  }
0x35d: {  	[tilespmem:s29+$0xFFFFFEC0] =	vst v10;
	v7 =	vld [tilespmem:s30+$0xFFFFFEB8]  }
0x35e: {  	v10 =	vld [tilespmem:s31+$0xFFFFFF18];
	v8 =	vmul.f32 v13, v8;
	[tilespmem:s24+$0x48] =	vst v4  }
0x35f: {  	v4 =	vld [tilespmem:s30+$0x48]  }
0x360: {  	[tilespmem:s29+$0xE8] =	vst v8  }
0x361: {  	v8 =	vld [tilespmem:s31+$0xC0]  }
0x362: {  	v11 =	vbroadcast v3, $0x3;
	v7 =	vmul.f32 v7, v12  }
0x363: {  	v9 =	vmul.f32 v10, v9  }
0x364: {  	[tilespmem:s24+$0xFFFFFE48] =	vst v7;
	v7 =	vbroadcast v2, $0x8;
	v4 =	vmul.f32 v4, v11  }
0x365: {  	[tilespmem:s29+$0xFFFFFEC8] =	vst v9;
	v9 =	vld [tilespmem:s30+$0xFFFFFEC8]  }
0x366: {  	v10 =	vld [tilespmem:s31+$0xFFFFFF28];
	v8 =	vmul.f32 v8, v7;
	[tilespmem:s24+$0x60] =	vst v4  }
0x367: {  	v4 =	vld [tilespmem:s30+$0x50]  }
0x368: {  	v12 =	vbroadcast v6, $0x3;
	[tilespmem:s29+$0x100] =	vst v8  }
0x369: {  	v8 =	vbroadcast v5, $0x7;
	v13 =	vld [tilespmem:s31+$0xC8]  }
0x36a: {  	v9 =	vmul.f32 v9, v12  }
0x36b: {  	v10 =	vmul.f32 v10, v8  }
0x36c: {  	[tilespmem:s24+$0xFFFFFE60] =	vst v9;
	v4 =	vmul.f32 v4, v11  }
0x36d: {  	[tilespmem:s29+$0xFFFFFEE0] =	vst v10;
	v9 =	vld [tilespmem:s30+$0xFFFFFED0]  }
0x36e: {  	v10 =	vld [tilespmem:s31+$0xFFFFFF30];
	v7 =	vmul.f32 v13, v7;
	[tilespmem:s24+$0x68] =	vst v4  }
0x36f: {  	v4 =	vld [tilespmem:s30+$0x60]  }
0x370: {  	[tilespmem:s29+$0x108] =	vst v7  }
0x371: {  	s2 =	sadd.s32 $0x20, s2;
	v7 =	vld [tilespmem:s31+$0xD8]  }
0x372: {  	v11 =	vld [tilespmem:s2+$0x0];
	v9 =	vmul.f32 v9, v12;
	v12 =	vbroadcast v3, $0x4  }
0x373: {  	v8 =	vmul.f32 v10, v8  }
0x374: {  	v10 =	vld [tilespmem:s2+$0xFFFFFFF0];
	[tilespmem:s24+$0xFFFFFE68] =	vst v9;
	v9 =	vbroadcast v2, $0x9;
	v4 =	vmul.f32 v4, v12  }
0x375: {  	s19 =	simm.s32 $0x17A80;
	[tilespmem:s29+$0xFFFFFEE8] =	vst v8;
	v8 =	vld [tilespmem:s30+$0xFFFFFEE0]  }
0x376: {  	v17 =	vld [tilespmem:s19+$0x0];
	v7 =	vmul.f32 v7, v9;
	[tilespmem:s24+$0x80] =	vst v4  }
0x377: {  	s0 =	sadd.s32 $0x20, s0;
	v4 =	vld [tilespmem:s30+$0x68]  }
0x378: {  	v15 =	vld [tilespmem:s0+$0x0];
	v14 =	vbroadcast v6, $0x4;
	[tilespmem:s29+$0x120] =	vst v7  }
0x379: {  	v7 =	vld [tilespmem:s31+$0xE0]  }
0x37a: {  	v11 =	vld.idx.msk [tilespmem:v11+s11+$0x0], $0xffff;
	v8 =	vmul.f32 v8, v14  }
0x37b: {  	v13 =	vld [tilespmem:s31+$0xFFFFFF40]  }
0x37c: {  	v10 =	vld.idx.msk [tilespmem:v10+s11+$0x0], $0xffff;
	[tilespmem:s24+$0xFFFFFE80] =	vst v8;
	v4 =	vmul.f32 v4, v12  }
0x37d: {  	v12 =	vld [tilespmem:s30+$0xFFFFFEE8]  }
0x37e: {  	v8 =	vld [tilespmem:s0+$0xFFFFFFF0];
	[tilespmem:s24+$0x88] =	vst v4;
	v7 =	vmul.f32 v7, v9  }
0x37f: {  	v16 =	vbroadcast v5, $0x8;
	v4 =	vmul.f32 v11, v15;
	v11 =	vld [tilespmem:s30+$0x78]  }
0x380: {  	[tilespmem:s29+$0x128] =	vst v7  }
0x381: {  	v9 =	vmul.f32 v13, v16;
	v7 =	vbroadcast v4, $0x0;
	v13 =	vld [tilespmem:s31+$0xF0]  }
0x382: {  	v12 =	vmul.f32 v12, v14;
	v14 =	vbroadcast v3, $0x5  }
0x383: {  	v15 =	vld [tilespmem:s19+$0xFFFFFE80];
	[tilespmem:s29+$0xFFFFFF00] =	vst v9;
	v9 =	vmul.f32 v10, v8;
	v17 =	vmul.f32 v7, v17  }
0x384: {  	s18 =	simm.s32 $0x19900;
	v10 =	vbroadcast v2, $0xA;
	v18 =	vld [tilespmem:s31+$0xFFFFFF48];
	[tilespmem:s24+$0xFFFFFE88] =	vst v12;
	v8 =	vmul.f32 v11, v14  }
0x385: {  	[tilespmem:s18+$0x0] =	vst v17;
	v11 =	vld [tilespmem:s30+$0xFFFFFEF8]  }
0x386: {  	v12 =	vbroadcast v9, $0x0;
	v17 =	vld [tilespmem:s19+$0x8];
	[tilespmem:s24+$0xA0] =	vst v8;
	v8 =	vmul.f32 v13, v10  }
0x387: {  	v13 =	vld [tilespmem:s30+$0x80]  }
0x388: {  	v19 =	vbroadcast v6, $0x5;
	v15 =	vmul.f32 v12, v15;
	[tilespmem:s29+$0x140] =	vst v8  }
0x389: {  	v16 =	vmul.f32 v18, v16;
	v8 =	vld [tilespmem:s31+$0xF8]  }
0x38a: {  	[tilespmem:s18+$0xFFFFFE00] =	vst v15;
	v11 =	vmul.f32 v11, v19  }
0x38b: {  	[tilespmem:s29+$0xFFFFFF08] =	vst v16;
	v15 =	vld [tilespmem:s19+$0xFFFFFE88];
	v7 =	vmul.f32 v17, v7  }
0x38c: {  	v16 =	vld [tilespmem:s31+$0xFFFFFF58];
	[tilespmem:s24+$0xFFFFFEA0] =	vst v11;
	v11 =	vmul.f32 v13, v14  }
0x38d: {  	[tilespmem:s18+$0x8] =	vst v7;
	v7 =	vld [tilespmem:s30+$0xFFFFFF00]  }
0x38e: {  	v13 =	vld [tilespmem:s19+$0x18];
	[tilespmem:s24+$0xA8] =	vst v11;
	v8 =	vmul.f32 v8, v10  }
0x38f: {  	v11 =	vbroadcast v5, $0x9;
	v10 =	vld [tilespmem:s30+$0x90]  }
0x390: {  	v12 =	vmul.f32 v15, v12;
	[tilespmem:s29+$0x148] =	vst v8  }
0x391: {  	v14 =	vmul.f32 v16, v11;
	v8 =	vbroadcast v4, $0x1;
	v15 =	vld [tilespmem:s31+$0x108]  }
0x392: {  	[tilespmem:s18+$0xFFFFFE08] =	vst v12;
	v12 =	vbroadcast v3, $0x6;
	v7 =	vmul.f32 v7, v19  }
0x393: {  	v16 =	vld [tilespmem:s19+$0xFFFFFE98];
	[tilespmem:s29+$0xFFFFFF20] =	vst v14;
	v13 =	vmul.f32 v13, v8  }
0x394: {  	v14 =	vld [tilespmem:s31+$0xFFFFFF60];
	[tilespmem:s24+$0xFFFFFEA8] =	vst v7;
	v7 =	vmul.f32 v10, v12;
	v10 =	vbroadcast v2, $0xB  }
0x395: {  	[tilespmem:s18+$0x20] =	vst v13;
	v13 =	vld [tilespmem:s30+$0xFFFFFF10]  }
0x396: {  	v17 =	vbroadcast v9, $0x1;
	v18 =	vld [tilespmem:s19+$0x20];
	[tilespmem:s24+$0xC0] =	vst v7;
	v7 =	vmul.f32 v15, v10  }
0x397: {  	v15 =	vld [tilespmem:s30+$0x98]  }
0x398: {  	v19 =	vbroadcast v6, $0x6;
	v16 =	vmul.f32 v16, v17;
	[tilespmem:s29+$0x160] =	vst v7  }
0x399: {  	v7 =	vmul.f32 v14, v11;
	v11 =	vld [tilespmem:s31+$0x110]  }
0x39a: {  	[tilespmem:s18+$0xFFFFFE20] =	vst v16;
	v13 =	vmul.f32 v13, v19  }
0x39b: {  	v14 =	vld [tilespmem:s19+$0xFFFFFEA0];
	[tilespmem:s29+$0xFFFFFF28] =	vst v7;
	v7 =	vmul.f32 v18, v8  }
0x39c: {  	v8 =	vld [tilespmem:s31+$0xFFFFFF70];
	[tilespmem:s24+$0xFFFFFEC0] =	vst v13;
	v12 =	vmul.f32 v15, v12  }
0x39d: {  	[tilespmem:s18+$0x28] =	vst v7;
	v7 =	vld [tilespmem:s30+$0xFFFFFF18]  }
0x39e: {  	v13 =	vld [tilespmem:s19+$0x30];
	[tilespmem:s24+$0xC8] =	vst v12;
	v10 =	vmul.f32 v11, v10  }
0x39f: {  	v12 =	vbroadcast v5, $0xA;
	v11 =	vld [tilespmem:s30+$0xA8]  }
0x3a0: {  	v14 =	vmul.f32 v14, v17;
	[tilespmem:s29+$0x168] =	vst v10  }
0x3a1: {  	v15 =	vbroadcast v4, $0x2;
	v8 =	vmul.f32 v8, v12;
	v16 =	vld [tilespmem:s31+$0x120]  }
0x3a2: {  	[tilespmem:s18+$0xFFFFFE28] =	vst v14;
	v14 =	vbroadcast v3, $0x7;
	v7 =	vmul.f32 v7, v19  }
0x3a3: {  	v17 =	vld [tilespmem:s19+$0xFFFFFEB0];
	[tilespmem:s29+$0xFFFFFF40] =	vst v8;
	v8 =	vmul.f32 v13, v15  }
0x3a4: {  	v20 =	vbroadcast v2, $0xC;
	v18 =	vld [tilespmem:s31+$0xFFFFFF78];
	[tilespmem:s24+$0xFFFFFEC8] =	vst v7;
	v11 =	vmul.f32 v11, v14  }
0x3a5: {  	v30 =	vbroadcast v2, $0xD;
	[tilespmem:s18+$0x40] =	vst v8;
	v8 =	vld [tilespmem:s30+$0xFFFFFF28]  }
0x3a6: {  	v22 =	vbroadcast v9, $0x2;
	v23 =	vld [tilespmem:s19+$0x38];
	[tilespmem:s24+$0xE0] =	vst v11;
	v11 =	vmul.f32 v16, v20  }
0x3a7: {  	v31 =	vbroadcast v5, $0xB;
	v33 =	vbroadcast v3, $0x8;
	v24 =	vld [tilespmem:s30+$0xB0]  }
0x3a8: {  	v25 =	vbroadcast v6, $0x7;
	v16 =	vmul.f32 v17, v22;
	[tilespmem:s29+$0x180] =	vst v11  }
0x3a9: {  	v21 =	vbroadcast v6, $0x8;
	v11 =	vmul.f32 v18, v12;
	v12 =	vld [tilespmem:s31+$0x128]  }
0x3aa: {  	v32 =	vbroadcast v4, $0x3;
	[tilespmem:s18+$0xFFFFFE40] =	vst v16;
	v8 =	vmul.f32 v8, v25  }
0x3ab: {  	v29 =	vbroadcast v9, $0x3;
	v18 =	vld [tilespmem:s19+$0xFFFFFEB8];
	[tilespmem:s29+$0xFFFFFF48] =	vst v11;
	v15 =	vmul.f32 v23, v15  }
0x3ac: {  	v27 =	vbroadcast v9, $0x4;
	v23 =	vld [tilespmem:s31+$0xFFFFFF88];
	[tilespmem:s24+$0xFFFFFEE0] =	vst v8;
	v24 =	vmul.f32 v24, v14  }
0x3ad: {  	v26 =	vbroadcast v9, $0x5;
	v10 =	vbroadcast v5, $0xD;
	[tilespmem:s18+$0x48] =	vst v15;
	v15 =	vld [tilespmem:s30+$0xFFFFFF30]  }
0x3ae: {  	v19 =	vbroadcast v6, $0x9;
	v28 =	vld [tilespmem:s19+$0x48];
	[tilespmem:s24+$0xE8] =	vst v24;
	v12 =	vmul.f32 v12, v20  }
0x3af: {  	v13 =	vbroadcast v5, $0xC;
	v7 =	vbroadcast v5, $0xE;
	v20 =	vld [tilespmem:s30+$0xC0]  }
0x3b0: {  	v5 =	vbroadcast v5, $0xF;
	v18 =	vmul.f32 v18, v22;
	[tilespmem:s29+$0x188] =	vst v12  }
0x3b1: {  	v17 =	vbroadcast v6, $0xA;
	v12 =	vmul.f32 v23, v31;
	v23 =	vld [tilespmem:s31+$0x138]  }
0x3b2: {  	v16 =	vbroadcast v6, $0xB;
	[tilespmem:s18+$0xFFFFFE48] =	vst v18;
	v15 =	vmul.f32 v15, v25  }
0x3b3: {  	v11 =	vbroadcast v6, $0xD;
	v34 =	vld [tilespmem:s19+$0xFFFFFEC8];
	[tilespmem:s29+$0xFFFFFF60] =	vst v12;
	v12 =	vmul.f32 v28, v32  }
0x3b4: {  	v8 =	vbroadcast v6, $0xE;
	v35 =	vld [tilespmem:s31+$0xFFFFFF90];
	[tilespmem:s24+$0xFFFFFEE8] =	vst v15;
	v15 =	vmul.f32 v20, v33  }
0x3b5: {  	v14 =	vbroadcast v6, $0xC;
	v6 =	vbroadcast v6, $0xF;
	[tilespmem:s18+$0x60] =	vst v12  }
0x3b6: {  	v24 =	vbroadcast v9, $0x7;
	v12 =	vld [tilespmem:s30+$0xFFFFFF40];
	[tilespmem:s24+$0x100] =	vst v15;
	v15 =	vmul.f32 v23, v30  }
0x3b7: {  	v22 =	vbroadcast v9, $0x9;
	v18 =	vbroadcast v9, $0xB;
	v36 =	vld [tilespmem:s19+$0x50]  }
0x3b8: {  	v25 =	vbroadcast v9, $0x6;
	v34 =	vmul.f32 v34, v29;
	v37 =	vld [tilespmem:s30+$0xC8];
	[tilespmem:s29+$0x1A0] =	vst v15  }
0x3b9: {  	v28 =	vbroadcast v9, $0x8;
	v35 =	vmul.f32 v35, v31;
	v31 =	vld [tilespmem:s31+$0x140]  }
0x3ba: {  	v20 =	vbroadcast v9, $0xA;
	v23 =	vbroadcast v9, $0xC;
	[tilespmem:s18+$0xFFFFFE60] =	vst v34  }
0x3bb: {  	v15 =	vbroadcast v9, $0xD;
	v38 =	vmul.f32 v12, v21;
	v34 =	vld [tilespmem:s19+$0xFFFFFED0];
	[tilespmem:s29+$0xFFFFFF68] =	vst v35  }
0x3bc: {  	s5 =	simm.s32 $0x4;
	v12 =	vbroadcast v9, $0xE;
	v35 =	vmul.f32 v36, v32;
	v32 =	vld [tilespmem:s31+$0xFFFFFFA0]  }
0x3bd: {  	s28 =	simm.s32 $0x19900;
	s6 =	sadd.s32 $0x20, s2;
	s2 =	simm.s32 $0x17A80;
	v9 =	vbroadcast v9, $0xF;
	[tilespmem:s24+$0xFFFFFF00] =	vst v38;
	v33 =	vmul.f32 v37, v33  }
.LBB2_19:
0x3be: {  	v36 =	vld [tilespmem:s6+$0x0];
	[tilespmem:s18+$0x68] =	vst v35;
	v30 =	vmul.f32 v31, v30  }
0x3bf: {  	v31 =	vld [tilespmem:s19+$0x60];
	[tilespmem:s24+$0x108] =	vst v33  }
0x3c0: {  	v29 =	vmul.f32 v34, v29;
	v33 =	vld [tilespmem:s30+$0xD8];
	[tilespmem:s29+$0x1A8] =	vst v30  }
0x3c1: {  	s5 =	sadd.s32 $0x2, s5;
	v30 =	vmul.f32 v32, v13;
	v32 =	vld [tilespmem:s31+$0x150]  }
0x3c2: {  	p1 =	slt.u32 s5, $0x6;
	v34 =	vld [tilespmem:s6+$0xFFFFFFF0];
	[tilespmem:s18+$0xFFFFFE68] =	vst v29;
	v29 =	vbroadcast v4, $0x4  }
0x3c3: {  	v37 =	vbroadcast v3, $0x9;
	v35 =	vld [tilespmem:s19+$0xFFFFFEE0];
	[tilespmem:s29+$0xFFFFFF80] =	vst v30  }
0x3c4: {  	v38 =	vbroadcast v2, $0xE;
	v30 =	vmul.f32 v31, v29;
	v31 =	vld [tilespmem:s30+$0xFFFFFF48]  }
0x3c5: {  	v33 =	vmul.f32 v33, v37;
	v39 =	vld [tilespmem:s31+$0xFFFFFFA8]  }
0x3c6: {  	v36 =	vld.idx.msk [tilespmem:v36+s11+$0x0], $0xffff;
	[tilespmem:s18+$0x80] =	vst v30;
	v30 =	vmul.f32 v32, v38  }
0x3c7: {  	v32 =	vld [tilespmem:s19+$0x68];
	[tilespmem:s24+$0x120] =	vst v33  }
0x3c8: {  	v33 =	vmul.f32 v35, v27;
	v35 =	vld [tilespmem:s30+$0xE0];
	[tilespmem:s29+$0x1C0] =	vst v30  }
0x3c9: {  	s0 =	sadd.s32 $0x20, s0;
	v30 =	vmul.f32 v31, v21;
	v31 =	vld [tilespmem:s31+$0x158];
	v21 =	vmov v28  }
0x3ca: {  	v28 =	vld [tilespmem:s0+$0x0];
	[tilespmem:s18+$0xFFFFFE80] =	vst v33;
	v33 =	vmul.f32 v39, v13;
	v13 =	vmov v14;
	v14 =	vmov v23  }
0x3cb: {  	v23 =	vld.idx.msk [tilespmem:v34+s11+$0x0], $0xffff;
	[tilespmem:s24+$0xFFFFFF08] =	vst v30  }
0x3cc: {  	v30 =	vld [tilespmem:s0+$0xFFFFFFF0];
	v29 =	vmul.f32 v32, v29;
	[tilespmem:s29+$0xFFFFFF88] =	vst v33  }
0x3cd: {  	s19 =	sadd.s32 $0x300, s19;
	v32 =	vld [tilespmem:s2+$0xFFFFFEE8];
	v33 =	vmul.f32 v35, v37  }
0x3ce: {  	v34 =	vld [tilespmem:s19+$0x0];
	[tilespmem:s18+$0x88] =	vst v29;
	v29 =	vmul.f32 v31, v38  }
0x3cf: {  	v28 =	vmul.f32 v36, v28;
	v31 =	vld [tilespmem:s2+$0x78];
	[tilespmem:s24+$0x128] =	vst v33  }
0x3d0: {  	v33 =	vld [tilespmem:s30+$0xF0];
	[tilespmem:s29+$0x1C8] =	vst v29  }
0x3d1: {  	v35 =	vmul.f32 v23, v30;
	v23 =	vbroadcast v28, $0x0;
	v29 =	vld [tilespmem:s31+$0x168]  }
0x3d2: {  	v30 =	vld [tilespmem:s19+$0xFFFFFE80];
	v27 =	vmul.f32 v32, v27;
	v32 =	vbroadcast v4, $0x5  }
0x3d3: {  	v37 =	vbroadcast v3, $0xA;
	v34 =	vmul.f32 v23, v34;
	v36 =	vld [tilespmem:s30+$0xFFFFFF58]  }
0x3d4: {  	v39 =	vbroadcast v2, $0xF;
	v2 =	vmovc v3;
	v3 =	vmovc v4;
	s18 =	sadd.s32 $0x400, s18;
	v4 =	vmov v28;
	[tilespmem:s28+$0xFFFFFE88] =	vst v27;
	v27 =	vmul.f32 v31, v32;
	v38 =	vld [tilespmem:s31+$0xFFFFFFB8]  }
0x3d5: {  	v40 =	vbroadcast v35, $0x0;
	[tilespmem:s18+$0x0] =	vst v34;
	v28 =	vld [tilespmem:s2+$0xFFFFFEF8];
	v31 =	vmul.f32 v33, v37  }
0x3d6: {  	v34 =	vbroadcast v35, $0x1;
	v33 =	vld [tilespmem:s19+$0x8];
	[tilespmem:s28+$0xA0] =	vst v27;
	v41 =	vmul.f32 v29, v39  }
0x3d7: {  	v42 =	vmul.f32 v40, v30;
	v30 =	vbroadcast v35, $0x2;
	v43 =	vld [tilespmem:s2+$0x80];
	[tilespmem:s24+$0x140] =	vst v31  }
0x3d8: {  	v29 =	vbroadcast v35, $0x3;
	v27 =	vbroadcast v35, $0x4;
	v44 =	vld [tilespmem:s30+$0xF8];
	[tilespmem:s29+$0x1E0] =	vst v41  }
0x3d9: {  	v41 =	vbroadcast v35, $0x5;
	[tilespmem:s18+$0xFFFFFE00] =	vst v42;
	v42 =	vbroadcast v35, $0x6;
	v45 =	vld [tilespmem:s31+$0x170]  }
0x3da: {  	v31 =	vbroadcast v35, $0x7;
	v46 =	vld [tilespmem:s19+$0xFFFFFE88];
	v47 =	vmul.f32 v28, v26  }
0x3db: {  	v28 =	vbroadcast v35, $0x8;
	v23 =	vmul.f32 v33, v23  }
0x3dc: {  	v48 =	vbroadcast v35, $0x9;
	[tilespmem:s28+$0xFFFFFEA0] =	vst v47;
	v32 =	vmul.f32 v43, v32  }
0x3dd: {  	v36 =	vmul.f32 v36, v19;
	[tilespmem:s18+$0x8] =	vst v23;
	v33 =	vld [tilespmem:s2+$0xFFFFFF00];
	v23 =	vmul.f32 v44, v37  }
0x3de: {  	v37 =	vbroadcast v35, $0xA;
	v43 =	vld [tilespmem:s19+$0x18];
	[tilespmem:s28+$0xA8] =	vst v32;
	v39 =	vmul.f32 v45, v39  }
0x3df: {  	v32 =	vbroadcast v35, $0xB;
	v40 =	vmul.f32 v46, v40;
	v44 =	vld [tilespmem:s2+$0x90];
	[tilespmem:s24+$0x148] =	vst v23  }
0x3e0: {  	v45 =	vbroadcast v35, $0xD;
	v23 =	vbroadcast v35, $0xC;
	v46 =	vld [tilespmem:s30+$0x108];
	[tilespmem:s29+$0x1E8] =	vst v39  }
0x3e1: {  	v38 =	vmul.f32 v38, v10;
	v39 =	vbroadcast v4, $0x1;
	[tilespmem:s18+$0xFFFFFE08] =	vst v40  }
0x3e2: {  	v47 =	vbroadcast v3, $0x6;
	v40 =	vld [tilespmem:s19+$0xFFFFFE98];
	v33 =	vmul.f32 v33, v26;
	[tilespmem:s24+$0xFFFFFF20] =	vst v36;
	v26 =	vmov v41  }
0x3e3: {  	v36 =	vmul.f32 v43, v39;
	v41 =	vld [tilespmem:s30+$0xFFFFFF60];
	v43 =	vbroadcast v2, $0xB;
	[tilespmem:s29+$0xFFFFFFA0] =	vst v38  }
0x3e4: {  	v38 =	vbroadcast v35, $0xE;
	[tilespmem:s28+$0xFFFFFEA8] =	vst v33;
	v44 =	vmul.f32 v44, v47;
	v49 =	vld [tilespmem:s31+$0xFFFFFFC0]  }
0x3e5: {  	v33 =	vbroadcast v35, $0xF;
	[tilespmem:s18+$0x20] =	vst v36;
	v35 =	vld [tilespmem:s2+$0xFFFFFF10];
	v36 =	vmul.f32 v46, v43  }
0x3e6: {  	v46 =	vld [tilespmem:s19+$0x20];
	[tilespmem:s28+$0xC0] =	vst v44  }
0x3e7: {  	v40 =	vmul.f32 v40, v34;
	v44 =	vld [tilespmem:s2+$0x98];
	[tilespmem:s24+$0x160] =	vst v36  }
0x3e8: {  	v36 =	vmul.f32 v41, v19;
	v41 =	vld [tilespmem:s30+$0x110];
	v19 =	vmov v22;
	v22 =	vmov v48  }
0x3e9: {  	[tilespmem:s18+$0xFFFFFE20] =	vst v40;
	v40 =	vmul.f32 v49, v10;
	v10 =	vmovc v11;
	v11 =	vmov v15;
	v15 =	vmov v45  }
0x3ea: {  	v45 =	vld [tilespmem:s19+$0xFFFFFEA0];
	v35 =	vmul.f32 v35, v25;
	[tilespmem:s24+$0xFFFFFF28] =	vst v36  }
0x3eb: {  	v36 =	vmul.f32 v46, v39;
	v39 =	vld [tilespmem:s30+$0xFFFFFF70];
	[tilespmem:s29+$0xFFFFFFA8] =	vst v40  }
0x3ec: {  	[tilespmem:s28+$0xFFFFFEC0] =	vst v35;
	v35 =	vmul.f32 v44, v47;
	v40 =	vld [tilespmem:s31+$0xFFFFFFD0]  }
0x3ed: {  	[tilespmem:s18+$0x28] =	vst v36;
	v36 =	vld [tilespmem:s2+$0xFFFFFF18];
	v41 =	vmul.f32 v41, v43  }
0x3ee: {  	v43 =	vld [tilespmem:s19+$0x30];
	[tilespmem:s28+$0xC8] =	vst v35  }
0x3ef: {  	v34 =	vmul.f32 v45, v34;
	v35 =	vld [tilespmem:s2+$0xA8];
	[tilespmem:s24+$0x168] =	vst v41  }
0x3f0: {  	v39 =	vmul.f32 v39, v17;
	v41 =	vld [tilespmem:s30+$0x120]  }
0x3f1: {  	[tilespmem:s18+$0xFFFFFE28] =	vst v34;
	v34 =	vbroadcast v4, $0x2;
	v40 =	vmul.f32 v40, v7  }
0x3f2: {  	v45 =	vbroadcast v3, $0x7;
	v44 =	vld [tilespmem:s19+$0xFFFFFEB0];
	v36 =	vmul.f32 v36, v25;
	[tilespmem:s24+$0xFFFFFF40] =	vst v39;
	v25 =	vmov v42  }
0x3f3: {  	v39 =	vmul.f32 v43, v34;
	v42 =	vld [tilespmem:s30+$0xFFFFFF78];
	v43 =	vbroadcast v2, $0xC;
	[tilespmem:s29+$0xFFFFFFC0] =	vst v40  }
0x3f4: {  	[tilespmem:s28+$0xFFFFFEC8] =	vst v36;
	v35 =	vmul.f32 v35, v45;
	v36 =	vld [tilespmem:s31+$0xFFFFFFD8]  }
0x3f5: {  	[tilespmem:s18+$0x40] =	vst v39;
	v39 =	vld [tilespmem:s2+$0xFFFFFF28];
	v40 =	vmul.f32 v41, v43  }
0x3f6: {  	v41 =	vld [tilespmem:s19+$0x38];
	[tilespmem:s28+$0xE0] =	vst v35  }
0x3f7: {  	v35 =	vmul.f32 v44, v30;
	v44 =	vld [tilespmem:s2+$0xB0];
	[tilespmem:s24+$0x180] =	vst v40  }
0x3f8: {  	v40 =	vmul.f32 v42, v17;
	v42 =	vld [tilespmem:s30+$0x128];
	v17 =	vmov v20;
	v20 =	vmov v37  }
0x3f9: {  	[tilespmem:s18+$0xFFFFFE40] =	vst v35;
	v35 =	vmul.f32 v36, v7;
	v7 =	vmovc v8;
	v8 =	vmov v12;
	v12 =	vmov v38  }
0x3fa: {  	v36 =	vld [tilespmem:s19+$0xFFFFFEB8];
	v37 =	vmul.f32 v39, v24;
	[tilespmem:s24+$0xFFFFFF48] =	vst v40  }
0x3fb: {  	v34 =	vmul.f32 v41, v34;
	v38 =	vld [tilespmem:s30+$0xFFFFFF88];
	[tilespmem:s29+$0xFFFFFFC8] =	vst v35  }
0x3fc: {  	[tilespmem:s28+$0xFFFFFEE0] =	vst v37;
	v35 =	vmul.f32 v44, v45;
	v37 =	vld [tilespmem:s31+$0xFFFFFFE8]  }
0x3fd: {  	[tilespmem:s18+$0x48] =	vst v34;
	v34 =	vld [tilespmem:s2+$0xFFFFFF30];
	v39 =	vmul.f32 v42, v43  }
0x3fe: {  	v40 =	vld [tilespmem:s19+$0x48];
	[tilespmem:s28+$0xE8] =	vst v35  }
0x3ff: {  	v30 =	vmul.f32 v36, v30;
	v35 =	vld [tilespmem:s2+$0xC0];
	[tilespmem:s24+$0x188] =	vst v39  }
0x400: {  	v36 =	vmul.f32 v38, v16;
	v38 =	vld [tilespmem:s30+$0x138]  }
0x401: {  	v39 =	vbroadcast v4, $0x3;
	[tilespmem:s18+$0xFFFFFE48] =	vst v30;
	v37 =	vmul.f32 v37, v5  }
0x402: {  	v42 =	vbroadcast v3, $0x8;
	v41 =	vld [tilespmem:s19+$0xFFFFFEC8];
	v34 =	vmul.f32 v34, v24;
	[tilespmem:s24+$0xFFFFFF60] =	vst v36;
	v24 =	vmov v31  }
0x403: {  	v30 =	vbroadcast v2, $0xD;
	v31 =	vmul.f32 v40, v39;
	v36 =	vld [tilespmem:s30+$0xFFFFFF90];
	[tilespmem:s29+$0xFFFFFFE0] =	vst v37  }
0x404: {  	[tilespmem:s28+$0xFFFFFEE8] =	vst v34;
	v34 =	vmul.f32 v35, v42;
	v35 =	vld [tilespmem:s31+$0xFFFFFFF0];
	s31 =	smov.u32 s30;
	s30 =	smov.u32 s2;
	s2 =	smov.u32 s19  }
0x405: {  	[tilespmem:s18+$0x60] =	vst v31;
	v37 =	vld [tilespmem:s30+$0xFFFFFF40];
	v31 =	vmul.f32 v38, v30  }
0x406: {  	v38 =	vld [tilespmem:s19+$0x50];
	[tilespmem:s28+$0x100] =	vst v34  }
0x407: {  	v34 =	vmul.f32 v41, v29;
	v40 =	vld [tilespmem:s30+$0xC8];
	[tilespmem:s24+$0x1A0] =	vst v31  }
.Ltmp11:
0x408: {  	v36 =	vmul.f32 v36, v16;
	v31 =	vld [tilespmem:s31+$0x140];
	v16 =	vmov v18;
	v18 =	vmov v32;
	(pc) =	sbr.rel @p1 .LBB2_19-.Ltmp11, $4  }
0x409: {  	[tilespmem:s18+$0xFFFFFE60] =	vst v34;
	v41 =	vmul.f32 v35, v5;
	v5 =	vmovc v6;
	v6 =	vmov v9;
	v9 =	vmov v33  }
0x40a: {  	v34 =	vld [tilespmem:s19+$0xFFFFFED0];
	v33 =	vmul.f32 v37, v21;
	[tilespmem:s24+$0xFFFFFF68] =	vst v36  }
0x40b: {  	v35 =	vmul.f32 v38, v39;
	v32 =	vld [tilespmem:s31+$0xFFFFFFA0];
	[tilespmem:s29+$0xFFFFFFE8] =	vst v41;
	s29 =	smov.u32 s24;
	s24 =	smov.u32 s28;
	s28 =	smov.u32 s18  }
0x40c: {  	s6 =	sadd.s32 $0x20, s6;
	[tilespmem:s24+$0xFFFFFF00] =	vst v33;
	v33 =	vmul.f32 v40, v42  }
0x40d: {  	_ =	sdelay $0x1  }
0x40e: {  	v29 =	vmul.f32 v34, v29  }
0x40f: {  	[tilespmem:s18+$0x68] =	vst v35  }
0x410: {  	v59 =	vld [tilespmem:s19+$0x60];
	[tilespmem:s18+$0xFFFFFE68] =	vst v29  }
0x411: {  	v29 =	vld [tilespmem:s19+$0xFFFFFEE0];
	_ =	sdelay $0x1  }
0x412: {  	v60 =	vbroadcast v4, $0x4;
	_ =	sdelay $0x1  }
0x413: {  	v34 =	vmul.f32 v59, v60  }
0x414: {  	v29 =	vmul.f32 v29, v27  }
0x415: {  	[tilespmem:s18+$0x80] =	vst v34  }
0x416: {  	v34 =	vld [tilespmem:s19+$0x68];
	[tilespmem:s18+$0xFFFFFE80] =	vst v29  }
0x417: {  	v29 =	vld [tilespmem:s2+$0xFFFFFEE8];
	_ =	sdelay $0x3  }
0x418: {  	v34 =	vmul.f32 v34, v60  }
0x419: {  	v61 =	vmul.f32 v29, v27  }
0x41a: {  	[tilespmem:s18+$0x88] =	vst v34  }
0x41b: {  	v62 =	vld [tilespmem:s2+$0x78];
	[tilespmem:s28+$0xFFFFFE88] =	vst v61  }
0x41c: {  	v27 =	vld [tilespmem:s2+$0xFFFFFEF8];
	_ =	sdelay $0x1  }
0x41d: {  	v63 =	vbroadcast v4, $0x5;
	_ =	sdelay $0x1  }
0x41e: {  	v29 =	vmul.f32 v62, v63  }
0x41f: {  	v27 =	vmul.f32 v27, v26  }
0x420: {  	[tilespmem:s28+$0xA0] =	vst v29  }
0x421: {  	v29 =	vld [tilespmem:s2+$0x80];
	[tilespmem:s28+$0xFFFFFEA0] =	vst v27  }
0x422: {  	v27 =	vld [tilespmem:s2+$0xFFFFFF00];
	_ =	sdelay $0x3  }
0x423: {  	v29 =	vmul.f32 v29, v63  }
0x424: {  	v36 =	vmul.f32 v27, v26  }
0x425: {  	[tilespmem:s28+$0xA8] =	vst v29  }
0x426: {  	v37 =	vld [tilespmem:s2+$0x90];
	[tilespmem:s28+$0xFFFFFEA8] =	vst v36  }
0x427: {  	v26 =	vld [tilespmem:s2+$0xFFFFFF10];
	_ =	sdelay $0x1  }
0x428: {  	v38 =	vbroadcast v4, $0x6;
	_ =	sdelay $0x1  }
0x429: {  	v27 =	vmul.f32 v37, v38  }
0x42a: {  	v26 =	vmul.f32 v26, v25  }
0x42b: {  	[tilespmem:s28+$0xC0] =	vst v27  }
0x42c: {  	v27 =	vld [tilespmem:s2+$0x98];
	[tilespmem:s28+$0xFFFFFEC0] =	vst v26  }
0x42d: {  	v26 =	vld [tilespmem:s2+$0xFFFFFF18];
	_ =	sdelay $0x3  }
0x42e: {  	v27 =	vmul.f32 v27, v38  }
0x42f: {  	v39 =	vmul.f32 v26, v25  }
0x430: {  	[tilespmem:s28+$0xC8] =	vst v27  }
0x431: {  	v40 =	vld [tilespmem:s2+$0xA8];
	[tilespmem:s28+$0xFFFFFEC8] =	vst v39  }
0x432: {  	v25 =	vld [tilespmem:s2+$0xFFFFFF28];
	_ =	sdelay $0x1  }
0x433: {  	v41 =	vbroadcast v4, $0x7;
	_ =	sdelay $0x1  }
0x434: {  	v26 =	vmul.f32 v40, v41  }
0x435: {  	v25 =	vmul.f32 v25, v24  }
0x436: {  	[tilespmem:s28+$0xE0] =	vst v26  }
0x437: {  	v26 =	vld [tilespmem:s2+$0xB0];
	[tilespmem:s28+$0xFFFFFEE0] =	vst v25  }
0x438: {  	v25 =	vld [tilespmem:s2+$0xFFFFFF30];
	_ =	sdelay $0x3  }
0x439: {  	v26 =	vmul.f32 v26, v41  }
0x43a: {  	v42 =	vmul.f32 v25, v24  }
0x43b: {  	[tilespmem:s28+$0xE8] =	vst v26  }
0x43c: {  	v43 =	vld [tilespmem:s2+$0xC0];
	[tilespmem:s28+$0xFFFFFEE8] =	vst v42  }
0x43d: {  	v24 =	vld [tilespmem:s2+$0xFFFFFF40];
	_ =	sdelay $0x1  }
0x43e: {  	v44 =	vbroadcast v4, $0x8;
	_ =	sdelay $0x1  }
0x43f: {  	v25 =	vmul.f32 v43, v44  }
0x440: {  	v24 =	vmul.f32 v24, v28  }
0x441: {  	v45 =	vld [tilespmem:s30+$0xFFFFFF48];
	[tilespmem:s28+$0x100] =	vst v25  }
0x442: {  	v25 =	vld [tilespmem:s2+$0xC8];
	[tilespmem:s28+$0xFFFFFF00] =	vst v24  }
0x443: {  	v24 =	vld [tilespmem:s2+$0xFFFFFF48];
	_ =	sdelay $0x2  }
0x444: {  	v21 =	vmul.f32 v45, v21  }
0x445: {  	[tilespmem:s24+$0x108] =	vst v33;
	v25 =	vmul.f32 v25, v44  }
0x446: {  	v46 =	vld [tilespmem:s30+$0xD8];
	[tilespmem:s24+$0xFFFFFF08] =	vst v21;
	v47 =	vmul.f32 v24, v28  }
0x447: {  	v48 =	vld [tilespmem:s30+$0xFFFFFF58];
	[tilespmem:s28+$0x108] =	vst v25  }
0x448: {  	v25 =	vld [tilespmem:s2+$0xD8];
	[tilespmem:s28+$0xFFFFFF08] =	vst v47  }
0x449: {  	v49 =	vbroadcast v3, $0x9;
	v50 =	vld [tilespmem:s2+$0xFFFFFF58];
	_ =	sdelay $0x1  }
0x44a: {  	v51 =	vbroadcast v4, $0x9;
	v26 =	vmul.f32 v46, v49  }
0x44b: {  	v24 =	vmul.f32 v48, v19  }
0x44c: {  	[tilespmem:s24+$0x120] =	vst v26;
	v25 =	vmul.f32 v25, v51  }
0x44d: {  	v26 =	vld [tilespmem:s30+$0xE0];
	[tilespmem:s24+$0xFFFFFF20] =	vst v24;
	v52 =	vmul.f32 v50, v22  }
0x44e: {  	v53 =	vld [tilespmem:s30+$0xFFFFFF60];
	[tilespmem:s28+$0x120] =	vst v25  }
0x44f: {  	v25 =	vld [tilespmem:s2+$0xE0];
	[tilespmem:s28+$0xFFFFFF20] =	vst v52  }
0x450: {  	v24 =	vld [tilespmem:s2+$0xFFFFFF60];
	_ =	sdelay $0x1  }
0x451: {  	v21 =	vmul.f32 v26, v49  }
0x452: {  	v54 =	vmul.f32 v53, v19  }
0x453: {  	[tilespmem:s24+$0x128] =	vst v21;
	v55 =	vmul.f32 v25, v51  }
0x454: {  	v56 =	vld [tilespmem:s30+$0xF0];
	[tilespmem:s24+$0xFFFFFF28] =	vst v54;
	v57 =	vmul.f32 v24, v22  }
0x455: {  	v58 =	vld [tilespmem:s30+$0xFFFFFF70];
	[tilespmem:s28+$0x128] =	vst v55  }
0x456: {  	v21 =	vld [tilespmem:s2+$0xF0];
	[tilespmem:s28+$0xFFFFFF28] =	vst v57  }
0x457: {  	v59 =	vbroadcast v3, $0xA;
	v60 =	vld [tilespmem:s2+$0xFFFFFF70];
	_ =	sdelay $0x1  }
0x458: {  	v61 =	vbroadcast v4, $0xA;
	v25 =	vmul.f32 v56, v59  }
0x459: {  	v22 =	vmul.f32 v58, v17  }
0x45a: {  	[tilespmem:s24+$0x140] =	vst v25;
	v21 =	vmul.f32 v21, v61  }
0x45b: {  	v25 =	vld [tilespmem:s30+$0xF8];
	[tilespmem:s24+$0xFFFFFF40] =	vst v22;
	v62 =	vmul.f32 v60, v20  }
0x45c: {  	v63 =	vld [tilespmem:s30+$0xFFFFFF78];
	[tilespmem:s28+$0x140] =	vst v21  }
0x45d: {  	v21 =	vld [tilespmem:s2+$0xF8];
	[tilespmem:s28+$0xFFFFFF40] =	vst v62  }
0x45e: {  	v22 =	vld [tilespmem:s2+$0xFFFFFF78];
	_ =	sdelay $0x1  }
0x45f: {  	v19 =	vmul.f32 v25, v59  }
0x460: {  	v24 =	vmul.f32 v63, v17  }
0x461: {  	[tilespmem:s24+$0x148] =	vst v19;
	v25 =	vmul.f32 v21, v61  }
0x462: {  	v26 =	vld [tilespmem:s30+$0x108];
	[tilespmem:s24+$0xFFFFFF48] =	vst v24;
	v27 =	vmul.f32 v22, v20  }
0x463: {  	v28 =	vld [tilespmem:s30+$0xFFFFFF88];
	[tilespmem:s28+$0x148] =	vst v25  }
0x464: {  	v19 =	vld [tilespmem:s2+$0x108];
	[tilespmem:s28+$0xFFFFFF48] =	vst v27  }
0x465: {  	v29 =	vbroadcast v3, $0xB;
	v33 =	vld [tilespmem:s2+$0xFFFFFF88];
	_ =	sdelay $0x1  }
0x466: {  	v34 =	vbroadcast v4, $0xB;
	v21 =	vmul.f32 v26, v29  }
0x467: {  	v20 =	vmul.f32 v28, v16  }
0x468: {  	[tilespmem:s24+$0x160] =	vst v21;
	v19 =	vmul.f32 v19, v34  }
0x469: {  	v21 =	vld [tilespmem:s30+$0x110];
	[tilespmem:s24+$0xFFFFFF60] =	vst v20;
	v35 =	vmul.f32 v33, v18  }
0x46a: {  	v36 =	vld [tilespmem:s30+$0xFFFFFF90];
	[tilespmem:s28+$0x160] =	vst v19  }
0x46b: {  	v19 =	vld [tilespmem:s2+$0x110];
	[tilespmem:s28+$0xFFFFFF60] =	vst v35  }
0x46c: {  	v20 =	vld [tilespmem:s2+$0xFFFFFF90];
	_ =	sdelay $0x1  }
0x46d: {  	v17 =	vmul.f32 v21, v29  }
0x46e: {  	v37 =	vmul.f32 v36, v16  }
0x46f: {  	[tilespmem:s24+$0x168] =	vst v17;
	v38 =	vmul.f32 v19, v34  }
0x470: {  	v39 =	vld [tilespmem:s30+$0x120];
	[tilespmem:s24+$0xFFFFFF68] =	vst v37;
	v40 =	vmul.f32 v20, v18  }
0x471: {  	v41 =	vld [tilespmem:s30+$0xFFFFFFA0];
	[tilespmem:s28+$0x168] =	vst v38  }
0x472: {  	v17 =	vld [tilespmem:s2+$0x120];
	[tilespmem:s28+$0xFFFFFF68] =	vst v40  }
0x473: {  	v42 =	vbroadcast v3, $0xC;
	v43 =	vld [tilespmem:s2+$0xFFFFFFA0]  }
0x474: {  	v44 =	vmul.f32 v32, v13  }
0x475: {  	v45 =	vbroadcast v4, $0xC;
	v19 =	vmul.f32 v39, v42  }
0x476: {  	[tilespmem:s29+$0xFFFFFF80] =	vst v44;
	v18 =	vmul.f32 v41, v14  }
0x477: {  	v21 =	vld [tilespmem:s31+$0xFFFFFFA8];
	[tilespmem:s24+$0x180] =	vst v19;
	v17 =	vmul.f32 v17, v45  }
0x478: {  	v19 =	vld [tilespmem:s30+$0x128];
	[tilespmem:s24+$0xFFFFFF80] =	vst v18;
	v46 =	vmul.f32 v43, v23  }
0x479: {  	v47 =	vld [tilespmem:s30+$0xFFFFFFA8];
	[tilespmem:s28+$0x180] =	vst v17  }
0x47a: {  	v17 =	vld [tilespmem:s2+$0x128];
	[tilespmem:s28+$0xFFFFFF80] =	vst v46  }
0x47b: {  	v18 =	vld [tilespmem:s2+$0xFFFFFFA8]  }
0x47c: {  	v48 =	vmul.f32 v21, v13  }
0x47d: {  	v16 =	vmul.f32 v19, v42  }
0x47e: {  	[tilespmem:s29+$0xFFFFFF88] =	vst v48;
	v49 =	vmul.f32 v47, v14  }
0x47f: {  	v50 =	vld [tilespmem:s31+$0xFFFFFFB8];
	[tilespmem:s24+$0x188] =	vst v16;
	v51 =	vmul.f32 v17, v45  }
0x480: {  	v52 =	vld [tilespmem:s30+$0x138];
	[tilespmem:s24+$0xFFFFFF88] =	vst v49;
	v53 =	vmul.f32 v18, v23  }
0x481: {  	v54 =	vld [tilespmem:s30+$0xFFFFFFB8];
	[tilespmem:s28+$0x188] =	vst v51  }
0x482: {  	v16 =	vld [tilespmem:s2+$0x138];
	[tilespmem:s28+$0xFFFFFF88] =	vst v53  }
0x483: {  	v55 =	vbroadcast v3, $0xD;
	v56 =	vld [tilespmem:s2+$0xFFFFFFB8]  }
0x484: {  	v14 =	vmul.f32 v50, v10  }
0x485: {  	v57 =	vbroadcast v4, $0xD;
	v17 =	vmul.f32 v52, v55  }
0x486: {  	[tilespmem:s29+$0xFFFFFFA0] =	vst v14;
	v58 =	vmul.f32 v54, v11  }
0x487: {  	v59 =	vld [tilespmem:s31+$0xFFFFFFC0];
	[tilespmem:s24+$0x1A0] =	vst v17;
	v16 =	vmul.f32 v16, v57  }
0x488: {  	v17 =	vld [tilespmem:s30+$0x140];
	[tilespmem:s24+$0xFFFFFFA0] =	vst v58;
	v60 =	vmul.f32 v56, v15  }
0x489: {  	v61 =	vld [tilespmem:s30+$0xFFFFFFC0];
	[tilespmem:s28+$0x1A0] =	vst v16  }
0x48a: {  	v16 =	vld [tilespmem:s2+$0x140];
	[tilespmem:s28+$0xFFFFFFA0] =	vst v60  }
0x48b: {  	v62 =	vmul.f32 v31, v30;
	v63 =	vld [tilespmem:s2+$0xFFFFFFC0]  }
0x48c: {  	v23 =	vmul.f32 v59, v10  }
0x48d: {  	[tilespmem:s29+$0x1A8] =	vst v62;
	v13 =	vmul.f32 v17, v55  }
0x48e: {  	v14 =	vld [tilespmem:s31+$0x150];
	[tilespmem:s29+$0xFFFFFFA8] =	vst v23;
	v24 =	vmul.f32 v61, v11  }
0x48f: {  	v25 =	vld [tilespmem:s31+$0xFFFFFFD0];
	[tilespmem:s24+$0x1A8] =	vst v13;
	v26 =	vmul.f32 v16, v57  }
0x490: {  	v27 =	vld [tilespmem:s30+$0x150];
	[tilespmem:s24+$0xFFFFFFA8] =	vst v24;
	v28 =	vmul.f32 v63, v15  }
0x491: {  	v29 =	vbroadcast v2, $0xE;
	v30 =	vld [tilespmem:s30+$0xFFFFFFD0];
	[tilespmem:s28+$0x1A8] =	vst v26  }
0x492: {  	v13 =	vld [tilespmem:s2+$0x150];
	[tilespmem:s28+$0xFFFFFFA8] =	vst v28  }
0x493: {  	v32 =	vbroadcast v3, $0xE;
	v31 =	vmul.f32 v14, v29;
	v33 =	vld [tilespmem:s2+$0xFFFFFFD0]  }
0x494: {  	v11 =	vmul.f32 v25, v7  }
0x495: {  	v35 =	vbroadcast v4, $0xE;
	[tilespmem:s29+$0x1C0] =	vst v31;
	v34 =	vmul.f32 v27, v32  }
0x496: {  	v36 =	vld [tilespmem:s31+$0x158];
	[tilespmem:s29+$0xFFFFFFC0] =	vst v11;
	v37 =	vmul.f32 v30, v8  }
0x497: {  	v38 =	vld [tilespmem:s31+$0xFFFFFFD8];
	[tilespmem:s24+$0x1C0] =	vst v34;
	v39 =	vmul.f32 v13, v35  }
0x498: {  	v40 =	vld [tilespmem:s30+$0x158];
	[tilespmem:s24+$0xFFFFFFC0] =	vst v37;
	v41 =	vmul.f32 v33, v12  }
0x499: {  	v42 =	vld [tilespmem:s30+$0xFFFFFFD8];
	[tilespmem:s28+$0x1C0] =	vst v39  }
0x49a: {  	v10 =	vld [tilespmem:s2+$0x158];
	[tilespmem:s28+$0xFFFFFFC0] =	vst v41  }
0x49b: {  	v43 =	vmul.f32 v36, v29;
	v44 =	vld [tilespmem:s2+$0xFFFFFFD8]  }
0x49c: {  	v45 =	vmul.f32 v38, v7  }
0x49d: {  	[tilespmem:s29+$0x1C8] =	vst v43;
	v46 =	vmul.f32 v40, v32  }
0x49e: {  	v47 =	vld [tilespmem:s31+$0x168];
	[tilespmem:s29+$0xFFFFFFC8] =	vst v45;
	v48 =	vmul.f32 v42, v8  }
0x49f: {  	v49 =	vld [tilespmem:s31+$0xFFFFFFE8];
	[tilespmem:s24+$0x1C8] =	vst v46;
	v10 =	vmul.f32 v10, v35  }
0x4a0: {  	v11 =	vld [tilespmem:s30+$0x168];
	[tilespmem:s24+$0xFFFFFFC8] =	vst v48;
	v50 =	vmul.f32 v44, v12  }
0x4a1: {  	v2 =	vbroadcast v2, $0xF;
	v51 =	vld [tilespmem:s30+$0xFFFFFFE8];
	[tilespmem:s28+$0x1C8] =	vst v10  }
0x4a2: {  	v10 =	vld [tilespmem:s2+$0x168];
	[tilespmem:s28+$0xFFFFFFC8] =	vst v50  }
0x4a3: {  	v3 =	vbroadcast v3, $0xF;
	v52 =	vmul.f32 v47, v2;
	v53 =	vld [tilespmem:s2+$0xFFFFFFE8]  }
0x4a4: {  	v8 =	vmul.f32 v49, v5  }
0x4a5: {  	v55 =	vbroadcast v4, $0xF;
	[tilespmem:s29+$0x1E0] =	vst v52;
	v54 =	vmul.f32 v11, v3  }
0x4a6: {  	v56 =	vld [tilespmem:s31+$0x170];
	[tilespmem:s29+$0xFFFFFFE0] =	vst v8;
	v57 =	vmul.f32 v51, v6  }
0x4a7: {  	v58 =	vld [tilespmem:s31+$0xFFFFFFF0];
	[tilespmem:s24+$0x1E0] =	vst v54;
	v59 =	vmul.f32 v10, v55  }
0x4a8: {  	v60 =	vld [tilespmem:s30+$0x170];
	[tilespmem:s24+$0xFFFFFFE0] =	vst v57;
	v61 =	vmul.f32 v53, v9  }
0x4a9: {  	v62 =	vld [tilespmem:s30+$0xFFFFFFF0];
	[tilespmem:s28+$0x1E0] =	vst v59  }
0x4aa: {  	v7 =	vld [tilespmem:s2+$0x170];
	[tilespmem:s28+$0xFFFFFFE0] =	vst v61  }
0x4ab: {  	v2 =	vmul.f32 v56, v2;
	v8 =	vld [tilespmem:s2+$0xFFFFFFF0]  }
0x4ac: {  	v63 =	vmul.f32 v58, v5  }
0x4ad: {  	s20 =	sadd.s32 $0x1, s20;
	[tilespmem:s29+$0x1E8] =	vst v2;
	v2 =	vmul.f32 v60, v3  }
0x4ae: {  	p1 =	sne.s32 s20, $0x14;
	[tilespmem:s29+$0xFFFFFFE8] =	vst v63;
	v3 =	vmul.f32 v62, v6  }
.Ltmp12:
0x4af: {  	[tilespmem:s24+$0x1E8] =	vst v2;
	v2 =	vmul.f32 v7, v55;
	(pc) =	sbr.rel @p1 .LBB2_12-.Ltmp12, $4  }
0x4b0: {  	[tilespmem:s24+$0xFFFFFFE8] =	vst v3;
	v3 =	vmul.f32 v8, v9  }
0x4b1: {  	s0 =	sadd.s32 $0x13F00, s26;
	s21 =	sadd.s32 $0x100, s21;
	[tilespmem:s28+$0x1E8] =	vst v2  }
0x4b2: {  	s22 =	sadd.s32 $0x100, s22;
	s23 =	sadd.s32 $0x100, s23;
	s25 =	sadd.s32 $0x100, s25;
	[tilespmem:s28+$0xFFFFFFE8] =	vst v3  }
0x4b3: {  	[spmem:s1] =	stream.indirect.scatter.add.f32 [tilespmem:s17], [sflag:$0x3], $0x20, s0, s9, $0x2000b8;
	[tilespmem:$0x1AA00] =	vst v63  }
0x4b4: {  	_ =	swait.ge [sflag:s10], $0x1000  }
0x4b5: {  	[sflag:s10] =	ssyncset.done $0x0  }
0x4b6: {  	[sflag:s10] =	ssyncadd.s32 $0xFFFFF000  }
0x4b7: {  	_ =	swait.ge [sflag:s10], $0x1000  }
0x4b8: {  	[sflag:s10] =	ssyncset.done $0x0  }
0x4b9: {  	[sflag:s10] =	ssyncadd.s32 $0xFFFFF000  }
.Ltmp13:
0x4ba: {  	_ =	strace $0x9000004D;
	(pc) =	sbr.rel @p0 .LBB2_25-.Ltmp13, $4  }
0x4bb: {  	[bflag:$0x0] =	sbarrier.arrive $0xFFFF  }
0x4bc: {  	_ =	strace $0x8000004E  }
0x4bd: {  	s21 =	rddreg [dreg:$0x1c]  }
0x4be: {  	s20 =	simm.s32 $0x0;
	s2 =	simm.s32 $0x0;
	s18 =	rddreg [dreg:$0x6]  }
.LBB2_22:
0x4bf: {  	s0 =	sshll.u32 s20, $0x7  }
0x4c0: {  	s19 =	sadd.s32 s7, s0  }
0x4c1: {  	s0 =	sshll.u32 s19, $0x5  }
0x4c2: {  	s0 =	sand.u32 $0x3FFFFFE0, s0  }
0x4c3: {  	s26 =	smul.u32 $0x60, s19;
	s0 =	sadd.s32 s0, s1  }
0x4c4: {  	[tilespmem:s15], [sflag:$0x4] =	stream.linear.gather [spmem:s0], $0x1000, $0x200038;
	[tilespmem:$0x1AA00] =	vst v63  }
0x4c5: {  	_ =	swait.ge [sflag:s8], $0x1000  }
0x4c6: {  	s0 =	sshra.s32 s26, $0x2;
	[sflag:s8] =	ssyncset.done $0x0  }
0x4c7: {  	s0 =	sadd.s32 s0, s4;
	[sflag:s8] =	ssyncadd.s32 $0xFFFFF000  }
0x4c8: {  	[tilespmem:s12], [sflag:$0x4] =	stream.linear.gather [spmem:s0], $0xC00, $0x200038;
	[tilespmem:$0x1AA00] =	vst v63  }
0x4c9: {  	_ =	swait.ge [sflag:s8], $0xC00  }
0x4ca: {  	[sflag:s8] =	ssyncset.done $0x0  }
0x4cb: {  	[sflag:s8] =	ssyncadd.s32 $0xFFFFF400  }
0x4cc: {  	s23 =	simm.s32 $0x16880;
	v9 =	vld [tilespmem:s21+$0xFFFFFFF0]  }
0x4cd: {  	v2 =	vld [tilespmem:s23+$0xFFFFFE80]  }
0x4ce: {  	s22 =	simm.s32 $0x18100;
	v10 =	vld [tilespmem:s21+$0x0]  }
0x4cf: {  	v3 =	vld [tilespmem:s22+$0xFFFFFE00]  }
0x4d0: {  	v5 =	vld [tilespmem:s23+$0x0]  }
0x4d1: {  	v6 =	vbroadcast v9, $0x0  }
0x4d2: {  	v7 =	vld [tilespmem:s22+$0x0]  }
0x4d3: {  	v8 =	vbroadcast v10, $0x0;
	v2 =	vmul.f32 v2, v6;
	_ =	sdelay $0x1  }
0x4d4: {  	v5 =	vmul.f32 v5, v8;
	v2 =	vadd.f32 v2, v3;
	_ =	sdelay $0x1  }
0x4d5: {  	v3 =	vld [tilespmem:s22+$0xFFFFFE08];
	[tilespmem:s22+$0xFFFFFE00] =	vst v2;
	v2 =	vadd.f32 v5, v7  }
0x4d6: {  	v5 =	vld [tilespmem:s23+$0xFFFFFE88]  }
0x4d7: {  	v7 =	vld [tilespmem:s22+$0x8];
	[tilespmem:s22+$0x0] =	vst v2  }
0x4d8: {  	v2 =	vld [tilespmem:s23+$0x8];
	_ =	sdelay $0x2  }
0x4d9: {  	v5 =	vmul.f32 v5, v6;
	_ =	sdelay $0x1  }
0x4da: {  	v3 =	vadd.f32 v5, v3;
	v2 =	vmul.f32 v2, v8;
	_ =	sdelay $0x1  }
0x4db: {  	[tilespmem:s22+$0xFFFFFE08] =	vst v3;
	v2 =	vadd.f32 v2, v7  }
0x4dc: {  	v3 =	vld [tilespmem:s23+$0xFFFFFE98]  }
0x4dd: {  	v5 =	vld [tilespmem:s22+$0xFFFFFE20];
	[tilespmem:s22+$0x8] =	vst v2  }
0x4de: {  	v2 =	vld [tilespmem:s23+$0x18]  }
0x4df: {  	v6 =	vbroadcast v9, $0x1  }
0x4e0: {  	v7 =	vld [tilespmem:s22+$0x20]  }
0x4e1: {  	v8 =	vbroadcast v10, $0x1;
	v3 =	vmul.f32 v3, v6;
	_ =	sdelay $0x1  }
0x4e2: {  	v3 =	vadd.f32 v3, v5;
	v2 =	vmul.f32 v2, v8;
	_ =	sdelay $0x1  }
0x4e3: {  	v5 =	vld [tilespmem:s22+$0xFFFFFE28];
	[tilespmem:s22+$0xFFFFFE20] =	vst v3;
	v2 =	vadd.f32 v2, v7  }
0x4e4: {  	v3 =	vld [tilespmem:s23+$0xFFFFFEA0]  }
0x4e5: {  	v7 =	vld [tilespmem:s22+$0x28];
	[tilespmem:s22+$0x20] =	vst v2  }
0x4e6: {  	v2 =	vld [tilespmem:s23+$0x20];
	_ =	sdelay $0x2  }
0x4e7: {  	v3 =	vmul.f32 v3, v6;
	_ =	sdelay $0x1  }
0x4e8: {  	v3 =	vadd.f32 v3, v5;
	v2 =	vmul.f32 v2, v8;
	_ =	sdelay $0x1  }
0x4e9: {  	[tilespmem:s22+$0xFFFFFE28] =	vst v3;
	v2 =	vadd.f32 v2, v7  }
0x4ea: {  	v3 =	vld [tilespmem:s23+$0xFFFFFEB0]  }
0x4eb: {  	v5 =	vld [tilespmem:s22+$0xFFFFFE40];
	[tilespmem:s22+$0x28] =	vst v2  }
0x4ec: {  	v2 =	vld [tilespmem:s23+$0x30]  }
0x4ed: {  	v6 =	vbroadcast v9, $0x2  }
0x4ee: {  	v7 =	vld [tilespmem:s22+$0x40]  }
0x4ef: {  	v8 =	vbroadcast v10, $0x2;
	v3 =	vmul.f32 v3, v6;
	_ =	sdelay $0x1  }
0x4f0: {  	v3 =	vadd.f32 v3, v5;
	v2 =	vmul.f32 v2, v8;
	_ =	sdelay $0x1  }
0x4f1: {  	v5 =	vld [tilespmem:s22+$0xFFFFFE48];
	[tilespmem:s22+$0xFFFFFE40] =	vst v3;
	v2 =	vadd.f32 v2, v7  }
0x4f2: {  	v3 =	vld [tilespmem:s23+$0xFFFFFEB8]  }
0x4f3: {  	v7 =	vld [tilespmem:s22+$0x48];
	[tilespmem:s22+$0x40] =	vst v2  }
0x4f4: {  	v2 =	vld [tilespmem:s23+$0x38];
	_ =	sdelay $0x2  }
0x4f5: {  	v3 =	vmul.f32 v3, v6;
	_ =	sdelay $0x1  }
0x4f6: {  	v3 =	vadd.f32 v3, v5;
	v2 =	vmul.f32 v2, v8;
	_ =	sdelay $0x1  }
0x4f7: {  	[tilespmem:s22+$0xFFFFFE48] =	vst v3;
	v2 =	vadd.f32 v2, v7  }
0x4f8: {  	v3 =	vld [tilespmem:s23+$0xFFFFFEC8]  }
0x4f9: {  	v5 =	vld [tilespmem:s22+$0xFFFFFE60];
	[tilespmem:s22+$0x48] =	vst v2  }
0x4fa: {  	v6 =	vld [tilespmem:s23+$0x48]  }
0x4fb: {  	v2 =	vbroadcast v9, $0x3  }
0x4fc: {  	v7 =	vld [tilespmem:s22+$0x60]  }
0x4fd: {  	v8 =	vbroadcast v10, $0x3;
	v3 =	vmul.f32 v3, v2;
	_ =	sdelay $0x1  }
0x4fe: {  	v3 =	vadd.f32 v3, v5;
	v6 =	vmul.f32 v6, v8;
	_ =	sdelay $0x1  }
0x4ff: {  	v5 =	vld [tilespmem:s22+$0xFFFFFE68];
	[tilespmem:s22+$0xFFFFFE60] =	vst v3;
	v6 =	vadd.f32 v6, v7  }
0x500: {  	v3 =	vld [tilespmem:s23+$0xFFFFFED0]  }
0x501: {  	v7 =	vld [tilespmem:s22+$0x68];
	[tilespmem:s22+$0x60] =	vst v6  }
0x502: {  	v6 =	vld [tilespmem:s23+$0x50];
	_ =	sdelay $0x2  }
0x503: {  	v2 =	vmul.f32 v3, v2;
	_ =	sdelay $0x1  }
0x504: {  	v2 =	vadd.f32 v2, v5;
	v3 =	vmul.f32 v6, v8;
	_ =	sdelay $0x1  }
0x505: {  	[tilespmem:s22+$0xFFFFFE68] =	vst v2;
	v3 =	vadd.f32 v3, v7  }
0x506: {  	v2 =	vld [tilespmem:s23+$0xFFFFFEE0]  }
0x507: {  	v5 =	vld [tilespmem:s22+$0xFFFFFE80];
	[tilespmem:s22+$0x68] =	vst v3  }
0x508: {  	v6 =	vld [tilespmem:s23+$0x60]  }
0x509: {  	v3 =	vbroadcast v9, $0x4  }
0x50a: {  	v7 =	vld [tilespmem:s22+$0x80]  }
0x50b: {  	v8 =	vbroadcast v10, $0x4;
	v2 =	vmul.f32 v2, v3;
	_ =	sdelay $0x1  }
0x50c: {  	v2 =	vadd.f32 v2, v5;
	v6 =	vmul.f32 v6, v8;
	_ =	sdelay $0x1  }
0x50d: {  	v5 =	vld [tilespmem:s22+$0xFFFFFE88];
	[tilespmem:s22+$0xFFFFFE80] =	vst v2;
	v6 =	vadd.f32 v6, v7  }
0x50e: {  	v2 =	vld [tilespmem:s23+$0xFFFFFEE8]  }
0x50f: {  	v7 =	vld [tilespmem:s22+$0x88];
	[tilespmem:s22+$0x80] =	vst v6  }
0x510: {  	v6 =	vld [tilespmem:s23+$0x68];
	_ =	sdelay $0x2  }
0x511: {  	v2 =	vmul.f32 v2, v3;
	_ =	sdelay $0x1  }
0x512: {  	v2 =	vadd.f32 v2, v5;
	v3 =	vmul.f32 v6, v8;
	_ =	sdelay $0x1  }
0x513: {  	[tilespmem:s22+$0xFFFFFE88] =	vst v2;
	v3 =	vadd.f32 v3, v7  }
0x514: {  	v2 =	vld [tilespmem:s23+$0xFFFFFEF8]  }
0x515: {  	v5 =	vld [tilespmem:s22+$0xFFFFFEA0];
	[tilespmem:s22+$0x88] =	vst v3  }
0x516: {  	v6 =	vld [tilespmem:s23+$0x78]  }
0x517: {  	v3 =	vbroadcast v9, $0x5  }
0x518: {  	v7 =	vld [tilespmem:s22+$0xA0]  }
0x519: {  	v8 =	vbroadcast v10, $0x5;
	v2 =	vmul.f32 v2, v3;
	_ =	sdelay $0x1  }
0x51a: {  	v2 =	vadd.f32 v2, v5;
	v6 =	vmul.f32 v6, v8;
	_ =	sdelay $0x1  }
0x51b: {  	v5 =	vld [tilespmem:s22+$0xFFFFFEA8];
	[tilespmem:s22+$0xFFFFFEA0] =	vst v2;
	v6 =	vadd.f32 v6, v7  }
0x51c: {  	v2 =	vld [tilespmem:s23+$0xFFFFFF00]  }
0x51d: {  	v7 =	vld [tilespmem:s22+$0xA8];
	[tilespmem:s22+$0xA0] =	vst v6  }
0x51e: {  	v6 =	vld [tilespmem:s23+$0x80];
	_ =	sdelay $0x2  }
0x51f: {  	v2 =	vmul.f32 v2, v3;
	_ =	sdelay $0x1  }
0x520: {  	v2 =	vadd.f32 v2, v5;
	v3 =	vmul.f32 v6, v8  }
0x521: {  	s25 =	simm.s32 $0x18500  }
0x522: {  	v13 =	vld [tilespmem:s25+$0xFFFFFE00];
	[tilespmem:s22+$0xFFFFFEA8] =	vst v2;
	v3 =	vadd.f32 v3, v7  }
0x523: {  	v2 =	vld [tilespmem:s23+$0xFFFFFF10]  }
0x524: {  	v7 =	vld [tilespmem:s22+$0xFFFFFEC0];
	[tilespmem:s22+$0xA8] =	vst v3  }
0x525: {  	s26 =	simm.s32 $0x16B80;
	v12 =	vld [tilespmem:s23+$0x90]  }
0x526: {  	v16 =	vld [tilespmem:s26+$0x0];
	v11 =	vbroadcast v9, $0x6  }
0x527: {  	s28 =	sadd.s32 $0x20, s21;
	v6 =	vld [tilespmem:s22+$0xC0]  }
0x528: {  	v15 =	vbroadcast v10, $0x6;
	v3 =	vld [tilespmem:s28+$0xFFFFFFF0];
	v14 =	vmul.f32 v2, v11  }
0x529: {  	v2 =	vld [tilespmem:s28+$0x0]  }
0x52a: {  	v7 =	vadd.f32 v14, v7;
	v14 =	vld [tilespmem:s26+$0xFFFFFE80];
	v12 =	vmul.f32 v12, v15  }
0x52b: {  	v17 =	vld [tilespmem:s25+$0x0]  }
0x52c: {  	v5 =	vld [tilespmem:s22+$0xFFFFFEC8];
	[tilespmem:s22+$0xFFFFFEC0] =	vst v7;
	v6 =	vadd.f32 v12, v6  }
0x52d: {  	v12 =	vbroadcast v3, $0x0;
	v7 =	vld [tilespmem:s23+$0xFFFFFF18]  }
0x52e: {  	v8 =	vld [tilespmem:s22+$0xC8];
	v18 =	vbroadcast v2, $0x0;
	[tilespmem:s22+$0xC0] =	vst v6  }
0x52f: {  	v14 =	vmul.f32 v14, v12;
	v19 =	vld [tilespmem:s23+$0x98]  }
0x530: {  	v16 =	vmul.f32 v16, v18  }
0x531: {  	v13 =	vadd.f32 v14, v13  }
0x532: {  	v14 =	vadd.f32 v16, v17;
	v7 =	vmul.f32 v7, v11  }
0x533: {  	v11 =	vld [tilespmem:s25+$0xFFFFFE08];
	[tilespmem:s25+$0xFFFFFE00] =	vst v13  }
0x534: {  	v13 =	vld [tilespmem:s25+$0x8];
	[tilespmem:s25+$0x0] =	vst v14;
	v5 =	vadd.f32 v7, v5;
	v14 =	vmul.f32 v19, v15  }
0x535: {  	v7 =	vld [tilespmem:s26+$0xFFFFFE88]  }
0x536: {  	v16 =	vld [tilespmem:s22+$0xFFFFFEE0];
	[tilespmem:s22+$0xFFFFFEC8] =	vst v5;
	v8 =	vadd.f32 v14, v8  }
0x537: {  	v5 =	vld [tilespmem:s23+$0xFFFFFF28]  }
0x538: {  	v15 =	vld [tilespmem:s26+$0x8];
	[tilespmem:s22+$0xC8] =	vst v8  }
0x539: {  	v8 =	vld [tilespmem:s23+$0xA8]  }
0x53a: {  	v7 =	vmul.f32 v7, v12;
	v12 =	vbroadcast v9, $0x7  }
0x53b: {  	v17 =	vld [tilespmem:s22+$0xE0]  }
0x53c: {  	v7 =	vadd.f32 v7, v11;
	v11 =	vbroadcast v10, $0x7;
	v5 =	vmul.f32 v5, v12  }
0x53d: {  	v14 =	vld [tilespmem:s22+$0xE8];
	v15 =	vmul.f32 v15, v18  }
0x53e: {  	v18 =	vld [tilespmem:s25+$0x20];
	[tilespmem:s25+$0xFFFFFE08] =	vst v7;
	v5 =	vadd.f32 v5, v16;
	v8 =	vmul.f32 v8, v11  }
0x53f: {  	v13 =	vadd.f32 v15, v13;
	v16 =	vld [tilespmem:s26+$0xFFFFFE98]  }
0x540: {  	v7 =	vld [tilespmem:s22+$0xFFFFFEE8];
	[tilespmem:s22+$0xFFFFFEE0] =	vst v5;
	v5 =	vadd.f32 v8, v17  }
0x541: {  	v15 =	vld [tilespmem:s25+$0xFFFFFE20];
	[tilespmem:s25+$0x8] =	vst v13  }
0x542: {  	v13 =	vld [tilespmem:s26+$0x18];
	v17 =	vbroadcast v3, $0x1;
	[tilespmem:s22+$0xE0] =	vst v5  }
0x543: {  	v5 =	vld [tilespmem:s23+$0xB0]  }
0x544: {  	v8 =	vld [tilespmem:s23+$0xFFFFFF30];
	v16 =	vmul.f32 v16, v17  }
0x545: {  	v19 =	vbroadcast v2, $0x1  }
0x546: {  	v15 =	vadd.f32 v16, v15  }
0x547: {  	v13 =	vmul.f32 v13, v19  }
0x548: {  	v16 =	vld [tilespmem:s25+$0xFFFFFE28];
	[tilespmem:s25+$0xFFFFFE20] =	vst v15;
	v5 =	vmul.f32 v5, v11  }
0x549: {  	v8 =	vmul.f32 v8, v12;
	v11 =	vadd.f32 v13, v18;
	v12 =	vld [tilespmem:s26+$0xFFFFFEA0]  }
0x54a: {  	v5 =	vadd.f32 v5, v14  }
0x54b: {  	v13 =	vld [tilespmem:s25+$0x28];
	v7 =	vadd.f32 v8, v7;
	[tilespmem:s25+$0x20] =	vst v11  }
0x54c: {  	v8 =	vld [tilespmem:s26+$0x20];
	[tilespmem:s22+$0xE8] =	vst v5  }
0x54d: {  	[tilespmem:s22+$0xFFFFFEE8] =	vst v7;
	v5 =	vld [tilespmem:s23+$0xC0]  }
0x54e: {  	v7 =	vld [tilespmem:s23+$0xFFFFFF40];
	v11 =	vmul.f32 v12, v17  }
0x54f: {  	v12 =	vld [tilespmem:s22+$0x100]  }
0x550: {  	v15 =	vld [tilespmem:s22+$0xFFFFFF00];
	v14 =	vbroadcast v10, $0x8;
	v11 =	vadd.f32 v11, v16  }
0x551: {  	v16 =	vbroadcast v9, $0x8;
	v8 =	vmul.f32 v8, v19  }
0x552: {  	v17 =	vld [tilespmem:s22+$0x108];
	[tilespmem:s25+$0xFFFFFE28] =	vst v11;
	v5 =	vmul.f32 v5, v14  }
0x553: {  	v7 =	vmul.f32 v7, v16;
	v8 =	vadd.f32 v8, v13;
	v11 =	vld [tilespmem:s26+$0xFFFFFEB0]  }
0x554: {  	v13 =	vld [tilespmem:s22+$0xFFFFFF08];
	v5 =	vadd.f32 v5, v12  }
0x555: {  	v7 =	vadd.f32 v7, v15;
	v12 =	vld [tilespmem:s25+$0xFFFFFE40];
	[tilespmem:s25+$0x28] =	vst v8  }
0x556: {  	v8 =	vld [tilespmem:s26+$0x30];
	[tilespmem:s22+$0x100] =	vst v5;
	v5 =	vbroadcast v3, $0x2  }
0x557: {  	[tilespmem:s22+$0xFFFFFF00] =	vst v7;
	v7 =	vld [tilespmem:s25+$0x40]  }
0x558: {  	v15 =	vld [tilespmem:s23+$0xC8];
	v11 =	vmul.f32 v11, v5  }
0x559: {  	v19 =	vbroadcast v2, $0x2;
	v18 =	vld [tilespmem:s23+$0xFFFFFF48]  }
0x55a: {  	v11 =	vadd.f32 v11, v12  }
0x55b: {  	v4 =	vld [tilespmem:s22+$0xFFFFFF20];
	v8 =	vmul.f32 v8, v19  }
0x55c: {  	v12 =	vld [tilespmem:s25+$0xFFFFFE48];
	[tilespmem:s25+$0xFFFFFE40] =	vst v11  }
0x55d: {  	v14 =	vmul.f32 v15, v14;
	v7 =	vadd.f32 v8, v7;
	v11 =	vld [tilespmem:s26+$0xFFFFFEB8]  }
0x55e: {  	v21 =	vld [tilespmem:s25+$0xFFFFFE80];
	v8 =	vmul.f32 v18, v16  }
0x55f: {  	v15 =	vld [tilespmem:s25+$0x48];
	v14 =	vadd.f32 v14, v17;
	[tilespmem:s25+$0x40] =	vst v7  }
0x560: {  	v8 =	vadd.f32 v8, v13;
	v13 =	vld [tilespmem:s26+$0x38]  }
0x561: {  	v23 =	vld [tilespmem:s25+$0x80];
	[tilespmem:s22+$0x108] =	vst v14  }
0x562: {  	[tilespmem:s22+$0xFFFFFF08] =	vst v8;
	v14 =	vld [tilespmem:s23+$0xD8];
	v5 =	vmul.f32 v11, v5  }
0x563: {  	v8 =	vld [tilespmem:s23+$0xFFFFFF58]  }
0x564: {  	v16 =	vld [tilespmem:s22+$0x120];
	v5 =	vadd.f32 v5, v12  }
0x565: {  	v28 =	vld [tilespmem:s25+$0xFFFFFEA8];
	v11 =	vbroadcast v10, $0x9;
	v12 =	vmul.f32 v13, v19  }
0x566: {  	v18 =	vld [tilespmem:s25+$0x60];
	[tilespmem:s25+$0xFFFFFE48] =	vst v5;
	v5 =	vbroadcast v9, $0x9  }
0x567: {  	v13 =	vmul.f32 v14, v11;
	v12 =	vadd.f32 v12, v15;
	v14 =	vld [tilespmem:s26+$0xFFFFFEC8]  }
0x568: {  	v7 =	vld [tilespmem:s22+$0xFFFFFF28];
	v8 =	vmul.f32 v8, v5  }
0x569: {  	v13 =	vadd.f32 v13, v16;
	v16 =	vld [tilespmem:s25+$0xFFFFFE60];
	[tilespmem:s25+$0x48] =	vst v12  }
0x56a: {  	v17 =	vbroadcast v3, $0x3;
	v12 =	vld [tilespmem:s26+$0x48];
	v4 =	vadd.f32 v8, v4  }
0x56b: {  	v15 =	vld [tilespmem:s22+$0x128];
	[tilespmem:s22+$0x120] =	vst v13  }
0x56c: {  	v8 =	vld [tilespmem:s23+$0xE0];
	v13 =	vmul.f32 v14, v17;
	[tilespmem:s22+$0xFFFFFF20] =	vst v4  }
0x56d: {  	v14 =	vbroadcast v2, $0x3;
	v19 =	vld [tilespmem:s23+$0xFFFFFF60]  }
0x56e: {  	v51 =	vld [tilespmem:s25+$0xA8];
	v13 =	vadd.f32 v13, v16  }
0x56f: {  	v54 =	vld [tilespmem:s25+$0xFFFFFEC8];
	v12 =	vmul.f32 v12, v14  }
0x570: {  	v16 =	vld [tilespmem:s25+$0xFFFFFE68];
	[tilespmem:s25+$0xFFFFFE60] =	vst v13  }
0x571: {  	s30 =	simm.s32 $0x18900;
	v8 =	vmul.f32 v8, v11;
	v11 =	vadd.f32 v12, v18;
	v20 =	vld [tilespmem:s26+$0xFFFFFED0]  }
0x572: {  	v56 =	vld [tilespmem:s30+$0xFFFFFE00];
	v5 =	vmul.f32 v19, v5  }
0x573: {  	v18 =	vld [tilespmem:s25+$0x68];
	v8 =	vadd.f32 v8, v15;
	[tilespmem:s25+$0x60] =	vst v11  }
0x574: {  	s29 =	simm.s32 $0x16E80;
	v15 =	vld [tilespmem:s26+$0x50];
	v5 =	vadd.f32 v5, v7  }
0x575: {  	v57 =	vld [tilespmem:s29+$0xFFFFFE80];
	[tilespmem:s22+$0x128] =	vst v8  }
0x576: {  	v7 =	vmul.f32 v20, v17;
	[tilespmem:s22+$0xFFFFFF28] =	vst v5;
	v5 =	vld [tilespmem:s23+$0xF0]  }
0x577: {  	v8 =	vld [tilespmem:s23+$0xFFFFFF70]  }
0x578: {  	v7 =	vadd.f32 v7, v16;
	v16 =	vld [tilespmem:s22+$0x140]  }
0x579: {  	v17 =	vbroadcast v10, $0xA;
	v14 =	vmul.f32 v15, v14;
	v15 =	vld [tilespmem:s22+$0xFFFFFF40]  }
0x57a: {  	v33 =	vld [tilespmem:s29+$0x0];
	v19 =	vbroadcast v9, $0xA;
	[tilespmem:s25+$0xFFFFFE68] =	vst v7  }
0x57b: {  	v14 =	vadd.f32 v14, v18;
	v20 =	vld [tilespmem:s26+$0xFFFFFEE0];
	v5 =	vmul.f32 v5, v17  }
0x57c: {  	v61 =	vld [tilespmem:s30+$0x0];
	v8 =	vmul.f32 v8, v19  }
0x57d: {  	v7 =	vld [tilespmem:s22+$0xFFFFFF48];
	[tilespmem:s25+$0x68] =	vst v14;
	v5 =	vadd.f32 v5, v16  }
0x57e: {  	v22 =	vbroadcast v3, $0x4;
	v16 =	vld [tilespmem:s26+$0x60];
	v8 =	vadd.f32 v8, v15  }
0x57f: {  	v18 =	vld [tilespmem:s22+$0x148];
	[tilespmem:s22+$0x140] =	vst v5  }
0x580: {  	v5 =	vmul.f32 v20, v22;
	[tilespmem:s22+$0xFFFFFF40] =	vst v8;
	v8 =	vld [tilespmem:s23+$0xF8]  }
0x581: {  	v20 =	vbroadcast v2, $0x4;
	v24 =	vld [tilespmem:s23+$0xFFFFFF78]  }
0x582: {  	v37 =	vld [tilespmem:s30+$0xFFFFFE08];
	v5 =	vadd.f32 v5, v21  }
0x583: {  	v38 =	vld [tilespmem:s30+$0x8];
	v16 =	vmul.f32 v16, v20  }
0x584: {  	v21 =	vld [tilespmem:s25+$0xFFFFFE88];
	[tilespmem:s25+$0xFFFFFE80] =	vst v5  }
0x585: {  	v16 =	vadd.f32 v16, v23;
	v5 =	vld [tilespmem:s26+$0xFFFFFEE8];
	v8 =	vmul.f32 v8, v17  }
0x586: {  	v48 =	vld [tilespmem:s30+$0xFFFFFE20];
	v17 =	vmul.f32 v24, v19  }
0x587: {  	v23 =	vld [tilespmem:s25+$0x88];
	[tilespmem:s25+$0x80] =	vst v16;
	v8 =	vadd.f32 v8, v18  }
0x588: {  	v18 =	vld [tilespmem:s26+$0x68];
	v7 =	vadd.f32 v17, v7  }
0x589: {  	v50 =	vld [tilespmem:s22+$0xFFFFFF88];
	[tilespmem:s22+$0x148] =	vst v8  }
0x58a: {  	[tilespmem:s22+$0xFFFFFF48] =	vst v7;
	v7 =	vld [tilespmem:s23+$0x108];
	v5 =	vmul.f32 v5, v22  }
0x58b: {  	v19 =	vld [tilespmem:s23+$0xFFFFFF88]  }
0x58c: {  	v22 =	vld [tilespmem:s22+$0x160];
	v5 =	vadd.f32 v5, v21  }
0x58d: {  	v21 =	vbroadcast v10, $0xB;
	v18 =	vmul.f32 v18, v20;
	v20 =	vld [tilespmem:s22+$0xFFFFFF60]  }
0x58e: {  	v49 =	vbroadcast v9, $0xB;
	[tilespmem:s25+$0xFFFFFE88] =	vst v5;
	v5 =	vld [tilespmem:s22+$0xFFFFFF68]  }
0x58f: {  	v18 =	vadd.f32 v18, v23;
	v7 =	vmul.f32 v7, v21;
	v25 =	vld [tilespmem:s26+$0xFFFFFEF8]  }
0x590: {  	v23 =	vld [tilespmem:s22+$0x168];
	v19 =	vmul.f32 v19, v49  }
0x591: {  	[tilespmem:s25+$0x88] =	vst v18;
	v7 =	vadd.f32 v7, v22;
	v22 =	vld [tilespmem:s25+$0xFFFFFEA0]  }
0x592: {  	v18 =	vbroadcast v3, $0x5;
	v26 =	vld [tilespmem:s26+$0x78];
	v19 =	vadd.f32 v19, v20  }
0x593: {  	v20 =	vld [tilespmem:s25+$0xA0];
	[tilespmem:s22+$0x160] =	vst v7  }
0x594: {  	v7 =	vld [tilespmem:s23+$0x110];
	v25 =	vmul.f32 v25, v18;
	[tilespmem:s22+$0xFFFFFF60] =	vst v19  }
0x595: {  	v19 =	vbroadcast v2, $0x5;
	v27 =	vld [tilespmem:s23+$0xFFFFFF90]  }
0x596: {  	v52 =	vld [tilespmem:s22+$0x180];
	v22 =	vadd.f32 v25, v22  }
0x597: {  	v6 =	vld [tilespmem:s25+$0xFFFFFF20];
	v26 =	vmul.f32 v26, v19  }
0x598: {  	v55 =	vld [tilespmem:s25+$0xFFFFFEC0];
	[tilespmem:s25+$0xFFFFFEA0] =	vst v22  }
0x599: {  	v20 =	vadd.f32 v26, v20;
	v7 =	vmul.f32 v7, v21;
	v21 =	vld [tilespmem:s26+$0xFFFFFF00]  }
0x59a: {  	v42 =	vld [tilespmem:s25+$0xFFFFFEE0];
	v24 =	vmul.f32 v27, v49  }
0x59b: {  	v4 =	vld [tilespmem:s22+$0xFFFFFFE8];
	[tilespmem:s25+$0xA0] =	vst v20;
	v7 =	vadd.f32 v7, v23  }
0x59c: {  	v23 =	vld [tilespmem:s26+$0x80];
	v5 =	vadd.f32 v24, v5  }
0x59d: {  	v13 =	vld [tilespmem:s22+$0xFFFFFFE0];
	[tilespmem:s22+$0x168] =	vst v7  }
0x59e: {  	v7 =	vld [tilespmem:s23+$0x120];
	v18 =	vmul.f32 v21, v18;
	[tilespmem:s22+$0xFFFFFF68] =	vst v5  }
0x59f: {  	v5 =	vld [tilespmem:s23+$0xFFFFFFA0]  }
0x5a0: {  	v12 =	vld [tilespmem:s22+$0x1C8];
	v18 =	vadd.f32 v18, v28  }
0x5a1: {  	v53 =	vbroadcast v10, $0xC;
	v20 =	vld [tilespmem:s22+$0xFFFFFF80];
	v19 =	vmul.f32 v23, v19  }
0x5a2: {  	v11 =	vld [tilespmem:s22+$0xFFFFFFC8];
	v23 =	vbroadcast v9, $0xC;
	[tilespmem:s25+$0xFFFFFEA8] =	vst v18  }
0x5a3: {  	v19 =	vadd.f32 v19, v51;
	v7 =	vmul.f32 v7, v53;
	v29 =	vld [tilespmem:s26+$0xFFFFFF10]  }
0x5a4: {  	v14 =	vld [tilespmem:s22+$0xFFFFFFC0];
	v5 =	vmul.f32 v5, v23  }
0x5a5: {  	v22 =	vld [tilespmem:s22+$0x188];
	[tilespmem:s25+$0xA8] =	vst v19;
	v7 =	vadd.f32 v7, v52  }
0x5a6: {  	v19 =	vbroadcast v3, $0x6;
	v30 =	vld [tilespmem:s26+$0x90];
	v20 =	vadd.f32 v5, v20  }
0x5a7: {  	v18 =	vld [tilespmem:s25+$0xC0];
	[tilespmem:s22+$0x180] =	vst v7  }
0x5a8: {  	v31 =	vld [tilespmem:s23+$0x128];
	v29 =	vmul.f32 v29, v19;
	[tilespmem:s22+$0xFFFFFF80] =	vst v20  }
0x5a9: {  	s31 =	sadd.s32 $0x20, s28;
	v20 =	vbroadcast v2, $0x6;
	v32 =	vld [tilespmem:s23+$0xFFFFFFA8]  }
0x5aa: {  	v5 =	vld [tilespmem:s31+$0xFFFFFFF0];
	v26 =	vadd.f32 v29, v55  }
0x5ab: {  	v15 =	vld [tilespmem:s22+$0xFFFFFFA8];
	v30 =	vmul.f32 v30, v20  }
0x5ac: {  	v7 =	vld [tilespmem:s31+$0x0];
	[tilespmem:s25+$0xFFFFFEC0] =	vst v26  }
0x5ad: {  	v18 =	vadd.f32 v30, v18;
	v58 =	vmul.f32 v31, v53;
	v59 =	vld [tilespmem:s26+$0xFFFFFF18]  }
0x5ae: {  	v16 =	vld [tilespmem:s22+$0x1A8];
	v23 =	vmul.f32 v32, v23  }
0x5af: {  	v21 =	vld [tilespmem:s25+$0xC8];
	v60 =	vbroadcast v5, $0x0;
	[tilespmem:s25+$0xC0] =	vst v18;
	v22 =	vadd.f32 v58, v22  }
0x5b0: {  	v63 =	vld [tilespmem:s26+$0x98];
	v23 =	vadd.f32 v23, v50  }
0x5b1: {  	v17 =	vld [tilespmem:s22+$0xFFFFFFA0];
	v62 =	vbroadcast v7, $0x0;
	v29 =	vmul.f32 v57, v60;
	[tilespmem:s22+$0x188] =	vst v22  }
0x5b2: {  	v36 =	vld [tilespmem:s23+$0x138];
	v19 =	vmul.f32 v59, v19;
	[tilespmem:s22+$0xFFFFFF88] =	vst v23  }
0x5b3: {  	v24 =	vadd.f32 v29, v56;
	v22 =	vmul.f32 v33, v62;
	v23 =	vld [tilespmem:s23+$0xFFFFFFB8]  }
0x5b4: {  	v18 =	vld [tilespmem:s22+$0x1A0];
	v19 =	vadd.f32 v19, v54  }
0x5b5: {  	v39 =	vbroadcast v10, $0xD;
	v8 =	vld [tilespmem:s30+$0xFFFFFF20];
	[tilespmem:s30+$0xFFFFFE00] =	vst v24;
	v22 =	vadd.f32 v22, v61;
	v20 =	vmul.f32 v63, v20  }
0x5b6: {  	v40 =	vld [tilespmem:s29+$0xFFFFFE88];
	[tilespmem:s25+$0xFFFFFEC8] =	vst v19;
	v19 =	vbroadcast v9, $0xD  }
0x5b7: {  	[tilespmem:s30+$0x0] =	vst v22;
	v20 =	vadd.f32 v20, v21;
	v25 =	vmul.f32 v36, v39;
	v41 =	vld [tilespmem:s26+$0xFFFFFF28]  }
0x5b8: {  	v22 =	vld [tilespmem:s29+$0x8];
	v23 =	vmul.f32 v23, v19  }
0x5b9: {  	v51 =	vld [tilespmem:s22+$0x1C0];
	[tilespmem:s25+$0xC8] =	vst v20;
	v18 =	vadd.f32 v25, v18  }
0x5ba: {  	v43 =	vbroadcast v3, $0x7;
	v44 =	vld [tilespmem:s26+$0xA8];
	v17 =	vadd.f32 v23, v17  }
0x5bb: {  	v20 =	vmul.f32 v40, v60;
	v23 =	vld [tilespmem:s25+$0xE0];
	[tilespmem:s22+$0x1A0] =	vst v18  }
0x5bc: {  	v18 =	vld [tilespmem:s23+$0x140];
	v29 =	vmul.f32 v41, v43;
	[tilespmem:s22+$0xFFFFFFA0] =	vst v17  }
0x5bd: {  	v20 =	vadd.f32 v20, v37;
	v17 =	vmul.f32 v22, v62;
	v22 =	vbroadcast v2, $0x7;
	v45 =	vld [tilespmem:s23+$0xFFFFFFC0]  }
0x5be: {  	v50 =	vld [tilespmem:s30+$0x20];
	v25 =	vadd.f32 v29, v42  }
0x5bf: {  	[tilespmem:s30+$0xFFFFFE08] =	vst v20;
	v20 =	vld [tilespmem:s25+$0xFFFFFEE8];
	v17 =	vadd.f32 v17, v38;
	v47 =	vmul.f32 v44, v22  }
0x5c0: {  	v46 =	vld [tilespmem:s29+$0xFFFFFE98];
	[tilespmem:s25+$0xFFFFFEE0] =	vst v25  }
0x5c1: {  	[tilespmem:s30+$0x8] =	vst v17;
	v23 =	vadd.f32 v47, v23;
	v18 =	vmul.f32 v18, v39;
	v17 =	vld [tilespmem:s26+$0xFFFFFF30]  }
0x5c2: {  	v49 =	vld [tilespmem:s29+$0x18];
	v19 =	vmul.f32 v45, v19  }
0x5c3: {  	v21 =	vld [tilespmem:s25+$0xE8];
	[tilespmem:s25+$0xE0] =	vst v23;
	v16 =	vadd.f32 v18, v16;
	v18 =	vbroadcast v5, $0x1  }
0x5c4: {  	v23 =	vld [tilespmem:s26+$0xB0];
	v15 =	vadd.f32 v19, v15  }
0x5c5: {  	v53 =	vld [tilespmem:s30+$0xFFFFFE28];
	v19 =	vbroadcast v7, $0x1;
	[tilespmem:s22+$0x1A8] =	vst v16;
	v16 =	vmul.f32 v46, v18  }
0x5c6: {  	v17 =	vmul.f32 v17, v43;
	[tilespmem:s22+$0xFFFFFFA8] =	vst v15;
	v15 =	vld [tilespmem:s23+$0x150]  }
0x5c7: {  	v24 =	vmul.f32 v49, v19;
	v16 =	vadd.f32 v16, v48;
	v52 =	vld [tilespmem:s23+$0xFFFFFFD0]  }
0x5c8: {  	v57 =	vld [tilespmem:s25+$0x100];
	v17 =	vadd.f32 v17, v20  }
0x5c9: {  	v56 =	vld [tilespmem:s25+$0xFFFFFF00];
	v20 =	vadd.f32 v24, v50;
	v22 =	vmul.f32 v23, v22;
	v23 =	vbroadcast v10, $0xE;
	[tilespmem:s30+$0xFFFFFE20] =	vst v16  }
0x5ca: {  	v54 =	vld [tilespmem:s29+$0xFFFFFEA0];
	[tilespmem:s25+$0xFFFFFEE8] =	vst v17;
	v17 =	vbroadcast v9, $0xE  }
0x5cb: {  	v16 =	vld [tilespmem:s30+$0x28];
	[tilespmem:s30+$0x20] =	vst v20;
	v21 =	vadd.f32 v22, v21;
	v15 =	vmul.f32 v15, v23  }
0x5cc: {  	v22 =	vld [tilespmem:s29+$0x20];
	v55 =	vmul.f32 v52, v17  }
0x5cd: {  	v20 =	vld [tilespmem:s26+$0xFFFFFF40];
	[tilespmem:s25+$0xE8] =	vst v21;
	v15 =	vadd.f32 v15, v51  }
0x5ce: {  	v21 =	vld [tilespmem:s26+$0xC0];
	v14 =	vadd.f32 v55, v14  }
0x5cf: {  	v59 =	vld [tilespmem:s25+$0x108];
	[tilespmem:s22+$0x1C0] =	vst v15;
	v15 =	vmul.f32 v54, v18  }
0x5d0: {  	v18 =	vbroadcast v3, $0x8;
	[tilespmem:s22+$0xFFFFFFC0] =	vst v14;
	v14 =	vld [tilespmem:s23+$0x158]  }
0x5d1: {  	v19 =	vmul.f32 v22, v19;
	v22 =	vbroadcast v2, $0x8;
	v58 =	vld [tilespmem:s23+$0xFFFFFFD8];
	v15 =	vadd.f32 v15, v53  }
0x5d2: {  	v63 =	vld [tilespmem:s30+$0xFFFFFE48];
	v20 =	vmul.f32 v20, v18  }
0x5d3: {  	v60 =	vld [tilespmem:s25+$0xFFFFFF08];
	v16 =	vadd.f32 v19, v16;
	v19 =	vmul.f32 v21, v22;
	[tilespmem:s30+$0xFFFFFE28] =	vst v15  }
0x5d4: {  	v15 =	vadd.f32 v20, v56;
	v21 =	vld [tilespmem:s29+$0xFFFFFEB0]  }
0x5d5: {  	v62 =	vld [tilespmem:s22+$0x1E0];
	[tilespmem:s30+$0x28] =	vst v16;
	v16 =	vadd.f32 v19, v57;
	v14 =	vmul.f32 v14, v23  }
0x5d6: {  	v20 =	vld [tilespmem:s30+$0xFFFFFE40];
	[tilespmem:s25+$0xFFFFFF00] =	vst v15;
	v15 =	vmul.f32 v58, v17  }
0x5d7: {  	v23 =	vld [tilespmem:s29+$0x30];
	[tilespmem:s25+$0x100] =	vst v16;
	v12 =	vadd.f32 v14, v12;
	v14 =	vbroadcast v5, $0x2  }
0x5d8: {  	v16 =	vld [tilespmem:s26+$0xC8];
	v11 =	vadd.f32 v15, v11  }
0x5d9: {  	v15 =	vld [tilespmem:s30+$0x40];
	[tilespmem:s22+$0x1C8] =	vst v12;
	v12 =	vmul.f32 v21, v14  }
0x5da: {  	v19 =	vbroadcast v7, $0x2;
	v17 =	vld [tilespmem:s26+$0xFFFFFF48];
	[tilespmem:s22+$0xFFFFFFC8] =	vst v11  }
0x5db: {  	v61 =	vld [tilespmem:s23+$0xFFFFFFE8];
	v11 =	vadd.f32 v12, v20  }
0x5dc: {  	v21 =	vld [tilespmem:s23+$0x168];
	v20 =	vmul.f32 v23, v19  }
0x5dd: {  	[tilespmem:s30+$0xFFFFFE40] =	vst v11;
	v11 =	vld [tilespmem:s22+$0x1E8]  }
0x5de: {  	v12 =	vbroadcast v9, $0xF;
	v16 =	vmul.f32 v16, v22;
	v15 =	vadd.f32 v20, v15;
	v9 =	vld [tilespmem:s29+$0xFFFFFEB8]  }
0x5df: {  	v10 =	vbroadcast v10, $0xF;
	v17 =	vmul.f32 v17, v18;
	v20 =	vld [tilespmem:s30+$0x48]  }
0x5e0: {  	v16 =	vadd.f32 v16, v59;
	[tilespmem:s30+$0x40] =	vst v15;
	v15 =	vld [tilespmem:s25+$0xFFFFFF28];
	v18 =	vmul.f32 v61, v12  }
0x5e1: {  	v17 =	vadd.f32 v17, v60;
	v22 =	vmul.f32 v21, v10;
	v21 =	vld [tilespmem:s29+$0x38]  }
0x5e2: {  	[tilespmem:s25+$0x108] =	vst v16;
	v16 =	vld [tilespmem:s25+$0x120];
	v13 =	vadd.f32 v18, v13  }
0x5e3: {  	[tilespmem:s25+$0xFFFFFF08] =	vst v17;
	v22 =	vadd.f32 v22, v62;
	v18 =	vld [tilespmem:s26+$0xD8];
	v14 =	vmul.f32 v9, v14  }
0x5e4: {  	v17 =	vld [tilespmem:s26+$0xFFFFFF58];
	[tilespmem:s22+$0xFFFFFFE0] =	vst v13  }
0x5e5: {  	s24 =	simm.s32 $0x18900;
	s0 =	simm.s32 $0x4;
	v9 =	vbroadcast v2, $0x9;
	[tilespmem:s22+$0x1E0] =	vst v22;
	v13 =	vbroadcast v7, $0x9;
	v22 =	vadd.f32 v14, v63;
	v14 =	vld [tilespmem:s23+$0xFFFFFFF0]  }
.LBB2_23:
0x5e6: {  	s0 =	sadd.s32 $0x2, s0;
	v19 =	vmul.f32 v21, v19;
	s30 =	sadd.s32 $0x400, s30;
	v21 =	vld [tilespmem:s23+$0x170];
	s23 =	smov.u32 s26  }
0x5e7: {  	s26 =	smov.u32 s29;
	v23 =	vld [tilespmem:s30+$0xFFFFFF20];
	p1 =	slt.u32 s0, $0x6;
	[tilespmem:s24+$0xFFFFFE48] =	vst v22;
	v22 =	vbroadcast v3, $0x9  }
0x5e8: {  	v24 =	vld [tilespmem:s29+$0xFFFFFEC8];
	v19 =	vadd.f32 v19, v20;
	v18 =	vmul.f32 v18, v9  }
0x5e9: {  	v17 =	vmul.f32 v17, v22;
	v20 =	vld [tilespmem:s25+$0x128]  }
0x5ea: {  	v25 =	vld [tilespmem:s24+$0xFFFFFE60];
	[tilespmem:s24+$0x48] =	vst v19;
	v16 =	vadd.f32 v18, v16;
	v12 =	vmul.f32 v14, v12  }
0x5eb: {  	v18 =	vbroadcast v5, $0x3;
	v14 =	vld [tilespmem:s29+$0x48];
	v17 =	vadd.f32 v17, v6;
	v10 =	vmul.f32 v21, v10;
	v6 =	vmovc v8  }
0x5ec: {  	v19 =	vld [tilespmem:s24+$0x60];
	[tilespmem:s25+$0x120] =	vst v16;
	v4 =	vadd.f32 v12, v4;
	v8 =	vmov v23  }
0x5ed: {  	v12 =	vmul.f32 v24, v18;
	[tilespmem:s25+$0xFFFFFF20] =	vst v17;
	v16 =	vld [tilespmem:s23+$0xE0];
	v10 =	vadd.f32 v10, v11  }
0x5ee: {  	v17 =	vbroadcast v7, $0x3;
	v11 =	vld [tilespmem:s23+$0xFFFFFF60];
	[tilespmem:s22+$0xFFFFFFE8] =	vst v4  }
0x5ef: {  	v12 =	vadd.f32 v12, v25;
	v4 =	vld [tilespmem:s25+$0xFFFFFFE8];
	[tilespmem:s22+$0x1E8] =	vst v10;
	s22 =	smov.u32 s25;
	s25 =	smov.u32 s24;
	s24 =	smov.u32 s30  }
0x5f0: {  	v21 =	vld [tilespmem:s25+$0xFFFFFE68];
	v10 =	vmul.f32 v14, v17  }
0x5f1: {  	[tilespmem:s25+$0xFFFFFE60] =	vst v12;
	v14 =	vld [tilespmem:s22+$0xFFFFFFE0]  }
0x5f2: {  	v12 =	vld [tilespmem:s29+$0xFFFFFED0];
	v10 =	vadd.f32 v10, v19;
	v16 =	vmul.f32 v16, v9;
	v9 =	vmov v13  }
0x5f3: {  	v13 =	vld [tilespmem:s25+$0x68];
	v11 =	vmul.f32 v11, v22  }
0x5f4: {  	[tilespmem:s25+$0x60] =	vst v10;
	v10 =	vld [tilespmem:s22+$0xFFFFFFC8];
	v16 =	vadd.f32 v16, v20  }
0x5f5: {  	v19 =	vld [tilespmem:s29+$0x50];
	v15 =	vadd.f32 v11, v15  }
0x5f6: {  	[tilespmem:s22+$0x128] =	vst v16;
	v11 =	vld [tilespmem:s22+$0x1C8]  }
0x5f7: {  	v12 =	vmul.f32 v12, v18;
	[tilespmem:s22+$0xFFFFFF28] =	vst v15;
	v15 =	vld [tilespmem:s23+$0xF0]  }
0x5f8: {  	v16 =	vld [tilespmem:s23+$0xFFFFFF70]  }
0x5f9: {  	v12 =	vadd.f32 v12, v21;
	v18 =	vld [tilespmem:s22+$0x140]  }
0x5fa: {  	v20 =	vbroadcast v2, $0xA;
	v17 =	vmul.f32 v19, v17;
	v19 =	vld [tilespmem:s22+$0xFFFFFF40]  }
0x5fb: {  	v22 =	vbroadcast v3, $0xA;
	[tilespmem:s25+$0xFFFFFE68] =	vst v12;
	v21 =	vld [tilespmem:s22+$0xFFFFFF48]  }
0x5fc: {  	v12 =	vld [tilespmem:s29+$0xFFFFFEE0];
	v13 =	vadd.f32 v17, v13;
	v15 =	vmul.f32 v15, v20  }
0x5fd: {  	v16 =	vmul.f32 v16, v22;
	v17 =	vld [tilespmem:s22+$0x148]  }
0x5fe: {  	v23 =	vld [tilespmem:s25+$0xFFFFFE80];
	[tilespmem:s25+$0x68] =	vst v13;
	v13 =	vadd.f32 v15, v18  }
0x5ff: {  	v18 =	vbroadcast v5, $0x4;
	v15 =	vld [tilespmem:s29+$0x60];
	v16 =	vadd.f32 v16, v19  }
0x600: {  	v19 =	vld [tilespmem:s25+$0x80];
	[tilespmem:s22+$0x140] =	vst v13  }
0x601: {  	v12 =	vmul.f32 v12, v18;
	[tilespmem:s22+$0xFFFFFF40] =	vst v16;
	v13 =	vld [tilespmem:s23+$0xF8]  }
0x602: {  	v16 =	vbroadcast v7, $0x4;
	v24 =	vld [tilespmem:s23+$0xFFFFFF78]  }
0x603: {  	v23 =	vadd.f32 v12, v23;
	v12 =	vld [tilespmem:s22+$0xFFFFFFC0]  }
0x604: {  	v25 =	vld [tilespmem:s25+$0xFFFFFE88];
	v26 =	vmul.f32 v15, v16  }
0x605: {  	[tilespmem:s25+$0xFFFFFE80] =	vst v23;
	v15 =	vld [tilespmem:s22+$0xFFFFFFA8]  }
0x606: {  	v23 =	vld [tilespmem:s29+$0xFFFFFEE8];
	v19 =	vadd.f32 v26, v19;
	v13 =	vmul.f32 v13, v20  }
0x607: {  	v20 =	vld [tilespmem:s25+$0x88];
	v22 =	vmul.f32 v24, v22  }
0x608: {  	[tilespmem:s25+$0x80] =	vst v19;
	v13 =	vadd.f32 v13, v17;
	v17 =	vld [tilespmem:s22+$0x1A8]  }
0x609: {  	v24 =	vld [tilespmem:s29+$0x68];
	v21 =	vadd.f32 v22, v21  }
0x60a: {  	v19 =	vld [tilespmem:s22+$0xFFFFFFA0];
	[tilespmem:s22+$0x148] =	vst v13  }
0x60b: {  	v13 =	vmul.f32 v23, v18;
	[tilespmem:s22+$0xFFFFFF48] =	vst v21;
	v18 =	vld [tilespmem:s23+$0x108]  }
0x60c: {  	v21 =	vld [tilespmem:s23+$0xFFFFFF88]  }
0x60d: {  	v13 =	vadd.f32 v13, v25;
	v22 =	vld [tilespmem:s22+$0x160]  }
0x60e: {  	v16 =	vmul.f32 v24, v16;
	v23 =	vld [tilespmem:s22+$0xFFFFFF60];
	v24 =	vbroadcast v2, $0xB  }
0x60f: {  	v25 =	vbroadcast v3, $0xB;
	[tilespmem:s25+$0xFFFFFE88] =	vst v13;
	v13 =	vld [tilespmem:s22+$0xFFFFFF68]  }
0x610: {  	v26 =	vld [tilespmem:s29+$0xFFFFFEF8];
	v16 =	vadd.f32 v16, v20;
	v18 =	vmul.f32 v18, v24  }
0x611: {  	v20 =	vmul.f32 v21, v25;
	v21 =	vld [tilespmem:s22+$0x168]  }
0x612: {  	v27 =	vld [tilespmem:s25+$0xFFFFFEA0];
	[tilespmem:s25+$0x88] =	vst v16;
	v16 =	vadd.f32 v18, v22  }
0x613: {  	v18 =	vbroadcast v5, $0x5;
	v22 =	vld [tilespmem:s29+$0x78];
	v20 =	vadd.f32 v20, v23  }
0x614: {  	v23 =	vld [tilespmem:s25+$0xA0];
	[tilespmem:s22+$0x160] =	vst v16  }
0x615: {  	v16 =	vmul.f32 v26, v18;
	[tilespmem:s22+$0xFFFFFF60] =	vst v20;
	v20 =	vld [tilespmem:s23+$0x110]  }
0x616: {  	v26 =	vbroadcast v7, $0x5;
	v28 =	vld [tilespmem:s23+$0xFFFFFF90]  }
0x617: {  	v16 =	vadd.f32 v16, v27;
	v27 =	vld [tilespmem:s22+$0xFFFFFF88]  }
0x618: {  	v29 =	vld [tilespmem:s25+$0xFFFFFEA8];
	v22 =	vmul.f32 v22, v26  }
0x619: {  	[tilespmem:s25+$0xFFFFFEA0] =	vst v16;
	v30 =	vld [tilespmem:s22+$0x188]  }
0x61a: {  	v16 =	vld [tilespmem:s29+$0xFFFFFF00];
	v22 =	vadd.f32 v22, v23;
	v20 =	vmul.f32 v20, v24  }
0x61b: {  	v23 =	vld [tilespmem:s25+$0xA8];
	v24 =	vmul.f32 v28, v25  }
0x61c: {  	[tilespmem:s25+$0xA0] =	vst v22;
	v22 =	vld [tilespmem:s22+$0xFFFFFF80];
	v20 =	vadd.f32 v20, v21  }
0x61d: {  	v21 =	vld [tilespmem:s29+$0x80];
	v13 =	vadd.f32 v24, v13  }
0x61e: {  	[tilespmem:s22+$0x168] =	vst v20;
	v20 =	vld [tilespmem:s22+$0x180]  }
0x61f: {  	v16 =	vmul.f32 v16, v18;
	[tilespmem:s22+$0xFFFFFF68] =	vst v13;
	v13 =	vld [tilespmem:s23+$0x120]  }
0x620: {  	v18 =	vld [tilespmem:s23+$0xFFFFFFA0]  }
0x621: {  	v16 =	vadd.f32 v16, v29;
	v24 =	vld [tilespmem:s25+$0xC8]  }
0x622: {  	v25 =	vld [tilespmem:s25+$0xFFFFFEC8];
	v21 =	vmul.f32 v21, v26;
	v26 =	vbroadcast v2, $0xC  }
0x623: {  	v29 =	vbroadcast v3, $0xC;
	[tilespmem:s25+$0xFFFFFEA8] =	vst v16;
	v28 =	vld [tilespmem:s25+$0xC0]  }
0x624: {  	v31 =	vld [tilespmem:s29+$0xFFFFFF10];
	v16 =	vadd.f32 v21, v23;
	v13 =	vmul.f32 v13, v26  }
0x625: {  	v21 =	vld [tilespmem:s25+$0xFFFFFEC0];
	v18 =	vmul.f32 v18, v29  }
0x626: {  	v23 =	vld [tilespmem:s30+$0xFFFFFE00];
	[tilespmem:s25+$0xA8] =	vst v16;
	v13 =	vadd.f32 v13, v20  }
0x627: {  	s31 =	sadd.s32 $0x20, s31;
	v20 =	vbroadcast v5, $0x6;
	v32 =	vld [tilespmem:s29+$0x90];
	v18 =	vadd.f32 v18, v22  }
0x628: {  	v16 =	vld [tilespmem:s31+$0xFFFFFFF0];
	[tilespmem:s22+$0x180] =	vst v13  }
0x629: {  	v13 =	vmul.f32 v31, v20;
	[tilespmem:s22+$0xFFFFFF80] =	vst v18;
	v22 =	vld [tilespmem:s23+$0x128]  }
0x62a: {  	v31 =	vbroadcast v7, $0x6;
	v33 =	vld [tilespmem:s23+$0xFFFFFFA8]  }
0x62b: {  	s29 =	sadd.s32 $0x300, s29;
	v18 =	vld [tilespmem:s31+$0x0];
	v13 =	vadd.f32 v13, v21  }
0x62c: {  	v21 =	vld [tilespmem:s29+$0xFFFFFE80];
	v32 =	vmul.f32 v32, v31  }
0x62d: {  	v34 =	vld [tilespmem:s29+$0x0];
	[tilespmem:s25+$0xFFFFFEC0] =	vst v13  }
0x62e: {  	v35 =	vld [tilespmem:s26+$0xFFFFFF18];
	v28 =	vadd.f32 v32, v28;
	v22 =	vmul.f32 v22, v26  }
0x62f: {  	v26 =	vbroadcast v16, $0x0;
	v32 =	vld [tilespmem:s30+$0x0];
	v29 =	vmul.f32 v33, v29  }
0x630: {  	v33 =	vbroadcast v18, $0x0;
	v13 =	vbroadcast v18, $0x9;
	[tilespmem:s25+$0xC0] =	vst v28;
	v22 =	vadd.f32 v22, v30;
	v28 =	vld [tilespmem:s22+$0x1A0]  }
0x631: {  	v21 =	vmul.f32 v21, v26;
	v30 =	vld [tilespmem:s26+$0x98];
	v27 =	vadd.f32 v29, v27  }
0x632: {  	v29 =	vld [tilespmem:s30+$0xFFFFFE08];
	v34 =	vmul.f32 v34, v33;
	[tilespmem:s22+$0x188] =	vst v22  }
0x633: {  	v21 =	vadd.f32 v21, v23;
	v20 =	vmul.f32 v35, v20;
	[tilespmem:s22+$0xFFFFFF88] =	vst v27;
	v22 =	vld [tilespmem:s23+$0x138]  }
0x634: {  	v23 =	vadd.f32 v34, v32;
	v27 =	vld [tilespmem:s23+$0xFFFFFFB8]  }
0x635: {  	[tilespmem:s30+$0xFFFFFE00] =	vst v21;
	v21 =	vld [tilespmem:s30+$0x8];
	v20 =	vadd.f32 v20, v25  }
0x636: {  	v25 =	vld [tilespmem:s29+$0xFFFFFE88];
	[tilespmem:s30+$0x0] =	vst v23;
	v23 =	vmul.f32 v30, v31;
	v30 =	vbroadcast v2, $0xD  }
0x637: {  	v31 =	vld [tilespmem:s29+$0x8];
	[tilespmem:s25+$0xFFFFFEC8] =	vst v20;
	v20 =	vbroadcast v3, $0xD  }
0x638: {  	v32 =	vld [tilespmem:s26+$0xFFFFFF28];
	v23 =	vadd.f32 v23, v24;
	v22 =	vmul.f32 v22, v30  }
0x639: {  	v24 =	vld [tilespmem:s25+$0xE8];
	v27 =	vmul.f32 v27, v20  }
0x63a: {  	v34 =	vld [tilespmem:s25+$0xFFFFFEE0];
	[tilespmem:s25+$0xC8] =	vst v23;
	v22 =	vadd.f32 v22, v28  }
0x63b: {  	v23 =	vmul.f32 v25, v26;
	v25 =	vbroadcast v5, $0x7;
	v26 =	vld [tilespmem:s26+$0xA8];
	v19 =	vadd.f32 v27, v19  }
0x63c: {  	v27 =	vld [tilespmem:s25+$0xE0];
	[tilespmem:s22+$0x1A0] =	vst v22  }
0x63d: {  	v22 =	vadd.f32 v23, v29;
	v23 =	vmul.f32 v32, v25;
	[tilespmem:s22+$0xFFFFFFA0] =	vst v19;
	v19 =	vld [tilespmem:s23+$0x140]  }
0x63e: {  	v28 =	vmul.f32 v31, v33;
	v29 =	vbroadcast v7, $0x7;
	v31 =	vld [tilespmem:s23+$0xFFFFFFC0]  }
0x63f: {  	[tilespmem:s30+$0xFFFFFE08] =	vst v22;
	v22 =	vld [tilespmem:s25+$0xFFFFFEE8];
	v23 =	vadd.f32 v23, v34  }
0x640: {  	v21 =	vadd.f32 v28, v21;
	v32 =	vld [tilespmem:s29+$0xFFFFFE98];
	v26 =	vmul.f32 v26, v29  }
0x641: {  	v28 =	vld [tilespmem:s30+$0xFFFFFE20];
	[tilespmem:s25+$0xFFFFFEE0] =	vst v23  }
0x642: {  	[tilespmem:s30+$0x8] =	vst v21;
	v21 =	vld [tilespmem:s26+$0xFFFFFF30];
	v23 =	vadd.f32 v26, v27;
	v19 =	vmul.f32 v19, v30  }
0x643: {  	v26 =	vld [tilespmem:s29+$0x18];
	v20 =	vmul.f32 v31, v20  }
0x644: {  	v27 =	vbroadcast v16, $0x1;
	v30 =	vld [tilespmem:s30+$0x20];
	[tilespmem:s25+$0xE0] =	vst v23;
	v17 =	vadd.f32 v19, v17  }
0x645: {  	v19 =	vld [tilespmem:s26+$0xB0];
	v15 =	vadd.f32 v20, v15  }
0x646: {  	v23 =	vbroadcast v18, $0x1;
	v20 =	vmul.f32 v32, v27;
	[tilespmem:s22+$0x1A8] =	vst v17;
	v17 =	vld [tilespmem:s22+$0x1C0]  }
0x647: {  	v21 =	vmul.f32 v21, v25;
	[tilespmem:s22+$0xFFFFFFA8] =	vst v15;
	v15 =	vld [tilespmem:s23+$0x150]  }
0x648: {  	v20 =	vadd.f32 v20, v28;
	v25 =	vmul.f32 v26, v23;
	v26 =	vld [tilespmem:s23+$0xFFFFFFD0]  }
0x649: {  	v28 =	vld [tilespmem:s30+$0xFFFFFE28];
	v21 =	vadd.f32 v21, v22  }
0x64a: {  	[tilespmem:s30+$0xFFFFFE20] =	vst v20;
	v20 =	vld [tilespmem:s30+$0x28];
	v22 =	vadd.f32 v25, v30;
	v19 =	vmul.f32 v19, v29;
	v25 =	vbroadcast v2, $0xE  }
0x64b: {  	v29 =	vld [tilespmem:s29+$0xFFFFFEA0];
	[tilespmem:s25+$0xFFFFFEE8] =	vst v21;
	v21 =	vbroadcast v3, $0xE  }
0x64c: {  	[tilespmem:s30+$0x20] =	vst v22;
	v22 =	vld [tilespmem:s26+$0xFFFFFF40];
	v19 =	vadd.f32 v19, v24;
	v15 =	vmul.f32 v15, v25  }
0x64d: {  	v24 =	vld [tilespmem:s29+$0x20];
	v26 =	vmul.f32 v26, v21  }
0x64e: {  	v30 =	vld [tilespmem:s25+$0xFFFFFF00];
	[tilespmem:s25+$0xE8] =	vst v19;
	v15 =	vadd.f32 v15, v17  }
0x64f: {  	v17 =	vbroadcast v5, $0x8;
	v19 =	vld [tilespmem:s26+$0xC0];
	v12 =	vadd.f32 v26, v12  }
0x650: {  	v26 =	vld [tilespmem:s25+$0x100];
	[tilespmem:s22+$0x1C0] =	vst v15  }
0x651: {  	v15 =	vmul.f32 v29, v27;
	v22 =	vmul.f32 v22, v17;
	[tilespmem:s22+$0xFFFFFFC0] =	vst v12;
	v12 =	vld [tilespmem:s23+$0x158]  }
0x652: {  	v23 =	vmul.f32 v24, v23;
	v24 =	vbroadcast v7, $0x8;
	v27 =	vld [tilespmem:s23+$0xFFFFFFD8]  }
0x653: {  	v15 =	vadd.f32 v15, v28;
	v22 =	vadd.f32 v22, v30;
	v28 =	vld [tilespmem:s25+$0x108]  }
0x654: {  	v20 =	vadd.f32 v23, v20;
	v23 =	vld [tilespmem:s25+$0xFFFFFF08];
	v19 =	vmul.f32 v19, v24  }
0x655: {  	[tilespmem:s30+$0xFFFFFE28] =	vst v15;
	v15 =	vld [tilespmem:s30+$0xFFFFFE40]  }
0x656: {  	v29 =	vld [tilespmem:s29+$0xFFFFFEB0];
	[tilespmem:s30+$0x28] =	vst v20;
	v19 =	vadd.f32 v19, v26;
	v12 =	vmul.f32 v12, v25  }
0x657: {  	v20 =	vld [tilespmem:s29+$0x30];
	[tilespmem:s25+$0xFFFFFF00] =	vst v22;
	v21 =	vmul.f32 v27, v21  }
0x658: {  	v22 =	vld [tilespmem:s26+$0xFFFFFF48];
	[tilespmem:s25+$0x100] =	vst v19;
	v11 =	vadd.f32 v12, v11  }
0x659: {  	v25 =	vbroadcast v16, $0x2;
	v12 =	vld [tilespmem:s26+$0xC8];
	v10 =	vadd.f32 v21, v10  }
0x65a: {  	v21 =	vld [tilespmem:s30+$0x40];
	[tilespmem:s22+$0x1C8] =	vst v11  }
0x65b: {  	v11 =	vmul.f32 v29, v25;
	[tilespmem:s22+$0xFFFFFFC8] =	vst v10;
	v26 =	vld [tilespmem:s23+$0x168]  }
0x65c: {  	v19 =	vbroadcast v18, $0x2;
	v27 =	vld [tilespmem:s23+$0xFFFFFFE8]  }
0x65d: {  	v10 =	vbroadcast v2, $0xF;
	v2 =	vmovc v7;
	v7 =	vmov v18;
	v11 =	vadd.f32 v11, v15;
	v29 =	vld [tilespmem:s22+$0x1E0]  }
0x65e: {  	v15 =	vmul.f32 v20, v19;
	v30 =	vld [tilespmem:s30+$0xFFFFFE48];
	v18 =	vmul.f32 v12, v24  }
0x65f: {  	v17 =	vmul.f32 v22, v17;
	v12 =	vbroadcast v3, $0xF;
	v3 =	vmovc v5;
	v5 =	vmov v16;
	[tilespmem:s30+$0xFFFFFE40] =	vst v11;
	v11 =	vld [tilespmem:s22+$0x1E8]  }
0x660: {  	v15 =	vadd.f32 v15, v21;
	v22 =	vld [tilespmem:s29+$0xFFFFFEB8];
	v16 =	vadd.f32 v18, v28;
	v18 =	vmul.f32 v26, v10  }
0x661: {  	v20 =	vld [tilespmem:s30+$0x48];
	v24 =	vmul.f32 v27, v12  }
0x662: {  	v17 =	vadd.f32 v17, v23;
	[tilespmem:s30+$0x40] =	vst v15;
	v15 =	vld [tilespmem:s25+$0xFFFFFF28];
	v18 =	vadd.f32 v18, v29  }
.Ltmp14:
0x663: {  	v21 =	vld [tilespmem:s29+$0x38];
	[tilespmem:s25+$0x108] =	vst v16;
	v14 =	vadd.f32 v24, v14;
	(pc) =	sbr.rel @p1 .LBB2_23-.Ltmp14, $4  }
0x664: {  	v16 =	vld [tilespmem:s25+$0x120];
	[tilespmem:s22+$0x1E0] =	vst v18  }
0x665: {  	v22 =	vmul.f32 v22, v25;
	[tilespmem:s25+$0xFFFFFF08] =	vst v17;
	v18 =	vld [tilespmem:s26+$0xD8]  }
0x666: {  	v17 =	vld [tilespmem:s26+$0xFFFFFF58];
	[tilespmem:s22+$0xFFFFFFE0] =	vst v14  }
0x667: {  	v22 =	vadd.f32 v22, v30;
	v14 =	vld [tilespmem:s23+$0xFFFFFFF0]  }
0x668: {  	v19 =	vmul.f32 v21, v19;
	_ =	sdelay $0x1  }
0x669: {  	v19 =	vadd.f32 v19, v20  }
0x66a: {  	[tilespmem:s24+$0xFFFFFE48] =	vst v22  }
0x66b: {  	v61 =	vld [tilespmem:s29+$0xFFFFFEC8];
	[tilespmem:s24+$0x48] =	vst v19  }
0x66c: {  	v19 =	vld [tilespmem:s29+$0x48]  }
0x66d: {  	v62 =	vld [tilespmem:s24+$0xFFFFFE60]  }
0x66e: {  	v63 =	vbroadcast v5, $0x3;
	v23 =	vld [tilespmem:s24+$0x60]  }
0x66f: {  	v24 =	vbroadcast v7, $0x3  }
0x670: {  	v20 =	vmul.f32 v61, v63  }
0x671: {  	v19 =	vmul.f32 v19, v24  }
0x672: {  	v20 =	vadd.f32 v20, v62  }
0x673: {  	v27 =	vld [tilespmem:s24+$0xFFFFFE68];
	v19 =	vadd.f32 v19, v23  }
0x674: {  	v28 =	vld [tilespmem:s24+$0x68];
	[tilespmem:s24+$0xFFFFFE60] =	vst v20  }
0x675: {  	v29 =	vld [tilespmem:s29+$0xFFFFFED0];
	[tilespmem:s24+$0x60] =	vst v19  }
0x676: {  	v19 =	vld [tilespmem:s29+$0x50];
	_ =	sdelay $0x3  }
0x677: {  	v22 =	vmul.f32 v29, v63  }
0x678: {  	v19 =	vmul.f32 v19, v24  }
0x679: {  	v21 =	vadd.f32 v22, v27  }
0x67a: {  	v19 =	vadd.f32 v19, v28  }
0x67b: {  	[tilespmem:s24+$0xFFFFFE68] =	vst v21  }
0x67c: {  	v30 =	vld [tilespmem:s29+$0xFFFFFEE0];
	[tilespmem:s24+$0x68] =	vst v19  }
0x67d: {  	v19 =	vld [tilespmem:s29+$0x60]  }
0x67e: {  	v31 =	vld [tilespmem:s24+$0xFFFFFE80]  }
0x67f: {  	v32 =	vbroadcast v5, $0x4;
	v33 =	vld [tilespmem:s24+$0x80]  }
0x680: {  	v34 =	vbroadcast v7, $0x4  }
0x681: {  	v20 =	vmul.f32 v30, v32  }
0x682: {  	v19 =	vmul.f32 v19, v34  }
0x683: {  	v20 =	vadd.f32 v20, v31  }
0x684: {  	v35 =	vld [tilespmem:s24+$0xFFFFFE88];
	v19 =	vadd.f32 v19, v33  }
0x685: {  	v36 =	vld [tilespmem:s24+$0x88];
	[tilespmem:s24+$0xFFFFFE80] =	vst v20  }
0x686: {  	v37 =	vld [tilespmem:s29+$0xFFFFFEE8];
	[tilespmem:s24+$0x80] =	vst v19  }
0x687: {  	v19 =	vld [tilespmem:s29+$0x68];
	_ =	sdelay $0x3  }
0x688: {  	v22 =	vmul.f32 v37, v32  }
0x689: {  	v19 =	vmul.f32 v19, v34  }
0x68a: {  	v21 =	vadd.f32 v22, v35  }
0x68b: {  	v19 =	vadd.f32 v19, v36  }
0x68c: {  	[tilespmem:s24+$0xFFFFFE88] =	vst v21  }
0x68d: {  	v38 =	vld [tilespmem:s29+$0xFFFFFEF8];
	[tilespmem:s24+$0x88] =	vst v19  }
0x68e: {  	v19 =	vld [tilespmem:s29+$0x78]  }
0x68f: {  	v39 =	vld [tilespmem:s24+$0xFFFFFEA0]  }
0x690: {  	v40 =	vbroadcast v5, $0x5;
	v41 =	vld [tilespmem:s24+$0xA0]  }
0x691: {  	v42 =	vbroadcast v7, $0x5  }
0x692: {  	v20 =	vmul.f32 v38, v40  }
0x693: {  	v19 =	vmul.f32 v19, v42  }
0x694: {  	v20 =	vadd.f32 v20, v39  }
0x695: {  	v43 =	vld [tilespmem:s24+$0xFFFFFEA8];
	v19 =	vadd.f32 v19, v41  }
0x696: {  	v44 =	vld [tilespmem:s24+$0xA8];
	[tilespmem:s24+$0xFFFFFEA0] =	vst v20  }
0x697: {  	v45 =	vld [tilespmem:s29+$0xFFFFFF00];
	[tilespmem:s24+$0xA0] =	vst v19  }
0x698: {  	v19 =	vld [tilespmem:s29+$0x80];
	_ =	sdelay $0x3  }
0x699: {  	v22 =	vmul.f32 v45, v40  }
0x69a: {  	v19 =	vmul.f32 v19, v42  }
0x69b: {  	v21 =	vadd.f32 v22, v43  }
0x69c: {  	v19 =	vadd.f32 v19, v44  }
0x69d: {  	[tilespmem:s24+$0xFFFFFEA8] =	vst v21  }
0x69e: {  	v21 =	vld [tilespmem:s29+$0xFFFFFF10];
	[tilespmem:s24+$0xA8] =	vst v19  }
0x69f: {  	v19 =	vld [tilespmem:s29+$0x90]  }
0x6a0: {  	v49 =	vld [tilespmem:s24+$0xFFFFFEC0]  }
0x6a1: {  	v48 =	vld [tilespmem:s24+$0xC0];
	v25 =	vbroadcast v5, $0x6  }
0x6a2: {  	v26 =	vbroadcast v7, $0x6  }
0x6a3: {  	v21 =	vmul.f32 v21, v25  }
0x6a4: {  	v19 =	vmul.f32 v19, v26  }
0x6a5: {  	v21 =	vadd.f32 v21, v49  }
0x6a6: {  	v46 =	vld [tilespmem:s24+$0xC8];
	v19 =	vadd.f32 v19, v48  }
0x6a7: {  	v47 =	vld [tilespmem:s24+$0xFFFFFEC8];
	[tilespmem:s24+$0xFFFFFEC0] =	vst v21  }
0x6a8: {  	v50 =	vld [tilespmem:s29+$0xFFFFFF18];
	[tilespmem:s24+$0xC0] =	vst v19  }
0x6a9: {  	v19 =	vld [tilespmem:s29+$0x98];
	_ =	sdelay $0x3  }
0x6aa: {  	v20 =	vmul.f32 v50, v25  }
0x6ab: {  	v19 =	vmul.f32 v19, v26  }
0x6ac: {  	v20 =	vadd.f32 v20, v47  }
0x6ad: {  	v19 =	vadd.f32 v19, v46  }
0x6ae: {  	[tilespmem:s24+$0xFFFFFEC8] =	vst v20  }
0x6af: {  	v21 =	vld [tilespmem:s29+$0xFFFFFF28];
	[tilespmem:s24+$0xC8] =	vst v19  }
0x6b0: {  	v19 =	vld [tilespmem:s29+$0xA8]  }
0x6b1: {  	v52 =	vld [tilespmem:s24+$0xFFFFFEE0]  }
0x6b2: {  	v53 =	vbroadcast v5, $0x7;
	v54 =	vld [tilespmem:s24+$0xE0]  }
0x6b3: {  	v55 =	vbroadcast v7, $0x7  }
0x6b4: {  	v21 =	vmul.f32 v21, v53  }
0x6b5: {  	v19 =	vmul.f32 v19, v55  }
0x6b6: {  	v21 =	vadd.f32 v21, v52  }
0x6b7: {  	v51 =	vld [tilespmem:s24+$0xE8];
	v19 =	vadd.f32 v19, v54  }
0x6b8: {  	v56 =	vld [tilespmem:s24+$0xFFFFFEE8];
	[tilespmem:s24+$0xFFFFFEE0] =	vst v21  }
0x6b9: {  	v21 =	vld [tilespmem:s29+$0xFFFFFF30];
	[tilespmem:s24+$0xE0] =	vst v19  }
0x6ba: {  	v19 =	vld [tilespmem:s29+$0xB0];
	_ =	sdelay $0x3  }
0x6bb: {  	v21 =	vmul.f32 v21, v53  }
0x6bc: {  	v19 =	vmul.f32 v19, v55  }
0x6bd: {  	v21 =	vadd.f32 v21, v56  }
0x6be: {  	v19 =	vadd.f32 v19, v51  }
0x6bf: {  	[tilespmem:s24+$0xFFFFFEE8] =	vst v21  }
0x6c0: {  	v57 =	vld [tilespmem:s29+$0xFFFFFF40];
	[tilespmem:s24+$0xE8] =	vst v19  }
0x6c1: {  	v19 =	vld [tilespmem:s29+$0xC0]  }
0x6c2: {  	v58 =	vld [tilespmem:s24+$0xFFFFFF00]  }
0x6c3: {  	v59 =	vbroadcast v5, $0x8;
	v60 =	vld [tilespmem:s24+$0x100]  }
0x6c4: {  	v18 =	vmul.f32 v18, v9;
	v61 =	vbroadcast v7, $0x8  }
0x6c5: {  	v20 =	vmul.f32 v57, v59  }
0x6c6: {  	v16 =	vadd.f32 v18, v16;
	v28 =	vmul.f32 v19, v61  }
0x6c7: {  	v63 =	vld [tilespmem:s25+$0x128];
	v20 =	vadd.f32 v20, v58  }
0x6c8: {  	[tilespmem:s25+$0x120] =	vst v16;
	v30 =	vld [tilespmem:s24+$0xFFFFFF08];
	v16 =	vadd.f32 v28, v60  }
0x6c9: {  	v31 =	vld [tilespmem:s24+$0x108];
	[tilespmem:s24+$0xFFFFFF00] =	vst v20  }
0x6ca: {  	v20 =	vld [tilespmem:s29+$0xFFFFFF48];
	[tilespmem:s24+$0x100] =	vst v16  }
0x6cb: {  	v16 =	vld [tilespmem:s29+$0xC8];
	_ =	sdelay $0x2  }
0x6cc: {  	v62 =	vbroadcast v3, $0x9  }
0x6cd: {  	v20 =	vmul.f32 v20, v59  }
0x6ce: {  	v17 =	vmul.f32 v17, v62;
	v18 =	vmul.f32 v16, v61  }
0x6cf: {  	v20 =	vadd.f32 v20, v30  }
0x6d0: {  	v6 =	vadd.f32 v17, v6;
	v17 =	vadd.f32 v18, v31  }
0x6d1: {  	[tilespmem:s24+$0xFFFFFF08] =	vst v20  }
0x6d2: {  	v36 =	vld [tilespmem:s29+$0xFFFFFF58];
	[tilespmem:s24+$0x108] =	vst v17  }
0x6d3: {  	v37 =	vld [tilespmem:s29+$0xD8];
	_ =	sdelay $0x1  }
0x6d4: {  	v39 =	vld [tilespmem:s24+$0x120];
	v40 =	vbroadcast v5, $0x9;
	_ =	sdelay $0x1  }
0x6d5: {  	[tilespmem:s25+$0xFFFFFF20] =	vst v6;
	v17 =	vmul.f32 v36, v40  }
0x6d6: {  	v32 =	vld [tilespmem:s26+$0xFFFFFF60];
	v20 =	vmul.f32 v37, v13  }
0x6d7: {  	v29 =	vld [tilespmem:s26+$0xE0];
	v8 =	vadd.f32 v17, v8  }
0x6d8: {  	v34 =	vld [tilespmem:s24+$0xFFFFFF28];
	v20 =	vadd.f32 v20, v39  }
0x6d9: {  	v45 =	vld [tilespmem:s24+$0x128];
	[tilespmem:s24+$0xFFFFFF20] =	vst v8  }
0x6da: {  	v47 =	vld [tilespmem:s29+$0xFFFFFF60];
	[tilespmem:s24+$0x120] =	vst v20  }
0x6db: {  	v33 =	vmul.f32 v32, v62;
	v48 =	vld [tilespmem:s29+$0xE0];
	_ =	sdelay $0x1  }
0x6dc: {  	v15 =	vadd.f32 v33, v15;
	v19 =	vmul.f32 v29, v9;
	_ =	sdelay $0x1  }
0x6dd: {  	[tilespmem:s25+$0xFFFFFF28] =	vst v15;
	v19 =	vadd.f32 v19, v63;
	v17 =	vmul.f32 v47, v40  }
0x6de: {  	v38 =	vld [tilespmem:s26+$0xFFFFFF70];
	v22 =	vmul.f32 v48, v13  }
0x6df: {  	v41 =	vld [tilespmem:s25+$0x140];
	[tilespmem:s25+$0x128] =	vst v19;
	v19 =	vadd.f32 v17, v34  }
0x6e0: {  	v42 =	vld [tilespmem:s25+$0xFFFFFF40];
	v22 =	vadd.f32 v22, v45  }
0x6e1: {  	v35 =	vld [tilespmem:s26+$0xF0];
	[tilespmem:s24+$0xFFFFFF28] =	vst v19  }
0x6e2: {  	v27 =	vbroadcast v3, $0xA;
	v52 =	vld [tilespmem:s29+$0xFFFFFF70];
	[tilespmem:s24+$0x128] =	vst v22  }
0x6e3: {  	v54 =	vld [tilespmem:s29+$0xF0]  }
0x6e4: {  	v43 =	vbroadcast v2, $0xA;
	v44 =	vmul.f32 v38, v27;
	v55 =	vld [tilespmem:s24+$0xFFFFFF40]  }
0x6e5: {  	v56 =	vld [tilespmem:s24+$0x140];
	v57 =	vbroadcast v5, $0xA  }
0x6e6: {  	v46 =	vadd.f32 v44, v42;
	v58 =	vbroadcast v7, $0xA;
	v29 =	vld [tilespmem:s25+$0x148];
	v18 =	vmul.f32 v35, v43  }
0x6e7: {  	v28 =	vld [tilespmem:s25+$0xFFFFFF48];
	v22 =	vmul.f32 v52, v57  }
0x6e8: {  	[tilespmem:s25+$0xFFFFFF40] =	vst v46;
	v60 =	vld [tilespmem:s24+$0xFFFFFF48];
	v18 =	vadd.f32 v18, v41;
	v24 =	vmul.f32 v54, v58  }
0x6e9: {  	v50 =	vld [tilespmem:s26+$0xFFFFFF78];
	v22 =	vadd.f32 v22, v55  }
0x6ea: {  	v61 =	vld [tilespmem:s24+$0x148];
	[tilespmem:s25+$0x140] =	vst v18;
	v24 =	vadd.f32 v24, v56  }
0x6eb: {  	v49 =	vld [tilespmem:s26+$0xF8];
	[tilespmem:s24+$0xFFFFFF40] =	vst v22  }
0x6ec: {  	v22 =	vld [tilespmem:s29+$0xFFFFFF78];
	[tilespmem:s24+$0x140] =	vst v24  }
0x6ed: {  	v24 =	vld [tilespmem:s29+$0xF8];
	_ =	sdelay $0x1  }
0x6ee: {  	v53 =	vmul.f32 v50, v27  }
0x6ef: {  	v51 =	vmul.f32 v49, v43  }
0x6f0: {  	v23 =	vadd.f32 v53, v28;
	v27 =	vmul.f32 v22, v57  }
0x6f1: {  	v32 =	vld [tilespmem:s25+$0xFFFFFF60];
	v19 =	vadd.f32 v51, v29;
	v24 =	vmul.f32 v24, v58  }
0x6f2: {  	[tilespmem:s25+$0xFFFFFF48] =	vst v23;
	v31 =	vld [tilespmem:s25+$0x160];
	v25 =	vadd.f32 v27, v60  }
0x6f3: {  	v30 =	vld [tilespmem:s26+$0xFFFFFF88];
	[tilespmem:s25+$0x148] =	vst v19;
	v24 =	vadd.f32 v24, v61  }
0x6f4: {  	v59 =	vld [tilespmem:s26+$0x108];
	[tilespmem:s24+$0xFFFFFF48] =	vst v25  }
0x6f5: {  	v40 =	vld [tilespmem:s29+$0xFFFFFF88];
	[tilespmem:s24+$0x148] =	vst v24  }
0x6f6: {  	v63 =	vbroadcast v3, $0xB;
	v42 =	vld [tilespmem:s29+$0x108]  }
0x6f7: {  	v62 =	vbroadcast v2, $0xB;
	v43 =	vld [tilespmem:s24+$0xFFFFFF60]  }
0x6f8: {  	v44 =	vld [tilespmem:s24+$0x160];
	v41 =	vmul.f32 v30, v63;
	v45 =	vbroadcast v5, $0xB  }
0x6f9: {  	v33 =	vld [tilespmem:s25+$0xFFFFFF68];
	v38 =	vbroadcast v7, $0xB;
	v23 =	vmul.f32 v59, v62  }
0x6fa: {  	v46 =	vld [tilespmem:s24+$0xFFFFFF68];
	v25 =	vadd.f32 v41, v32;
	v24 =	vmul.f32 v40, v45  }
0x6fb: {  	v47 =	vld [tilespmem:s24+$0x168];
	v23 =	vadd.f32 v23, v31;
	v30 =	vmul.f32 v42, v38  }
0x6fc: {  	v34 =	vld [tilespmem:s25+$0x168];
	[tilespmem:s25+$0xFFFFFF60] =	vst v25;
	v24 =	vadd.f32 v24, v43  }
0x6fd: {  	[tilespmem:s25+$0x160] =	vst v23;
	v25 =	vld [tilespmem:s26+$0xFFFFFF90];
	v23 =	vadd.f32 v30, v44  }
0x6fe: {  	v37 =	vld [tilespmem:s26+$0x110];
	[tilespmem:s24+$0xFFFFFF60] =	vst v24  }
0x6ff: {  	v48 =	vld [tilespmem:s29+$0xFFFFFF90];
	[tilespmem:s24+$0x160] =	vst v23  }
0x700: {  	v51 =	vld [tilespmem:s29+$0x110];
	_ =	sdelay $0x1  }
0x701: {  	v49 =	vmul.f32 v25, v63  }
0x702: {  	v29 =	vmul.f32 v37, v62  }
0x703: {  	v24 =	vadd.f32 v49, v33;
	v23 =	vmul.f32 v48, v45  }
0x704: {  	v53 =	vld [tilespmem:s25+$0xFFFFFF80];
	v50 =	vadd.f32 v29, v34;
	v27 =	vmul.f32 v51, v38  }
0x705: {  	v54 =	vld [tilespmem:s25+$0x180];
	[tilespmem:s25+$0xFFFFFF68] =	vst v24;
	v23 =	vadd.f32 v23, v46  }
0x706: {  	[tilespmem:s25+$0x168] =	vst v50;
	v56 =	vld [tilespmem:s26+$0xFFFFFFA0];
	v27 =	vadd.f32 v27, v47  }
0x707: {  	v55 =	vld [tilespmem:s26+$0x120];
	[tilespmem:s24+$0xFFFFFF68] =	vst v23  }
0x708: {  	v61 =	vld [tilespmem:s29+$0xFFFFFFA0];
	[tilespmem:s24+$0x168] =	vst v27  }
0x709: {  	v60 =	vbroadcast v3, $0xC;
	v63 =	vld [tilespmem:s29+$0x120]  }
0x70a: {  	v62 =	vbroadcast v2, $0xC;
	v58 =	vld [tilespmem:s24+$0xFFFFFF80]  }
0x70b: {  	v41 =	vbroadcast v5, $0xC;
	v40 =	vld [tilespmem:s24+$0x180];
	v32 =	vmul.f32 v56, v60  }
0x70c: {  	v39 =	vld [tilespmem:s25+$0xFFFFFF88];
	v43 =	vbroadcast v7, $0xC;
	v24 =	vmul.f32 v55, v62  }
0x70d: {  	v52 =	vld [tilespmem:s25+$0x188];
	v32 =	vadd.f32 v32, v53;
	v44 =	vmul.f32 v61, v41  }
0x70e: {  	v59 =	vld [tilespmem:s24+$0x188];
	v24 =	vadd.f32 v24, v54;
	v45 =	vmul.f32 v63, v43  }
0x70f: {  	v57 =	vld [tilespmem:s24+$0xFFFFFF88];
	[tilespmem:s25+$0xFFFFFF80] =	vst v32;
	v46 =	vadd.f32 v44, v58  }
0x710: {  	[tilespmem:s25+$0x180] =	vst v24;
	v47 =	vld [tilespmem:s26+$0xFFFFFFA8];
	v27 =	vadd.f32 v45, v40  }
0x711: {  	v48 =	vld [tilespmem:s26+$0x128];
	[tilespmem:s24+$0xFFFFFF80] =	vst v46  }
0x712: {  	v24 =	vld [tilespmem:s29+$0xFFFFFFA8];
	[tilespmem:s24+$0x180] =	vst v27  }
0x713: {  	v27 =	vld [tilespmem:s29+$0x128];
	_ =	sdelay $0x1  }
0x714: {  	v23 =	vmul.f32 v47, v60  }
0x715: {  	v49 =	vmul.f32 v48, v62  }
0x716: {  	v23 =	vadd.f32 v23, v39;
	v24 =	vmul.f32 v24, v41  }
0x717: {  	v28 =	vld [tilespmem:s25+$0xFFFFFFA0];
	v25 =	vadd.f32 v49, v52;
	v51 =	vmul.f32 v27, v43  }
0x718: {  	v50 =	vld [tilespmem:s25+$0x1A0];
	[tilespmem:s25+$0xFFFFFF88] =	vst v23;
	v24 =	vadd.f32 v24, v57  }
0x719: {  	[tilespmem:s25+$0x188] =	vst v25;
	v52 =	vld [tilespmem:s26+$0xFFFFFFB8];
	v23 =	vadd.f32 v51, v59  }
0x71a: {  	v53 =	vld [tilespmem:s26+$0x138];
	[tilespmem:s24+$0xFFFFFF88] =	vst v24  }
0x71b: {  	v56 =	vld [tilespmem:s29+$0xFFFFFFB8];
	[tilespmem:s24+$0x188] =	vst v23  }
0x71c: {  	v55 =	vbroadcast v3, $0xD;
	v58 =	vld [tilespmem:s29+$0x138]  }
0x71d: {  	v26 =	vld [tilespmem:s24+$0xFFFFFFA0];
	v57 =	vbroadcast v2, $0xD  }
0x71e: {  	v54 =	vld [tilespmem:s24+$0x1A0];
	v25 =	vmul.f32 v52, v55;
	v59 =	vbroadcast v5, $0xD  }
0x71f: {  	v21 =	vld [tilespmem:s25+$0x1A8];
	v60 =	vbroadcast v7, $0xD;
	v27 =	vmul.f32 v53, v57  }
0x720: {  	v35 =	vld [tilespmem:s24+$0xFFFFFFA8];
	v25 =	vadd.f32 v25, v28;
	v23 =	vmul.f32 v56, v59  }
0x721: {  	v36 =	vld [tilespmem:s24+$0x1A8];
	v27 =	vadd.f32 v27, v50;
	v61 =	vmul.f32 v58, v60  }
0x722: {  	v20 =	vld [tilespmem:s25+$0xFFFFFFA8];
	[tilespmem:s25+$0xFFFFFFA0] =	vst v25;
	v23 =	vadd.f32 v23, v26  }
0x723: {  	v62 =	vld [tilespmem:s26+$0xFFFFFFC0];
	[tilespmem:s25+$0x1A0] =	vst v27;
	v25 =	vadd.f32 v61, v54  }
0x724: {  	v27 =	vld [tilespmem:s26+$0x140];
	[tilespmem:s24+$0xFFFFFFA0] =	vst v23  }
0x725: {  	v23 =	vld [tilespmem:s29+$0xFFFFFFC0];
	[tilespmem:s24+$0x1A0] =	vst v25  }
0x726: {  	v25 =	vld [tilespmem:s29+$0x140];
	_ =	sdelay $0x1  }
0x727: {  	v24 =	vmul.f32 v62, v55  }
0x728: {  	v63 =	vmul.f32 v27, v57  }
0x729: {  	v20 =	vadd.f32 v24, v20;
	v23 =	vmul.f32 v23, v59  }
0x72a: {  	v18 =	vld [tilespmem:s25+$0xFFFFFFC0];
	v21 =	vadd.f32 v63, v21;
	v29 =	vmul.f32 v25, v60  }
0x72b: {  	v32 =	vld [tilespmem:s25+$0x1C0];
	[tilespmem:s25+$0xFFFFFFA8] =	vst v20;
	v23 =	vadd.f32 v23, v35  }
0x72c: {  	v30 =	vld [tilespmem:s26+$0xFFFFFFD0];
	[tilespmem:s25+$0x1A8] =	vst v21;
	v20 =	vadd.f32 v29, v36  }
0x72d: {  	v31 =	vld [tilespmem:s26+$0x150];
	[tilespmem:s24+$0xFFFFFFA8] =	vst v23  }
0x72e: {  	v34 =	vld [tilespmem:s29+$0xFFFFFFD0];
	[tilespmem:s24+$0x1A8] =	vst v20  }
0x72f: {  	v33 =	vbroadcast v3, $0xE;
	v36 =	vld [tilespmem:s29+$0x150]  }
0x730: {  	v22 =	vld [tilespmem:s24+$0xFFFFFFC0];
	v35 =	vbroadcast v2, $0xE  }
0x731: {  	v37 =	vld [tilespmem:s24+$0x1C0];
	v38 =	vbroadcast v5, $0xE;
	v21 =	vmul.f32 v30, v33  }
0x732: {  	v15 =	vld [tilespmem:s25+$0x1C8];
	v39 =	vbroadcast v7, $0xE;
	v24 =	vmul.f32 v31, v35  }
0x733: {  	v16 =	vld [tilespmem:s25+$0xFFFFFFC8];
	v18 =	vadd.f32 v21, v18;
	v20 =	vmul.f32 v34, v38  }
0x734: {  	v17 =	vld [tilespmem:s24+$0xFFFFFFC8];
	v24 =	vadd.f32 v24, v32;
	v40 =	vmul.f32 v36, v39  }
0x735: {  	v19 =	vld [tilespmem:s24+$0x1C8];
	[tilespmem:s25+$0xFFFFFFC0] =	vst v18;
	v20 =	vadd.f32 v20, v22  }
0x736: {  	v41 =	vld [tilespmem:s26+$0xFFFFFFD8];
	[tilespmem:s25+$0x1C0] =	vst v24;
	v18 =	vadd.f32 v40, v37  }
0x737: {  	v42 =	vld [tilespmem:s26+$0x158];
	[tilespmem:s24+$0xFFFFFFC0] =	vst v20  }
0x738: {  	v43 =	vld [tilespmem:s29+$0xFFFFFFD8];
	[tilespmem:s24+$0x1C0] =	vst v18  }
0x739: {  	v44 =	vld [tilespmem:s29+$0x158];
	_ =	sdelay $0x1  }
0x73a: {  	v23 =	vmul.f32 v41, v33  }
0x73b: {  	v22 =	vmul.f32 v42, v35  }
0x73c: {  	v6 =	vld [tilespmem:s25+$0xFFFFFFE8];
	v16 =	vadd.f32 v23, v16;
	v18 =	vmul.f32 v43, v38  }
0x73d: {  	v9 =	vld [tilespmem:s25+$0xFFFFFFE0];
	v15 =	vadd.f32 v22, v15;
	v45 =	vmul.f32 v44, v39  }
0x73e: {  	v48 =	vld [tilespmem:s25+$0x1E0];
	[tilespmem:s25+$0xFFFFFFC8] =	vst v16;
	v17 =	vadd.f32 v18, v17  }
0x73f: {  	v46 =	vld [tilespmem:s26+$0xFFFFFFE8];
	[tilespmem:s25+$0x1C8] =	vst v15;
	v16 =	vadd.f32 v45, v19  }
0x740: {  	v47 =	vld [tilespmem:s26+$0x168];
	[tilespmem:s24+$0xFFFFFFC8] =	vst v17  }
0x741: {  	v49 =	vld [tilespmem:s29+$0xFFFFFFE8];
	[tilespmem:s24+$0x1C8] =	vst v16  }
0x742: {  	v3 =	vbroadcast v3, $0xF;
	v50 =	vld [tilespmem:s29+$0x168]  }
0x743: {  	v13 =	vld [tilespmem:s24+$0xFFFFFFE0];
	v2 =	vbroadcast v2, $0xF  }
0x744: {  	v52 =	vbroadcast v5, $0xF;
	v51 =	vld [tilespmem:s24+$0x1E0];
	v15 =	vmul.f32 v46, v3  }
0x745: {  	v8 =	vld [tilespmem:s24+$0xFFFFFFE8];
	v53 =	vbroadcast v7, $0xF;
	v18 =	vmul.f32 v47, v2  }
0x746: {  	v55 =	vld [tilespmem:s25+$0x1E8];
	v9 =	vadd.f32 v15, v9;
	v16 =	vmul.f32 v49, v52  }
0x747: {  	v54 =	vld [tilespmem:s23+$0x170];
	v18 =	vadd.f32 v18, v48;
	v56 =	vmul.f32 v50, v53  }
0x748: {  	v59 =	vld [tilespmem:s24+$0x1E8];
	[tilespmem:s25+$0xFFFFFFE0] =	vst v9;
	v13 =	vadd.f32 v16, v13  }
0x749: {  	v57 =	vld [tilespmem:s26+$0xFFFFFFF0];
	[tilespmem:s25+$0x1E0] =	vst v18;
	v9 =	vadd.f32 v56, v51  }
0x74a: {  	v58 =	vld [tilespmem:s26+$0x170];
	[tilespmem:s24+$0xFFFFFFE0] =	vst v13  }
0x74b: {  	v60 =	vld [tilespmem:s29+$0xFFFFFFF0];
	[tilespmem:s24+$0x1E0] =	vst v9  }
0x74c: {  	v12 =	vmul.f32 v14, v12;
	v61 =	vld [tilespmem:s29+$0x170]  }
0x74d: {  	v10 =	vmul.f32 v54, v10  }
0x74e: {  	v4 =	vadd.f32 v12, v4;
	v3 =	vmul.f32 v57, v3  }
0x74f: {  	v10 =	vadd.f32 v10, v11;
	v2 =	vmul.f32 v58, v2  }
0x750: {  	[tilespmem:s22+$0xFFFFFFE8] =	vst v4;
	v3 =	vadd.f32 v3, v6;
	v62 =	vmul.f32 v60, v52  }
0x751: {  	[tilespmem:s22+$0x1E8] =	vst v10;
	v2 =	vadd.f32 v2, v55;
	v63 =	vmul.f32 v61, v53  }
0x752: {  	[tilespmem:s25+$0xFFFFFFE8] =	vst v3;
	v3 =	vadd.f32 v62, v8  }
0x753: {  	[tilespmem:s25+$0x1E8] =	vst v2;
	v2 =	vadd.f32 v63, v59  }
0x754: {  	s0 =	sshll.u32 s19, $0x2;
	s20 =	sadd.s32 $0x1, s20;
	[tilespmem:s24+$0xFFFFFFE8] =	vst v3  }
0x755: {  	s0 =	sadd.s32 s18, s0;
	p1 =	seq.s32 s20, $0x6;
	[tilespmem:s24+$0x1E8] =	vst v2  }
0x756: {  	[hbm4b:s0+s2] =	stream.linear.scatter [tilespmem:s15], [sflag:$0x4], $0x1000, $0x200038;
	[tilespmem:$0x1AA00] =	vst v63  }
.Ltmp15:
0x757: {  	_ = 	snop;
	(pc) =	sbr.rel @!p1 .LBB2_22-.Ltmp15, $4  }
.Ltmp16:
0x758: {  	_ = 	snop;
	(pc) =	sbr.rel @p1 .LBB2_26-.Ltmp16, $4  }
0x759: {  	_ =	swait.ge [sflag:s8], $0x1000  }
0x75a: {  	[sflag:s8] =	ssyncset.done $0x0  }
0x75b: {  	s21 =	sadd.s32 $0x80, s21;
	[sflag:s8] =	ssyncadd.s32 $0xFFFFF000  }
0x75c: {  	_ = 	snop  }
.LBB2_27:
0x75d: {  	_ =	sfence.sel $0x180000  }
0x75e: {  	[bflag:$0x0] =	sbarrier.arrive $0xFFFF  }
0x75f: {  	_ =	strace $0x90000047  }
0x760: {  	s0 =	stileid.u32;
	[bflag:$0x2] =	sbarrier.arrive $0xFFFF  }
0x761: {  	p0 =	sne.s32 s0, $0x0;
	s0 =	rddreg [dreg:$0x5]  }
0x762: {  	s0 =	sadd.s32 @!p0 $0x100000, s0  }
0x763: {  	[sflag:s0] =	ssyncadd.tile.s32 @!p0 $0x1;
	_ =	shalt  }
.Lfunc_end2:
_tile_overlayer_lowered:
.L_overlay_start_2:
0x764: {  	(tag) =	ssettag $0x2  }
0x765: {  	s0 =	rddreg [dreg:$0x0];
	s2 =	stileid.u32  }
0x766: {  	s1 =	rddreg [dreg:$0x1];
	p0 =	sne.s32 s2, $0x0  }
0x767: {  	s3 =	rddreg [dreg:$0x2];
	[bflag:$0x3] =	sbarrier.arrive $0xFFFF;
	s2 =	simm.s32 @!p0 $0x1C04  }
0x768: {  	[timem:s3], [sflag:s2] =	dma.local @!p0 [hbm:s0], s1  }
0x769: {  	s0 =	simm.s32 @!p0 $0x4  }
0x76a: {  	_ =	swait.ge @!p0 [sflag:s0], s1  }
0x76b: {  	s1 =	ssub.s32 @!p0 $0x0, s1;
	[sflag:s0] =	ssyncset.done @!p0 $0x0  }
0x76c: {  	[sflag:s0] =	ssyncadd.s32 @!p0 s1  }
0x76d: {  	[bflag:$0x3] =	sbarrier.arrive $0xFFFF  }
0x76e: {  	_ =	shalt  }

</sc_bundles>
